<compile_context>
chip_gen: v7x
topology: tpu7x:2x2x1
jax: 0.10.2.dev20260603
libtpu: 0.0.44.dev20260713+nightly
codegen_flags: <defaults>
</compile_context>

<pallas_src>
import functools

import jax
import jax.numpy as jnp
from jax import lax
from jax.experimental import pallas as pl
from jax.experimental.pallas import tpu as pltpu
from jax.experimental.pallas import tpu_sc as plsc

N = 10000
D = 128
H = D // 2
E = 320000

NPAD = 10240
EPAD = 327680
CHUNKS = 80
ROWS_PER_TILE = NPAD // 16
BR = 512
GRID = NPAD // BR

_mesh = plsc.VectorSubcoreMesh(core_axis_name="c", subcore_axis_name="s")
_f32 = jnp.float32
_sc_params = pltpu.CompilerParams(use_tc_tiling_on_sc=False)



@functools.partial(
    pl.kernel,
    out_type=jax.ShapeDtypeStruct((2, NPAD, 8), _f32),
    mesh=_mesh,
    scratch_types=[
        pltpu.VMEM((CHUNKS, 128), jnp.int32),
        pltpu.VMEM((128, 8), _f32),
        pltpu.VMEM((ROWS_PER_TILE, 8), _f32),
        pltpu.VMEM_SHARED((NPAD, 8), _f32),
    ],
    compiler_params=_sc_params,
)
def _hist(rows_hbm, ones8_hbm, zeros8_hbm, out_hbm, rowbuf, onesv, stage, acc):
    cid = lax.axis_index("c")
    sid = lax.axis_index("s")
    w = sid * 2 + cid
    pltpu.sync_copy(rows_hbm.at[pl.ds(w * CHUNKS, CHUNKS)], rowbuf)
    pltpu.sync_copy(ones8_hbm, onesv)
    pltpu.sync_copy(zeros8_hbm, stage)
    pltpu.sync_copy(stage, acc.at[pl.ds(sid * ROWS_PER_TILE, ROWS_PER_TILE)])
    plsc.subcore_barrier()

    def body(c, carry):
        pltpu.sync_copy(onesv, acc.at[rowbuf.at[c]], add=True)
        return carry

    lax.fori_loop(0, CHUNKS, body, 0)
    plsc.subcore_barrier()
    pltpu.sync_copy(acc.at[pl.ds(sid * ROWS_PER_TILE, ROWS_PER_TILE)], stage)
    pltpu.sync_copy(stage, out_hbm.at[cid, pl.ds(sid * ROWS_PER_TILE, ROWS_PER_TILE)])


@functools.partial(
    pl.kernel,
    out_type=jax.ShapeDtypeStruct((2, NPAD, D), _f32),
    mesh=_mesh,
    scratch_types=[
        pltpu.VMEM((CHUNKS, 128), jnp.int32),
        pltpu.VMEM((CHUNKS, 128), jnp.int32),
        pltpu.VMEM((128, H), _f32),
        pltpu.VMEM((128, H), _f32),
        pltpu.VMEM((128, H), _f32),
        pltpu.VMEM((128, H), _f32),
        pltpu.VMEM((128, H), _f32),
        pltpu.VMEM((128, H), _f32),
        pltpu.VMEM((128, H), _f32),
        pltpu.VMEM_SHARED((NPAD, H), _f32),
        pltpu.SemaphoreType.DMA,
        pltpu.SemaphoreType.DMA,
        pltpu.SemaphoreType.DMA,
        pltpu.SemaphoreType.DMA,
        pltpu.SemaphoreType.DMA,
        pltpu.SemaphoreType.DMA,
        pltpu.SemaphoreType.DMA,
        pltpu.SemaphoreType.DMA,
        pltpu.SemaphoreType.DMA,
        pltpu.SemaphoreType.DMA,
        pltpu.SemaphoreType.DMA,
        pltpu.SemaphoreType.DMA,
        pltpu.SemaphoreType.DMA,
        pltpu.SemaphoreType.DMA,
    ],
    compiler_params=_sc_params,
)
def _gs(g2_hbm, rowsa_hbm, rowsb_hbm, cols_hbm, zeros_hbm, out_hbm,
        rowbuf, colbuf, gb0, gb1, gb2, gb3, gb4, gb5, gb6, acc,
        gs0, gs1, gs2, gs3, gs4, gs5, gs6, ss0, ss1, ss2, ss3, ss4, ss5, ss6):
    cid = lax.axis_index("c")
    sid = lax.axis_index("s")
    w = sid * 2 + cid
    gbufs = (gb0, gb1, gb2, gb3, gb4, gb5, gb6)
    gsems = (gs0, gs1, gs2, gs3, gs4, gs5, gs6)
    ssems = (ss0, ss1, ss2, ss3, ss4, ss5, ss6)
    pltpu.sync_copy(cols_hbm.at[pl.ds(w * CHUNKS, CHUNKS)], colbuf)

    for rows_hbm, coff in ((rowsa_hbm, 0), (rowsb_hbm, H)):
        pltpu.sync_copy(rows_hbm.at[pl.ds(w * CHUNKS, CHUNKS)], rowbuf)
        pltpu.sync_copy(zeros_hbm, acc.at[pl.ds(sid * ROWS_PER_TILE, ROWS_PER_TILE)])
        plsc.subcore_barrier()

        def _gather_desc(c, b):
            return pltpu.make_async_copy(g2_hbm.at[rowbuf.at[c]], gbufs[b], gsems[b])

        def _scatter_desc(c, b):
            return pltpu.make_async_copy(gbufs[b], acc.at[colbuf.at[c]], ssems[b])

        def _step(c, b):
            _gather_desc(c, b).wait()
            _scatter_desc(c, b).start(add=True)
            b2 = (b + 5) % 7

            @pl.when(c >= 2)
            def _():
                _scatter_desc(c - 2, b2).wait()

            @pl.when(c + 5 < CHUNKS)
            def _():
                _gather_desc(c + 5, b2).start()

        for b0 in range(5):
            _gather_desc(b0, b0).start()

        def body(g, carry):
            for b in range(7):
                _step(g * 7 + b, b)
            return carry

        ngroups = (CHUNKS - 2) // 7
        lax.fori_loop(0, ngroups, body, 0)
        for c in range(ngroups * 7, CHUNKS):
            _step(c, c % 7)
        _scatter_desc(CHUNKS - 2, (CHUNKS - 2) % 7).wait()
        _scatter_desc(CHUNKS - 1, (CHUNKS - 1) % 7).wait()
        plsc.subcore_barrier()
        pltpu.sync_copy(
            acc.at[pl.ds(sid * ROWS_PER_TILE, ROWS_PER_TILE)],
            out_hbm.at[cid, pl.ds(sid * ROWS_PER_TILE, ROWS_PER_TILE), pl.ds(coff, H)])



def _dinv_block(deg_ref, i):
    deg = deg_ref[0] + deg_ref[1] + 1.0
    rows = lax.broadcasted_iota(jnp.int32, (BR, 1), 0) + i * BR
    return jnp.where(rows < N, lax.rsqrt(deg), 0.0)


def _dense1_body(deg_ref, x_ref, w_ref, b_ref, g_ref):
    dinv = _dinv_block(deg_ref, pl.program_id(0))
    h = jnp.dot(x_ref[...], w_ref[...], preferred_element_type=_f32) + b_ref[...]
    g_ref[...] = dinv * h


def _dense2_body(deg_ref, s_ref, g_ref, w_ref, b_ref, g2_ref):
    dinv = _dinv_block(deg_ref, pl.program_id(0))
    x2 = jnp.maximum(dinv * (s_ref[0] + s_ref[1] + g_ref[...]), 0.0)
    h = jnp.dot(x2, w_ref[...], preferred_element_type=_f32) + b_ref[...]
    g2_ref[...] = dinv * h


def _dense3_body(deg_ref, s_ref, g_ref, o_ref):
    dinv = _dinv_block(deg_ref, pl.program_id(0))
    o_ref[...] = dinv * (s_ref[0] + s_ref[1] + g_ref[...])


_deg_spec = pl.BlockSpec((2, BR, 1), lambda i: (0, i, 0))
_row_spec = pl.BlockSpec((BR, D), lambda i: (i, 0))
_s_spec = pl.BlockSpec((2, BR, D), lambda i: (0, i, 0))
_w_spec = pl.BlockSpec((D, D), lambda i: (0, 0))
_b_spec = pl.BlockSpec((1, D), lambda i: (0, 0))

_full_out = jax.ShapeDtypeStruct((NPAD, D), _f32)

_dense1 = pl.pallas_call(
    _dense1_body, grid=(GRID,),
    in_specs=[_deg_spec, _row_spec, _w_spec, _b_spec],
    out_specs=_row_spec,
    out_shape=_full_out,
)
_dense2 = pl.pallas_call(
    _dense2_body, grid=(GRID,),
    in_specs=[_deg_spec, _s_spec, _row_spec, _w_spec, _b_spec],
    out_specs=_row_spec,
    out_shape=_full_out,
)
_dense3 = pl.pallas_call(
    _dense3_body, grid=(GRID,),
    in_specs=[_deg_spec, _s_spec, _row_spec],
    out_specs=_row_spec,
    out_shape=_full_out,
)



def kernel(x, edge_index_org, W1, b1, W2, b2):
    pad1 = N + jnp.arange(EPAD - E, dtype=jnp.int32) % (NPAD - N)
    pad = jnp.stack([pad1, pad1], axis=0)
    ei = jnp.concatenate([edge_index_org.astype(jnp.int32), pad], axis=1)
    rows2d = ei[0].reshape(EPAD // 128, 128)
    cols2d = ei[1].reshape(EPAD // 128, 128)
    rowsa2d = rows2d * 2
    rowsb2d = rowsa2d + 1

    x_pad = jnp.concatenate([x, jnp.zeros((NPAD - N, D), _f32)], axis=0)
    ones8 = jnp.ones((128, 8), _f32)
    zeros8 = jnp.zeros((ROWS_PER_TILE, 8), _f32)
    zeros_stage = jnp.zeros((ROWS_PER_TILE, H), _f32)
    b1r = b1.reshape(1, D)
    b2r = b2.reshape(1, D)

    deg8 = _hist(rows2d, ones8, zeros8)
    deg = deg8[:, :, 0:1]

    g1 = _dense1(deg, x_pad, W1, b1r)
    s1 = _gs(g1.reshape(2 * NPAD, H), rowsa2d, rowsb2d, cols2d, zeros_stage)
    g2 = _dense2(deg, s1, g1, W2, b2r)
    s2 = _gs(g2.reshape(2 * NPAD, H), rowsa2d, rowsb2d, cols2d, zeros_stage)
    out = _dense3(deg, s2, g2)
    return out[:N]

# --- scband reference (transcript-rebuilt; emitter-appended) ---
"""Pipeline reference for scband-gcn-18554258719193 (READ-ONLY COPY).

The authoritative reference and input builder live on the scoring server;
editing this copy changes nothing except your own understanding.
"""

import jax, jax.numpy as jnp
import numpy as np

N = 10000
E = 320000
D = 128


def setup_inputs(seed: int = 0) -> dict:
    key = jax.random.key(seed)
    k1, k2, k3, k4, k5, k6 = jax.random.split(key, 6)
    x = jax.random.normal(k1, (N, D), dtype=jnp.float32)
    edge_index_org = jax.random.randint(k2, (2, E), 0, N, dtype=jnp.int32)
    W1 = jax.random.normal(k3, (D, D), dtype=jnp.float32) * (1.0 / np.sqrt(D))
    b1 = jax.random.normal(k4, (D,), dtype=jnp.float32) * 0.01
    W2 = jax.random.normal(k5, (D, D), dtype=jnp.float32) * (1.0 / np.sqrt(D))
    b2 = jax.random.normal(k6, (D,), dtype=jnp.float32) * 0.01
    return {"x": x, "edge_index_org": edge_index_org, "W1": W1, "b1": b1, "W2": W2, "b2": b2}


def gcn_conv(x, edge_index, W, b):
    n = x.shape[0]
    loops = jnp.arange(n, dtype=edge_index.dtype)
    ei = jnp.concatenate([edge_index, jnp.stack([loops, loops], axis=0)], axis=1)
    row, col = ei[0], ei[1]
    # degree of row (source) nodes, matching torch_geometric degree(row, N)
    deg = jnp.zeros((n,), dtype=x.dtype).at[row].add(1.0)
    deg_inv_sqrt = deg ** -0.5
    deg_inv_sqrt = jnp.where(jnp.isinf(deg_inv_sqrt), 0.0, deg_inv_sqrt)
    norm = deg_inv_sqrt[row] * deg_inv_sqrt[col]
    h = x @ W + b
    msg = norm[:, None] * h[row]
    out = jnp.zeros((n, h.shape[1]), dtype=h.dtype).at[col].add(msg)
    return out


def reference(x, edge_index_org, W1, b1, W2, b2):
    h = gcn_conv(x, edge_index_org, W1, b1)
    h = jax.nn.relu(h)
    # dropout p=0.0 / eval: identity
    out = gcn_conv(h, edge_index_org, W2, b2)
    return out

if __name__ == "__main__":
    import jax
    _d = setup_inputs()
    print(jax.jit(kernel)(*tuple(_d.values())))

</pallas_src>

<mosaic_0001>
#map = affine_map<(d0, d1) -> (0, 0)>
#map1 = affine_map<(d0, d1) -> (0, 0, 0)>
module attributes {stable_mosaic.version = 14 : i64} {
  func.func @_hist(%arg0: i32, %arg1: i32, %arg2: memref<2560x128xi32, #tpu.memory_space<hbm>>, %arg3: memref<128x8xf32, #tpu.memory_space<hbm>>, %arg4: memref<640x8xf32, #tpu.memory_space<hbm>>, %arg5: memref<2x10240x8xf32, #tpu.memory_space<hbm>>, %arg6: memref<80x128xi32, #tpu.memory_space<vmem>>, %arg7: memref<128x8xf32, #tpu.memory_space<vmem>>, %arg8: memref<640x8xf32, #tpu.memory_space<vmem>>, %arg9: memref<10240x8xf32, #tpu.memory_space<vmem_shared>>) attributes {dimension_semantics = [#tpu.dimension_semantics<core_parallel>, #tpu.dimension_semantics<subcore_parallel>], iteration_bounds = array<i64: 2, 16>, scalar_prefetch = 0 : i64, scratch_operands = 4 : i64, tpu.core_type = #tpu.core_type<sc_vector_subcore>, window_params = [{transform_indices = #map}, {transform_indices = #map}, {transform_indices = #map}, {transform_indices = #map1}]} {
    %mul3A = arith.constant 2 : i32
    %mul3A_0 = arith.muli %arg1, %mul3A : i32
    %add3A = arith.addi %mul3A_0, %arg0 : i32
    %mul3A_1 = arith.constant 80 : i32
    %mul3A_2 = arith.muli %add3A, %mul3A_1 : i32
    "tpu.region"() ({
      %run_scoped3A = tpu.sem_alloc : memref<!tpu.dma_semaphore, #tpu.memory_space<semaphore_mem>>
      %dma_start3A = arith.constant 0 : i32
      %dma_start3A_15 = tpu.memref_slice %arg2[%mul3A_2, %dma_start3A] : memref<2560x128xi32, #tpu.memory_space<hbm>> -> memref<80x128xi32, #tpu.memory_space<hbm>>
      %dma_start3A_16 = arith.constant 0 : i32
      %dma_start3A_17 = tpu.memref_slice %arg2[%mul3A_2, %dma_start3A_16] : memref<2560x128xi32, #tpu.memory_space<hbm>> -> memref<80x128xi32, #tpu.memory_space<hbm>>
      tpu.enqueue_dma source(%dma_start3A_17 : memref<80x128xi32, #tpu.memory_space<hbm>>) target(%arg6 : memref<80x128xi32, #tpu.memory_space<vmem>>) target_semaphore(%run_scoped3A : memref<!tpu.dma_semaphore, #tpu.memory_space<semaphore_mem>>)
      %dma_wait3A = arith.constant 0 : i32
      %dma_wait3A_18 = tpu.memref_slice %arg2[%mul3A_2, %dma_wait3A] : memref<2560x128xi32, #tpu.memory_space<hbm>> -> memref<80x128xi32, #tpu.memory_space<hbm>>
      %dma_wait3A_19 = arith.constant 0 : i32
      %dma_wait3A_20 = tpu.memref_slice %arg2[%mul3A_2, %dma_wait3A_19] : memref<2560x128xi32, #tpu.memory_space<hbm>> -> memref<80x128xi32, #tpu.memory_space<hbm>>
      tpu.wait_dma2 semaphore(%run_scoped3A : memref<!tpu.dma_semaphore, #tpu.memory_space<semaphore_mem>>) src(%dma_wait3A_20 : memref<80x128xi32, #tpu.memory_space<hbm>>) dst(%arg6 : memref<80x128xi32, #tpu.memory_space<vmem>>)
      tpu.yield
    }) : () -> ()
    "tpu.region"() ({
      %run_scoped3A = tpu.sem_alloc : memref<!tpu.dma_semaphore, #tpu.memory_space<semaphore_mem>>
      tpu.enqueue_dma source(%arg3 : memref<128x8xf32, #tpu.memory_space<hbm>>) target(%arg7 : memref<128x8xf32, #tpu.memory_space<vmem>>) target_semaphore(%run_scoped3A : memref<!tpu.dma_semaphore, #tpu.memory_space<semaphore_mem>>)
      tpu.wait_dma2 semaphore(%run_scoped3A : memref<!tpu.dma_semaphore, #tpu.memory_space<semaphore_mem>>) src(%arg3 : memref<128x8xf32, #tpu.memory_space<hbm>>) dst(%arg7 : memref<128x8xf32, #tpu.memory_space<vmem>>)
      tpu.yield
    }) : () -> ()
    "tpu.region"() ({
      %run_scoped3A = tpu.sem_alloc : memref<!tpu.dma_semaphore, #tpu.memory_space<semaphore_mem>>
      tpu.enqueue_dma source(%arg4 : memref<640x8xf32, #tpu.memory_space<hbm>>) target(%arg8 : memref<640x8xf32, #tpu.memory_space<vmem>>) target_semaphore(%run_scoped3A : memref<!tpu.dma_semaphore, #tpu.memory_space<semaphore_mem>>)
      tpu.wait_dma2 semaphore(%run_scoped3A : memref<!tpu.dma_semaphore, #tpu.memory_space<semaphore_mem>>) src(%arg4 : memref<640x8xf32, #tpu.memory_space<hbm>>) dst(%arg8 : memref<640x8xf32, #tpu.memory_space<vmem>>)
      tpu.yield
    }) : () -> ()
    %mul3A_3 = arith.constant 640 : i32
    %mul3A_4 = arith.muli %arg1, %mul3A_3 : i32
    "tpu.region"() ({
      %run_scoped3A = tpu.sem_alloc : memref<!tpu.dma_semaphore, #tpu.memory_space<semaphore_mem>>
      %dma_start3A = arith.constant 0 : i32
      %dma_start3A_15 = tpu.memref_slice %arg9[%mul3A_4, %dma_start3A] : memref<10240x8xf32, #tpu.memory_space<vmem_shared>> -> memref<640x8xf32, #tpu.memory_space<vmem_shared>>
      %dma_start3A_16 = arith.constant 0 : i32
      %dma_start3A_17 = tpu.memref_slice %arg9[%mul3A_4, %dma_start3A_16] : memref<10240x8xf32, #tpu.memory_space<vmem_shared>> -> memref<640x8xf32, #tpu.memory_space<vmem_shared>>
      tpu.enqueue_dma source(%arg8 : memref<640x8xf32, #tpu.memory_space<vmem>>) target(%dma_start3A_17 : memref<640x8xf32, #tpu.memory_space<vmem_shared>>) target_semaphore(%run_scoped3A : memref<!tpu.dma_semaphore, #tpu.memory_space<semaphore_mem>>)
      %dma_wait3A = arith.constant 0 : i32
      %dma_wait3A_18 = tpu.memref_slice %arg9[%mul3A_4, %dma_wait3A] : memref<10240x8xf32, #tpu.memory_space<vmem_shared>> -> memref<640x8xf32, #tpu.memory_space<vmem_shared>>
      %dma_wait3A_19 = arith.constant 0 : i32
      %dma_wait3A_20 = tpu.memref_slice %arg9[%mul3A_4, %dma_wait3A_19] : memref<10240x8xf32, #tpu.memory_space<vmem_shared>> -> memref<640x8xf32, #tpu.memory_space<vmem_shared>>
      tpu.wait_dma2 semaphore(%run_scoped3A : memref<!tpu.dma_semaphore, #tpu.memory_space<semaphore_mem>>) src(%arg8 : memref<640x8xf32, #tpu.memory_space<vmem>>) dst(%dma_wait3A_20 : memref<640x8xf32, #tpu.memory_space<vmem_shared>>)
      tpu.yield
    }) : () -> ()
    %barrier3A = arith.constant 0 : index
    tpu.barrier barrier_id(%barrier3A)
    %scan3A = arith.constant 0 : i32
    %scan3A_5 = arith.constant 0 : i32
    %scan3A_6 = arith.constant 80 : i32
    %scan3A_7 = arith.addi %scan3A_5, %scan3A_6 : i32
    %scan3A_8 = arith.constant 1 : i32
    scf.for %scan3A_15 = %scan3A_5 to %scan3A_7 step %scan3A_8  : i32 {
      "tpu.region"() ({
        %run_scoped3A = tpu.sem_alloc : memref<!tpu.dma_semaphore, #tpu.memory_space<semaphore_mem>>
        %dma_start3A = arith.constant 0 : i32
        %dma_start3A_16 = tpu.memref_slice %arg6[%scan3A_15, %dma_start3A] : memref<80x128xi32, #tpu.memory_space<vmem>> -> memref<1x128xi32, #tpu.memory_space<vmem>>
        %dma_start3A_17 = tpu.memref_squeeze %dma_start3A_16 : memref<1x128xi32, #tpu.memory_space<vmem>> -> memref<128xi32, #tpu.memory_space<vmem>>
        %dma_start3A_18 = arith.constant 0 : i32
        %dma_start3A_19 = arith.constant 0 : i32
        %dma_start3A_20 = tpu.memref_slice %arg9[%dma_start3A_18, %dma_start3A_19] : memref<10240x8xf32, #tpu.memory_space<vmem_shared>> -> memref<10240x8xf32, #tpu.memory_space<vmem_shared>>
        tpu.enqueue_indirect_dma source(%arg7 : memref<128x8xf32, #tpu.memory_space<vmem>>) target(%dma_start3A_20 : memref<10240x8xf32, #tpu.memory_space<vmem_shared>>) offsets(%dma_start3A_17 : memref<128xi32, #tpu.memory_space<vmem>>) semaphore(%run_scoped3A : memref<!tpu.dma_semaphore, #tpu.memory_space<semaphore_mem>>) {add = true}
        %dma_wait3A = arith.constant 0 : i32
        %dma_wait3A_21 = tpu.memref_slice %arg6[%scan3A_15, %dma_wait3A] : memref<80x128xi32, #tpu.memory_space<vmem>> -> memref<1x128xi32, #tpu.memory_space<vmem>>
        %dma_wait3A_22 = tpu.memref_squeeze %dma_wait3A_21 : memref<1x128xi32, #tpu.memory_space<vmem>> -> memref<128xi32, #tpu.memory_space<vmem>>
        %dma_wait3A_23 = arith.constant 0 : i32
        %dma_wait3A_24 = arith.constant 0 : i32
        %dma_wait3A_25 = tpu.memref_slice %arg9[%dma_wait3A_23, %dma_wait3A_24] : memref<10240x8xf32, #tpu.memory_space<vmem_shared>> -> memref<10240x8xf32, #tpu.memory_space<vmem_shared>>
        tpu.wait_indirect_dma semaphore(%run_scoped3A : memref<!tpu.dma_semaphore, #tpu.memory_space<semaphore_mem>>) src(%arg7 : memref<128x8xf32, #tpu.memory_space<vmem>>) dst(%dma_wait3A_25 : memref<10240x8xf32, #tpu.memory_space<vmem_shared>>)
        tpu.yield
      }) : () -> ()
    }
    %scan3A_9 = arith.constant 80 : i32
    %barrier3A_10 = arith.constant 0 : index
    tpu.barrier barrier_id(%barrier3A_10)
    %mul3A_11 = arith.constant 640 : i32
    %mul3A_12 = arith.muli %arg1, %mul3A_11 : i32
    "tpu.region"() ({
      %run_scoped3A = tpu.sem_alloc : memref<!tpu.dma_semaphore, #tpu.memory_space<semaphore_mem>>
      %dma_start3A = arith.constant 0 : i32
      %dma_start3A_15 = tpu.memref_slice %arg9[%mul3A_12, %dma_start3A] : memref<10240x8xf32, #tpu.memory_space<vmem_shared>> -> memref<640x8xf32, #tpu.memory_space<vmem_shared>>
      %dma_start3A_16 = arith.constant 0 : i32
      %dma_start3A_17 = tpu.memref_slice %arg9[%mul3A_12, %dma_start3A_16] : memref<10240x8xf32, #tpu.memory_space<vmem_shared>> -> memref<640x8xf32, #tpu.memory_space<vmem_shared>>
      tpu.enqueue_dma source(%dma_start3A_17 : memref<640x8xf32, #tpu.memory_space<vmem_shared>>) target(%arg8 : memref<640x8xf32, #tpu.memory_space<vmem>>) target_semaphore(%run_scoped3A : memref<!tpu.dma_semaphore, #tpu.memory_space<semaphore_mem>>)
      %dma_wait3A = arith.constant 0 : i32
      %dma_wait3A_18 = tpu.memref_slice %arg9[%mul3A_12, %dma_wait3A] : memref<10240x8xf32, #tpu.memory_space<vmem_shared>> -> memref<640x8xf32, #tpu.memory_space<vmem_shared>>
      %dma_wait3A_19 = arith.constant 0 : i32
      %dma_wait3A_20 = tpu.memref_slice %arg9[%mul3A_12, %dma_wait3A_19] : memref<10240x8xf32, #tpu.memory_space<vmem_shared>> -> memref<640x8xf32, #tpu.memory_space<vmem_shared>>
      tpu.wait_dma2 semaphore(%run_scoped3A : memref<!tpu.dma_semaphore, #tpu.memory_space<semaphore_mem>>) src(%dma_wait3A_20 : memref<640x8xf32, #tpu.memory_space<vmem_shared>>) dst(%arg8 : memref<640x8xf32, #tpu.memory_space<vmem>>)
      tpu.yield
    }) : () -> ()
    %mul3A_13 = arith.constant 640 : i32
    %mul3A_14 = arith.muli %arg1, %mul3A_13 : i32
    "tpu.region"() ({
      %run_scoped3A = tpu.sem_alloc : memref<!tpu.dma_semaphore, #tpu.memory_space<semaphore_mem>>
      %dma_start3A = arith.constant 0 : i32
      %dma_start3A_15 = tpu.memref_slice %arg5[%arg0, %mul3A_14, %dma_start3A] : memref<2x10240x8xf32, #tpu.memory_space<hbm>> -> memref<1x640x8xf32, #tpu.memory_space<hbm>>
      %dma_start3A_16 = tpu.memref_squeeze %dma_start3A_15 : memref<1x640x8xf32, #tpu.memory_space<hbm>> -> memref<640x8xf32, #tpu.memory_space<hbm>>
      %dma_start3A_17 = arith.constant 0 : i32
      %dma_start3A_18 = tpu.memref_slice %arg5[%arg0, %mul3A_14, %dma_start3A_17] : memref<2x10240x8xf32, #tpu.memory_space<hbm>> -> memref<1x640x8xf32, #tpu.memory_space<hbm>>
      %dma_start3A_19 = tpu.memref_squeeze %dma_start3A_18 : memref<1x640x8xf32, #tpu.memory_space<hbm>> -> memref<640x8xf32, #tpu.memory_space<hbm>>
      tpu.enqueue_dma source(%arg8 : memref<640x8xf32, #tpu.memory_space<vmem>>) target(%dma_start3A_19 : memref<640x8xf32, #tpu.memory_space<hbm>>) target_semaphore(%run_scoped3A : memref<!tpu.dma_semaphore, #tpu.memory_space<semaphore_mem>>)
      %dma_wait3A = arith.constant 0 : i32
      %dma_wait3A_20 = tpu.memref_slice %arg5[%arg0, %mul3A_14, %dma_wait3A] : memref<2x10240x8xf32, #tpu.memory_space<hbm>> -> memref<1x640x8xf32, #tpu.memory_space<hbm>>
      %dma_wait3A_21 = tpu.memref_squeeze %dma_wait3A_20 : memref<1x640x8xf32, #tpu.memory_space<hbm>> -> memref<640x8xf32, #tpu.memory_space<hbm>>
      %dma_wait3A_22 = arith.constant 0 : i32
      %dma_wait3A_23 = tpu.memref_slice %arg5[%arg0, %mul3A_14, %dma_wait3A_22] : memref<2x10240x8xf32, #tpu.memory_space<hbm>> -> memref<1x640x8xf32, #tpu.memory_space<hbm>>
      %dma_wait3A_24 = tpu.memref_squeeze %dma_wait3A_23 : memref<1x640x8xf32, #tpu.memory_space<hbm>> -> memref<640x8xf32, #tpu.memory_space<hbm>>
      tpu.wait_dma2 semaphore(%run_scoped3A : memref<!tpu.dma_semaphore, #tpu.memory_space<semaphore_mem>>) src(%arg8 : memref<640x8xf32, #tpu.memory_space<vmem>>) dst(%dma_wait3A_24 : memref<640x8xf32, #tpu.memory_space<hbm>>)
      tpu.yield
    }) : () -> ()
    return
  }
}

#map = affine_map<(d0, d1) -> (0, 0)>
#map1 = affine_map<(d0, d1) -> (0, 0, 0)>
module attributes {stable_mosaic.version = 14 : i64} {
  func.func @_gs(%arg0: i32, %arg1: i32, %arg2: memref<20480x64xf32, #tpu.memory_space<hbm>>, %arg3: memref<2560x128xi32, #tpu.memory_space<hbm>>, %arg4: memref<2560x128xi32, #tpu.memory_space<hbm>>, %arg5: memref<2560x128xi32, #tpu.memory_space<hbm>>, %arg6: memref<640x64xf32, #tpu.memory_space<hbm>>, %arg7: memref<2x10240x128xf32, #tpu.memory_space<hbm>>, %arg8: memref<80x128xi32, #tpu.memory_space<vmem>>, %arg9: memref<80x128xi32, #tpu.memory_space<vmem>>, %arg10: memref<128x64xf32, #tpu.memory_space<vmem>>, %arg11: memref<128x64xf32, #tpu.memory_space<vmem>>, %arg12: memref<128x64xf32, #tpu.memory_space<vmem>>, %arg13: memref<128x64xf32, #tpu.memory_space<vmem>>, %arg14: memref<128x64xf32, #tpu.memory_space<vmem>>, %arg15: memref<128x64xf32, #tpu.memory_space<vmem>>, %arg16: memref<128x64xf32, #tpu.memory_space<vmem>>, %arg17: memref<10240x64xf32, #tpu.memory_space<vmem_shared>>, %arg18: memref<!tpu.dma_semaphore, #tpu.memory_space<semaphore_mem>>, %arg19: memref<!tpu.dma_semaphore, #tpu.memory_space<semaphore_mem>>, %arg20: memref<!tpu.dma_semaphore, #tpu.memory_space<semaphore_mem>>, %arg21: memref<!tpu.dma_semaphore, #tpu.memory_space<semaphore_mem>>, %arg22: memref<!tpu.dma_semaphore, #tpu.memory_space<semaphore_mem>>, %arg23: memref<!tpu.dma_semaphore, #tpu.memory_space<semaphore_mem>>, %arg24: memref<!tpu.dma_semaphore, #tpu.memory_space<semaphore_mem>>, %arg25: memref<!tpu.dma_semaphore, #tpu.memory_space<semaphore_mem>>, %arg26: memref<!tpu.dma_semaphore, #tpu.memory_space<semaphore_mem>>, %arg27: memref<!tpu.dma_semaphore, #tpu.memory_space<semaphore_mem>>, %arg28: memref<!tpu.dma_semaphore, #tpu.memory_space<semaphore_mem>>, %arg29: memref<!tpu.dma_semaphore, #tpu.memory_space<semaphore_mem>>, %arg30: memref<!tpu.dma_semaphore, #tpu.memory_space<semaphore_mem>>, %arg31: memref<!tpu.dma_semaphore, #tpu.memory_space<semaphore_mem>>) attributes {dimension_semantics = [#tpu.dimension_semantics<core_parallel>, #tpu.dimension_semantics<subcore_parallel>], iteration_bounds = array<i64: 2, 16>, scalar_prefetch = 0 : i64, scratch_operands = 24 : i64, tpu.core_type = #tpu.core_type<sc_vector_subcore>, window_params = [{transform_indices = #map}, {transform_indices = #map}, {transform_indices = #map}, {transform_indices = #map}, {transform_indices = #map}, {transform_indices = #map1}]} {
    %mul3A = arith.constant 2 : i32
    %mul3A_0 = arith.muli %arg1, %mul3A : i32
    %add3A = arith.addi %mul3A_0, %arg0 : i32
    %mul3A_1 = arith.constant 80 : i32
    %mul3A_2 = arith.muli %add3A, %mul3A_1 : i32
    "tpu.region"() ({
      %run_scoped3A = tpu.sem_alloc : memref<!tpu.dma_semaphore, #tpu.memory_space<semaphore_mem>>
      %dma_start3A_255 = arith.constant 0 : i32
      %dma_start3A_256 = tpu.memref_slice %arg5[%mul3A_2, %dma_start3A_255] : memref<2560x128xi32, #tpu.memory_space<hbm>> -> memref<80x128xi32, #tpu.memory_space<hbm>>
      %dma_start3A_257 = arith.constant 0 : i32
      %dma_start3A_258 = tpu.memref_slice %arg5[%mul3A_2, %dma_start3A_257] : memref<2560x128xi32, #tpu.memory_space<hbm>> -> memref<80x128xi32, #tpu.memory_space<hbm>>
      tpu.enqueue_dma source(%dma_start3A_258 : memref<80x128xi32, #tpu.memory_space<hbm>>) target(%arg9 : memref<80x128xi32, #tpu.memory_space<vmem>>) target_semaphore(%run_scoped3A : memref<!tpu.dma_semaphore, #tpu.memory_space<semaphore_mem>>)
      %dma_wait3A_259 = arith.constant 0 : i32
      %dma_wait3A_260 = tpu.memref_slice %arg5[%mul3A_2, %dma_wait3A_259] : memref<2560x128xi32, #tpu.memory_space<hbm>> -> memref<80x128xi32, #tpu.memory_space<hbm>>
      %dma_wait3A_261 = arith.constant 0 : i32
      %dma_wait3A_262 = tpu.memref_slice %arg5[%mul3A_2, %dma_wait3A_261] : memref<2560x128xi32, #tpu.memory_space<hbm>> -> memref<80x128xi32, #tpu.memory_space<hbm>>
      tpu.wait_dma2 semaphore(%run_scoped3A : memref<!tpu.dma_semaphore, #tpu.memory_space<semaphore_mem>>) src(%dma_wait3A_262 : memref<80x128xi32, #tpu.memory_space<hbm>>) dst(%arg9 : memref<80x128xi32, #tpu.memory_space<vmem>>)
      tpu.yield
    }) : () -> ()
    %mul3A_3 = arith.constant 80 : i32
    %mul3A_4 = arith.muli %add3A, %mul3A_3 : i32
    "tpu.region"() ({
      %run_scoped3A = tpu.sem_alloc : memref<!tpu.dma_semaphore, #tpu.memory_space<semaphore_mem>>
      %dma_start3A_255 = arith.constant 0 : i32
      %dma_start3A_256 = tpu.memref_slice %arg3[%mul3A_4, %dma_start3A_255] : memref<2560x128xi32, #tpu.memory_space<hbm>> -> memref<80x128xi32, #tpu.memory_space<hbm>>
      %dma_start3A_257 = arith.constant 0 : i32
      %dma_start3A_258 = tpu.memref_slice %arg3[%mul3A_4, %dma_start3A_257] : memref<2560x128xi32, #tpu.memory_space<hbm>> -> memref<80x128xi32, #tpu.memory_space<hbm>>
      tpu.enqueue_dma source(%dma_start3A_258 : memref<80x128xi32, #tpu.memory_space<hbm>>) target(%arg8 : memref<80x128xi32, #tpu.memory_space<vmem>>) target_semaphore(%run_scoped3A : memref<!tpu.dma_semaphore, #tpu.memory_space<semaphore_mem>>)
      %dma_wait3A_259 = arith.constant 0 : i32
      %dma_wait3A_260 = tpu.memref_slice %arg3[%mul3A_4, %dma_wait3A_259] : memref<2560x128xi32, #tpu.memory_space<hbm>> -> memref<80x128xi32, #tpu.memory_space<hbm>>
      %dma_wait3A_261 = arith.constant 0 : i32
      %dma_wait3A_262 = tpu.memref_slice %arg3[%mul3A_4, %dma_wait3A_261] : memref<2560x128xi32, #tpu.memory_space<hbm>> -> memref<80x128xi32, #tpu.memory_space<hbm>>
      tpu.wait_dma2 semaphore(%run_scoped3A : memref<!tpu.dma_semaphore, #tpu.memory_space<semaphore_mem>>) src(%dma_wait3A_262 : memref<80x128xi32, #tpu.memory_space<hbm>>) dst(%arg8 : memref<80x128xi32, #tpu.memory_space<vmem>>)
      tpu.yield
    }) : () -> ()
    %mul3A_5 = arith.constant 640 : i32
    %mul3A_6 = arith.muli %arg1, %mul3A_5 : i32
    "tpu.region"() ({
      %run_scoped3A = tpu.sem_alloc : memref<!tpu.dma_semaphore, #tpu.memory_space<semaphore_mem>>
      %dma_start3A_255 = arith.constant 0 : i32
      %dma_start3A_256 = tpu.memref_slice %arg17[%mul3A_6, %dma_start3A_255] : memref<10240x64xf32, #tpu.memory_space<vmem_shared>> -> memref<640x64xf32, #tpu.memory_space<vmem_shared>>
      tpu.enqueue_dma source(%arg6 : memref<640x64xf32, #tpu.memory_space<hbm>>) target(%dma_start3A_256 : memref<640x64xf32, #tpu.memory_space<vmem_shared>>) target_semaphore(%run_scoped3A : memref<!tpu.dma_semaphore, #tpu.memory_space<semaphore_mem>>)
      %dma_wait3A_257 = arith.constant 0 : i32
      %dma_wait3A_258 = tpu.memref_slice %arg17[%mul3A_6, %dma_wait3A_257] : memref<10240x64xf32, #tpu.memory_space<vmem_shared>> -> memref<640x64xf32, #tpu.memory_space<vmem_shared>>
      tpu.wait_dma2 semaphore(%run_scoped3A : memref<!tpu.dma_semaphore, #tpu.memory_space<semaphore_mem>>) src(%arg6 : memref<640x64xf32, #tpu.memory_space<hbm>>) dst(%dma_wait3A_258 : memref<640x64xf32, #tpu.memory_space<vmem_shared>>)
      tpu.yield
    }) : () -> ()
    %barrier3A = arith.constant 0 : index
    tpu.barrier barrier_id(%barrier3A)
    %dma_start3A = arith.constant 0 : i32
    %dma_start3A_7 = arith.constant 0 : i32
    %dma_start3A_8 = tpu.memref_slice %arg8[%dma_start3A, %dma_start3A_7] : memref<80x128xi32, #tpu.memory_space<vmem>> -> memref<1x128xi32, #tpu.memory_space<vmem>>
    %dma_start3A_9 = tpu.memref_squeeze %dma_start3A_8 : memref<1x128xi32, #tpu.memory_space<vmem>> -> memref<128xi32, #tpu.memory_space<vmem>>
    %dma_start3A_10 = arith.constant 0 : i32
    %dma_start3A_11 = arith.constant 0 : i32
    %dma_start3A_12 = tpu.memref_slice %arg2[%dma_start3A_10, %dma_start3A_11] : memref<20480x64xf32, #tpu.memory_space<hbm>> -> memref<20480x64xf32, #tpu.memory_space<hbm>>
    tpu.enqueue_indirect_dma source(%dma_start3A_12 : memref<20480x64xf32, #tpu.memory_space<hbm>>) target(%arg10 : memref<128x64xf32, #tpu.memory_space<vmem>>) offsets(%dma_start3A_9 : memref<128xi32, #tpu.memory_space<vmem>>) semaphore(%arg18 : memref<!tpu.dma_semaphore, #tpu.memory_space<semaphore_mem>>)
    %dma_start3A_13 = arith.constant 1 : i32
    %dma_start3A_14 = arith.constant 0 : i32
    %dma_start3A_15 = tpu.memref_slice %arg8[%dma_start3A_13, %dma_start3A_14] : memref<80x128xi32, #tpu.memory_space<vmem>> -> memref<1x128xi32, #tpu.memory_space<vmem>>
    %dma_start3A_16 = tpu.memref_squeeze %dma_start3A_15 : memref<1x128xi32, #tpu.memory_space<vmem>> -> memref<128xi32, #tpu.memory_space<vmem>>
    %dma_start3A_17 = arith.constant 0 : i32
    %dma_start3A_18 = arith.constant 0 : i32
    %dma_start3A_19 = tpu.memref_slice %arg2[%dma_start3A_17, %dma_start3A_18] : memref<20480x64xf32, #tpu.memory_space<hbm>> -> memref<20480x64xf32, #tpu.memory_space<hbm>>
    tpu.enqueue_indirect_dma source(%dma_start3A_19 : memref<20480x64xf32, #tpu.memory_space<hbm>>) target(%arg11 : memref<128x64xf32, #tpu.memory_space<vmem>>) offsets(%dma_start3A_16 : memref<128xi32, #tpu.memory_space<vmem>>) semaphore(%arg19 : memref<!tpu.dma_semaphore, #tpu.memory_space<semaphore_mem>>)
    %dma_start3A_20 = arith.constant 2 : i32
    %dma_start3A_21 = arith.constant 0 : i32
    %dma_start3A_22 = tpu.memref_slice %arg8[%dma_start3A_20, %dma_start3A_21] : memref<80x128xi32, #tpu.memory_space<vmem>> -> memref<1x128xi32, #tpu.memory_space<vmem>>
    %dma_start3A_23 = tpu.memref_squeeze %dma_start3A_22 : memref<1x128xi32, #tpu.memory_space<vmem>> -> memref<128xi32, #tpu.memory_space<vmem>>
    %dma_start3A_24 = arith.constant 0 : i32
    %dma_start3A_25 = arith.constant 0 : i32
    %dma_start3A_26 = tpu.memref_slice %arg2[%dma_start3A_24, %dma_start3A_25] : memref<20480x64xf32, #tpu.memory_space<hbm>> -> memref<20480x64xf32, #tpu.memory_space<hbm>>
    tpu.enqueue_indirect_dma source(%dma_start3A_26 : memref<20480x64xf32, #tpu.memory_space<hbm>>) target(%arg12 : memref<128x64xf32, #tpu.memory_space<vmem>>) offsets(%dma_start3A_23 : memref<128xi32, #tpu.memory_space<vmem>>) semaphore(%arg20 : memref<!tpu.dma_semaphore, #tpu.memory_space<semaphore_mem>>)
    %dma_start3A_27 = arith.constant 3 : i32
    %dma_start3A_28 = arith.constant 0 : i32
    %dma_start3A_29 = tpu.memref_slice %arg8[%dma_start3A_27, %dma_start3A_28] : memref<80x128xi32, #tpu.memory_space<vmem>> -> memref<1x128xi32, #tpu.memory_space<vmem>>
    %dma_start3A_30 = tpu.memref_squeeze %dma_start3A_29 : memref<1x128xi32, #tpu.memory_space<vmem>> -> memref<128xi32, #tpu.memory_space<vmem>>
    %dma_start3A_31 = arith.constant 0 : i32
    %dma_start3A_32 = arith.constant 0 : i32
    %dma_start3A_33 = tpu.memref_slice %arg2[%dma_start3A_31, %dma_start3A_32] : memref<20480x64xf32, #tpu.memory_space<hbm>> -> memref<20480x64xf32, #tpu.memory_space<hbm>>
    tpu.enqueue_indirect_dma source(%dma_start3A_33 : memref<20480x64xf32, #tpu.memory_space<hbm>>) target(%arg13 : memref<128x64xf32, #tpu.memory_space<vmem>>) offsets(%dma_start3A_30 : memref<128xi32, #tpu.memory_space<vmem>>) semaphore(%arg21 : memref<!tpu.dma_semaphore, #tpu.memory_space<semaphore_mem>>)
    %dma_start3A_34 = arith.constant 4 : i32
    %dma_start3A_35 = arith.constant 0 : i32
    %dma_start3A_36 = tpu.memref_slice %arg8[%dma_start3A_34, %dma_start3A_35] : memref<80x128xi32, #tpu.memory_space<vmem>> -> memref<1x128xi32, #tpu.memory_space<vmem>>
    %dma_start3A_37 = tpu.memref_squeeze %dma_start3A_36 : memref<1x128xi32, #tpu.memory_space<vmem>> -> memref<128xi32, #tpu.memory_space<vmem>>
    %dma_start3A_38 = arith.constant 0 : i32
    %dma_start3A_39 = arith.constant 0 : i32
    %dma_start3A_40 = tpu.memref_slice %arg2[%dma_start3A_38, %dma_start3A_39] : memref<20480x64xf32, #tpu.memory_space<hbm>> -> memref<20480x64xf32, #tpu.memory_space<hbm>>
    tpu.enqueue_indirect_dma source(%dma_start3A_40 : memref<20480x64xf32, #tpu.memory_space<hbm>>) target(%arg14 : memref<128x64xf32, #tpu.memory_space<vmem>>) offsets(%dma_start3A_37 : memref<128xi32, #tpu.memory_space<vmem>>) semaphore(%arg22 : memref<!tpu.dma_semaphore, #tpu.memory_space<semaphore_mem>>)
    %scan3A = arith.constant 0 : i32
    %scan3A_41 = arith.constant 0 : i32
    %scan3A_42 = arith.constant 11 : i32
    %scan3A_43 = arith.addi %scan3A_41, %scan3A_42 : i32
    %scan3A_44 = arith.constant 1 : i32
    scf.for %scan3A_255 = %scan3A_41 to %scan3A_43 step %scan3A_44  : i32 {
      %mul3A_256 = arith.constant 7 : i32
      %mul3A_257 = arith.muli %scan3A_255, %mul3A_256 : i32
      %add3A_258 = arith.constant 0 : i32
      %add3A_259 = arith.addi %mul3A_257, %add3A_258 : i32
      %dma_wait3A_260 = arith.constant 0 : i32
      %dma_wait3A_261 = tpu.memref_slice %arg8[%add3A_259, %dma_wait3A_260] : memref<80x128xi32, #tpu.memory_space<vmem>> -> memref<1x128xi32, #tpu.memory_space<vmem>>
      %dma_wait3A_262 = tpu.memref_squeeze %dma_wait3A_261 : memref<1x128xi32, #tpu.memory_space<vmem>> -> memref<128xi32, #tpu.memory_space<vmem>>
      %dma_wait3A_263 = arith.constant 0 : i32
      %dma_wait3A_264 = arith.constant 0 : i32
      %dma_wait3A_265 = tpu.memref_slice %arg2[%dma_wait3A_263, %dma_wait3A_264] : memref<20480x64xf32, #tpu.memory_space<hbm>> -> memref<20480x64xf32, #tpu.memory_space<hbm>>
      tpu.wait_indirect_dma semaphore(%arg18 : memref<!tpu.dma_semaphore, #tpu.memory_space<semaphore_mem>>) src(%dma_wait3A_265 : memref<20480x64xf32, #tpu.memory_space<hbm>>) dst(%arg10 : memref<128x64xf32, #tpu.memory_space<vmem>>)
      %dma_start3A_266 = arith.constant 0 : i32
      %dma_start3A_267 = tpu.memref_slice %arg9[%add3A_259, %dma_start3A_266] : memref<80x128xi32, #tpu.memory_space<vmem>> -> memref<1x128xi32, #tpu.memory_space<vmem>>
      %dma_start3A_268 = tpu.memref_squeeze %dma_start3A_267 : memref<1x128xi32, #tpu.memory_space<vmem>> -> memref<128xi32, #tpu.memory_space<vmem>>
      %dma_start3A_269 = arith.constant 0 : i32
      %dma_start3A_270 = arith.constant 0 : i32
      %dma_start3A_271 = tpu.memref_slice %arg17[%dma_start3A_269, %dma_start3A_270] : memref<10240x64xf32, #tpu.memory_space<vmem_shared>> -> memref<10240x64xf32, #tpu.memory_space<vmem_shared>>
      tpu.enqueue_indirect_dma source(%arg10 : memref<128x64xf32, #tpu.memory_space<vmem>>) target(%dma_start3A_271 : memref<10240x64xf32, #tpu.memory_space<vmem_shared>>) offsets(%dma_start3A_268 : memref<128xi32, #tpu.memory_space<vmem>>) semaphore(%arg25 : memref<!tpu.dma_semaphore, #tpu.memory_space<semaphore_mem>>) {add = true}
      %ge3A = arith.constant 2 : i32
      %ge3A_272 = arith.cmpi sge, %add3A_259, %ge3A : i32
      %convert_element_type3A = arith.extui %ge3A_272 : i1 to i32
      %cond3A = arith.constant 0 : i32
      %cond3A_273 = arith.cmpi ne, %convert_element_type3A, %cond3A : i32
      scf.if %cond3A_273 {
        %sub3A = arith.constant 2 : i32
        %sub3A_448 = arith.subi %add3A_259, %sub3A : i32
        %dma_wait3A_449 = arith.constant 0 : i32
        %dma_wait3A_450 = tpu.memref_slice %arg9[%sub3A_448, %dma_wait3A_449] : memref<80x128xi32, #tpu.memory_space<vmem>> -> memref<1x128xi32, #tpu.memory_space<vmem>>
        %dma_wait3A_451 = tpu.memref_squeeze %dma_wait3A_450 : memref<1x128xi32, #tpu.memory_space<vmem>> -> memref<128xi32, #tpu.memory_space<vmem>>
        %dma_wait3A_452 = arith.constant 0 : i32
        %dma_wait3A_453 = arith.constant 0 : i32
        %dma_wait3A_454 = tpu.memref_slice %arg17[%dma_wait3A_452, %dma_wait3A_453] : memref<10240x64xf32, #tpu.memory_space<vmem_shared>> -> memref<10240x64xf32, #tpu.memory_space<vmem_shared>>
        tpu.wait_indirect_dma semaphore(%arg30 : memref<!tpu.dma_semaphore, #tpu.memory_space<semaphore_mem>>) src(%arg15 : memref<128x64xf32, #tpu.memory_space<vmem>>) dst(%dma_wait3A_454 : memref<10240x64xf32, #tpu.memory_space<vmem_shared>>)
      } else {
      }
      %add3A_274 = arith.constant 5 : i32
      %add3A_275 = arith.addi %add3A_259, %add3A_274 : i32
      %lt3A = arith.constant 80 : i32
      %lt3A_276 = arith.cmpi slt, %add3A_275, %lt3A : i32
      %convert_element_type3A_277 = arith.extui %lt3A_276 : i1 to i32
      %cond3A_278 = arith.constant 0 : i32
      %cond3A_279 = arith.cmpi ne, %convert_element_type3A_277, %cond3A_278 : i32
      scf.if %cond3A_279 {
        %add3A_448 = arith.constant 5 : i32
        %add3A_449 = arith.addi %add3A_259, %add3A_448 : i32
        %dma_start3A_450 = arith.constant 0 : i32
        %dma_start3A_451 = tpu.memref_slice %arg8[%add3A_449, %dma_start3A_450] : memref<80x128xi32, #tpu.memory_space<vmem>> -> memref<1x128xi32, #tpu.memory_space<vmem>>
        %dma_start3A_452 = tpu.memref_squeeze %dma_start3A_451 : memref<1x128xi32, #tpu.memory_space<vmem>> -> memref<128xi32, #tpu.memory_space<vmem>>
        %dma_start3A_453 = arith.constant 0 : i32
        %dma_start3A_454 = arith.constant 0 : i32
        %dma_start3A_455 = tpu.memref_slice %arg2[%dma_start3A_453, %dma_start3A_454] : memref<20480x64xf32, #tpu.memory_space<hbm>> -> memref<20480x64xf32, #tpu.memory_space<hbm>>
        tpu.enqueue_indirect_dma source(%dma_start3A_455 : memref<20480x64xf32, #tpu.memory_space<hbm>>) target(%arg15 : memref<128x64xf32, #tpu.memory_space<vmem>>) offsets(%dma_start3A_452 : memref<128xi32, #tpu.memory_space<vmem>>) semaphore(%arg23 : memref<!tpu.dma_semaphore, #tpu.memory_space<semaphore_mem>>)
      } else {
      }
      %mul3A_280 = arith.constant 7 : i32
      %mul3A_281 = arith.muli %scan3A_255, %mul3A_280 : i32
      %add3A_282 = arith.constant 1 : i32
      %add3A_283 = arith.addi %mul3A_281, %add3A_282 : i32
      %dma_wait3A_284 = arith.constant 0 : i32
      %dma_wait3A_285 = tpu.memref_slice %arg8[%add3A_283, %dma_wait3A_284] : memref<80x128xi32, #tpu.memory_space<vmem>> -> memref<1x128xi32, #tpu.memory_space<vmem>>
      %dma_wait3A_286 = tpu.memref_squeeze %dma_wait3A_285 : memref<1x128xi32, #tpu.memory_space<vmem>> -> memref<128xi32, #tpu.memory_space<vmem>>
      %dma_wait3A_287 = arith.constant 0 : i32
      %dma_wait3A_288 = arith.constant 0 : i32
      %dma_wait3A_289 = tpu.memref_slice %arg2[%dma_wait3A_287, %dma_wait3A_288] : memref<20480x64xf32, #tpu.memory_space<hbm>> -> memref<20480x64xf32, #tpu.memory_space<hbm>>
      tpu.wait_indirect_dma semaphore(%arg19 : memref<!tpu.dma_semaphore, #tpu.memory_space<semaphore_mem>>) src(%dma_wait3A_289 : memref<20480x64xf32, #tpu.memory_space<hbm>>) dst(%arg11 : memref<128x64xf32, #tpu.memory_space<vmem>>)
      %dma_start3A_290 = arith.constant 0 : i32
      %dma_start3A_291 = tpu.memref_slice %arg9[%add3A_283, %dma_start3A_290] : memref<80x128xi32, #tpu.memory_space<vmem>> -> memref<1x128xi32, #tpu.memory_space<vmem>>
      %dma_start3A_292 = tpu.memref_squeeze %dma_start3A_291 : memref<1x128xi32, #tpu.memory_space<vmem>> -> memref<128xi32, #tpu.memory_space<vmem>>
      %dma_start3A_293 = arith.constant 0 : i32
      %dma_start3A_294 = arith.constant 0 : i32
      %dma_start3A_295 = tpu.memref_slice %arg17[%dma_start3A_293, %dma_start3A_294] : memref<10240x64xf32, #tpu.memory_space<vmem_shared>> -> memref<10240x64xf32, #tpu.memory_space<vmem_shared>>
      tpu.enqueue_indirect_dma source(%arg11 : memref<128x64xf32, #tpu.memory_space<vmem>>) target(%dma_start3A_295 : memref<10240x64xf32, #tpu.memory_space<vmem_shared>>) offsets(%dma_start3A_292 : memref<128xi32, #tpu.memory_space<vmem>>) semaphore(%arg26 : memref<!tpu.dma_semaphore, #tpu.memory_space<semaphore_mem>>) {add = true}
      %ge3A_296 = arith.constant 2 : i32
      %ge3A_297 = arith.cmpi sge, %add3A_283, %ge3A_296 : i32
      %convert_element_type3A_298 = arith.extui %ge3A_297 : i1 to i32
      %cond3A_299 = arith.constant 0 : i32
      %cond3A_300 = arith.cmpi ne, %convert_element_type3A_298, %cond3A_299 : i32
      scf.if %cond3A_300 {
        %sub3A = arith.constant 2 : i32
        %sub3A_448 = arith.subi %add3A_283, %sub3A : i32
        %dma_wait3A_449 = arith.constant 0 : i32
        %dma_wait3A_450 = tpu.memref_slice %arg9[%sub3A_448, %dma_wait3A_449] : memref<80x128xi32, #tpu.memory_space<vmem>> -> memref<1x128xi32, #tpu.memory_space<vmem>>
        %dma_wait3A_451 = tpu.memref_squeeze %dma_wait3A_450 : memref<1x128xi32, #tpu.memory_space<vmem>> -> memref<128xi32, #tpu.memory_space<vmem>>
        %dma_wait3A_452 = arith.constant 0 : i32
        %dma_wait3A_453 = arith.constant 0 : i32
        %dma_wait3A_454 = tpu.memref_slice %arg17[%dma_wait3A_452, %dma_wait3A_453] : memref<10240x64xf32, #tpu.memory_space<vmem_shared>> -> memref<10240x64xf32, #tpu.memory_space<vmem_shared>>
        tpu.wait_indirect_dma semaphore(%arg31 : memref<!tpu.dma_semaphore, #tpu.memory_space<semaphore_mem>>) src(%arg16 : memref<128x64xf32, #tpu.memory_space<vmem>>) dst(%dma_wait3A_454 : memref<10240x64xf32, #tpu.memory_space<vmem_shared>>)
      } else {
      }
      %add3A_301 = arith.constant 5 : i32
      %add3A_302 = arith.addi %add3A_283, %add3A_301 : i32
      %lt3A_303 = arith.constant 80 : i32
      %lt3A_304 = arith.cmpi slt, %add3A_302, %lt3A_303 : i32
      %convert_element_type3A_305 = arith.extui %lt3A_304 : i1 to i32
      %cond3A_306 = arith.constant 0 : i32
      %cond3A_307 = arith.cmpi ne, %convert_element_type3A_305, %cond3A_306 : i32
      scf.if %cond3A_307 {
        %add3A_448 = arith.constant 5 : i32
        %add3A_449 = arith.addi %add3A_283, %add3A_448 : i32
        %dma_start3A_450 = arith.constant 0 : i32
        %dma_start3A_451 = tpu.memref_slice %arg8[%add3A_449, %dma_start3A_450] : memref<80x128xi32, #tpu.memory_space<vmem>> -> memref<1x128xi32, #tpu.memory_space<vmem>>
        %dma_start3A_452 = tpu.memref_squeeze %dma_start3A_451 : memref<1x128xi32, #tpu.memory_space<vmem>> -> memref<128xi32, #tpu.memory_space<vmem>>
        %dma_start3A_453 = arith.constant 0 : i32
        %dma_start3A_454 = arith.constant 0 : i32
        %dma_start3A_455 = tpu.memref_slice %arg2[%dma_start3A_453, %dma_start3A_454] : memref<20480x64xf32, #tpu.memory_space<hbm>> -> memref<20480x64xf32, #tpu.memory_space<hbm>>
        tpu.enqueue_indirect_dma source(%dma_start3A_455 : memref<20480x64xf32, #tpu.memory_space<hbm>>) target(%arg16 : memref<128x64xf32, #tpu.memory_space<vmem>>) offsets(%dma_start3A_452 : memref<128xi32, #tpu.memory_space<vmem>>) semaphore(%arg24 : memref<!tpu.dma_semaphore, #tpu.memory_space<semaphore_mem>>)
      } else {
      }
      %mul3A_308 = arith.constant 7 : i32
      %mul3A_309 = arith.muli %scan3A_255, %mul3A_308 : i32
      %add3A_310 = arith.constant 2 : i32
      %add3A_311 = arith.addi %mul3A_309, %add3A_310 : i32
      %dma_wait3A_312 = arith.constant 0 : i32
      %dma_wait3A_313 = tpu.memref_slice %arg8[%add3A_311, %dma_wait3A_312] : memref<80x128xi32, #tpu.memory_space<vmem>> -> memref<1x128xi32, #tpu.memory_space<vmem>>
      %dma_wait3A_314 = tpu.memref_squeeze %dma_wait3A_313 : memref<1x128xi32, #tpu.memory_space<vmem>> -> memref<128xi32, #tpu.memory_space<vmem>>
      %dma_wait3A_315 = arith.constant 0 : i32
      %dma_wait3A_316 = arith.constant 0 : i32
      %dma_wait3A_317 = tpu.memref_slice %arg2[%dma_wait3A_315, %dma_wait3A_316] : memref<20480x64xf32, #tpu.memory_space<hbm>> -> memref<20480x64xf32, #tpu.memory_space<hbm>>
      tpu.wait_indirect_dma semaphore(%arg20 : memref<!tpu.dma_semaphore, #tpu.memory_space<semaphore_mem>>) src(%dma_wait3A_317 : memref<20480x64xf32, #tpu.memory_space<hbm>>) dst(%arg12 : memref<128x64xf32, #tpu.memory_space<vmem>>)
      %dma_start3A_318 = arith.constant 0 : i32
      %dma_start3A_319 = tpu.memref_slice %arg9[%add3A_311, %dma_start3A_318] : memref<80x128xi32, #tpu.memory_space<vmem>> -> memref<1x128xi32, #tpu.memory_space<vmem>>
      %dma_start3A_320 = tpu.memref_squeeze %dma_start3A_319 : memref<1x128xi32, #tpu.memory_space<vmem>> -> memref<128xi32, #tpu.memory_space<vmem>>
      %dma_start3A_321 = arith.constant 0 : i32
      %dma_start3A_322 = arith.constant 0 : i32
      %dma_start3A_323 = tpu.memref_slice %arg17[%dma_start3A_321, %dma_start3A_322] : memref<10240x64xf32, #tpu.memory_space<vmem_shared>> -> memref<10240x64xf32, #tpu.memory_space<vmem_shared>>
      tpu.enqueue_indirect_dma source(%arg12 : memref<128x64xf32, #tpu.memory_space<vmem>>) target(%dma_start3A_323 : memref<10240x64xf32, #tpu.memory_space<vmem_shared>>) offsets(%dma_start3A_320 : memref<128xi32, #tpu.memory_space<vmem>>) semaphore(%arg27 : memref<!tpu.dma_semaphore, #tpu.memory_space<semaphore_mem>>) {add = true}
      %ge3A_324 = arith.constant 2 : i32
      %ge3A_325 = arith.cmpi sge, %add3A_311, %ge3A_324 : i32
      %convert_element_type3A_326 = arith.extui %ge3A_325 : i1 to i32
      %cond3A_327 = arith.constant 0 : i32
      %cond3A_328 = arith.cmpi ne, %convert_element_type3A_326, %cond3A_327 : i32
      scf.if %cond3A_328 {
        %sub3A = arith.constant 2 : i32
        %sub3A_448 = arith.subi %add3A_311, %sub3A : i32
        %dma_wait3A_449 = arith.constant 0 : i32
        %dma_wait3A_450 = tpu.memref_slice %arg9[%sub3A_448, %dma_wait3A_449] : memref<80x128xi32, #tpu.memory_space<vmem>> -> memref<1x128xi32, #tpu.memory_space<vmem>>
        %dma_wait3A_451 = tpu.memref_squeeze %dma_wait3A_450 : memref<1x128xi32, #tpu.memory_space<vmem>> -> memref<128xi32, #tpu.memory_space<vmem>>
        %dma_wait3A_452 = arith.constant 0 : i32
        %dma_wait3A_453 = arith.constant 0 : i32
        %dma_wait3A_454 = tpu.memref_slice %arg17[%dma_wait3A_452, %dma_wait3A_453] : memref<10240x64xf32, #tpu.memory_space<vmem_shared>> -> memref<10240x64xf32, #tpu.memory_space<vmem_shared>>
        tpu.wait_indirect_dma semaphore(%arg25 : memref<!tpu.dma_semaphore, #tpu.memory_space<semaphore_mem>>) src(%arg10 : memref<128x64xf32, #tpu.memory_space<vmem>>) dst(%dma_wait3A_454 : memref<10240x64xf32, #tpu.memory_space<vmem_shared>>)
      } else {
      }
      %add3A_329 = arith.constant 5 : i32
      %add3A_330 = arith.addi %add3A_311, %add3A_329 : i32
      %lt3A_331 = arith.constant 80 : i32
      %lt3A_332 = arith.cmpi slt, %add3A_330, %lt3A_331 : i32
      %convert_element_type3A_333 = arith.extui %lt3A_332 : i1 to i32
      %cond3A_334 = arith.constant 0 : i32
      %cond3A_335 = arith.cmpi ne, %convert_element_type3A_333, %cond3A_334 : i32
      scf.if %cond3A_335 {
        %add3A_448 = arith.constant 5 : i32
        %add3A_449 = arith.addi %add3A_311, %add3A_448 : i32
        %dma_start3A_450 = arith.constant 0 : i32
        %dma_start3A_451 = tpu.memref_slice %arg8[%add3A_449, %dma_start3A_450] : memref<80x128xi32, #tpu.memory_space<vmem>> -> memref<1x128xi32, #tpu.memory_space<vmem>>
        %dma_start3A_452 = tpu.memref_squeeze %dma_start3A_451 : memref<1x128xi32, #tpu.memory_space<vmem>> -> memref<128xi32, #tpu.memory_space<vmem>>
        %dma_start3A_453 = arith.constant 0 : i32
        %dma_start3A_454 = arith.constant 0 : i32
        %dma_start3A_455 = tpu.memref_slice %arg2[%dma_start3A_453, %dma_start3A_454] : memref<20480x64xf32, #tpu.memory_space<hbm>> -> memref<20480x64xf32, #tpu.memory_space<hbm>>
        tpu.enqueue_indirect_dma source(%dma_start3A_455 : memref<20480x64xf32, #tpu.memory_space<hbm>>) target(%arg10 : memref<128x64xf32, #tpu.memory_space<vmem>>) offsets(%dma_start3A_452 : memref<128xi32, #tpu.memory_space<vmem>>) semaphore(%arg18 : memref<!tpu.dma_semaphore, #tpu.memory_space<semaphore_mem>>)
      } else {
      }
      %mul3A_336 = arith.constant 7 : i32
      %mul3A_337 = arith.muli %scan3A_255, %mul3A_336 : i32
      %add3A_338 = arith.constant 3 : i32
      %add3A_339 = arith.addi %mul3A_337, %add3A_338 : i32
      %dma_wait3A_340 = arith.constant 0 : i32
      %dma_wait3A_341 = tpu.memref_slice %arg8[%add3A_339, %dma_wait3A_340] : memref<80x128xi32, #tpu.memory_space<vmem>> -> memref<1x128xi32, #tpu.memory_space<vmem>>
      %dma_wait3A_342 = tpu.memref_squeeze %dma_wait3A_341 : memref<1x128xi32, #tpu.memory_space<vmem>> -> memref<128xi32, #tpu.memory_space<vmem>>
      %dma_wait3A_343 = arith.constant 0 : i32
      %dma_wait3A_344 = arith.constant 0 : i32
      %dma_wait3A_345 = tpu.memref_slice %arg2[%dma_wait3A_343, %dma_wait3A_344] : memref<20480x64xf32, #tpu.memory_space<hbm>> -> memref<20480x64xf32, #tpu.memory_space<hbm>>
      tpu.wait_indirect_dma semaphore(%arg21 : memref<!tpu.dma_semaphore, #tpu.memory_space<semaphore_mem>>) src(%dma_wait3A_345 : memref<20480x64xf32, #tpu.memory_space<hbm>>) dst(%arg13 : memref<128x64xf32, #tpu.memory_space<vmem>>)
      %dma_start3A_346 = arith.constant 0 : i32
      %dma_start3A_347 = tpu.memref_slice %arg9[%add3A_339, %dma_start3A_346] : memref<80x128xi32, #tpu.memory_space<vmem>> -> memref<1x128xi32, #tpu.memory_space<vmem>>
      %dma_start3A_348 = tpu.memref_squeeze %dma_start3A_347 : memref<1x128xi32, #tpu.memory_space<vmem>> -> memref<128xi32, #tpu.memory_space<vmem>>
      %dma_start3A_349 = arith.constant 0 : i32
      %dma_start3A_350 = arith.constant 0 : i32
      %dma_start3A_351 = tpu.memref_slice %arg17[%dma_start3A_349, %dma_start3A_350] : memref<10240x64xf32, #tpu.memory_space<vmem_shared>> -> memref<10240x64xf32, #tpu.memory_space<vmem_shared>>
      tpu.enqueue_indirect_dma source(%arg13 : memref<128x64xf32, #tpu.memory_space<vmem>>) target(%dma_start3A_351 : memref<10240x64xf32, #tpu.memory_space<vmem_shared>>) offsets(%dma_start3A_348 : memref<128xi32, #tpu.memory_space<vmem>>) semaphore(%arg28 : memref<!tpu.dma_semaphore, #tpu.memory_space<semaphore_mem>>) {add = true}
      %ge3A_352 = arith.constant 2 : i32
      %ge3A_353 = arith.cmpi sge, %add3A_339, %ge3A_352 : i32
      %convert_element_type3A_354 = arith.extui %ge3A_353 : i1 to i32
      %cond3A_355 = arith.constant 0 : i32
      %cond3A_356 = arith.cmpi ne, %convert_element_type3A_354, %cond3A_355 : i32
      scf.if %cond3A_356 {
        %sub3A = arith.constant 2 : i32
        %sub3A_448 = arith.subi %add3A_339, %sub3A : i32
        %dma_wait3A_449 = arith.constant 0 : i32
        %dma_wait3A_450 = tpu.memref_slice %arg9[%sub3A_448, %dma_wait3A_449] : memref<80x128xi32, #tpu.memory_space<vmem>> -> memref<1x128xi32, #tpu.memory_space<vmem>>
        %dma_wait3A_451 = tpu.memref_squeeze %dma_wait3A_450 : memref<1x128xi32, #tpu.memory_space<vmem>> -> memref<128xi32, #tpu.memory_space<vmem>>
        %dma_wait3A_452 = arith.constant 0 : i32
        %dma_wait3A_453 = arith.constant 0 : i32
        %dma_wait3A_454 = tpu.memref_slice %arg17[%dma_wait3A_452, %dma_wait3A_453] : memref<10240x64xf32, #tpu.memory_space<vmem_shared>> -> memref<10240x64xf32, #tpu.memory_space<vmem_shared>>
        tpu.wait_indirect_dma semaphore(%arg26 : memref<!tpu.dma_semaphore, #tpu.memory_space<semaphore_mem>>) src(%arg11 : memref<128x64xf32, #tpu.memory_space<vmem>>) dst(%dma_wait3A_454 : memref<10240x64xf32, #tpu.memory_space<vmem_shared>>)
      } else {
      }
      %add3A_357 = arith.constant 5 : i32
      %add3A_358 = arith.addi %add3A_339, %add3A_357 : i32
      %lt3A_359 = arith.constant 80 : i32
      %lt3A_360 = arith.cmpi slt, %add3A_358, %lt3A_359 : i32
      %convert_element_type3A_361 = arith.extui %lt3A_360 : i1 to i32
      %cond3A_362 = arith.constant 0 : i32
      %cond3A_363 = arith.cmpi ne, %convert_element_type3A_361, %cond3A_362 : i32
      scf.if %cond3A_363 {
        %add3A_448 = arith.constant 5 : i32
        %add3A_449 = arith.addi %add3A_339, %add3A_448 : i32
        %dma_start3A_450 = arith.constant 0 : i32
        %dma_start3A_451 = tpu.memref_slice %arg8[%add3A_449, %dma_start3A_450] : memref<80x128xi32, #tpu.memory_space<vmem>> -> memref<1x128xi32, #tpu.memory_space<vmem>>
        %dma_start3A_452 = tpu.memref_squeeze %dma_start3A_451 : memref<1x128xi32, #tpu.memory_space<vmem>> -> memref<128xi32, #tpu.memory_space<vmem>>
        %dma_start3A_453 = arith.constant 0 : i32
        %dma_start3A_454 = arith.constant 0 : i32
        %dma_start3A_455 = tpu.memref_slice %arg2[%dma_start3A_453, %dma_start3A_454] : memref<20480x64xf32, #tpu.memory_space<hbm>> -> memref<20480x64xf32, #tpu.memory_space<hbm>>
        tpu.enqueue_indirect_dma source(%dma_start3A_455 : memref<20480x64xf32, #tpu.memory_space<hbm>>) target(%arg11 : memref<128x64xf32, #tpu.memory_space<vmem>>) offsets(%dma_start3A_452 : memref<128xi32, #tpu.memory_space<vmem>>) semaphore(%arg19 : memref<!tpu.dma_semaphore, #tpu.memory_space<semaphore_mem>>)
      } else {
      }
      %mul3A_364 = arith.constant 7 : i32
      %mul3A_365 = arith.muli %scan3A_255, %mul3A_364 : i32
      %add3A_366 = arith.constant 4 : i32
      %add3A_367 = arith.addi %mul3A_365, %add3A_366 : i32
      %dma_wait3A_368 = arith.constant 0 : i32
      %dma_wait3A_369 = tpu.memref_slice %arg8[%add3A_367, %dma_wait3A_368] : memref<80x128xi32, #tpu.memory_space<vmem>> -> memref<1x128xi32, #tpu.memory_space<vmem>>
      %dma_wait3A_370 = tpu.memref_squeeze %dma_wait3A_369 : memref<1x128xi32, #tpu.memory_space<vmem>> -> memref<128xi32, #tpu.memory_space<vmem>>
      %dma_wait3A_371 = arith.constant 0 : i32
      %dma_wait3A_372 = arith.constant 0 : i32
      %dma_wait3A_373 = tpu.memref_slice %arg2[%dma_wait3A_371, %dma_wait3A_372] : memref<20480x64xf32, #tpu.memory_space<hbm>> -> memref<20480x64xf32, #tpu.memory_space<hbm>>
      tpu.wait_indirect_dma semaphore(%arg22 : memref<!tpu.dma_semaphore, #tpu.memory_space<semaphore_mem>>) src(%dma_wait3A_373 : memref<20480x64xf32, #tpu.memory_space<hbm>>) dst(%arg14 : memref<128x64xf32, #tpu.memory_space<vmem>>)
      %dma_start3A_374 = arith.constant 0 : i32
      %dma_start3A_375 = tpu.memref_slice %arg9[%add3A_367, %dma_start3A_374] : memref<80x128xi32, #tpu.memory_space<vmem>> -> memref<1x128xi32, #tpu.memory_space<vmem>>
      %dma_start3A_376 = tpu.memref_squeeze %dma_start3A_375 : memref<1x128xi32, #tpu.memory_space<vmem>> -> memref<128xi32, #tpu.memory_space<vmem>>
      %dma_start3A_377 = arith.constant 0 : i32
      %dma_start3A_378 = arith.constant 0 : i32
      %dma_start3A_379 = tpu.memref_slice %arg17[%dma_start3A_377, %dma_start3A_378] : memref<10240x64xf32, #tpu.memory_space<vmem_shared>> -> memref<10240x64xf32, #tpu.memory_space<vmem_shared>>
      tpu.enqueue_indirect_dma source(%arg14 : memref<128x64xf32, #tpu.memory_space<vmem>>) target(%dma_start3A_379 : memref<10240x64xf32, #tpu.memory_space<vmem_shared>>) offsets(%dma_start3A_376 : memref<128xi32, #tpu.memory_space<vmem>>) semaphore(%arg29 : memref<!tpu.dma_semaphore, #tpu.memory_space<semaphore_mem>>) {add = true}
      %ge3A_380 = arith.constant 2 : i32
      %ge3A_381 = arith.cmpi sge, %add3A_367, %ge3A_380 : i32
      %convert_element_type3A_382 = arith.extui %ge3A_381 : i1 to i32
      %cond3A_383 = arith.constant 0 : i32
      %cond3A_384 = arith.cmpi ne, %convert_element_type3A_382, %cond3A_383 : i32
      scf.if %cond3A_384 {
        %sub3A = arith.constant 2 : i32
        %sub3A_448 = arith.subi %add3A_367, %sub3A : i32
        %dma_wait3A_449 = arith.constant 0 : i32
        %dma_wait3A_450 = tpu.memref_slice %arg9[%sub3A_448, %dma_wait3A_449] : memref<80x128xi32, #tpu.memory_space<vmem>> -> memref<1x128xi32, #tpu.memory_space<vmem>>
        %dma_wait3A_451 = tpu.memref_squeeze %dma_wait3A_450 : memref<1x128xi32, #tpu.memory_space<vmem>> -> memref<128xi32, #tpu.memory_space<vmem>>
        %dma_wait3A_452 = arith.constant 0 : i32
        %dma_wait3A_453 = arith.constant 0 : i32
        %dma_wait3A_454 = tpu.memref_slice %arg17[%dma_wait3A_452, %dma_wait3A_453] : memref<10240x64xf32, #tpu.memory_space<vmem_shared>> -> memref<10240x64xf32, #tpu.memory_space<vmem_shared>>
        tpu.wait_indirect_dma semaphore(%arg27 : memref<!tpu.dma_semaphore, #tpu.memory_space<semaphore_mem>>) src(%arg12 : memref<128x64xf32, #tpu.memory_space<vmem>>) dst(%dma_wait3A_454 : memref<10240x64xf32, #tpu.memory_space<vmem_shared>>)
      } else {
      }
      %add3A_385 = arith.constant 5 : i32
      %add3A_386 = arith.addi %add3A_367, %add3A_385 : i32
      %lt3A_387 = arith.constant 80 : i32
      %lt3A_388 = arith.cmpi slt, %add3A_386, %lt3A_387 : i32
      %convert_element_type3A_389 = arith.extui %lt3A_388 : i1 to i32
      %cond3A_390 = arith.constant 0 : i32
      %cond3A_391 = arith.cmpi ne, %convert_element_type3A_389, %cond3A_390 : i32
      scf.if %cond3A_391 {
        %add3A_448 = arith.constant 5 : i32
        %add3A_449 = arith.addi %add3A_367, %add3A_448 : i32
        %dma_start3A_450 = arith.constant 0 : i32
        %dma_start3A_451 = tpu.memref_slice %arg8[%add3A_449, %dma_start3A_450] : memref<80x128xi32, #tpu.memory_space<vmem>> -> memref<1x128xi32, #tpu.memory_space<vmem>>
        %dma_start3A_452 = tpu.memref_squeeze %dma_start3A_451 : memref<1x128xi32, #tpu.memory_space<vmem>> -> memref<128xi32, #tpu.memory_space<vmem>>
        %dma_start3A_453 = arith.constant 0 : i32
        %dma_start3A_454 = arith.constant 0 : i32
        %dma_start3A_455 = tpu.memref_slice %arg2[%dma_start3A_453, %dma_start3A_454] : memref<20480x64xf32, #tpu.memory_space<hbm>> -> memref<20480x64xf32, #tpu.memory_space<hbm>>
        tpu.enqueue_indirect_dma source(%dma_start3A_455 : memref<20480x64xf32, #tpu.memory_space<hbm>>) target(%arg12 : memref<128x64xf32, #tpu.memory_space<vmem>>) offsets(%dma_start3A_452 : memref<128xi32, #tpu.memory_space<vmem>>) semaphore(%arg20 : memref<!tpu.dma_semaphore, #tpu.memory_space<semaphore_mem>>)
      } else {
      }
      %mul3A_392 = arith.constant 7 : i32
      %mul3A_393 = arith.muli %scan3A_255, %mul3A_392 : i32
      %add3A_394 = arith.constant 5 : i32
      %add3A_395 = arith.addi %mul3A_393, %add3A_394 : i32
      %dma_wait3A_396 = arith.constant 0 : i32
      %dma_wait3A_397 = tpu.memref_slice %arg8[%add3A_395, %dma_wait3A_396] : memref<80x128xi32, #tpu.memory_space<vmem>> -> memref<1x128xi32, #tpu.memory_space<vmem>>
      %dma_wait3A_398 = tpu.memref_squeeze %dma_wait3A_397 : memref<1x128xi32, #tpu.memory_space<vmem>> -> memref<128xi32, #tpu.memory_space<vmem>>
      %dma_wait3A_399 = arith.constant 0 : i32
      %dma_wait3A_400 = arith.constant 0 : i32
      %dma_wait3A_401 = tpu.memref_slice %arg2[%dma_wait3A_399, %dma_wait3A_400] : memref<20480x64xf32, #tpu.memory_space<hbm>> -> memref<20480x64xf32, #tpu.memory_space<hbm>>
      tpu.wait_indirect_dma semaphore(%arg23 : memref<!tpu.dma_semaphore, #tpu.memory_space<semaphore_mem>>) src(%dma_wait3A_401 : memref<20480x64xf32, #tpu.memory_space<hbm>>) dst(%arg15 : memref<128x64xf32, #tpu.memory_space<vmem>>)
      %dma_start3A_402 = arith.constant 0 : i32
      %dma_start3A_403 = tpu.memref_slice %arg9[%add3A_395, %dma_start3A_402] : memref<80x128xi32, #tpu.memory_space<vmem>> -> memref<1x128xi32, #tpu.memory_space<vmem>>
      %dma_start3A_404 = tpu.memref_squeeze %dma_start3A_403 : memref<1x128xi32, #tpu.memory_space<vmem>> -> memref<128xi32, #tpu.memory_space<vmem>>
      %dma_start3A_405 = arith.constant 0 : i32
      %dma_start3A_406 = arith.constant 0 : i32
      %dma_start3A_407 = tpu.memref_slice %arg17[%dma_start3A_405, %dma_start3A_406] : memref<10240x64xf32, #tpu.memory_space<vmem_shared>> -> memref<10240x64xf32, #tpu.memory_space<vmem_shared>>
      tpu.enqueue_indirect_dma source(%arg15 : memref<128x64xf32, #tpu.memory_space<vmem>>) target(%dma_start3A_407 : memref<10240x64xf32, #tpu.memory_space<vmem_shared>>) offsets(%dma_start3A_404 : memref<128xi32, #tpu.memory_space<vmem>>) semaphore(%arg30 : memref<!tpu.dma_semaphore, #tpu.memory_space<semaphore_mem>>) {add = true}
      %ge3A_408 = arith.constant 2 : i32
      %ge3A_409 = arith.cmpi sge, %add3A_395, %ge3A_408 : i32
      %convert_element_type3A_410 = arith.extui %ge3A_409 : i1 to i32
      %cond3A_411 = arith.constant 0 : i32
      %cond3A_412 = arith.cmpi ne, %convert_element_type3A_410, %cond3A_411 : i32
      scf.if %cond3A_412 {
        %sub3A = arith.constant 2 : i32
        %sub3A_448 = arith.subi %add3A_395, %sub3A : i32
        %dma_wait3A_449 = arith.constant 0 : i32
        %dma_wait3A_450 = tpu.memref_slice %arg9[%sub3A_448, %dma_wait3A_449] : memref<80x128xi32, #tpu.memory_space<vmem>> -> memref<1x128xi32, #tpu.memory_space<vmem>>
        %dma_wait3A_451 = tpu.memref_squeeze %dma_wait3A_450 : memref<1x128xi32, #tpu.memory_space<vmem>> -> memref<128xi32, #tpu.memory_space<vmem>>
        %dma_wait3A_452 = arith.constant 0 : i32
        %dma_wait3A_453 = arith.constant 0 : i32
        %dma_wait3A_454 = tpu.memref_slice %arg17[%dma_wait3A_452, %dma_wait3A_453] : memref<10240x64xf32, #tpu.memory_space<vmem_shared>> -> memref<10240x64xf32, #tpu.memory_space<vmem_shared>>
        tpu.wait_indirect_dma semaphore(%arg28 : memref<!tpu.dma_semaphore, #tpu.memory_space<semaphore_mem>>) src(%arg13 : memref<128x64xf32, #tpu.memory_space<vmem>>) dst(%dma_wait3A_454 : memref<10240x64xf32, #tpu.memory_space<vmem_shared>>)
      } else {
      }
      %add3A_413 = arith.constant 5 : i32
      %add3A_414 = arith.addi %add3A_395, %add3A_413 : i32
      %lt3A_415 = arith.constant 80 : i32
      %lt3A_416 = arith.cmpi slt, %add3A_414, %lt3A_415 : i32
      %convert_element_type3A_417 = arith.extui %lt3A_416 : i1 to i32
      %cond3A_418 = arith.constant 0 : i32
      %cond3A_419 = arith.cmpi ne, %convert_element_type3A_417, %cond3A_418 : i32
      scf.if %cond3A_419 {
        %add3A_448 = arith.constant 5 : i32
        %add3A_449 = arith.addi %add3A_395, %add3A_448 : i32
        %dma_start3A_450 = arith.constant 0 : i32
        %dma_start3A_451 = tpu.memref_slice %arg8[%add3A_449, %dma_start3A_450] : memref<80x128xi32, #tpu.memory_space<vmem>> -> memref<1x128xi32, #tpu.memory_space<vmem>>
        %dma_start3A_452 = tpu.memref_squeeze %dma_start3A_451 : memref<1x128xi32, #tpu.memory_space<vmem>> -> memref<128xi32, #tpu.memory_space<vmem>>
        %dma_start3A_453 = arith.constant 0 : i32
        %dma_start3A_454 = arith.constant 0 : i32
        %dma_start3A_455 = tpu.memref_slice %arg2[%dma_start3A_453, %dma_start3A_454] : memref<20480x64xf32, #tpu.memory_space<hbm>> -> memref<20480x64xf32, #tpu.memory_space<hbm>>
        tpu.enqueue_indirect_dma source(%dma_start3A_455 : memref<20480x64xf32, #tpu.memory_space<hbm>>) target(%arg13 : memref<128x64xf32, #tpu.memory_space<vmem>>) offsets(%dma_start3A_452 : memref<128xi32, #tpu.memory_space<vmem>>) semaphore(%arg21 : memref<!tpu.dma_semaphore, #tpu.memory_space<semaphore_mem>>)
      } else {
      }
      %mul3A_420 = arith.constant 7 : i32
      %mul3A_421 = arith.muli %scan3A_255, %mul3A_420 : i32
      %add3A_422 = arith.constant 6 : i32
      %add3A_423 = arith.addi %mul3A_421, %add3A_422 : i32
      %dma_wait3A_424 = arith.constant 0 : i32
      %dma_wait3A_425 = tpu.memref_slice %arg8[%add3A_423, %dma_wait3A_424] : memref<80x128xi32, #tpu.memory_space<vmem>> -> memref<1x128xi32, #tpu.memory_space<vmem>>
      %dma_wait3A_426 = tpu.memref_squeeze %dma_wait3A_425 : memref<1x128xi32, #tpu.memory_space<vmem>> -> memref<128xi32, #tpu.memory_space<vmem>>
      %dma_wait3A_427 = arith.constant 0 : i32
      %dma_wait3A_428 = arith.constant 0 : i32
      %dma_wait3A_429 = tpu.memref_slice %arg2[%dma_wait3A_427, %dma_wait3A_428] : memref<20480x64xf32, #tpu.memory_space<hbm>> -> memref<20480x64xf32, #tpu.memory_space<hbm>>
      tpu.wait_indirect_dma semaphore(%arg24 : memref<!tpu.dma_semaphore, #tpu.memory_space<semaphore_mem>>) src(%dma_wait3A_429 : memref<20480x64xf32, #tpu.memory_space<hbm>>) dst(%arg16 : memref<128x64xf32, #tpu.memory_space<vmem>>)
      %dma_start3A_430 = arith.constant 0 : i32
      %dma_start3A_431 = tpu.memref_slice %arg9[%add3A_423, %dma_start3A_430] : memref<80x128xi32, #tpu.memory_space<vmem>> -> memref<1x128xi32, #tpu.memory_space<vmem>>
      %dma_start3A_432 = tpu.memref_squeeze %dma_start3A_431 : memref<1x128xi32, #tpu.memory_space<vmem>> -> memref<128xi32, #tpu.memory_space<vmem>>
      %dma_start3A_433 = arith.constant 0 : i32
      %dma_start3A_434 = arith.constant 0 : i32
      %dma_start3A_435 = tpu.memref_slice %arg17[%dma_start3A_433, %dma_start3A_434] : memref<10240x64xf32, #tpu.memory_space<vmem_shared>> -> memref<10240x64xf32, #tpu.memory_space<vmem_shared>>
      tpu.enqueue_indirect_dma source(%arg16 : memref<128x64xf32, #tpu.memory_space<vmem>>) target(%dma_start3A_435 : memref<10240x64xf32, #tpu.memory_space<vmem_shared>>) offsets(%dma_start3A_432 : memref<128xi32, #tpu.memory_space<vmem>>) semaphore(%arg31 : memref<!tpu.dma_semaphore, #tpu.memory_space<semaphore_mem>>) {add = true}
      %ge3A_436 = arith.constant 2 : i32
      %ge3A_437 = arith.cmpi sge, %add3A_423, %ge3A_436 : i32
      %convert_element_type3A_438 = arith.extui %ge3A_437 : i1 to i32
      %cond3A_439 = arith.constant 0 : i32
      %cond3A_440 = arith.cmpi ne, %convert_element_type3A_438, %cond3A_439 : i32
      scf.if %cond3A_440 {
        %sub3A = arith.constant 2 : i32
        %sub3A_448 = arith.subi %add3A_423, %sub3A : i32
        %dma_wait3A_449 = arith.constant 0 : i32
        %dma_wait3A_450 = tpu.memref_slice %arg9[%sub3A_448, %dma_wait3A_449] : memref<80x128xi32, #tpu.memory_space<vmem>> -> memref<1x128xi32, #tpu.memory_space<vmem>>
        %dma_wait3A_451 = tpu.memref_squeeze %dma_wait3A_450 : memref<1x128xi32, #tpu.memory_space<vmem>> -> memref<128xi32, #tpu.memory_space<vmem>>
        %dma_wait3A_452 = arith.constant 0 : i32
        %dma_wait3A_453 = arith.constant 0 : i32
        %dma_wait3A_454 = tpu.memref_slice %arg17[%dma_wait3A_452, %dma_wait3A_453] : memref<10240x64xf32, #tpu.memory_space<vmem_shared>> -> memref<10240x64xf32, #tpu.memory_space<vmem_shared>>
        tpu.wait_indirect_dma semaphore(%arg29 : memref<!tpu.dma_semaphore, #tpu.memory_space<semaphore_mem>>) src(%arg14 : memref<128x64xf32, #tpu.memory_space<vmem>>) dst(%dma_wait3A_454 : memref<10240x64xf32, #tpu.memory_space<vmem_shared>>)
      } else {
      }
      %add3A_441 = arith.constant 5 : i32
      %add3A_442 = arith.addi %add3A_423, %add3A_441 : i32
      %lt3A_443 = arith.constant 80 : i32
      %lt3A_444 = arith.cmpi slt, %add3A_442, %lt3A_443 : i32
      %convert_element_type3A_445 = arith.extui %lt3A_444 : i1 to i32
      %cond3A_446 = arith.constant 0 : i32
      %cond3A_447 = arith.cmpi ne, %convert_element_type3A_445, %cond3A_446 : i32
      scf.if %cond3A_447 {
        %add3A_448 = arith.constant 5 : i32
        %add3A_449 = arith.addi %add3A_423, %add3A_448 : i32
        %dma_start3A_450 = arith.constant 0 : i32
        %dma_start3A_451 = tpu.memref_slice %arg8[%add3A_449, %dma_start3A_450] : memref<80x128xi32, #tpu.memory_space<vmem>> -> memref<1x128xi32, #tpu.memory_space<vmem>>
        %dma_start3A_452 = tpu.memref_squeeze %dma_start3A_451 : memref<1x128xi32, #tpu.memory_space<vmem>> -> memref<128xi32, #tpu.memory_space<vmem>>
        %dma_start3A_453 = arith.constant 0 : i32
        %dma_start3A_454 = arith.constant 0 : i32
        %dma_start3A_455 = tpu.memref_slice %arg2[%dma_start3A_453, %dma_start3A_454] : memref<20480x64xf32, #tpu.memory_space<hbm>> -> memref<20480x64xf32, #tpu.memory_space<hbm>>
        tpu.enqueue_indirect_dma source(%dma_start3A_455 : memref<20480x64xf32, #tpu.memory_space<hbm>>) target(%arg14 : memref<128x64xf32, #tpu.memory_space<vmem>>) offsets(%dma_start3A_452 : memref<128xi32, #tpu.memory_space<vmem>>) semaphore(%arg22 : memref<!tpu.dma_semaphore, #tpu.memory_space<semaphore_mem>>)
      } else {
      }
    }
    %scan3A_45 = arith.constant 11 : i32
    %dma_wait3A = arith.constant 77 : i32
    %dma_wait3A_46 = arith.constant 0 : i32
    %dma_wait3A_47 = tpu.memref_slice %arg8[%dma_wait3A, %dma_wait3A_46] : memref<80x128xi32, #tpu.memory_space<vmem>> -> memref<1x128xi32, #tpu.memory_space<vmem>>
    %dma_wait3A_48 = tpu.memref_squeeze %dma_wait3A_47 : memref<1x128xi32, #tpu.memory_space<vmem>> -> memref<128xi32, #tpu.memory_space<vmem>>
    %dma_wait3A_49 = arith.constant 0 : i32
    %dma_wait3A_50 = arith.constant 0 : i32
    %dma_wait3A_51 = tpu.memref_slice %arg2[%dma_wait3A_49, %dma_wait3A_50] : memref<20480x64xf32, #tpu.memory_space<hbm>> -> memref<20480x64xf32, #tpu.memory_space<hbm>>
    tpu.wait_indirect_dma semaphore(%arg18 : memref<!tpu.dma_semaphore, #tpu.memory_space<semaphore_mem>>) src(%dma_wait3A_51 : memref<20480x64xf32, #tpu.memory_space<hbm>>) dst(%arg10 : memref<128x64xf32, #tpu.memory_space<vmem>>)
    %dma_start3A_52 = arith.constant 77 : i32
    %dma_start3A_53 = arith.constant 0 : i32
    %dma_start3A_54 = tpu.memref_slice %arg9[%dma_start3A_52, %dma_start3A_53] : memref<80x128xi32, #tpu.memory_space<vmem>> -> memref<1x128xi32, #tpu.memory_space<vmem>>
    %dma_start3A_55 = tpu.memref_squeeze %dma_start3A_54 : memref<1x128xi32, #tpu.memory_space<vmem>> -> memref<128xi32, #tpu.memory_space<vmem>>
    %dma_start3A_56 = arith.constant 0 : i32
    %dma_start3A_57 = arith.constant 0 : i32
    %dma_start3A_58 = tpu.memref_slice %arg17[%dma_start3A_56, %dma_start3A_57] : memref<10240x64xf32, #tpu.memory_space<vmem_shared>> -> memref<10240x64xf32, #tpu.memory_space<vmem_shared>>
    tpu.enqueue_indirect_dma source(%arg10 : memref<128x64xf32, #tpu.memory_space<vmem>>) target(%dma_start3A_58 : memref<10240x64xf32, #tpu.memory_space<vmem_shared>>) offsets(%dma_start3A_55 : memref<128xi32, #tpu.memory_space<vmem>>) semaphore(%arg25 : memref<!tpu.dma_semaphore, #tpu.memory_space<semaphore_mem>>) {add = true}
    %dma_wait3A_59 = arith.constant 75 : i32
    %dma_wait3A_60 = arith.constant 0 : i32
    %dma_wait3A_61 = tpu.memref_slice %arg9[%dma_wait3A_59, %dma_wait3A_60] : memref<80x128xi32, #tpu.memory_space<vmem>> -> memref<1x128xi32, #tpu.memory_space<vmem>>
    %dma_wait3A_62 = tpu.memref_squeeze %dma_wait3A_61 : memref<1x128xi32, #tpu.memory_space<vmem>> -> memref<128xi32, #tpu.memory_space<vmem>>
    %dma_wait3A_63 = arith.constant 0 : i32
    %dma_wait3A_64 = arith.constant 0 : i32
    %dma_wait3A_65 = tpu.memref_slice %arg17[%dma_wait3A_63, %dma_wait3A_64] : memref<10240x64xf32, #tpu.memory_space<vmem_shared>> -> memref<10240x64xf32, #tpu.memory_space<vmem_shared>>
    tpu.wait_indirect_dma semaphore(%arg30 : memref<!tpu.dma_semaphore, #tpu.memory_space<semaphore_mem>>) src(%arg15 : memref<128x64xf32, #tpu.memory_space<vmem>>) dst(%dma_wait3A_65 : memref<10240x64xf32, #tpu.memory_space<vmem_shared>>)
    %dma_wait3A_66 = arith.constant 78 : i32
    %dma_wait3A_67 = arith.constant 0 : i32
    %dma_wait3A_68 = tpu.memref_slice %arg8[%dma_wait3A_66, %dma_wait3A_67] : memref<80x128xi32, #tpu.memory_space<vmem>> -> memref<1x128xi32, #tpu.memory_space<vmem>>
    %dma_wait3A_69 = tpu.memref_squeeze %dma_wait3A_68 : memref<1x128xi32, #tpu.memory_space<vmem>> -> memref<128xi32, #tpu.memory_space<vmem>>
    %dma_wait3A_70 = arith.constant 0 : i32
    %dma_wait3A_71 = arith.constant 0 : i32
    %dma_wait3A_72 = tpu.memref_slice %arg2[%dma_wait3A_70, %dma_wait3A_71] : memref<20480x64xf32, #tpu.memory_space<hbm>> -> memref<20480x64xf32, #tpu.memory_space<hbm>>
    tpu.wait_indirect_dma semaphore(%arg19 : memref<!tpu.dma_semaphore, #tpu.memory_space<semaphore_mem>>) src(%dma_wait3A_72 : memref<20480x64xf32, #tpu.memory_space<hbm>>) dst(%arg11 : memref<128x64xf32, #tpu.memory_space<vmem>>)
    %dma_start3A_73 = arith.constant 78 : i32
    %dma_start3A_74 = arith.constant 0 : i32
    %dma_start3A_75 = tpu.memref_slice %arg9[%dma_start3A_73, %dma_start3A_74] : memref<80x128xi32, #tpu.memory_space<vmem>> -> memref<1x128xi32, #tpu.memory_space<vmem>>
    %dma_start3A_76 = tpu.memref_squeeze %dma_start3A_75 : memref<1x128xi32, #tpu.memory_space<vmem>> -> memref<128xi32, #tpu.memory_space<vmem>>
    %dma_start3A_77 = arith.constant 0 : i32
    %dma_start3A_78 = arith.constant 0 : i32
    %dma_start3A_79 = tpu.memref_slice %arg17[%dma_start3A_77, %dma_start3A_78] : memref<10240x64xf32, #tpu.memory_space<vmem_shared>> -> memref<10240x64xf32, #tpu.memory_space<vmem_shared>>
    tpu.enqueue_indirect_dma source(%arg11 : memref<128x64xf32, #tpu.memory_space<vmem>>) target(%dma_start3A_79 : memref<10240x64xf32, #tpu.memory_space<vmem_shared>>) offsets(%dma_start3A_76 : memref<128xi32, #tpu.memory_space<vmem>>) semaphore(%arg26 : memref<!tpu.dma_semaphore, #tpu.memory_space<semaphore_mem>>) {add = true}
    %dma_wait3A_80 = arith.constant 76 : i32
    %dma_wait3A_81 = arith.constant 0 : i32
    %dma_wait3A_82 = tpu.memref_slice %arg9[%dma_wait3A_80, %dma_wait3A_81] : memref<80x128xi32, #tpu.memory_space<vmem>> -> memref<1x128xi32, #tpu.memory_space<vmem>>
    %dma_wait3A_83 = tpu.memref_squeeze %dma_wait3A_82 : memref<1x128xi32, #tpu.memory_space<vmem>> -> memref<128xi32, #tpu.memory_space<vmem>>
    %dma_wait3A_84 = arith.constant 0 : i32
    %dma_wait3A_85 = arith.constant 0 : i32
    %dma_wait3A_86 = tpu.memref_slice %arg17[%dma_wait3A_84, %dma_wait3A_85] : memref<10240x64xf32, #tpu.memory_space<vmem_shared>> -> memref<10240x64xf32, #tpu.memory_space<vmem_shared>>
    tpu.wait_indirect_dma semaphore(%arg31 : memref<!tpu.dma_semaphore, #tpu.memory_space<semaphore_mem>>) src(%arg16 : memref<128x64xf32, #tpu.memory_space<vmem>>) dst(%dma_wait3A_86 : memref<10240x64xf32, #tpu.memory_space<vmem_shared>>)
    %dma_wait3A_87 = arith.constant 79 : i32
    %dma_wait3A_88 = arith.constant 0 : i32
    %dma_wait3A_89 = tpu.memref_slice %arg8[%dma_wait3A_87, %dma_wait3A_88] : memref<80x128xi32, #tpu.memory_space<vmem>> -> memref<1x128xi32, #tpu.memory_space<vmem>>
    %dma_wait3A_90 = tpu.memref_squeeze %dma_wait3A_89 : memref<1x128xi32, #tpu.memory_space<vmem>> -> memref<128xi32, #tpu.memory_space<vmem>>
    %dma_wait3A_91 = arith.constant 0 : i32
    %dma_wait3A_92 = arith.constant 0 : i32
    %dma_wait3A_93 = tpu.memref_slice %arg2[%dma_wait3A_91, %dma_wait3A_92] : memref<20480x64xf32, #tpu.memory_space<hbm>> -> memref<20480x64xf32, #tpu.memory_space<hbm>>
    tpu.wait_indirect_dma semaphore(%arg20 : memref<!tpu.dma_semaphore, #tpu.memory_space<semaphore_mem>>) src(%dma_wait3A_93 : memref<20480x64xf32, #tpu.memory_space<hbm>>) dst(%arg12 : memref<128x64xf32, #tpu.memory_space<vmem>>)
    %dma_start3A_94 = arith.constant 79 : i32
    %dma_start3A_95 = arith.constant 0 : i32
    %dma_start3A_96 = tpu.memref_slice %arg9[%dma_start3A_94, %dma_start3A_95] : memref<80x128xi32, #tpu.memory_space<vmem>> -> memref<1x128xi32, #tpu.memory_space<vmem>>
    %dma_start3A_97 = tpu.memref_squeeze %dma_start3A_96 : memref<1x128xi32, #tpu.memory_space<vmem>> -> memref<128xi32, #tpu.memory_space<vmem>>
    %dma_start3A_98 = arith.constant 0 : i32
    %dma_start3A_99 = arith.constant 0 : i32
    %dma_start3A_100 = tpu.memref_slice %arg17[%dma_start3A_98, %dma_start3A_99] : memref<10240x64xf32, #tpu.memory_space<vmem_shared>> -> memref<10240x64xf32, #tpu.memory_space<vmem_shared>>
    tpu.enqueue_indirect_dma source(%arg12 : memref<128x64xf32, #tpu.memory_space<vmem>>) target(%dma_start3A_100 : memref<10240x64xf32, #tpu.memory_space<vmem_shared>>) offsets(%dma_start3A_97 : memref<128xi32, #tpu.memory_space<vmem>>) semaphore(%arg27 : memref<!tpu.dma_semaphore, #tpu.memory_space<semaphore_mem>>) {add = true}
    %dma_wait3A_101 = arith.constant 77 : i32
    %dma_wait3A_102 = arith.constant 0 : i32
    %dma_wait3A_103 = tpu.memref_slice %arg9[%dma_wait3A_101, %dma_wait3A_102] : memref<80x128xi32, #tpu.memory_space<vmem>> -> memref<1x128xi32, #tpu.memory_space<vmem>>
    %dma_wait3A_104 = tpu.memref_squeeze %dma_wait3A_103 : memref<1x128xi32, #tpu.memory_space<vmem>> -> memref<128xi32, #tpu.memory_space<vmem>>
    %dma_wait3A_105 = arith.constant 0 : i32
    %dma_wait3A_106 = arith.constant 0 : i32
    %dma_wait3A_107 = tpu.memref_slice %arg17[%dma_wait3A_105, %dma_wait3A_106] : memref<10240x64xf32, #tpu.memory_space<vmem_shared>> -> memref<10240x64xf32, #tpu.memory_space<vmem_shared>>
    tpu.wait_indirect_dma semaphore(%arg25 : memref<!tpu.dma_semaphore, #tpu.memory_space<semaphore_mem>>) src(%arg10 : memref<128x64xf32, #tpu.memory_space<vmem>>) dst(%dma_wait3A_107 : memref<10240x64xf32, #tpu.memory_space<vmem_shared>>)
    %dma_wait3A_108 = arith.constant 78 : i32
    %dma_wait3A_109 = arith.constant 0 : i32
    %dma_wait3A_110 = tpu.memref_slice %arg9[%dma_wait3A_108, %dma_wait3A_109] : memref<80x128xi32, #tpu.memory_space<vmem>> -> memref<1x128xi32, #tpu.memory_space<vmem>>
    %dma_wait3A_111 = tpu.memref_squeeze %dma_wait3A_110 : memref<1x128xi32, #tpu.memory_space<vmem>> -> memref<128xi32, #tpu.memory_space<vmem>>
    %dma_wait3A_112 = arith.constant 0 : i32
    %dma_wait3A_113 = arith.constant 0 : i32
    %dma_wait3A_114 = tpu.memref_slice %arg17[%dma_wait3A_112, %dma_wait3A_113] : memref<10240x64xf32, #tpu.memory_space<vmem_shared>> -> memref<10240x64xf32, #tpu.memory_space<vmem_shared>>
    tpu.wait_indirect_dma semaphore(%arg26 : memref<!tpu.dma_semaphore, #tpu.memory_space<semaphore_mem>>) src(%arg11 : memref<128x64xf32, #tpu.memory_space<vmem>>) dst(%dma_wait3A_114 : memref<10240x64xf32, #tpu.memory_space<vmem_shared>>)
    %dma_wait3A_115 = arith.constant 79 : i32
    %dma_wait3A_116 = arith.constant 0 : i32
    %dma_wait3A_117 = tpu.memref_slice %arg9[%dma_wait3A_115, %dma_wait3A_116] : memref<80x128xi32, #tpu.memory_space<vmem>> -> memref<1x128xi32, #tpu.memory_space<vmem>>
    %dma_wait3A_118 = tpu.memref_squeeze %dma_wait3A_117 : memref<1x128xi32, #tpu.memory_space<vmem>> -> memref<128xi32, #tpu.memory_space<vmem>>
    %dma_wait3A_119 = arith.constant 0 : i32
    %dma_wait3A_120 = arith.constant 0 : i32
    %dma_wait3A_121 = tpu.memref_slice %arg17[%dma_wait3A_119, %dma_wait3A_120] : memref<10240x64xf32, #tpu.memory_space<vmem_shared>> -> memref<10240x64xf32, #tpu.memory_space<vmem_shared>>
    tpu.wait_indirect_dma semaphore(%arg27 : memref<!tpu.dma_semaphore, #tpu.memory_space<semaphore_mem>>) src(%arg12 : memref<128x64xf32, #tpu.memory_space<vmem>>) dst(%dma_wait3A_121 : memref<10240x64xf32, #tpu.memory_space<vmem_shared>>)
    %barrier3A_122 = arith.constant 0 : index
    tpu.barrier barrier_id(%barrier3A_122)
    %mul3A_123 = arith.constant 640 : i32
    %mul3A_124 = arith.muli %arg1, %mul3A_123 : i32
    %mul3A_125 = arith.constant 640 : i32
    %mul3A_126 = arith.muli %arg1, %mul3A_125 : i32
    "tpu.region"() ({
      %run_scoped3A = tpu.sem_alloc : memref<!tpu.dma_semaphore, #tpu.memory_space<semaphore_mem>>
      %dma_start3A_255 = arith.constant 0 : i32
      %dma_start3A_256 = tpu.memref_slice %arg7[%arg0, %mul3A_126, %dma_start3A_255] : memref<2x10240x128xf32, #tpu.memory_space<hbm>> -> memref<1x640x64xf32, #tpu.memory_space<hbm>>
      %dma_start3A_257 = tpu.memref_squeeze %dma_start3A_256 : memref<1x640x64xf32, #tpu.memory_space<hbm>> -> memref<640x64xf32, #tpu.memory_space<hbm>>
      %dma_start3A_258 = arith.constant 0 : i32
      %dma_start3A_259 = tpu.memref_slice %arg17[%mul3A_124, %dma_start3A_258] : memref<10240x64xf32, #tpu.memory_space<vmem_shared>> -> memref<640x64xf32, #tpu.memory_space<vmem_shared>>
      tpu.enqueue_dma source(%dma_start3A_259 : memref<640x64xf32, #tpu.memory_space<vmem_shared>>) target(%dma_start3A_257 : memref<640x64xf32, #tpu.memory_space<hbm>>) target_semaphore(%run_scoped3A : memref<!tpu.dma_semaphore, #tpu.memory_space<semaphore_mem>>)
      %dma_wait3A_260 = arith.constant 0 : i32
      %dma_wait3A_261 = tpu.memref_slice %arg7[%arg0, %mul3A_126, %dma_wait3A_260] : memref<2x10240x128xf32, #tpu.memory_space<hbm>> -> memref<1x640x64xf32, #tpu.memory_space<hbm>>
      %dma_wait3A_262 = tpu.memref_squeeze %dma_wait3A_261 : memref<1x640x64xf32, #tpu.memory_space<hbm>> -> memref<640x64xf32, #tpu.memory_space<hbm>>
      %dma_wait3A_263 = arith.constant 0 : i32
      %dma_wait3A_264 = tpu.memref_slice %arg17[%mul3A_124, %dma_wait3A_263] : memref<10240x64xf32, #tpu.memory_space<vmem_shared>> -> memref<640x64xf32, #tpu.memory_space<vmem_shared>>
      tpu.wait_dma2 semaphore(%run_scoped3A : memref<!tpu.dma_semaphore, #tpu.memory_space<semaphore_mem>>) src(%dma_wait3A_264 : memref<640x64xf32, #tpu.memory_space<vmem_shared>>) dst(%dma_wait3A_262 : memref<640x64xf32, #tpu.memory_space<hbm>>)
      tpu.yield
    }) : () -> ()
    %mul3A_127 = arith.constant 80 : i32
    %mul3A_128 = arith.muli %add3A, %mul3A_127 : i32
    "tpu.region"() ({
      %run_scoped3A = tpu.sem_alloc : memref<!tpu.dma_semaphore, #tpu.memory_space<semaphore_mem>>
      %dma_start3A_255 = arith.constant 0 : i32
      %dma_start3A_256 = tpu.memref_slice %arg4[%mul3A_128, %dma_start3A_255] : memref<2560x128xi32, #tpu.memory_space<hbm>> -> memref<80x128xi32, #tpu.memory_space<hbm>>
      %dma_start3A_257 = arith.constant 0 : i32
      %dma_start3A_258 = tpu.memref_slice %arg4[%mul3A_128, %dma_start3A_257] : memref<2560x128xi32, #tpu.memory_space<hbm>> -> memref<80x128xi32, #tpu.memory_space<hbm>>
      tpu.enqueue_dma source(%dma_start3A_258 : memref<80x128xi32, #tpu.memory_space<hbm>>) target(%arg8 : memref<80x128xi32, #tpu.memory_space<vmem>>) target_semaphore(%run_scoped3A : memref<!tpu.dma_semaphore, #tpu.memory_space<semaphore_mem>>)
      %dma_wait3A_259 = arith.constant 0 : i32
      %dma_wait3A_260 = tpu.memref_slice %arg4[%mul3A_128, %dma_wait3A_259] : memref<2560x128xi32, #tpu.memory_space<hbm>> -> memref<80x128xi32, #tpu.memory_space<hbm>>
      %dma_wait3A_261 = arith.constant 0 : i32
      %dma_wait3A_262 = tpu.memref_slice %arg4[%mul3A_128, %dma_wait3A_261] : memref<2560x128xi32, #tpu.memory_space<hbm>> -> memref<80x128xi32, #tpu.memory_space<hbm>>
      tpu.wait_dma2 semaphore(%run_scoped3A : memref<!tpu.dma_semaphore, #tpu.memory_space<semaphore_mem>>) src(%dma_wait3A_262 : memref<80x128xi32, #tpu.memory_space<hbm>>) dst(%arg8 : memref<80x128xi32, #tpu.memory_space<vmem>>)
      tpu.yield
    }) : () -> ()
    %mul3A_129 = arith.constant 640 : i32
    %mul3A_130 = arith.muli %arg1, %mul3A_129 : i32
    "tpu.region"() ({
      %run_scoped3A = tpu.sem_alloc : memref<!tpu.dma_semaphore, #tpu.memory_space<semaphore_mem>>
      %dma_start3A_255 = arith.constant 0 : i32
      %dma_start3A_256 = tpu.memref_slice %arg17[%mul3A_130, %dma_start3A_255] : memref<10240x64xf32, #tpu.memory_space<vmem_shared>> -> memref<640x64xf32, #tpu.memory_space<vmem_shared>>
      tpu.enqueue_dma source(%arg6 : memref<640x64xf32, #tpu.memory_space<hbm>>) target(%dma_start3A_256 : memref<640x64xf32, #tpu.memory_space<vmem_shared>>) target_semaphore(%run_scoped3A : memref<!tpu.dma_semaphore, #tpu.memory_space<semaphore_mem>>)
      %dma_wait3A_257 = arith.constant 0 : i32
      %dma_wait3A_258 = tpu.memref_slice %arg17[%mul3A_130, %dma_wait3A_257] : memref<10240x64xf32, #tpu.memory_space<vmem_shared>> -> memref<640x64xf32, #tpu.memory_space<vmem_shared>>
      tpu.wait_dma2 semaphore(%run_scoped3A : memref<!tpu.dma_semaphore, #tpu.memory_space<semaphore_mem>>) src(%arg6 : memref<640x64xf32, #tpu.memory_space<hbm>>) dst(%dma_wait3A_258 : memref<640x64xf32, #tpu.memory_space<vmem_shared>>)
      tpu.yield
    }) : () -> ()
    %barrier3A_131 = arith.constant 0 : index
    tpu.barrier barrier_id(%barrier3A_131)
    %dma_start3A_132 = arith.constant 0 : i32
    %dma_start3A_133 = arith.constant 0 : i32
    %dma_start3A_134 = tpu.memref_slice %arg8[%dma_start3A_132, %dma_start3A_133] : memref<80x128xi32, #tpu.memory_space<vmem>> -> memref<1x128xi32, #tpu.memory_space<vmem>>
    %dma_start3A_135 = tpu.memref_squeeze %dma_start3A_134 : memref<1x128xi32, #tpu.memory_space<vmem>> -> memref<128xi32, #tpu.memory_space<vmem>>
    %dma_start3A_136 = arith.constant 0 : i32
    %dma_start3A_137 = arith.constant 0 : i32
    %dma_start3A_138 = tpu.memref_slice %arg2[%dma_start3A_136, %dma_start3A_137] : memref<20480x64xf32, #tpu.memory_space<hbm>> -> memref<20480x64xf32, #tpu.memory_space<hbm>>
    tpu.enqueue_indirect_dma source(%dma_start3A_138 : memref<20480x64xf32, #tpu.memory_space<hbm>>) target(%arg10 : memref<128x64xf32, #tpu.memory_space<vmem>>) offsets(%dma_start3A_135 : memref<128xi32, #tpu.memory_space<vmem>>) semaphore(%arg18 : memref<!tpu.dma_semaphore, #tpu.memory_space<semaphore_mem>>)
    %dma_start3A_139 = arith.constant 1 : i32
    %dma_start3A_140 = arith.constant 0 : i32
    %dma_start3A_141 = tpu.memref_slice %arg8[%dma_start3A_139, %dma_start3A_140] : memref<80x128xi32, #tpu.memory_space<vmem>> -> memref<1x128xi32, #tpu.memory_space<vmem>>
    %dma_start3A_142 = tpu.memref_squeeze %dma_start3A_141 : memref<1x128xi32, #tpu.memory_space<vmem>> -> memref<128xi32, #tpu.memory_space<vmem>>
    %dma_start3A_143 = arith.constant 0 : i32
    %dma_start3A_144 = arith.constant 0 : i32
    %dma_start3A_145 = tpu.memref_slice %arg2[%dma_start3A_143, %dma_start3A_144] : memref<20480x64xf32, #tpu.memory_space<hbm>> -> memref<20480x64xf32, #tpu.memory_space<hbm>>
    tpu.enqueue_indirect_dma source(%dma_start3A_145 : memref<20480x64xf32, #tpu.memory_space<hbm>>) target(%arg11 : memref<128x64xf32, #tpu.memory_space<vmem>>) offsets(%dma_start3A_142 : memref<128xi32, #tpu.memory_space<vmem>>) semaphore(%arg19 : memref<!tpu.dma_semaphore, #tpu.memory_space<semaphore_mem>>)
    %dma_start3A_146 = arith.constant 2 : i32
    %dma_start3A_147 = arith.constant 0 : i32
    %dma_start3A_148 = tpu.memref_slice %arg8[%dma_start3A_146, %dma_start3A_147] : memref<80x128xi32, #tpu.memory_space<vmem>> -> memref<1x128xi32, #tpu.memory_space<vmem>>
    %dma_start3A_149 = tpu.memref_squeeze %dma_start3A_148 : memref<1x128xi32, #tpu.memory_space<vmem>> -> memref<128xi32, #tpu.memory_space<vmem>>
    %dma_start3A_150 = arith.constant 0 : i32
    %dma_start3A_151 = arith.constant 0 : i32
    %dma_start3A_152 = tpu.memref_slice %arg2[%dma_start3A_150, %dma_start3A_151] : memref<20480x64xf32, #tpu.memory_space<hbm>> -> memref<20480x64xf32, #tpu.memory_space<hbm>>
    tpu.enqueue_indirect_dma source(%dma_start3A_152 : memref<20480x64xf32, #tpu.memory_space<hbm>>) target(%arg12 : memref<128x64xf32, #tpu.memory_space<vmem>>) offsets(%dma_start3A_149 : memref<128xi32, #tpu.memory_space<vmem>>) semaphore(%arg20 : memref<!tpu.dma_semaphore, #tpu.memory_space<semaphore_mem>>)
    %dma_start3A_153 = arith.constant 3 : i32
    %dma_start3A_154 = arith.constant 0 : i32
    %dma_start3A_155 = tpu.memref_slice %arg8[%dma_start3A_153, %dma_start3A_154] : memref<80x128xi32, #tpu.memory_space<vmem>> -> memref<1x128xi32, #tpu.memory_space<vmem>>
    %dma_start3A_156 = tpu.memref_squeeze %dma_start3A_155 : memref<1x128xi32, #tpu.memory_space<vmem>> -> memref<128xi32, #tpu.memory_space<vmem>>
    %dma_start3A_157 = arith.constant 0 : i32
    %dma_start3A_158 = arith.constant 0 : i32
    %dma_start3A_159 = tpu.memref_slice %arg2[%dma_start3A_157, %dma_start3A_158] : memref<20480x64xf32, #tpu.memory_space<hbm>> -> memref<20480x64xf32, #tpu.memory_space<hbm>>
    tpu.enqueue_indirect_dma source(%dma_start3A_159 : memref<20480x64xf32, #tpu.memory_space<hbm>>) target(%arg13 : memref<128x64xf32, #tpu.memory_space<vmem>>) offsets(%dma_start3A_156 : memref<128xi32, #tpu.memory_space<vmem>>) semaphore(%arg21 : memref<!tpu.dma_semaphore, #tpu.memory_space<semaphore_mem>>)
    %dma_start3A_160 = arith.constant 4 : i32
    %dma_start3A_161 = arith.constant 0 : i32
    %dma_start3A_162 = tpu.memref_slice %arg8[%dma_start3A_160, %dma_start3A_161] : memref<80x128xi32, #tpu.memory_space<vmem>> -> memref<1x128xi32, #tpu.memory_space<vmem>>
    %dma_start3A_163 = tpu.memref_squeeze %dma_start3A_162 : memref<1x128xi32, #tpu.memory_space<vmem>> -> memref<128xi32, #tpu.memory_space<vmem>>
    %dma_start3A_164 = arith.constant 0 : i32
    %dma_start3A_165 = arith.constant 0 : i32
    %dma_start3A_166 = tpu.memref_slice %arg2[%dma_start3A_164, %dma_start3A_165] : memref<20480x64xf32, #tpu.memory_space<hbm>> -> memref<20480x64xf32, #tpu.memory_space<hbm>>
    tpu.enqueue_indirect_dma source(%dma_start3A_166 : memref<20480x64xf32, #tpu.memory_space<hbm>>) target(%arg14 : memref<128x64xf32, #tpu.memory_space<vmem>>) offsets(%dma_start3A_163 : memref<128xi32, #tpu.memory_space<vmem>>) semaphore(%arg22 : memref<!tpu.dma_semaphore, #tpu.memory_space<semaphore_mem>>)
    %scan3A_167 = arith.constant 0 : i32
    %scan3A_168 = arith.constant 0 : i32
    %scan3A_169 = arith.constant 11 : i32
    %scan3A_170 = arith.addi %scan3A_168, %scan3A_169 : i32
    %scan3A_171 = arith.constant 1 : i32
    scf.for %scan3A_255 = %scan3A_168 to %scan3A_170 step %scan3A_171  : i32 {
      %mul3A_256 = arith.constant 7 : i32
      %mul3A_257 = arith.muli %scan3A_255, %mul3A_256 : i32
      %add3A_258 = arith.constant 0 : i32
      %add3A_259 = arith.addi %mul3A_257, %add3A_258 : i32
      %dma_wait3A_260 = arith.constant 0 : i32
      %dma_wait3A_261 = tpu.memref_slice %arg8[%add3A_259, %dma_wait3A_260] : memref<80x128xi32, #tpu.memory_space<vmem>> -> memref<1x128xi32, #tpu.memory_space<vmem>>
      %dma_wait3A_262 = tpu.memref_squeeze %dma_wait3A_261 : memref<1x128xi32, #tpu.memory_space<vmem>> -> memref<128xi32, #tpu.memory_space<vmem>>
      %dma_wait3A_263 = arith.constant 0 : i32
      %dma_wait3A_264 = arith.constant 0 : i32
      %dma_wait3A_265 = tpu.memref_slice %arg2[%dma_wait3A_263, %dma_wait3A_264] : memref<20480x64xf32, #tpu.memory_space<hbm>> -> memref<20480x64xf32, #tpu.memory_space<hbm>>
      tpu.wait_indirect_dma semaphore(%arg18 : memref<!tpu.dma_semaphore, #tpu.memory_space<semaphore_mem>>) src(%dma_wait3A_265 : memref<20480x64xf32, #tpu.memory_space<hbm>>) dst(%arg10 : memref<128x64xf32, #tpu.memory_space<vmem>>)
      %dma_start3A_266 = arith.constant 0 : i32
      %dma_start3A_267 = tpu.memref_slice %arg9[%add3A_259, %dma_start3A_266] : memref<80x128xi32, #tpu.memory_space<vmem>> -> memref<1x128xi32, #tpu.memory_space<vmem>>
      %dma_start3A_268 = tpu.memref_squeeze %dma_start3A_267 : memref<1x128xi32, #tpu.memory_space<vmem>> -> memref<128xi32, #tpu.memory_space<vmem>>
      %dma_start3A_269 = arith.constant 0 : i32
      %dma_start3A_270 = arith.constant 0 : i32
      %dma_start3A_271 = tpu.memref_slice %arg17[%dma_start3A_269, %dma_start3A_270] : memref<10240x64xf32, #tpu.memory_space<vmem_shared>> -> memref<10240x64xf32, #tpu.memory_space<vmem_shared>>
      tpu.enqueue_indirect_dma source(%arg10 : memref<128x64xf32, #tpu.memory_space<vmem>>) target(%dma_start3A_271 : memref<10240x64xf32, #tpu.memory_space<vmem_shared>>) offsets(%dma_start3A_268 : memref<128xi32, #tpu.memory_space<vmem>>) semaphore(%arg25 : memref<!tpu.dma_semaphore, #tpu.memory_space<semaphore_mem>>) {add = true}
      %ge3A = arith.constant 2 : i32
      %ge3A_272 = arith.cmpi sge, %add3A_259, %ge3A : i32
      %convert_element_type3A = arith.extui %ge3A_272 : i1 to i32
      %cond3A = arith.constant 0 : i32
      %cond3A_273 = arith.cmpi ne, %convert_element_type3A, %cond3A : i32
      scf.if %cond3A_273 {
        %sub3A = arith.constant 2 : i32
        %sub3A_448 = arith.subi %add3A_259, %sub3A : i32
        %dma_wait3A_449 = arith.constant 0 : i32
        %dma_wait3A_450 = tpu.memref_slice %arg9[%sub3A_448, %dma_wait3A_449] : memref<80x128xi32, #tpu.memory_space<vmem>> -> memref<1x128xi32, #tpu.memory_space<vmem>>
        %dma_wait3A_451 = tpu.memref_squeeze %dma_wait3A_450 : memref<1x128xi32, #tpu.memory_space<vmem>> -> memref<128xi32, #tpu.memory_space<vmem>>
        %dma_wait3A_452 = arith.constant 0 : i32
        %dma_wait3A_453 = arith.constant 0 : i32
        %dma_wait3A_454 = tpu.memref_slice %arg17[%dma_wait3A_452, %dma_wait3A_453] : memref<10240x64xf32, #tpu.memory_space<vmem_shared>> -> memref<10240x64xf32, #tpu.memory_space<vmem_shared>>
        tpu.wait_indirect_dma semaphore(%arg30 : memref<!tpu.dma_semaphore, #tpu.memory_space<semaphore_mem>>) src(%arg15 : memref<128x64xf32, #tpu.memory_space<vmem>>) dst(%dma_wait3A_454 : memref<10240x64xf32, #tpu.memory_space<vmem_shared>>)
      } else {
      }
      %add3A_274 = arith.constant 5 : i32
      %add3A_275 = arith.addi %add3A_259, %add3A_274 : i32
      %lt3A = arith.constant 80 : i32
      %lt3A_276 = arith.cmpi slt, %add3A_275, %lt3A : i32
      %convert_element_type3A_277 = arith.extui %lt3A_276 : i1 to i32
      %cond3A_278 = arith.constant 0 : i32
      %cond3A_279 = arith.cmpi ne, %convert_element_type3A_277, %cond3A_278 : i32
      scf.if %cond3A_279 {
        %add3A_448 = arith.constant 5 : i32
        %add3A_449 = arith.addi %add3A_259, %add3A_448 : i32
        %dma_start3A_450 = arith.constant 0 : i32
        %dma_start3A_451 = tpu.memref_slice %arg8[%add3A_449, %dma_start3A_450] : memref<80x128xi32, #tpu.memory_space<vmem>> -> memref<1x128xi32, #tpu.memory_space<vmem>>
        %dma_start3A_452 = tpu.memref_squeeze %dma_start3A_451 : memref<1x128xi32, #tpu.memory_space<vmem>> -> memref<128xi32, #tpu.memory_space<vmem>>
        %dma_start3A_453 = arith.constant 0 : i32
        %dma_start3A_454 = arith.constant 0 : i32
        %dma_start3A_455 = tpu.memref_slice %arg2[%dma_start3A_453, %dma_start3A_454] : memref<20480x64xf32, #tpu.memory_space<hbm>> -> memref<20480x64xf32, #tpu.memory_space<hbm>>
        tpu.enqueue_indirect_dma source(%dma_start3A_455 : memref<20480x64xf32, #tpu.memory_space<hbm>>) target(%arg15 : memref<128x64xf32, #tpu.memory_space<vmem>>) offsets(%dma_start3A_452 : memref<128xi32, #tpu.memory_space<vmem>>) semaphore(%arg23 : memref<!tpu.dma_semaphore, #tpu.memory_space<semaphore_mem>>)
      } else {
      }
      %mul3A_280 = arith.constant 7 : i32
      %mul3A_281 = arith.muli %scan3A_255, %mul3A_280 : i32
      %add3A_282 = arith.constant 1 : i32
      %add3A_283 = arith.addi %mul3A_281, %add3A_282 : i32
      %dma_wait3A_284 = arith.constant 0 : i32
      %dma_wait3A_285 = tpu.memref_slice %arg8[%add3A_283, %dma_wait3A_284] : memref<80x128xi32, #tpu.memory_space<vmem>> -> memref<1x128xi32, #tpu.memory_space<vmem>>
      %dma_wait3A_286 = tpu.memref_squeeze %dma_wait3A_285 : memref<1x128xi32, #tpu.memory_space<vmem>> -> memref<128xi32, #tpu.memory_space<vmem>>
      %dma_wait3A_287 = arith.constant 0 : i32
      %dma_wait3A_288 = arith.constant 0 : i32
      %dma_wait3A_289 = tpu.memref_slice %arg2[%dma_wait3A_287, %dma_wait3A_288] : memref<20480x64xf32, #tpu.memory_space<hbm>> -> memref<20480x64xf32, #tpu.memory_space<hbm>>
      tpu.wait_indirect_dma semaphore(%arg19 : memref<!tpu.dma_semaphore, #tpu.memory_space<semaphore_mem>>) src(%dma_wait3A_289 : memref<20480x64xf32, #tpu.memory_space<hbm>>) dst(%arg11 : memref<128x64xf32, #tpu.memory_space<vmem>>)
      %dma_start3A_290 = arith.constant 0 : i32
      %dma_start3A_291 = tpu.memref_slice %arg9[%add3A_283, %dma_start3A_290] : memref<80x128xi32, #tpu.memory_space<vmem>> -> memref<1x128xi32, #tpu.memory_space<vmem>>
      %dma_start3A_292 = tpu.memref_squeeze %dma_start3A_291 : memref<1x128xi32, #tpu.memory_space<vmem>> -> memref<128xi32, #tpu.memory_space<vmem>>
      %dma_start3A_293 = arith.constant 0 : i32
      %dma_start3A_294 = arith.constant 0 : i32
      %dma_start3A_295 = tpu.memref_slice %arg17[%dma_start3A_293, %dma_start3A_294] : memref<10240x64xf32, #tpu.memory_space<vmem_shared>> -> memref<10240x64xf32, #tpu.memory_space<vmem_shared>>
      tpu.enqueue_indirect_dma source(%arg11 : memref<128x64xf32, #tpu.memory_space<vmem>>) target(%dma_start3A_295 : memref<10240x64xf32, #tpu.memory_space<vmem_shared>>) offsets(%dma_start3A_292 : memref<128xi32, #tpu.memory_space<vmem>>) semaphore(%arg26 : memref<!tpu.dma_semaphore, #tpu.memory_space<semaphore_mem>>) {add = true}
      %ge3A_296 = arith.constant 2 : i32
      %ge3A_297 = arith.cmpi sge, %add3A_283, %ge3A_296 : i32
      %convert_element_type3A_298 = arith.extui %ge3A_297 : i1 to i32
      %cond3A_299 = arith.constant 0 : i32
      %cond3A_300 = arith.cmpi ne, %convert_element_type3A_298, %cond3A_299 : i32
      scf.if %cond3A_300 {
        %sub3A = arith.constant 2 : i32
        %sub3A_448 = arith.subi %add3A_283, %sub3A : i32
        %dma_wait3A_449 = arith.constant 0 : i32
        %dma_wait3A_450 = tpu.memref_slice %arg9[%sub3A_448, %dma_wait3A_449] : memref<80x128xi32, #tpu.memory_space<vmem>> -> memref<1x128xi32, #tpu.memory_space<vmem>>
        %dma_wait3A_451 = tpu.memref_squeeze %dma_wait3A_450 : memref<1x128xi32, #tpu.memory_space<vmem>> -> memref<128xi32, #tpu.memory_space<vmem>>
        %dma_wait3A_452 = arith.constant 0 : i32
        %dma_wait3A_453 = arith.constant 0 : i32
        %dma_wait3A_454 = tpu.memref_slice %arg17[%dma_wait3A_452, %dma_wait3A_453] : memref<10240x64xf32, #tpu.memory_space<vmem_shared>> -> memref<10240x64xf32, #tpu.memory_space<vmem_shared>>
        tpu.wait_indirect_dma semaphore(%arg31 : memref<!tpu.dma_semaphore, #tpu.memory_space<semaphore_mem>>) src(%arg16 : memref<128x64xf32, #tpu.memory_space<vmem>>) dst(%dma_wait3A_454 : memref<10240x64xf32, #tpu.memory_space<vmem_shared>>)
      } else {
      }
      %add3A_301 = arith.constant 5 : i32
      %add3A_302 = arith.addi %add3A_283, %add3A_301 : i32
      %lt3A_303 = arith.constant 80 : i32
      %lt3A_304 = arith.cmpi slt, %add3A_302, %lt3A_303 : i32
      %convert_element_type3A_305 = arith.extui %lt3A_304 : i1 to i32
      %cond3A_306 = arith.constant 0 : i32
      %cond3A_307 = arith.cmpi ne, %convert_element_type3A_305, %cond3A_306 : i32
      scf.if %cond3A_307 {
        %add3A_448 = arith.constant 5 : i32
        %add3A_449 = arith.addi %add3A_283, %add3A_448 : i32
        %dma_start3A_450 = arith.constant 0 : i32
        %dma_start3A_451 = tpu.memref_slice %arg8[%add3A_449, %dma_start3A_450] : memref<80x128xi32, #tpu.memory_space<vmem>> -> memref<1x128xi32, #tpu.memory_space<vmem>>
        %dma_start3A_452 = tpu.memref_squeeze %dma_start3A_451 : memref<1x128xi32, #tpu.memory_space<vmem>> -> memref<128xi32, #tpu.memory_space<vmem>>
        %dma_start3A_453 = arith.constant 0 : i32
        %dma_start3A_454 = arith.constant 0 : i32
        %dma_start3A_455 = tpu.memref_slice %arg2[%dma_start3A_453, %dma_start3A_454] : memref<20480x64xf32, #tpu.memory_space<hbm>> -> memref<20480x64xf32, #tpu.memory_space<hbm>>
        tpu.enqueue_indirect_dma source(%dma_start3A_455 : memref<20480x64xf32, #tpu.memory_space<hbm>>) target(%arg16 : memref<128x64xf32, #tpu.memory_space<vmem>>) offsets(%dma_start3A_452 : memref<128xi32, #tpu.memory_space<vmem>>) semaphore(%arg24 : memref<!tpu.dma_semaphore, #tpu.memory_space<semaphore_mem>>)
      } else {
      }
      %mul3A_308 = arith.constant 7 : i32
      %mul3A_309 = arith.muli %scan3A_255, %mul3A_308 : i32
      %add3A_310 = arith.constant 2 : i32
      %add3A_311 = arith.addi %mul3A_309, %add3A_310 : i32
      %dma_wait3A_312 = arith.constant 0 : i32
      %dma_wait3A_313 = tpu.memref_slice %arg8[%add3A_311, %dma_wait3A_312] : memref<80x128xi32, #tpu.memory_space<vmem>> -> memref<1x128xi32, #tpu.memory_space<vmem>>
      %dma_wait3A_314 = tpu.memref_squeeze %dma_wait3A_313 : memref<1x128xi32, #tpu.memory_space<vmem>> -> memref<128xi32, #tpu.memory_space<vmem>>
      %dma_wait3A_315 = arith.constant 0 : i32
      %dma_wait3A_316 = arith.constant 0 : i32
      %dma_wait3A_317 = tpu.memref_slice %arg2[%dma_wait3A_315, %dma_wait3A_316] : memref<20480x64xf32, #tpu.memory_space<hbm>> -> memref<20480x64xf32, #tpu.memory_space<hbm>>
      tpu.wait_indirect_dma semaphore(%arg20 : memref<!tpu.dma_semaphore, #tpu.memory_space<semaphore_mem>>) src(%dma_wait3A_317 : memref<20480x64xf32, #tpu.memory_space<hbm>>) dst(%arg12 : memref<128x64xf32, #tpu.memory_space<vmem>>)
      %dma_start3A_318 = arith.constant 0 : i32
      %dma_start3A_319 = tpu.memref_slice %arg9[%add3A_311, %dma_start3A_318] : memref<80x128xi32, #tpu.memory_space<vmem>> -> memref<1x128xi32, #tpu.memory_space<vmem>>
      %dma_start3A_320 = tpu.memref_squeeze %dma_start3A_319 : memref<1x128xi32, #tpu.memory_space<vmem>> -> memref<128xi32, #tpu.memory_space<vmem>>
      %dma_start3A_321 = arith.constant 0 : i32
      %dma_start3A_322 = arith.constant 0 : i32
      %dma_start3A_323 = tpu.memref_slice %arg17[%dma_start3A_321, %dma_start3A_322] : memref<10240x64xf32, #tpu.memory_space<vmem_shared>> -> memref<10240x64xf32, #tpu.memory_space<vmem_shared>>
      tpu.enqueue_indirect_dma source(%arg12 : memref<128x64xf32, #tpu.memory_space<vmem>>) target(%dma_start3A_323 : memref<10240x64xf32, #tpu.memory_space<vmem_shared>>) offsets(%dma_start3A_320 : memref<128xi32, #tpu.memory_space<vmem>>) semaphore(%arg27 : memref<!tpu.dma_semaphore, #tpu.memory_space<semaphore_mem>>) {add = true}
      %ge3A_324 = arith.constant 2 : i32
      %ge3A_325 = arith.cmpi sge, %add3A_311, %ge3A_324 : i32
      %convert_element_type3A_326 = arith.extui %ge3A_325 : i1 to i32
      %cond3A_327 = arith.constant 0 : i32
      %cond3A_328 = arith.cmpi ne, %convert_element_type3A_326, %cond3A_327 : i32
      scf.if %cond3A_328 {
        %sub3A = arith.constant 2 : i32
        %sub3A_448 = arith.subi %add3A_311, %sub3A : i32
        %dma_wait3A_449 = arith.constant 0 : i32
        %dma_wait3A_450 = tpu.memref_slice %arg9[%sub3A_448, %dma_wait3A_449] : memref<80x128xi32, #tpu.memory_space<vmem>> -> memref<1x128xi32, #tpu.memory_space<vmem>>
        %dma_wait3A_451 = tpu.memref_squeeze %dma_wait3A_450 : memref<1x128xi32, #tpu.memory_space<vmem>> -> memref<128xi32, #tpu.memory_space<vmem>>
        %dma_wait3A_452 = arith.constant 0 : i32
        %dma_wait3A_453 = arith.constant 0 : i32
        %dma_wait3A_454 = tpu.memref_slice %arg17[%dma_wait3A_452, %dma_wait3A_453] : memref<10240x64xf32, #tpu.memory_space<vmem_shared>> -> memref<10240x64xf32, #tpu.memory_space<vmem_shared>>
        tpu.wait_indirect_dma semaphore(%arg25 : memref<!tpu.dma_semaphore, #tpu.memory_space<semaphore_mem>>) src(%arg10 : memref<128x64xf32, #tpu.memory_space<vmem>>) dst(%dma_wait3A_454 : memref<10240x64xf32, #tpu.memory_space<vmem_shared>>)
      } else {
      }
      %add3A_329 = arith.constant 5 : i32
      %add3A_330 = arith.addi %add3A_311, %add3A_329 : i32
      %lt3A_331 = arith.constant 80 : i32
      %lt3A_332 = arith.cmpi slt, %add3A_330, %lt3A_331 : i32
      %convert_element_type3A_333 = arith.extui %lt3A_332 : i1 to i32
      %cond3A_334 = arith.constant 0 : i32
      %cond3A_335 = arith.cmpi ne, %convert_element_type3A_333, %cond3A_334 : i32
      scf.if %cond3A_335 {
        %add3A_448 = arith.constant 5 : i32
        %add3A_449 = arith.addi %add3A_311, %add3A_448 : i32
        %dma_start3A_450 = arith.constant 0 : i32
        %dma_start3A_451 = tpu.memref_slice %arg8[%add3A_449, %dma_start3A_450] : memref<80x128xi32, #tpu.memory_space<vmem>> -> memref<1x128xi32, #tpu.memory_space<vmem>>
        %dma_start3A_452 = tpu.memref_squeeze %dma_start3A_451 : memref<1x128xi32, #tpu.memory_space<vmem>> -> memref<128xi32, #tpu.memory_space<vmem>>
        %dma_start3A_453 = arith.constant 0 : i32
        %dma_start3A_454 = arith.constant 0 : i32
        %dma_start3A_455 = tpu.memref_slice %arg2[%dma_start3A_453, %dma_start3A_454] : memref<20480x64xf32, #tpu.memory_space<hbm>> -> memref<20480x64xf32, #tpu.memory_space<hbm>>
        tpu.enqueue_indirect_dma source(%dma_start3A_455 : memref<20480x64xf32, #tpu.memory_space<hbm>>) target(%arg10 : memref<128x64xf32, #tpu.memory_space<vmem>>) offsets(%dma_start3A_452 : memref<128xi32, #tpu.memory_space<vmem>>) semaphore(%arg18 : memref<!tpu.dma_semaphore, #tpu.memory_space<semaphore_mem>>)
      } else {
      }
      %mul3A_336 = arith.constant 7 : i32
      %mul3A_337 = arith.muli %scan3A_255, %mul3A_336 : i32
      %add3A_338 = arith.constant 3 : i32
      %add3A_339 = arith.addi %mul3A_337, %add3A_338 : i32
      %dma_wait3A_340 = arith.constant 0 : i32
      %dma_wait3A_341 = tpu.memref_slice %arg8[%add3A_339, %dma_wait3A_340] : memref<80x128xi32, #tpu.memory_space<vmem>> -> memref<1x128xi32, #tpu.memory_space<vmem>>
      %dma_wait3A_342 = tpu.memref_squeeze %dma_wait3A_341 : memref<1x128xi32, #tpu.memory_space<vmem>> -> memref<128xi32, #tpu.memory_space<vmem>>
      %dma_wait3A_343 = arith.constant 0 : i32
      %dma_wait3A_344 = arith.constant 0 : i32
      %dma_wait3A_345 = tpu.memref_slice %arg2[%dma_wait3A_343, %dma_wait3A_344] : memref<20480x64xf32, #tpu.memory_space<hbm>> -> memref<20480x64xf32, #tpu.memory_space<hbm>>
      tpu.wait_indirect_dma semaphore(%arg21 : memref<!tpu.dma_semaphore, #tpu.memory_space<semaphore_mem>>) src(%dma_wait3A_345 : memref<20480x64xf32, #tpu.memory_space<hbm>>) dst(%arg13 : memref<128x64xf32, #tpu.memory_space<vmem>>)
      %dma_start3A_346 = arith.constant 0 : i32
      %dma_start3A_347 = tpu.memref_slice %arg9[%add3A_339, %dma_start3A_346] : memref<80x128xi32, #tpu.memory_space<vmem>> -> memref<1x128xi32, #tpu.memory_space<vmem>>
      %dma_start3A_348 = tpu.memref_squeeze %dma_start3A_347 : memref<1x128xi32, #tpu.memory_space<vmem>> -> memref<128xi32, #tpu.memory_space<vmem>>
      %dma_start3A_349 = arith.constant 0 : i32
      %dma_start3A_350 = arith.constant 0 : i32
      %dma_start3A_351 = tpu.memref_slice %arg17[%dma_start3A_349, %dma_start3A_350] : memref<10240x64xf32, #tpu.memory_space<vmem_shared>> -> memref<10240x64xf32, #tpu.memory_space<vmem_shared>>
      tpu.enqueue_indirect_dma source(%arg13 : memref<128x64xf32, #tpu.memory_space<vmem>>) target(%dma_start3A_351 : memref<10240x64xf32, #tpu.memory_space<vmem_shared>>) offsets(%dma_start3A_348 : memref<128xi32, #tpu.memory_space<vmem>>) semaphore(%arg28 : memref<!tpu.dma_semaphore, #tpu.memory_space<semaphore_mem>>) {add = true}
      %ge3A_352 = arith.constant 2 : i32
      %ge3A_353 = arith.cmpi sge, %add3A_339, %ge3A_352 : i32
      %convert_element_type3A_354 = arith.extui %ge3A_353 : i1 to i32
      %cond3A_355 = arith.constant 0 : i32
      %cond3A_356 = arith.cmpi ne, %convert_element_type3A_354, %cond3A_355 : i32
      scf.if %cond3A_356 {
        %sub3A = arith.constant 2 : i32
        %sub3A_448 = arith.subi %add3A_339, %sub3A : i32
        %dma_wait3A_449 = arith.constant 0 : i32
        %dma_wait3A_450 = tpu.memref_slice %arg9[%sub3A_448, %dma_wait3A_449] : memref<80x128xi32, #tpu.memory_space<vmem>> -> memref<1x128xi32, #tpu.memory_space<vmem>>
        %dma_wait3A_451 = tpu.memref_squeeze %dma_wait3A_450 : memref<1x128xi32, #tpu.memory_space<vmem>> -> memref<128xi32, #tpu.memory_space<vmem>>
        %dma_wait3A_452 = arith.constant 0 : i32
        %dma_wait3A_453 = arith.constant 0 : i32
        %dma_wait3A_454 = tpu.memref_slice %arg17[%dma_wait3A_452, %dma_wait3A_453] : memref<10240x64xf32, #tpu.memory_space<vmem_shared>> -> memref<10240x64xf32, #tpu.memory_space<vmem_shared>>
        tpu.wait_indirect_dma semaphore(%arg26 : memref<!tpu.dma_semaphore, #tpu.memory_space<semaphore_mem>>) src(%arg11 : memref<128x64xf32, #tpu.memory_space<vmem>>) dst(%dma_wait3A_454 : memref<10240x64xf32, #tpu.memory_space<vmem_shared>>)
      } else {
      }
      %add3A_357 = arith.constant 5 : i32
      %add3A_358 = arith.addi %add3A_339, %add3A_357 : i32
      %lt3A_359 = arith.constant 80 : i32
      %lt3A_360 = arith.cmpi slt, %add3A_358, %lt3A_359 : i32
      %convert_element_type3A_361 = arith.extui %lt3A_360 : i1 to i32
      %cond3A_362 = arith.constant 0 : i32
      %cond3A_363 = arith.cmpi ne, %convert_element_type3A_361, %cond3A_362 : i32
      scf.if %cond3A_363 {
        %add3A_448 = arith.constant 5 : i32
        %add3A_449 = arith.addi %add3A_339, %add3A_448 : i32
        %dma_start3A_450 = arith.constant 0 : i32
        %dma_start3A_451 = tpu.memref_slice %arg8[%add3A_449, %dma_start3A_450] : memref<80x128xi32, #tpu.memory_space<vmem>> -> memref<1x128xi32, #tpu.memory_space<vmem>>
        %dma_start3A_452 = tpu.memref_squeeze %dma_start3A_451 : memref<1x128xi32, #tpu.memory_space<vmem>> -> memref<128xi32, #tpu.memory_space<vmem>>
        %dma_start3A_453 = arith.constant 0 : i32
        %dma_start3A_454 = arith.constant 0 : i32
        %dma_start3A_455 = tpu.memref_slice %arg2[%dma_start3A_453, %dma_start3A_454] : memref<20480x64xf32, #tpu.memory_space<hbm>> -> memref<20480x64xf32, #tpu.memory_space<hbm>>
        tpu.enqueue_indirect_dma source(%dma_start3A_455 : memref<20480x64xf32, #tpu.memory_space<hbm>>) target(%arg11 : memref<128x64xf32, #tpu.memory_space<vmem>>) offsets(%dma_start3A_452 : memref<128xi32, #tpu.memory_space<vmem>>) semaphore(%arg19 : memref<!tpu.dma_semaphore, #tpu.memory_space<semaphore_mem>>)
      } else {
      }
      %mul3A_364 = arith.constant 7 : i32
      %mul3A_365 = arith.muli %scan3A_255, %mul3A_364 : i32
      %add3A_366 = arith.constant 4 : i32
      %add3A_367 = arith.addi %mul3A_365, %add3A_366 : i32
      %dma_wait3A_368 = arith.constant 0 : i32
      %dma_wait3A_369 = tpu.memref_slice %arg8[%add3A_367, %dma_wait3A_368] : memref<80x128xi32, #tpu.memory_space<vmem>> -> memref<1x128xi32, #tpu.memory_space<vmem>>
      %dma_wait3A_370 = tpu.memref_squeeze %dma_wait3A_369 : memref<1x128xi32, #tpu.memory_space<vmem>> -> memref<128xi32, #tpu.memory_space<vmem>>
      %dma_wait3A_371 = arith.constant 0 : i32
      %dma_wait3A_372 = arith.constant 0 : i32
      %dma_wait3A_373 = tpu.memref_slice %arg2[%dma_wait3A_371, %dma_wait3A_372] : memref<20480x64xf32, #tpu.memory_space<hbm>> -> memref<20480x64xf32, #tpu.memory_space<hbm>>
      tpu.wait_indirect_dma semaphore(%arg22 : memref<!tpu.dma_semaphore, #tpu.memory_space<semaphore_mem>>) src(%dma_wait3A_373 : memref<20480x64xf32, #tpu.memory_space<hbm>>) dst(%arg14 : memref<128x64xf32, #tpu.memory_space<vmem>>)
      %dma_start3A_374 = arith.constant 0 : i32
      %dma_start3A_375 = tpu.memref_slice %arg9[%add3A_367, %dma_start3A_374] : memref<80x128xi32, #tpu.memory_space<vmem>> -> memref<1x128xi32, #tpu.memory_space<vmem>>
      %dma_start3A_376 = tpu.memref_squeeze %dma_start3A_375 : memref<1x128xi32, #tpu.memory_space<vmem>> -> memref<128xi32, #tpu.memory_space<vmem>>
      %dma_start3A_377 = arith.constant 0 : i32
      %dma_start3A_378 = arith.constant 0 : i32
      %dma_start3A_379 = tpu.memref_slice %arg17[%dma_start3A_377, %dma_start3A_378] : memref<10240x64xf32, #tpu.memory_space<vmem_shared>> -> memref<10240x64xf32, #tpu.memory_space<vmem_shared>>
      tpu.enqueue_indirect_dma source(%arg14 : memref<128x64xf32, #tpu.memory_space<vmem>>) target(%dma_start3A_379 : memref<10240x64xf32, #tpu.memory_space<vmem_shared>>) offsets(%dma_start3A_376 : memref<128xi32, #tpu.memory_space<vmem>>) semaphore(%arg29 : memref<!tpu.dma_semaphore, #tpu.memory_space<semaphore_mem>>) {add = true}
      %ge3A_380 = arith.constant 2 : i32
      %ge3A_381 = arith.cmpi sge, %add3A_367, %ge3A_380 : i32
      %convert_element_type3A_382 = arith.extui %ge3A_381 : i1 to i32
      %cond3A_383 = arith.constant 0 : i32
      %cond3A_384 = arith.cmpi ne, %convert_element_type3A_382, %cond3A_383 : i32
      scf.if %cond3A_384 {
        %sub3A = arith.constant 2 : i32
        %sub3A_448 = arith.subi %add3A_367, %sub3A : i32
        %dma_wait3A_449 = arith.constant 0 : i32
        %dma_wait3A_450 = tpu.memref_slice %arg9[%sub3A_448, %dma_wait3A_449] : memref<80x128xi32, #tpu.memory_space<vmem>> -> memref<1x128xi32, #tpu.memory_space<vmem>>
        %dma_wait3A_451 = tpu.memref_squeeze %dma_wait3A_450 : memref<1x128xi32, #tpu.memory_space<vmem>> -> memref<128xi32, #tpu.memory_space<vmem>>
        %dma_wait3A_452 = arith.constant 0 : i32
        %dma_wait3A_453 = arith.constant 0 : i32
        %dma_wait3A_454 = tpu.memref_slice %arg17[%dma_wait3A_452, %dma_wait3A_453] : memref<10240x64xf32, #tpu.memory_space<vmem_shared>> -> memref<10240x64xf32, #tpu.memory_space<vmem_shared>>
        tpu.wait_indirect_dma semaphore(%arg27 : memref<!tpu.dma_semaphore, #tpu.memory_space<semaphore_mem>>) src(%arg12 : memref<128x64xf32, #tpu.memory_space<vmem>>) dst(%dma_wait3A_454 : memref<10240x64xf32, #tpu.memory_space<vmem_shared>>)
      } else {
      }
      %add3A_385 = arith.constant 5 : i32
      %add3A_386 = arith.addi %add3A_367, %add3A_385 : i32
      %lt3A_387 = arith.constant 80 : i32
      %lt3A_388 = arith.cmpi slt, %add3A_386, %lt3A_387 : i32
      %convert_element_type3A_389 = arith.extui %lt3A_388 : i1 to i32
      %cond3A_390 = arith.constant 0 : i32
      %cond3A_391 = arith.cmpi ne, %convert_element_type3A_389, %cond3A_390 : i32
      scf.if %cond3A_391 {
        %add3A_448 = arith.constant 5 : i32
        %add3A_449 = arith.addi %add3A_367, %add3A_448 : i32
        %dma_start3A_450 = arith.constant 0 : i32
        %dma_start3A_451 = tpu.memref_slice %arg8[%add3A_449, %dma_start3A_450] : memref<80x128xi32, #tpu.memory_space<vmem>> -> memref<1x128xi32, #tpu.memory_space<vmem>>
        %dma_start3A_452 = tpu.memref_squeeze %dma_start3A_451 : memref<1x128xi32, #tpu.memory_space<vmem>> -> memref<128xi32, #tpu.memory_space<vmem>>
        %dma_start3A_453 = arith.constant 0 : i32
        %dma_start3A_454 = arith.constant 0 : i32
        %dma_start3A_455 = tpu.memref_slice %arg2[%dma_start3A_453, %dma_start3A_454] : memref<20480x64xf32, #tpu.memory_space<hbm>> -> memref<20480x64xf32, #tpu.memory_space<hbm>>
        tpu.enqueue_indirect_dma source(%dma_start3A_455 : memref<20480x64xf32, #tpu.memory_space<hbm>>) target(%arg12 : memref<128x64xf32, #tpu.memory_space<vmem>>) offsets(%dma_start3A_452 : memref<128xi32, #tpu.memory_space<vmem>>) semaphore(%arg20 : memref<!tpu.dma_semaphore, #tpu.memory_space<semaphore_mem>>)
      } else {
      }
      %mul3A_392 = arith.constant 7 : i32
      %mul3A_393 = arith.muli %scan3A_255, %mul3A_392 : i32
      %add3A_394 = arith.constant 5 : i32
      %add3A_395 = arith.addi %mul3A_393, %add3A_394 : i32
      %dma_wait3A_396 = arith.constant 0 : i32
      %dma_wait3A_397 = tpu.memref_slice %arg8[%add3A_395, %dma_wait3A_396] : memref<80x128xi32, #tpu.memory_space<vmem>> -> memref<1x128xi32, #tpu.memory_space<vmem>>
      %dma_wait3A_398 = tpu.memref_squeeze %dma_wait3A_397 : memref<1x128xi32, #tpu.memory_space<vmem>> -> memref<128xi32, #tpu.memory_space<vmem>>
      %dma_wait3A_399 = arith.constant 0 : i32
      %dma_wait3A_400 = arith.constant 0 : i32
      %dma_wait3A_401 = tpu.memref_slice %arg2[%dma_wait3A_399, %dma_wait3A_400] : memref<20480x64xf32, #tpu.memory_space<hbm>> -> memref<20480x64xf32, #tpu.memory_space<hbm>>
      tpu.wait_indirect_dma semaphore(%arg23 : memref<!tpu.dma_semaphore, #tpu.memory_space<semaphore_mem>>) src(%dma_wait3A_401 : memref<20480x64xf32, #tpu.memory_space<hbm>>) dst(%arg15 : memref<128x64xf32, #tpu.memory_space<vmem>>)
      %dma_start3A_402 = arith.constant 0 : i32
      %dma_start3A_403 = tpu.memref_slice %arg9[%add3A_395, %dma_start3A_402] : memref<80x128xi32, #tpu.memory_space<vmem>> -> memref<1x128xi32, #tpu.memory_space<vmem>>
      %dma_start3A_404 = tpu.memref_squeeze %dma_start3A_403 : memref<1x128xi32, #tpu.memory_space<vmem>> -> memref<128xi32, #tpu.memory_space<vmem>>
      %dma_start3A_405 = arith.constant 0 : i32
      %dma_start3A_406 = arith.constant 0 : i32
      %dma_start3A_407 = tpu.memref_slice %arg17[%dma_start3A_405, %dma_start3A_406] : memref<10240x64xf32, #tpu.memory_space<vmem_shared>> -> memref<10240x64xf32, #tpu.memory_space<vmem_shared>>
      tpu.enqueue_indirect_dma source(%arg15 : memref<128x64xf32, #tpu.memory_space<vmem>>) target(%dma_start3A_407 : memref<10240x64xf32, #tpu.memory_space<vmem_shared>>) offsets(%dma_start3A_404 : memref<128xi32, #tpu.memory_space<vmem>>) semaphore(%arg30 : memref<!tpu.dma_semaphore, #tpu.memory_space<semaphore_mem>>) {add = true}
      %ge3A_408 = arith.constant 2 : i32
      %ge3A_409 = arith.cmpi sge, %add3A_395, %ge3A_408 : i32
      %convert_element_type3A_410 = arith.extui %ge3A_409 : i1 to i32
      %cond3A_411 = arith.constant 0 : i32
      %cond3A_412 = arith.cmpi ne, %convert_element_type3A_410, %cond3A_411 : i32
      scf.if %cond3A_412 {
        %sub3A = arith.constant 2 : i32
        %sub3A_448 = arith.subi %add3A_395, %sub3A : i32
        %dma_wait3A_449 = arith.constant 0 : i32
        %dma_wait3A_450 = tpu.memref_slice %arg9[%sub3A_448, %dma_wait3A_449] : memref<80x128xi32, #tpu.memory_space<vmem>> -> memref<1x128xi32, #tpu.memory_space<vmem>>
        %dma_wait3A_451 = tpu.memref_squeeze %dma_wait3A_450 : memref<1x128xi32, #tpu.memory_space<vmem>> -> memref<128xi32, #tpu.memory_space<vmem>>
        %dma_wait3A_452 = arith.constant 0 : i32
        %dma_wait3A_453 = arith.constant 0 : i32
        %dma_wait3A_454 = tpu.memref_slice %arg17[%dma_wait3A_452, %dma_wait3A_453] : memref<10240x64xf32, #tpu.memory_space<vmem_shared>> -> memref<10240x64xf32, #tpu.memory_space<vmem_shared>>
        tpu.wait_indirect_dma semaphore(%arg28 : memref<!tpu.dma_semaphore, #tpu.memory_space<semaphore_mem>>) src(%arg13 : memref<128x64xf32, #tpu.memory_space<vmem>>) dst(%dma_wait3A_454 : memref<10240x64xf32, #tpu.memory_space<vmem_shared>>)
      } else {
      }
      %add3A_413 = arith.constant 5 : i32
      %add3A_414 = arith.addi %add3A_395, %add3A_413 : i32
      %lt3A_415 = arith.constant 80 : i32
      %lt3A_416 = arith.cmpi slt, %add3A_414, %lt3A_415 : i32
      %convert_element_type3A_417 = arith.extui %lt3A_416 : i1 to i32
      %cond3A_418 = arith.constant 0 : i32
      %cond3A_419 = arith.cmpi ne, %convert_element_type3A_417, %cond3A_418 : i32
      scf.if %cond3A_419 {
        %add3A_448 = arith.constant 5 : i32
        %add3A_449 = arith.addi %add3A_395, %add3A_448 : i32
        %dma_start3A_450 = arith.constant 0 : i32
        %dma_start3A_451 = tpu.memref_slice %arg8[%add3A_449, %dma_start3A_450] : memref<80x128xi32, #tpu.memory_space<vmem>> -> memref<1x128xi32, #tpu.memory_space<vmem>>
        %dma_start3A_452 = tpu.memref_squeeze %dma_start3A_451 : memref<1x128xi32, #tpu.memory_space<vmem>> -> memref<128xi32, #tpu.memory_space<vmem>>
        %dma_start3A_453 = arith.constant 0 : i32
        %dma_start3A_454 = arith.constant 0 : i32
        %dma_start3A_455 = tpu.memref_slice %arg2[%dma_start3A_453, %dma_start3A_454] : memref<20480x64xf32, #tpu.memory_space<hbm>> -> memref<20480x64xf32, #tpu.memory_space<hbm>>
        tpu.enqueue_indirect_dma source(%dma_start3A_455 : memref<20480x64xf32, #tpu.memory_space<hbm>>) target(%arg13 : memref<128x64xf32, #tpu.memory_space<vmem>>) offsets(%dma_start3A_452 : memref<128xi32, #tpu.memory_space<vmem>>) semaphore(%arg21 : memref<!tpu.dma_semaphore, #tpu.memory_space<semaphore_mem>>)
      } else {
      }
      %mul3A_420 = arith.constant 7 : i32
      %mul3A_421 = arith.muli %scan3A_255, %mul3A_420 : i32
      %add3A_422 = arith.constant 6 : i32
      %add3A_423 = arith.addi %mul3A_421, %add3A_422 : i32
      %dma_wait3A_424 = arith.constant 0 : i32
      %dma_wait3A_425 = tpu.memref_slice %arg8[%add3A_423, %dma_wait3A_424] : memref<80x128xi32, #tpu.memory_space<vmem>> -> memref<1x128xi32, #tpu.memory_space<vmem>>
      %dma_wait3A_426 = tpu.memref_squeeze %dma_wait3A_425 : memref<1x128xi32, #tpu.memory_space<vmem>> -> memref<128xi32, #tpu.memory_space<vmem>>
      %dma_wait3A_427 = arith.constant 0 : i32
      %dma_wait3A_428 = arith.constant 0 : i32
      %dma_wait3A_429 = tpu.memref_slice %arg2[%dma_wait3A_427, %dma_wait3A_428] : memref<20480x64xf32, #tpu.memory_space<hbm>> -> memref<20480x64xf32, #tpu.memory_space<hbm>>
      tpu.wait_indirect_dma semaphore(%arg24 : memref<!tpu.dma_semaphore, #tpu.memory_space<semaphore_mem>>) src(%dma_wait3A_429 : memref<20480x64xf32, #tpu.memory_space<hbm>>) dst(%arg16 : memref<128x64xf32, #tpu.memory_space<vmem>>)
      %dma_start3A_430 = arith.constant 0 : i32
      %dma_start3A_431 = tpu.memref_slice %arg9[%add3A_423, %dma_start3A_430] : memref<80x128xi32, #tpu.memory_space<vmem>> -> memref<1x128xi32, #tpu.memory_space<vmem>>
      %dma_start3A_432 = tpu.memref_squeeze %dma_start3A_431 : memref<1x128xi32, #tpu.memory_space<vmem>> -> memref<128xi32, #tpu.memory_space<vmem>>
      %dma_start3A_433 = arith.constant 0 : i32
      %dma_start3A_434 = arith.constant 0 : i32
      %dma_start3A_435 = tpu.memref_slice %arg17[%dma_start3A_433, %dma_start3A_434] : memref<10240x64xf32, #tpu.memory_space<vmem_shared>> -> memref<10240x64xf32, #tpu.memory_space<vmem_shared>>
      tpu.enqueue_indirect_dma source(%arg16 : memref<128x64xf32, #tpu.memory_space<vmem>>) target(%dma_start3A_435 : memref<10240x64xf32, #tpu.memory_space<vmem_shared>>) offsets(%dma_start3A_432 : memref<128xi32, #tpu.memory_space<vmem>>) semaphore(%arg31 : memref<!tpu.dma_semaphore, #tpu.memory_space<semaphore_mem>>) {add = true}
      %ge3A_436 = arith.constant 2 : i32
      %ge3A_437 = arith.cmpi sge, %add3A_423, %ge3A_436 : i32
      %convert_element_type3A_438 = arith.extui %ge3A_437 : i1 to i32
      %cond3A_439 = arith.constant 0 : i32
      %cond3A_440 = arith.cmpi ne, %convert_element_type3A_438, %cond3A_439 : i32
      scf.if %cond3A_440 {
        %sub3A = arith.constant 2 : i32
        %sub3A_448 = arith.subi %add3A_423, %sub3A : i32
        %dma_wait3A_449 = arith.constant 0 : i32
        %dma_wait3A_450 = tpu.memref_slice %arg9[%sub3A_448, %dma_wait3A_449] : memref<80x128xi32, #tpu.memory_space<vmem>> -> memref<1x128xi32, #tpu.memory_space<vmem>>
        %dma_wait3A_451 = tpu.memref_squeeze %dma_wait3A_450 : memref<1x128xi32, #tpu.memory_space<vmem>> -> memref<128xi32, #tpu.memory_space<vmem>>
        %dma_wait3A_452 = arith.constant 0 : i32
        %dma_wait3A_453 = arith.constant 0 : i32
        %dma_wait3A_454 = tpu.memref_slice %arg17[%dma_wait3A_452, %dma_wait3A_453] : memref<10240x64xf32, #tpu.memory_space<vmem_shared>> -> memref<10240x64xf32, #tpu.memory_space<vmem_shared>>
        tpu.wait_indirect_dma semaphore(%arg29 : memref<!tpu.dma_semaphore, #tpu.memory_space<semaphore_mem>>) src(%arg14 : memref<128x64xf32, #tpu.memory_space<vmem>>) dst(%dma_wait3A_454 : memref<10240x64xf32, #tpu.memory_space<vmem_shared>>)
      } else {
      }
      %add3A_441 = arith.constant 5 : i32
      %add3A_442 = arith.addi %add3A_423, %add3A_441 : i32
      %lt3A_443 = arith.constant 80 : i32
      %lt3A_444 = arith.cmpi slt, %add3A_442, %lt3A_443 : i32
      %convert_element_type3A_445 = arith.extui %lt3A_444 : i1 to i32
      %cond3A_446 = arith.constant 0 : i32
      %cond3A_447 = arith.cmpi ne, %convert_element_type3A_445, %cond3A_446 : i32
      scf.if %cond3A_447 {
        %add3A_448 = arith.constant 5 : i32
        %add3A_449 = arith.addi %add3A_423, %add3A_448 : i32
        %dma_start3A_450 = arith.constant 0 : i32
        %dma_start3A_451 = tpu.memref_slice %arg8[%add3A_449, %dma_start3A_450] : memref<80x128xi32, #tpu.memory_space<vmem>> -> memref<1x128xi32, #tpu.memory_space<vmem>>
        %dma_start3A_452 = tpu.memref_squeeze %dma_start3A_451 : memref<1x128xi32, #tpu.memory_space<vmem>> -> memref<128xi32, #tpu.memory_space<vmem>>
        %dma_start3A_453 = arith.constant 0 : i32
        %dma_start3A_454 = arith.constant 0 : i32
        %dma_start3A_455 = tpu.memref_slice %arg2[%dma_start3A_453, %dma_start3A_454] : memref<20480x64xf32, #tpu.memory_space<hbm>> -> memref<20480x64xf32, #tpu.memory_space<hbm>>
        tpu.enqueue_indirect_dma source(%dma_start3A_455 : memref<20480x64xf32, #tpu.memory_space<hbm>>) target(%arg14 : memref<128x64xf32, #tpu.memory_space<vmem>>) offsets(%dma_start3A_452 : memref<128xi32, #tpu.memory_space<vmem>>) semaphore(%arg22 : memref<!tpu.dma_semaphore, #tpu.memory_space<semaphore_mem>>)
      } else {
      }
    }
    %scan3A_172 = arith.constant 11 : i32
    %dma_wait3A_173 = arith.constant 77 : i32
    %dma_wait3A_174 = arith.constant 0 : i32
    %dma_wait3A_175 = tpu.memref_slice %arg8[%dma_wait3A_173, %dma_wait3A_174] : memref<80x128xi32, #tpu.memory_space<vmem>> -> memref<1x128xi32, #tpu.memory_space<vmem>>
    %dma_wait3A_176 = tpu.memref_squeeze %dma_wait3A_175 : memref<1x128xi32, #tpu.memory_space<vmem>> -> memref<128xi32, #tpu.memory_space<vmem>>
    %dma_wait3A_177 = arith.constant 0 : i32
    %dma_wait3A_178 = arith.constant 0 : i32
    %dma_wait3A_179 = tpu.memref_slice %arg2[%dma_wait3A_177, %dma_wait3A_178] : memref<20480x64xf32, #tpu.memory_space<hbm>> -> memref<20480x64xf32, #tpu.memory_space<hbm>>
    tpu.wait_indirect_dma semaphore(%arg18 : memref<!tpu.dma_semaphore, #tpu.memory_space<semaphore_mem>>) src(%dma_wait3A_179 : memref<20480x64xf32, #tpu.memory_space<hbm>>) dst(%arg10 : memref<128x64xf32, #tpu.memory_space<vmem>>)
    %dma_start3A_180 = arith.constant 77 : i32
    %dma_start3A_181 = arith.constant 0 : i32
    %dma_start3A_182 = tpu.memref_slice %arg9[%dma_start3A_180, %dma_start3A_181] : memref<80x128xi32, #tpu.memory_space<vmem>> -> memref<1x128xi32, #tpu.memory_space<vmem>>
    %dma_start3A_183 = tpu.memref_squeeze %dma_start3A_182 : memref<1x128xi32, #tpu.memory_space<vmem>> -> memref<128xi32, #tpu.memory_space<vmem>>
    %dma_start3A_184 = arith.constant 0 : i32
    %dma_start3A_185 = arith.constant 0 : i32
    %dma_start3A_186 = tpu.memref_slice %arg17[%dma_start3A_184, %dma_start3A_185] : memref<10240x64xf32, #tpu.memory_space<vmem_shared>> -> memref<10240x64xf32, #tpu.memory_space<vmem_shared>>
    tpu.enqueue_indirect_dma source(%arg10 : memref<128x64xf32, #tpu.memory_space<vmem>>) target(%dma_start3A_186 : memref<10240x64xf32, #tpu.memory_space<vmem_shared>>) offsets(%dma_start3A_183 : memref<128xi32, #tpu.memory_space<vmem>>) semaphore(%arg25 : memref<!tpu.dma_semaphore, #tpu.memory_space<semaphore_mem>>) {add = true}
    %dma_wait3A_187 = arith.constant 75 : i32
    %dma_wait3A_188 = arith.constant 0 : i32
    %dma_wait3A_189 = tpu.memref_slice %arg9[%dma_wait3A_187, %dma_wait3A_188] : memref<80x128xi32, #tpu.memory_space<vmem>> -> memref<1x128xi32, #tpu.memory_space<vmem>>
    %dma_wait3A_190 = tpu.memref_squeeze %dma_wait3A_189 : memref<1x128xi32, #tpu.memory_space<vmem>> -> memref<128xi32, #tpu.memory_space<vmem>>
    %dma_wait3A_191 = arith.constant 0 : i32
    %dma_wait3A_192 = arith.constant 0 : i32
    %dma_wait3A_193 = tpu.memref_slice %arg17[%dma_wait3A_191, %dma_wait3A_192] : memref<10240x64xf32, #tpu.memory_space<vmem_shared>> -> memref<10240x64xf32, #tpu.memory_space<vmem_shared>>
    tpu.wait_indirect_dma semaphore(%arg30 : memref<!tpu.dma_semaphore, #tpu.memory_space<semaphore_mem>>) src(%arg15 : memref<128x64xf32, #tpu.memory_space<vmem>>) dst(%dma_wait3A_193 : memref<10240x64xf32, #tpu.memory_space<vmem_shared>>)
    %dma_wait3A_194 = arith.constant 78 : i32
    %dma_wait3A_195 = arith.constant 0 : i32
    %dma_wait3A_196 = tpu.memref_slice %arg8[%dma_wait3A_194, %dma_wait3A_195] : memref<80x128xi32, #tpu.memory_space<vmem>> -> memref<1x128xi32, #tpu.memory_space<vmem>>
    %dma_wait3A_197 = tpu.memref_squeeze %dma_wait3A_196 : memref<1x128xi32, #tpu.memory_space<vmem>> -> memref<128xi32, #tpu.memory_space<vmem>>
    %dma_wait3A_198 = arith.constant 0 : i32
    %dma_wait3A_199 = arith.constant 0 : i32
    %dma_wait3A_200 = tpu.memref_slice %arg2[%dma_wait3A_198, %dma_wait3A_199] : memref<20480x64xf32, #tpu.memory_space<hbm>> -> memref<20480x64xf32, #tpu.memory_space<hbm>>
    tpu.wait_indirect_dma semaphore(%arg19 : memref<!tpu.dma_semaphore, #tpu.memory_space<semaphore_mem>>) src(%dma_wait3A_200 : memref<20480x64xf32, #tpu.memory_space<hbm>>) dst(%arg11 : memref<128x64xf32, #tpu.memory_space<vmem>>)
    %dma_start3A_201 = arith.constant 78 : i32
    %dma_start3A_202 = arith.constant 0 : i32
    %dma_start3A_203 = tpu.memref_slice %arg9[%dma_start3A_201, %dma_start3A_202] : memref<80x128xi32, #tpu.memory_space<vmem>> -> memref<1x128xi32, #tpu.memory_space<vmem>>
    %dma_start3A_204 = tpu.memref_squeeze %dma_start3A_203 : memref<1x128xi32, #tpu.memory_space<vmem>> -> memref<128xi32, #tpu.memory_space<vmem>>
    %dma_start3A_205 = arith.constant 0 : i32
    %dma_start3A_206 = arith.constant 0 : i32
    %dma_start3A_207 = tpu.memref_slice %arg17[%dma_start3A_205, %dma_start3A_206] : memref<10240x64xf32, #tpu.memory_space<vmem_shared>> -> memref<10240x64xf32, #tpu.memory_space<vmem_shared>>
    tpu.enqueue_indirect_dma source(%arg11 : memref<128x64xf32, #tpu.memory_space<vmem>>) target(%dma_start3A_207 : memref<10240x64xf32, #tpu.memory_space<vmem_shared>>) offsets(%dma_start3A_204 : memref<128xi32, #tpu.memory_space<vmem>>) semaphore(%arg26 : memref<!tpu.dma_semaphore, #tpu.memory_space<semaphore_mem>>) {add = true}
    %dma_wait3A_208 = arith.constant 76 : i32
    %dma_wait3A_209 = arith.constant 0 : i32
    %dma_wait3A_210 = tpu.memref_slice %arg9[%dma_wait3A_208, %dma_wait3A_209] : memref<80x128xi32, #tpu.memory_space<vmem>> -> memref<1x128xi32, #tpu.memory_space<vmem>>
    %dma_wait3A_211 = tpu.memref_squeeze %dma_wait3A_210 : memref<1x128xi32, #tpu.memory_space<vmem>> -> memref<128xi32, #tpu.memory_space<vmem>>
    %dma_wait3A_212 = arith.constant 0 : i32
    %dma_wait3A_213 = arith.constant 0 : i32
    %dma_wait3A_214 = tpu.memref_slice %arg17[%dma_wait3A_212, %dma_wait3A_213] : memref<10240x64xf32, #tpu.memory_space<vmem_shared>> -> memref<10240x64xf32, #tpu.memory_space<vmem_shared>>
    tpu.wait_indirect_dma semaphore(%arg31 : memref<!tpu.dma_semaphore, #tpu.memory_space<semaphore_mem>>) src(%arg16 : memref<128x64xf32, #tpu.memory_space<vmem>>) dst(%dma_wait3A_214 : memref<10240x64xf32, #tpu.memory_space<vmem_shared>>)
    %dma_wait3A_215 = arith.constant 79 : i32
    %dma_wait3A_216 = arith.constant 0 : i32
    %dma_wait3A_217 = tpu.memref_slice %arg8[%dma_wait3A_215, %dma_wait3A_216] : memref<80x128xi32, #tpu.memory_space<vmem>> -> memref<1x128xi32, #tpu.memory_space<vmem>>
    %dma_wait3A_218 = tpu.memref_squeeze %dma_wait3A_217 : memref<1x128xi32, #tpu.memory_space<vmem>> -> memref<128xi32, #tpu.memory_space<vmem>>
    %dma_wait3A_219 = arith.constant 0 : i32
    %dma_wait3A_220 = arith.constant 0 : i32
    %dma_wait3A_221 = tpu.memref_slice %arg2[%dma_wait3A_219, %dma_wait3A_220] : memref<20480x64xf32, #tpu.memory_space<hbm>> -> memref<20480x64xf32, #tpu.memory_space<hbm>>
    tpu.wait_indirect_dma semaphore(%arg20 : memref<!tpu.dma_semaphore, #tpu.memory_space<semaphore_mem>>) src(%dma_wait3A_221 : memref<20480x64xf32, #tpu.memory_space<hbm>>) dst(%arg12 : memref<128x64xf32, #tpu.memory_space<vmem>>)
    %dma_start3A_222 = arith.constant 79 : i32
    %dma_start3A_223 = arith.constant 0 : i32
    %dma_start3A_224 = tpu.memref_slice %arg9[%dma_start3A_222, %dma_start3A_223] : memref<80x128xi32, #tpu.memory_space<vmem>> -> memref<1x128xi32, #tpu.memory_space<vmem>>
    %dma_start3A_225 = tpu.memref_squeeze %dma_start3A_224 : memref<1x128xi32, #tpu.memory_space<vmem>> -> memref<128xi32, #tpu.memory_space<vmem>>
    %dma_start3A_226 = arith.constant 0 : i32
    %dma_start3A_227 = arith.constant 0 : i32
    %dma_start3A_228 = tpu.memref_slice %arg17[%dma_start3A_226, %dma_start3A_227] : memref<10240x64xf32, #tpu.memory_space<vmem_shared>> -> memref<10240x64xf32, #tpu.memory_space<vmem_shared>>
    tpu.enqueue_indirect_dma source(%arg12 : memref<128x64xf32, #tpu.memory_space<vmem>>) target(%dma_start3A_228 : memref<10240x64xf32, #tpu.memory_space<vmem_shared>>) offsets(%dma_start3A_225 : memref<128xi32, #tpu.memory_space<vmem>>) semaphore(%arg27 : memref<!tpu.dma_semaphore, #tpu.memory_space<semaphore_mem>>) {add = true}
    %dma_wait3A_229 = arith.constant 77 : i32
    %dma_wait3A_230 = arith.constant 0 : i32
    %dma_wait3A_231 = tpu.memref_slice %arg9[%dma_wait3A_229, %dma_wait3A_230] : memref<80x128xi32, #tpu.memory_space<vmem>> -> memref<1x128xi32, #tpu.memory_space<vmem>>
    %dma_wait3A_232 = tpu.memref_squeeze %dma_wait3A_231 : memref<1x128xi32, #tpu.memory_space<vmem>> -> memref<128xi32, #tpu.memory_space<vmem>>
    %dma_wait3A_233 = arith.constant 0 : i32
    %dma_wait3A_234 = arith.constant 0 : i32
    %dma_wait3A_235 = tpu.memref_slice %arg17[%dma_wait3A_233, %dma_wait3A_234] : memref<10240x64xf32, #tpu.memory_space<vmem_shared>> -> memref<10240x64xf32, #tpu.memory_space<vmem_shared>>
    tpu.wait_indirect_dma semaphore(%arg25 : memref<!tpu.dma_semaphore, #tpu.memory_space<semaphore_mem>>) src(%arg10 : memref<128x64xf32, #tpu.memory_space<vmem>>) dst(%dma_wait3A_235 : memref<10240x64xf32, #tpu.memory_space<vmem_shared>>)
    %dma_wait3A_236 = arith.constant 78 : i32
    %dma_wait3A_237 = arith.constant 0 : i32
    %dma_wait3A_238 = tpu.memref_slice %arg9[%dma_wait3A_236, %dma_wait3A_237] : memref<80x128xi32, #tpu.memory_space<vmem>> -> memref<1x128xi32, #tpu.memory_space<vmem>>
    %dma_wait3A_239 = tpu.memref_squeeze %dma_wait3A_238 : memref<1x128xi32, #tpu.memory_space<vmem>> -> memref<128xi32, #tpu.memory_space<vmem>>
    %dma_wait3A_240 = arith.constant 0 : i32
    %dma_wait3A_241 = arith.constant 0 : i32
    %dma_wait3A_242 = tpu.memref_slice %arg17[%dma_wait3A_240, %dma_wait3A_241] : memref<10240x64xf32, #tpu.memory_space<vmem_shared>> -> memref<10240x64xf32, #tpu.memory_space<vmem_shared>>
    tpu.wait_indirect_dma semaphore(%arg26 : memref<!tpu.dma_semaphore, #tpu.memory_space<semaphore_mem>>) src(%arg11 : memref<128x64xf32, #tpu.memory_space<vmem>>) dst(%dma_wait3A_242 : memref<10240x64xf32, #tpu.memory_space<vmem_shared>>)
    %dma_wait3A_243 = arith.constant 79 : i32
    %dma_wait3A_244 = arith.constant 0 : i32
    %dma_wait3A_245 = tpu.memref_slice %arg9[%dma_wait3A_243, %dma_wait3A_244] : memref<80x128xi32, #tpu.memory_space<vmem>> -> memref<1x128xi32, #tpu.memory_space<vmem>>
    %dma_wait3A_246 = tpu.memref_squeeze %dma_wait3A_245 : memref<1x128xi32, #tpu.memory_space<vmem>> -> memref<128xi32, #tpu.memory_space<vmem>>
    %dma_wait3A_247 = arith.constant 0 : i32
    %dma_wait3A_248 = arith.constant 0 : i32
    %dma_wait3A_249 = tpu.memref_slice %arg17[%dma_wait3A_247, %dma_wait3A_248] : memref<10240x64xf32, #tpu.memory_space<vmem_shared>> -> memref<10240x64xf32, #tpu.memory_space<vmem_shared>>
    tpu.wait_indirect_dma semaphore(%arg27 : memref<!tpu.dma_semaphore, #tpu.memory_space<semaphore_mem>>) src(%arg12 : memref<128x64xf32, #tpu.memory_space<vmem>>) dst(%dma_wait3A_249 : memref<10240x64xf32, #tpu.memory_space<vmem_shared>>)
    %barrier3A_250 = arith.constant 0 : index
    tpu.barrier barrier_id(%barrier3A_250)
    %mul3A_251 = arith.constant 640 : i32
    %mul3A_252 = arith.muli %arg1, %mul3A_251 : i32
    %mul3A_253 = arith.constant 640 : i32
    %mul3A_254 = arith.muli %arg1, %mul3A_253 : i32
    "tpu.region"() ({
      %run_scoped3A = tpu.sem_alloc : memref<!tpu.dma_semaphore, #tpu.memory_space<semaphore_mem>>
      %dma_start3A_255 = arith.constant 64 : i32
      %dma_start3A_256 = tpu.memref_slice %arg7[%arg0, %mul3A_254, %dma_start3A_255] : memref<2x10240x128xf32, #tpu.memory_space<hbm>> -> memref<1x640x64xf32, #tpu.memory_space<hbm>>
      %dma_start3A_257 = tpu.memref_squeeze %dma_start3A_256 : memref<1x640x64xf32, #tpu.memory_space<hbm>> -> memref<640x64xf32, #tpu.memory_space<hbm>>
      %dma_start3A_258 = arith.constant 0 : i32
      %dma_start3A_259 = tpu.memref_slice %arg17[%mul3A_252, %dma_start3A_258] : memref<10240x64xf32, #tpu.memory_space<vmem_shared>> -> memref<640x64xf32, #tpu.memory_space<vmem_shared>>
      tpu.enqueue_dma source(%dma_start3A_259 : memref<640x64xf32, #tpu.memory_space<vmem_shared>>) target(%dma_start3A_257 : memref<640x64xf32, #tpu.memory_space<hbm>>) target_semaphore(%run_scoped3A : memref<!tpu.dma_semaphore, #tpu.memory_space<semaphore_mem>>)
      %dma_wait3A_260 = arith.constant 64 : i32
      %dma_wait3A_261 = tpu.memref_slice %arg7[%arg0, %mul3A_254, %dma_wait3A_260] : memref<2x10240x128xf32, #tpu.memory_space<hbm>> -> memref<1x640x64xf32, #tpu.memory_space<hbm>>
      %dma_wait3A_262 = tpu.memref_squeeze %dma_wait3A_261 : memref<1x640x64xf32, #tpu.memory_space<hbm>> -> memref<640x64xf32, #tpu.memory_space<hbm>>
      %dma_wait3A_263 = arith.constant 0 : i32
      %dma_wait3A_264 = tpu.memref_slice %arg17[%mul3A_252, %dma_wait3A_263] : memref<10240x64xf32, #tpu.memory_space<vmem_shared>> -> memref<640x64xf32, #tpu.memory_space<vmem_shared>>
      tpu.wait_dma2 semaphore(%run_scoped3A : memref<!tpu.dma_semaphore, #tpu.memory_space<semaphore_mem>>) src(%dma_wait3A_264 : memref<640x64xf32, #tpu.memory_space<vmem_shared>>) dst(%dma_wait3A_262 : memref<640x64xf32, #tpu.memory_space<hbm>>)
      tpu.yield
    }) : () -> ()
    return
  }
}

#map = affine_map<(d0, d1) -> (0, 0)>
#map1 = affine_map<(d0, d1) -> (0, 0, 0)>
module attributes {stable_mosaic.version = 14 : i64} {
  func.func @_gs(%arg0: i32, %arg1: i32, %arg2: memref<20480x64xf32, #tpu.memory_space<hbm>>, %arg3: memref<2560x128xi32, #tpu.memory_space<hbm>>, %arg4: memref<2560x128xi32, #tpu.memory_space<hbm>>, %arg5: memref<2560x128xi32, #tpu.memory_space<hbm>>, %arg6: memref<640x64xf32, #tpu.memory_space<hbm>>, %arg7: memref<2x10240x128xf32, #tpu.memory_space<hbm>>, %arg8: memref<80x128xi32, #tpu.memory_space<vmem>>, %arg9: memref<80x128xi32, #tpu.memory_space<vmem>>, %arg10: memref<128x64xf32, #tpu.memory_space<vmem>>, %arg11: memref<128x64xf32, #tpu.memory_space<vmem>>, %arg12: memref<128x64xf32, #tpu.memory_space<vmem>>, %arg13: memref<128x64xf32, #tpu.memory_space<vmem>>, %arg14: memref<128x64xf32, #tpu.memory_space<vmem>>, %arg15: memref<128x64xf32, #tpu.memory_space<vmem>>, %arg16: memref<128x64xf32, #tpu.memory_space<vmem>>, %arg17: memref<10240x64xf32, #tpu.memory_space<vmem_shared>>, %arg18: memref<!tpu.dma_semaphore, #tpu.memory_space<semaphore_mem>>, %arg19: memref<!tpu.dma_semaphore, #tpu.memory_space<semaphore_mem>>, %arg20: memref<!tpu.dma_semaphore, #tpu.memory_space<semaphore_mem>>, %arg21: memref<!tpu.dma_semaphore, #tpu.memory_space<semaphore_mem>>, %arg22: memref<!tpu.dma_semaphore, #tpu.memory_space<semaphore_mem>>, %arg23: memref<!tpu.dma_semaphore, #tpu.memory_space<semaphore_mem>>, %arg24: memref<!tpu.dma_semaphore, #tpu.memory_space<semaphore_mem>>, %arg25: memref<!tpu.dma_semaphore, #tpu.memory_space<semaphore_mem>>, %arg26: memref<!tpu.dma_semaphore, #tpu.memory_space<semaphore_mem>>, %arg27: memref<!tpu.dma_semaphore, #tpu.memory_space<semaphore_mem>>, %arg28: memref<!tpu.dma_semaphore, #tpu.memory_space<semaphore_mem>>, %arg29: memref<!tpu.dma_semaphore, #tpu.memory_space<semaphore_mem>>, %arg30: memref<!tpu.dma_semaphore, #tpu.memory_space<semaphore_mem>>, %arg31: memref<!tpu.dma_semaphore, #tpu.memory_space<semaphore_mem>>) attributes {dimension_semantics = [#tpu.dimension_semantics<core_parallel>, #tpu.dimension_semantics<subcore_parallel>], iteration_bounds = array<i64: 2, 16>, scalar_prefetch = 0 : i64, scratch_operands = 24 : i64, tpu.core_type = #tpu.core_type<sc_vector_subcore>, window_params = [{transform_indices = #map}, {transform_indices = #map}, {transform_indices = #map}, {transform_indices = #map}, {transform_indices = #map}, {transform_indices = #map1}]} {
    %mul3A = arith.constant 2 : i32
    %mul3A_0 = arith.muli %arg1, %mul3A : i32
    %add3A = arith.addi %mul3A_0, %arg0 : i32
    %mul3A_1 = arith.constant 80 : i32
    %mul3A_2 = arith.muli %add3A, %mul3A_1 : i32
    "tpu.region"() ({
      %run_scoped3A = tpu.sem_alloc : memref<!tpu.dma_semaphore, #tpu.memory_space<semaphore_mem>>
      %dma_start3A_255 = arith.constant 0 : i32
      %dma_start3A_256 = tpu.memref_slice %arg5[%mul3A_2, %dma_start3A_255] : memref<2560x128xi32, #tpu.memory_space<hbm>> -> memref<80x128xi32, #tpu.memory_space<hbm>>
      %dma_start3A_257 = arith.constant 0 : i32
      %dma_start3A_258 = tpu.memref_slice %arg5[%mul3A_2, %dma_start3A_257] : memref<2560x128xi32, #tpu.memory_space<hbm>> -> memref<80x128xi32, #tpu.memory_space<hbm>>
      tpu.enqueue_dma source(%dma_start3A_258 : memref<80x128xi32, #tpu.memory_space<hbm>>) target(%arg9 : memref<80x128xi32, #tpu.memory_space<vmem>>) target_semaphore(%run_scoped3A : memref<!tpu.dma_semaphore, #tpu.memory_space<semaphore_mem>>)
      %dma_wait3A_259 = arith.constant 0 : i32
      %dma_wait3A_260 = tpu.memref_slice %arg5[%mul3A_2, %dma_wait3A_259] : memref<2560x128xi32, #tpu.memory_space<hbm>> -> memref<80x128xi32, #tpu.memory_space<hbm>>
      %dma_wait3A_261 = arith.constant 0 : i32
      %dma_wait3A_262 = tpu.memref_slice %arg5[%mul3A_2, %dma_wait3A_261] : memref<2560x128xi32, #tpu.memory_space<hbm>> -> memref<80x128xi32, #tpu.memory_space<hbm>>
      tpu.wait_dma2 semaphore(%run_scoped3A : memref<!tpu.dma_semaphore, #tpu.memory_space<semaphore_mem>>) src(%dma_wait3A_262 : memref<80x128xi32, #tpu.memory_space<hbm>>) dst(%arg9 : memref<80x128xi32, #tpu.memory_space<vmem>>)
      tpu.yield
    }) : () -> ()
    %mul3A_3 = arith.constant 80 : i32
    %mul3A_4 = arith.muli %add3A, %mul3A_3 : i32
    "tpu.region"() ({
      %run_scoped3A = tpu.sem_alloc : memref<!tpu.dma_semaphore, #tpu.memory_space<semaphore_mem>>
      %dma_start3A_255 = arith.constant 0 : i32
      %dma_start3A_256 = tpu.memref_slice %arg3[%mul3A_4, %dma_start3A_255] : memref<2560x128xi32, #tpu.memory_space<hbm>> -> memref<80x128xi32, #tpu.memory_space<hbm>>
      %dma_start3A_257 = arith.constant 0 : i32
      %dma_start3A_258 = tpu.memref_slice %arg3[%mul3A_4, %dma_start3A_257] : memref<2560x128xi32, #tpu.memory_space<hbm>> -> memref<80x128xi32, #tpu.memory_space<hbm>>
      tpu.enqueue_dma source(%dma_start3A_258 : memref<80x128xi32, #tpu.memory_space<hbm>>) target(%arg8 : memref<80x128xi32, #tpu.memory_space<vmem>>) target_semaphore(%run_scoped3A : memref<!tpu.dma_semaphore, #tpu.memory_space<semaphore_mem>>)
      %dma_wait3A_259 = arith.constant 0 : i32
      %dma_wait3A_260 = tpu.memref_slice %arg3[%mul3A_4, %dma_wait3A_259] : memref<2560x128xi32, #tpu.memory_space<hbm>> -> memref<80x128xi32, #tpu.memory_space<hbm>>
      %dma_wait3A_261 = arith.constant 0 : i32
      %dma_wait3A_262 = tpu.memref_slice %arg3[%mul3A_4, %dma_wait3A_261] : memref<2560x128xi32, #tpu.memory_space<hbm>> -> memref<80x128xi32, #tpu.memory_space<hbm>>
      tpu.wait_dma2 semaphore(%run_scoped3A : memref<!tpu.dma_semaphore, #tpu.memory_space<semaphore_mem>>) src(%dma_wait3A_262 : memref<80x128xi32, #tpu.memory_space<hbm>>) dst(%arg8 : memref<80x128xi32, #tpu.memory_space<vmem>>)
      tpu.yield
    }) : () -> ()
    %mul3A_5 = arith.constant 640 : i32
    %mul3A_6 = arith.muli %arg1, %mul3A_5 : i32
    "tpu.region"() ({
      %run_scoped3A = tpu.sem_alloc : memref<!tpu.dma_semaphore, #tpu.memory_space<semaphore_mem>>
      %dma_start3A_255 = arith.constant 0 : i32
      %dma_start3A_256 = tpu.memref_slice %arg17[%mul3A_6, %dma_start3A_255] : memref<10240x64xf32, #tpu.memory_space<vmem_shared>> -> memref<640x64xf32, #tpu.memory_space<vmem_shared>>
      tpu.enqueue_dma source(%arg6 : memref<640x64xf32, #tpu.memory_space<hbm>>) target(%dma_start3A_256 : memref<640x64xf32, #tpu.memory_space<vmem_shared>>) target_semaphore(%run_scoped3A : memref<!tpu.dma_semaphore, #tpu.memory_space<semaphore_mem>>)
      %dma_wait3A_257 = arith.constant 0 : i32
      %dma_wait3A_258 = tpu.memref_slice %arg17[%mul3A_6, %dma_wait3A_257] : memref<10240x64xf32, #tpu.memory_space<vmem_shared>> -> memref<640x64xf32, #tpu.memory_space<vmem_shared>>
      tpu.wait_dma2 semaphore(%run_scoped3A : memref<!tpu.dma_semaphore, #tpu.memory_space<semaphore_mem>>) src(%arg6 : memref<640x64xf32, #tpu.memory_space<hbm>>) dst(%dma_wait3A_258 : memref<640x64xf32, #tpu.memory_space<vmem_shared>>)
      tpu.yield
    }) : () -> ()
    %barrier3A = arith.constant 0 : index
    tpu.barrier barrier_id(%barrier3A)
    %dma_start3A = arith.constant 0 : i32
    %dma_start3A_7 = arith.constant 0 : i32
    %dma_start3A_8 = tpu.memref_slice %arg8[%dma_start3A, %dma_start3A_7] : memref<80x128xi32, #tpu.memory_space<vmem>> -> memref<1x128xi32, #tpu.memory_space<vmem>>
    %dma_start3A_9 = tpu.memref_squeeze %dma_start3A_8 : memref<1x128xi32, #tpu.memory_space<vmem>> -> memref<128xi32, #tpu.memory_space<vmem>>
    %dma_start3A_10 = arith.constant 0 : i32
    %dma_start3A_11 = arith.constant 0 : i32
    %dma_start3A_12 = tpu.memref_slice %arg2[%dma_start3A_10, %dma_start3A_11] : memref<20480x64xf32, #tpu.memory_space<hbm>> -> memref<20480x64xf32, #tpu.memory_space<hbm>>
    tpu.enqueue_indirect_dma source(%dma_start3A_12 : memref<20480x64xf32, #tpu.memory_space<hbm>>) target(%arg10 : memref<128x64xf32, #tpu.memory_space<vmem>>) offsets(%dma_start3A_9 : memref<128xi32, #tpu.memory_space<vmem>>) semaphore(%arg18 : memref<!tpu.dma_semaphore, #tpu.memory_space<semaphore_mem>>)
    %dma_start3A_13 = arith.constant 1 : i32
    %dma_start3A_14 = arith.constant 0 : i32
    %dma_start3A_15 = tpu.memref_slice %arg8[%dma_start3A_13, %dma_start3A_14] : memref<80x128xi32, #tpu.memory_space<vmem>> -> memref<1x128xi32, #tpu.memory_space<vmem>>
    %dma_start3A_16 = tpu.memref_squeeze %dma_start3A_15 : memref<1x128xi32, #tpu.memory_space<vmem>> -> memref<128xi32, #tpu.memory_space<vmem>>
    %dma_start3A_17 = arith.constant 0 : i32
    %dma_start3A_18 = arith.constant 0 : i32
    %dma_start3A_19 = tpu.memref_slice %arg2[%dma_start3A_17, %dma_start3A_18] : memref<20480x64xf32, #tpu.memory_space<hbm>> -> memref<20480x64xf32, #tpu.memory_space<hbm>>
    tpu.enqueue_indirect_dma source(%dma_start3A_19 : memref<20480x64xf32, #tpu.memory_space<hbm>>) target(%arg11 : memref<128x64xf32, #tpu.memory_space<vmem>>) offsets(%dma_start3A_16 : memref<128xi32, #tpu.memory_space<vmem>>) semaphore(%arg19 : memref<!tpu.dma_semaphore, #tpu.memory_space<semaphore_mem>>)
    %dma_start3A_20 = arith.constant 2 : i32
    %dma_start3A_21 = arith.constant 0 : i32
    %dma_start3A_22 = tpu.memref_slice %arg8[%dma_start3A_20, %dma_start3A_21] : memref<80x128xi32, #tpu.memory_space<vmem>> -> memref<1x128xi32, #tpu.memory_space<vmem>>
    %dma_start3A_23 = tpu.memref_squeeze %dma_start3A_22 : memref<1x128xi32, #tpu.memory_space<vmem>> -> memref<128xi32, #tpu.memory_space<vmem>>
    %dma_start3A_24 = arith.constant 0 : i32
    %dma_start3A_25 = arith.constant 0 : i32
    %dma_start3A_26 = tpu.memref_slice %arg2[%dma_start3A_24, %dma_start3A_25] : memref<20480x64xf32, #tpu.memory_space<hbm>> -> memref<20480x64xf32, #tpu.memory_space<hbm>>
    tpu.enqueue_indirect_dma source(%dma_start3A_26 : memref<20480x64xf32, #tpu.memory_space<hbm>>) target(%arg12 : memref<128x64xf32, #tpu.memory_space<vmem>>) offsets(%dma_start3A_23 : memref<128xi32, #tpu.memory_space<vmem>>) semaphore(%arg20 : memref<!tpu.dma_semaphore, #tpu.memory_space<semaphore_mem>>)
    %dma_start3A_27 = arith.constant 3 : i32
    %dma_start3A_28 = arith.constant 0 : i32
    %dma_start3A_29 = tpu.memref_slice %arg8[%dma_start3A_27, %dma_start3A_28] : memref<80x128xi32, #tpu.memory_space<vmem>> -> memref<1x128xi32, #tpu.memory_space<vmem>>
    %dma_start3A_30 = tpu.memref_squeeze %dma_start3A_29 : memref<1x128xi32, #tpu.memory_space<vmem>> -> memref<128xi32, #tpu.memory_space<vmem>>
    %dma_start3A_31 = arith.constant 0 : i32
    %dma_start3A_32 = arith.constant 0 : i32
    %dma_start3A_33 = tpu.memref_slice %arg2[%dma_start3A_31, %dma_start3A_32] : memref<20480x64xf32, #tpu.memory_space<hbm>> -> memref<20480x64xf32, #tpu.memory_space<hbm>>
    tpu.enqueue_indirect_dma source(%dma_start3A_33 : memref<20480x64xf32, #tpu.memory_space<hbm>>) target(%arg13 : memref<128x64xf32, #tpu.memory_space<vmem>>) offsets(%dma_start3A_30 : memref<128xi32, #tpu.memory_space<vmem>>) semaphore(%arg21 : memref<!tpu.dma_semaphore, #tpu.memory_space<semaphore_mem>>)
    %dma_start3A_34 = arith.constant 4 : i32
    %dma_start3A_35 = arith.constant 0 : i32
    %dma_start3A_36 = tpu.memref_slice %arg8[%dma_start3A_34, %dma_start3A_35] : memref<80x128xi32, #tpu.memory_space<vmem>> -> memref<1x128xi32, #tpu.memory_space<vmem>>
    %dma_start3A_37 = tpu.memref_squeeze %dma_start3A_36 : memref<1x128xi32, #tpu.memory_space<vmem>> -> memref<128xi32, #tpu.memory_space<vmem>>
    %dma_start3A_38 = arith.constant 0 : i32
    %dma_start3A_39 = arith.constant 0 : i32
    %dma_start3A_40 = tpu.memref_slice %arg2[%dma_start3A_38, %dma_start3A_39] : memref<20480x64xf32, #tpu.memory_space<hbm>> -> memref<20480x64xf32, #tpu.memory_space<hbm>>
    tpu.enqueue_indirect_dma source(%dma_start3A_40 : memref<20480x64xf32, #tpu.memory_space<hbm>>) target(%arg14 : memref<128x64xf32, #tpu.memory_space<vmem>>) offsets(%dma_start3A_37 : memref<128xi32, #tpu.memory_space<vmem>>) semaphore(%arg22 : memref<!tpu.dma_semaphore, #tpu.memory_space<semaphore_mem>>)
    %scan3A = arith.constant 0 : i32
    %scan3A_41 = arith.constant 0 : i32
    %scan3A_42 = arith.constant 11 : i32
    %scan3A_43 = arith.addi %scan3A_41, %scan3A_42 : i32
    %scan3A_44 = arith.constant 1 : i32
    scf.for %scan3A_255 = %scan3A_41 to %scan3A_43 step %scan3A_44  : i32 {
      %mul3A_256 = arith.constant 7 : i32
      %mul3A_257 = arith.muli %scan3A_255, %mul3A_256 : i32
      %add3A_258 = arith.constant 0 : i32
      %add3A_259 = arith.addi %mul3A_257, %add3A_258 : i32
      %dma_wait3A_260 = arith.constant 0 : i32
      %dma_wait3A_261 = tpu.memref_slice %arg8[%add3A_259, %dma_wait3A_260] : memref<80x128xi32, #tpu.memory_space<vmem>> -> memref<1x128xi32, #tpu.memory_space<vmem>>
      %dma_wait3A_262 = tpu.memref_squeeze %dma_wait3A_261 : memref<1x128xi32, #tpu.memory_space<vmem>> -> memref<128xi32, #tpu.memory_space<vmem>>
      %dma_wait3A_263 = arith.constant 0 : i32
      %dma_wait3A_264 = arith.constant 0 : i32
      %dma_wait3A_265 = tpu.memref_slice %arg2[%dma_wait3A_263, %dma_wait3A_264] : memref<20480x64xf32, #tpu.memory_space<hbm>> -> memref<20480x64xf32, #tpu.memory_space<hbm>>
      tpu.wait_indirect_dma semaphore(%arg18 : memref<!tpu.dma_semaphore, #tpu.memory_space<semaphore_mem>>) src(%dma_wait3A_265 : memref<20480x64xf32, #tpu.memory_space<hbm>>) dst(%arg10 : memref<128x64xf32, #tpu.memory_space<vmem>>)
      %dma_start3A_266 = arith.constant 0 : i32
      %dma_start3A_267 = tpu.memref_slice %arg9[%add3A_259, %dma_start3A_266] : memref<80x128xi32, #tpu.memory_space<vmem>> -> memref<1x128xi32, #tpu.memory_space<vmem>>
      %dma_start3A_268 = tpu.memref_squeeze %dma_start3A_267 : memref<1x128xi32, #tpu.memory_space<vmem>> -> memref<128xi32, #tpu.memory_space<vmem>>
      %dma_start3A_269 = arith.constant 0 : i32
      %dma_start3A_270 = arith.constant 0 : i32
      %dma_start3A_271 = tpu.memref_slice %arg17[%dma_start3A_269, %dma_start3A_270] : memref<10240x64xf32, #tpu.memory_space<vmem_shared>> -> memref<10240x64xf32, #tpu.memory_space<vmem_shared>>
      tpu.enqueue_indirect_dma source(%arg10 : memref<128x64xf32, #tpu.memory_space<vmem>>) target(%dma_start3A_271 : memref<10240x64xf32, #tpu.memory_space<vmem_shared>>) offsets(%dma_start3A_268 : memref<128xi32, #tpu.memory_space<vmem>>) semaphore(%arg25 : memref<!tpu.dma_semaphore, #tpu.memory_space<semaphore_mem>>) {add = true}
      %ge3A = arith.constant 2 : i32
      %ge3A_272 = arith.cmpi sge, %add3A_259, %ge3A : i32
      %convert_element_type3A = arith.extui %ge3A_272 : i1 to i32
      %cond3A = arith.constant 0 : i32
      %cond3A_273 = arith.cmpi ne, %convert_element_type3A, %cond3A : i32
      scf.if %cond3A_273 {
        %sub3A = arith.constant 2 : i32
        %sub3A_448 = arith.subi %add3A_259, %sub3A : i32
        %dma_wait3A_449 = arith.constant 0 : i32
        %dma_wait3A_450 = tpu.memref_slice %arg9[%sub3A_448, %dma_wait3A_449] : memref<80x128xi32, #tpu.memory_space<vmem>> -> memref<1x128xi32, #tpu.memory_space<vmem>>
        %dma_wait3A_451 = tpu.memref_squeeze %dma_wait3A_450 : memref<1x128xi32, #tpu.memory_space<vmem>> -> memref<128xi32, #tpu.memory_space<vmem>>
        %dma_wait3A_452 = arith.constant 0 : i32
        %dma_wait3A_453 = arith.constant 0 : i32
        %dma_wait3A_454 = tpu.memref_slice %arg17[%dma_wait3A_452, %dma_wait3A_453] : memref<10240x64xf32, #tpu.memory_space<vmem_shared>> -> memref<10240x64xf32, #tpu.memory_space<vmem_shared>>
        tpu.wait_indirect_dma semaphore(%arg30 : memref<!tpu.dma_semaphore, #tpu.memory_space<semaphore_mem>>) src(%arg15 : memref<128x64xf32, #tpu.memory_space<vmem>>) dst(%dma_wait3A_454 : memref<10240x64xf32, #tpu.memory_space<vmem_shared>>)
      } else {
      }
      %add3A_274 = arith.constant 5 : i32
      %add3A_275 = arith.addi %add3A_259, %add3A_274 : i32
      %lt3A = arith.constant 80 : i32
      %lt3A_276 = arith.cmpi slt, %add3A_275, %lt3A : i32
      %convert_element_type3A_277 = arith.extui %lt3A_276 : i1 to i32
      %cond3A_278 = arith.constant 0 : i32
      %cond3A_279 = arith.cmpi ne, %convert_element_type3A_277, %cond3A_278 : i32
      scf.if %cond3A_279 {
        %add3A_448 = arith.constant 5 : i32
        %add3A_449 = arith.addi %add3A_259, %add3A_448 : i32
        %dma_start3A_450 = arith.constant 0 : i32
        %dma_start3A_451 = tpu.memref_slice %arg8[%add3A_449, %dma_start3A_450] : memref<80x128xi32, #tpu.memory_space<vmem>> -> memref<1x128xi32, #tpu.memory_space<vmem>>
        %dma_start3A_452 = tpu.memref_squeeze %dma_start3A_451 : memref<1x128xi32, #tpu.memory_space<vmem>> -> memref<128xi32, #tpu.memory_space<vmem>>
        %dma_start3A_453 = arith.constant 0 : i32
        %dma_start3A_454 = arith.constant 0 : i32
        %dma_start3A_455 = tpu.memref_slice %arg2[%dma_start3A_453, %dma_start3A_454] : memref<20480x64xf32, #tpu.memory_space<hbm>> -> memref<20480x64xf32, #tpu.memory_space<hbm>>
        tpu.enqueue_indirect_dma source(%dma_start3A_455 : memref<20480x64xf32, #tpu.memory_space<hbm>>) target(%arg15 : memref<128x64xf32, #tpu.memory_space<vmem>>) offsets(%dma_start3A_452 : memref<128xi32, #tpu.memory_space<vmem>>) semaphore(%arg23 : memref<!tpu.dma_semaphore, #tpu.memory_space<semaphore_mem>>)
      } else {
      }
      %mul3A_280 = arith.constant 7 : i32
      %mul3A_281 = arith.muli %scan3A_255, %mul3A_280 : i32
      %add3A_282 = arith.constant 1 : i32
      %add3A_283 = arith.addi %mul3A_281, %add3A_282 : i32
      %dma_wait3A_284 = arith.constant 0 : i32
      %dma_wait3A_285 = tpu.memref_slice %arg8[%add3A_283, %dma_wait3A_284] : memref<80x128xi32, #tpu.memory_space<vmem>> -> memref<1x128xi32, #tpu.memory_space<vmem>>
      %dma_wait3A_286 = tpu.memref_squeeze %dma_wait3A_285 : memref<1x128xi32, #tpu.memory_space<vmem>> -> memref<128xi32, #tpu.memory_space<vmem>>
      %dma_wait3A_287 = arith.constant 0 : i32
      %dma_wait3A_288 = arith.constant 0 : i32
      %dma_wait3A_289 = tpu.memref_slice %arg2[%dma_wait3A_287, %dma_wait3A_288] : memref<20480x64xf32, #tpu.memory_space<hbm>> -> memref<20480x64xf32, #tpu.memory_space<hbm>>
      tpu.wait_indirect_dma semaphore(%arg19 : memref<!tpu.dma_semaphore, #tpu.memory_space<semaphore_mem>>) src(%dma_wait3A_289 : memref<20480x64xf32, #tpu.memory_space<hbm>>) dst(%arg11 : memref<128x64xf32, #tpu.memory_space<vmem>>)
      %dma_start3A_290 = arith.constant 0 : i32
      %dma_start3A_291 = tpu.memref_slice %arg9[%add3A_283, %dma_start3A_290] : memref<80x128xi32, #tpu.memory_space<vmem>> -> memref<1x128xi32, #tpu.memory_space<vmem>>
      %dma_start3A_292 = tpu.memref_squeeze %dma_start3A_291 : memref<1x128xi32, #tpu.memory_space<vmem>> -> memref<128xi32, #tpu.memory_space<vmem>>
      %dma_start3A_293 = arith.constant 0 : i32
      %dma_start3A_294 = arith.constant 0 : i32
      %dma_start3A_295 = tpu.memref_slice %arg17[%dma_start3A_293, %dma_start3A_294] : memref<10240x64xf32, #tpu.memory_space<vmem_shared>> -> memref<10240x64xf32, #tpu.memory_space<vmem_shared>>
      tpu.enqueue_indirect_dma source(%arg11 : memref<128x64xf32, #tpu.memory_space<vmem>>) target(%dma_start3A_295 : memref<10240x64xf32, #tpu.memory_space<vmem_shared>>) offsets(%dma_start3A_292 : memref<128xi32, #tpu.memory_space<vmem>>) semaphore(%arg26 : memref<!tpu.dma_semaphore, #tpu.memory_space<semaphore_mem>>) {add = true}
      %ge3A_296 = arith.constant 2 : i32
      %ge3A_297 = arith.cmpi sge, %add3A_283, %ge3A_296 : i32
      %convert_element_type3A_298 = arith.extui %ge3A_297 : i1 to i32
      %cond3A_299 = arith.constant 0 : i32
      %cond3A_300 = arith.cmpi ne, %convert_element_type3A_298, %cond3A_299 : i32
      scf.if %cond3A_300 {
        %sub3A = arith.constant 2 : i32
        %sub3A_448 = arith.subi %add3A_283, %sub3A : i32
        %dma_wait3A_449 = arith.constant 0 : i32
        %dma_wait3A_450 = tpu.memref_slice %arg9[%sub3A_448, %dma_wait3A_449] : memref<80x128xi32, #tpu.memory_space<vmem>> -> memref<1x128xi32, #tpu.memory_space<vmem>>
        %dma_wait3A_451 = tpu.memref_squeeze %dma_wait3A_450 : memref<1x128xi32, #tpu.memory_space<vmem>> -> memref<128xi32, #tpu.memory_space<vmem>>
        %dma_wait3A_452 = arith.constant 0 : i32
        %dma_wait3A_453 = arith.constant 0 : i32
        %dma_wait3A_454 = tpu.memref_slice %arg17[%dma_wait3A_452, %dma_wait3A_453] : memref<10240x64xf32, #tpu.memory_space<vmem_shared>> -> memref<10240x64xf32, #tpu.memory_space<vmem_shared>>
        tpu.wait_indirect_dma semaphore(%arg31 : memref<!tpu.dma_semaphore, #tpu.memory_space<semaphore_mem>>) src(%arg16 : memref<128x64xf32, #tpu.memory_space<vmem>>) dst(%dma_wait3A_454 : memref<10240x64xf32, #tpu.memory_space<vmem_shared>>)
      } else {
      }
      %add3A_301 = arith.constant 5 : i32
      %add3A_302 = arith.addi %add3A_283, %add3A_301 : i32
      %lt3A_303 = arith.constant 80 : i32
      %lt3A_304 = arith.cmpi slt, %add3A_302, %lt3A_303 : i32
      %convert_element_type3A_305 = arith.extui %lt3A_304 : i1 to i32
      %cond3A_306 = arith.constant 0 : i32
      %cond3A_307 = arith.cmpi ne, %convert_element_type3A_305, %cond3A_306 : i32
      scf.if %cond3A_307 {
        %add3A_448 = arith.constant 5 : i32
        %add3A_449 = arith.addi %add3A_283, %add3A_448 : i32
        %dma_start3A_450 = arith.constant 0 : i32
        %dma_start3A_451 = tpu.memref_slice %arg8[%add3A_449, %dma_start3A_450] : memref<80x128xi32, #tpu.memory_space<vmem>> -> memref<1x128xi32, #tpu.memory_space<vmem>>
        %dma_start3A_452 = tpu.memref_squeeze %dma_start3A_451 : memref<1x128xi32, #tpu.memory_space<vmem>> -> memref<128xi32, #tpu.memory_space<vmem>>
        %dma_start3A_453 = arith.constant 0 : i32
        %dma_start3A_454 = arith.constant 0 : i32
        %dma_start3A_455 = tpu.memref_slice %arg2[%dma_start3A_453, %dma_start3A_454] : memref<20480x64xf32, #tpu.memory_space<hbm>> -> memref<20480x64xf32, #tpu.memory_space<hbm>>
        tpu.enqueue_indirect_dma source(%dma_start3A_455 : memref<20480x64xf32, #tpu.memory_space<hbm>>) target(%arg16 : memref<128x64xf32, #tpu.memory_space<vmem>>) offsets(%dma_start3A_452 : memref<128xi32, #tpu.memory_space<vmem>>) semaphore(%arg24 : memref<!tpu.dma_semaphore, #tpu.memory_space<semaphore_mem>>)
      } else {
      }
      %mul3A_308 = arith.constant 7 : i32
      %mul3A_309 = arith.muli %scan3A_255, %mul3A_308 : i32
      %add3A_310 = arith.constant 2 : i32
      %add3A_311 = arith.addi %mul3A_309, %add3A_310 : i32
      %dma_wait3A_312 = arith.constant 0 : i32
      %dma_wait3A_313 = tpu.memref_slice %arg8[%add3A_311, %dma_wait3A_312] : memref<80x128xi32, #tpu.memory_space<vmem>> -> memref<1x128xi32, #tpu.memory_space<vmem>>
      %dma_wait3A_314 = tpu.memref_squeeze %dma_wait3A_313 : memref<1x128xi32, #tpu.memory_space<vmem>> -> memref<128xi32, #tpu.memory_space<vmem>>
      %dma_wait3A_315 = arith.constant 0 : i32
      %dma_wait3A_316 = arith.constant 0 : i32
      %dma_wait3A_317 = tpu.memref_slice %arg2[%dma_wait3A_315, %dma_wait3A_316] : memref<20480x64xf32, #tpu.memory_space<hbm>> -> memref<20480x64xf32, #tpu.memory_space<hbm>>
      tpu.wait_indirect_dma semaphore(%arg20 : memref<!tpu.dma_semaphore, #tpu.memory_space<semaphore_mem>>) src(%dma_wait3A_317 : memref<20480x64xf32, #tpu.memory_space<hbm>>) dst(%arg12 : memref<128x64xf32, #tpu.memory_space<vmem>>)
      %dma_start3A_318 = arith.constant 0 : i32
      %dma_start3A_319 = tpu.memref_slice %arg9[%add3A_311, %dma_start3A_318] : memref<80x128xi32, #tpu.memory_space<vmem>> -> memref<1x128xi32, #tpu.memory_space<vmem>>
      %dma_start3A_320 = tpu.memref_squeeze %dma_start3A_319 : memref<1x128xi32, #tpu.memory_space<vmem>> -> memref<128xi32, #tpu.memory_space<vmem>>
      %dma_start3A_321 = arith.constant 0 : i32
      %dma_start3A_322 = arith.constant 0 : i32
      %dma_start3A_323 = tpu.memref_slice %arg17[%dma_start3A_321, %dma_start3A_322] : memref<10240x64xf32, #tpu.memory_space<vmem_shared>> -> memref<10240x64xf32, #tpu.memory_space<vmem_shared>>
      tpu.enqueue_indirect_dma source(%arg12 : memref<128x64xf32, #tpu.memory_space<vmem>>) target(%dma_start3A_323 : memref<10240x64xf32, #tpu.memory_space<vmem_shared>>) offsets(%dma_start3A_320 : memref<128xi32, #tpu.memory_space<vmem>>) semaphore(%arg27 : memref<!tpu.dma_semaphore, #tpu.memory_space<semaphore_mem>>) {add = true}
      %ge3A_324 = arith.constant 2 : i32
      %ge3A_325 = arith.cmpi sge, %add3A_311, %ge3A_324 : i32
      %convert_element_type3A_326 = arith.extui %ge3A_325 : i1 to i32
      %cond3A_327 = arith.constant 0 : i32
      %cond3A_328 = arith.cmpi ne, %convert_element_type3A_326, %cond3A_327 : i32
      scf.if %cond3A_328 {
        %sub3A = arith.constant 2 : i32
        %sub3A_448 = arith.subi %add3A_311, %sub3A : i32
        %dma_wait3A_449 = arith.constant 0 : i32
        %dma_wait3A_450 = tpu.memref_slice %arg9[%sub3A_448, %dma_wait3A_449] : memref<80x128xi32, #tpu.memory_space<vmem>> -> memref<1x128xi32, #tpu.memory_space<vmem>>
        %dma_wait3A_451 = tpu.memref_squeeze %dma_wait3A_450 : memref<1x128xi32, #tpu.memory_space<vmem>> -> memref<128xi32, #tpu.memory_space<vmem>>
        %dma_wait3A_452 = arith.constant 0 : i32
        %dma_wait3A_453 = arith.constant 0 : i32
        %dma_wait3A_454 = tpu.memref_slice %arg17[%dma_wait3A_452, %dma_wait3A_453] : memref<10240x64xf32, #tpu.memory_space<vmem_shared>> -> memref<10240x64xf32, #tpu.memory_space<vmem_shared>>
        tpu.wait_indirect_dma semaphore(%arg25 : memref<!tpu.dma_semaphore, #tpu.memory_space<semaphore_mem>>) src(%arg10 : memref<128x64xf32, #tpu.memory_space<vmem>>) dst(%dma_wait3A_454 : memref<10240x64xf32, #tpu.memory_space<vmem_shared>>)
      } else {
      }
      %add3A_329 = arith.constant 5 : i32
      %add3A_330 = arith.addi %add3A_311, %add3A_329 : i32
      %lt3A_331 = arith.constant 80 : i32
      %lt3A_332 = arith.cmpi slt, %add3A_330, %lt3A_331 : i32
      %convert_element_type3A_333 = arith.extui %lt3A_332 : i1 to i32
      %cond3A_334 = arith.constant 0 : i32
      %cond3A_335 = arith.cmpi ne, %convert_element_type3A_333, %cond3A_334 : i32
      scf.if %cond3A_335 {
        %add3A_448 = arith.constant 5 : i32
        %add3A_449 = arith.addi %add3A_311, %add3A_448 : i32
        %dma_start3A_450 = arith.constant 0 : i32
        %dma_start3A_451 = tpu.memref_slice %arg8[%add3A_449, %dma_start3A_450] : memref<80x128xi32, #tpu.memory_space<vmem>> -> memref<1x128xi32, #tpu.memory_space<vmem>>
        %dma_start3A_452 = tpu.memref_squeeze %dma_start3A_451 : memref<1x128xi32, #tpu.memory_space<vmem>> -> memref<128xi32, #tpu.memory_space<vmem>>
        %dma_start3A_453 = arith.constant 0 : i32
        %dma_start3A_454 = arith.constant 0 : i32
        %dma_start3A_455 = tpu.memref_slice %arg2[%dma_start3A_453, %dma_start3A_454] : memref<20480x64xf32, #tpu.memory_space<hbm>> -> memref<20480x64xf32, #tpu.memory_space<hbm>>
        tpu.enqueue_indirect_dma source(%dma_start3A_455 : memref<20480x64xf32, #tpu.memory_space<hbm>>) target(%arg10 : memref<128x64xf32, #tpu.memory_space<vmem>>) offsets(%dma_start3A_452 : memref<128xi32, #tpu.memory_space<vmem>>) semaphore(%arg18 : memref<!tpu.dma_semaphore, #tpu.memory_space<semaphore_mem>>)
      } else {
      }
      %mul3A_336 = arith.constant 7 : i32
      %mul3A_337 = arith.muli %scan3A_255, %mul3A_336 : i32
      %add3A_338 = arith.constant 3 : i32
      %add3A_339 = arith.addi %mul3A_337, %add3A_338 : i32
      %dma_wait3A_340 = arith.constant 0 : i32
      %dma_wait3A_341 = tpu.memref_slice %arg8[%add3A_339, %dma_wait3A_340] : memref<80x128xi32, #tpu.memory_space<vmem>> -> memref<1x128xi32, #tpu.memory_space<vmem>>
      %dma_wait3A_342 = tpu.memref_squeeze %dma_wait3A_341 : memref<1x128xi32, #tpu.memory_space<vmem>> -> memref<128xi32, #tpu.memory_space<vmem>>
      %dma_wait3A_343 = arith.constant 0 : i32
      %dma_wait3A_344 = arith.constant 0 : i32
      %dma_wait3A_345 = tpu.memref_slice %arg2[%dma_wait3A_343, %dma_wait3A_344] : memref<20480x64xf32, #tpu.memory_space<hbm>> -> memref<20480x64xf32, #tpu.memory_space<hbm>>
      tpu.wait_indirect_dma semaphore(%arg21 : memref<!tpu.dma_semaphore, #tpu.memory_space<semaphore_mem>>) src(%dma_wait3A_345 : memref<20480x64xf32, #tpu.memory_space<hbm>>) dst(%arg13 : memref<128x64xf32, #tpu.memory_space<vmem>>)
      %dma_start3A_346 = arith.constant 0 : i32
      %dma_start3A_347 = tpu.memref_slice %arg9[%add3A_339, %dma_start3A_346] : memref<80x128xi32, #tpu.memory_space<vmem>> -> memref<1x128xi32, #tpu.memory_space<vmem>>
      %dma_start3A_348 = tpu.memref_squeeze %dma_start3A_347 : memref<1x128xi32, #tpu.memory_space<vmem>> -> memref<128xi32, #tpu.memory_space<vmem>>
      %dma_start3A_349 = arith.constant 0 : i32
      %dma_start3A_350 = arith.constant 0 : i32
      %dma_start3A_351 = tpu.memref_slice %arg17[%dma_start3A_349, %dma_start3A_350] : memref<10240x64xf32, #tpu.memory_space<vmem_shared>> -> memref<10240x64xf32, #tpu.memory_space<vmem_shared>>
      tpu.enqueue_indirect_dma source(%arg13 : memref<128x64xf32, #tpu.memory_space<vmem>>) target(%dma_start3A_351 : memref<10240x64xf32, #tpu.memory_space<vmem_shared>>) offsets(%dma_start3A_348 : memref<128xi32, #tpu.memory_space<vmem>>) semaphore(%arg28 : memref<!tpu.dma_semaphore, #tpu.memory_space<semaphore_mem>>) {add = true}
      %ge3A_352 = arith.constant 2 : i32
      %ge3A_353 = arith.cmpi sge, %add3A_339, %ge3A_352 : i32
      %convert_element_type3A_354 = arith.extui %ge3A_353 : i1 to i32
      %cond3A_355 = arith.constant 0 : i32
      %cond3A_356 = arith.cmpi ne, %convert_element_type3A_354, %cond3A_355 : i32
      scf.if %cond3A_356 {
        %sub3A = arith.constant 2 : i32
        %sub3A_448 = arith.subi %add3A_339, %sub3A : i32
        %dma_wait3A_449 = arith.constant 0 : i32
        %dma_wait3A_450 = tpu.memref_slice %arg9[%sub3A_448, %dma_wait3A_449] : memref<80x128xi32, #tpu.memory_space<vmem>> -> memref<1x128xi32, #tpu.memory_space<vmem>>
        %dma_wait3A_451 = tpu.memref_squeeze %dma_wait3A_450 : memref<1x128xi32, #tpu.memory_space<vmem>> -> memref<128xi32, #tpu.memory_space<vmem>>
        %dma_wait3A_452 = arith.constant 0 : i32
        %dma_wait3A_453 = arith.constant 0 : i32
        %dma_wait3A_454 = tpu.memref_slice %arg17[%dma_wait3A_452, %dma_wait3A_453] : memref<10240x64xf32, #tpu.memory_space<vmem_shared>> -> memref<10240x64xf32, #tpu.memory_space<vmem_shared>>
        tpu.wait_indirect_dma semaphore(%arg26 : memref<!tpu.dma_semaphore, #tpu.memory_space<semaphore_mem>>) src(%arg11 : memref<128x64xf32, #tpu.memory_space<vmem>>) dst(%dma_wait3A_454 : memref<10240x64xf32, #tpu.memory_space<vmem_shared>>)
      } else {
      }
      %add3A_357 = arith.constant 5 : i32
      %add3A_358 = arith.addi %add3A_339, %add3A_357 : i32
      %lt3A_359 = arith.constant 80 : i32
      %lt3A_360 = arith.cmpi slt, %add3A_358, %lt3A_359 : i32
      %convert_element_type3A_361 = arith.extui %lt3A_360 : i1 to i32
      %cond3A_362 = arith.constant 0 : i32
      %cond3A_363 = arith.cmpi ne, %convert_element_type3A_361, %cond3A_362 : i32
      scf.if %cond3A_363 {
        %add3A_448 = arith.constant 5 : i32
        %add3A_449 = arith.addi %add3A_339, %add3A_448 : i32
        %dma_start3A_450 = arith.constant 0 : i32
        %dma_start3A_451 = tpu.memref_slice %arg8[%add3A_449, %dma_start3A_450] : memref<80x128xi32, #tpu.memory_space<vmem>> -> memref<1x128xi32, #tpu.memory_space<vmem>>
        %dma_start3A_452 = tpu.memref_squeeze %dma_start3A_451 : memref<1x128xi32, #tpu.memory_space<vmem>> -> memref<128xi32, #tpu.memory_space<vmem>>
        %dma_start3A_453 = arith.constant 0 : i32
        %dma_start3A_454 = arith.constant 0 : i32
        %dma_start3A_455 = tpu.memref_slice %arg2[%dma_start3A_453, %dma_start3A_454] : memref<20480x64xf32, #tpu.memory_space<hbm>> -> memref<20480x64xf32, #tpu.memory_space<hbm>>
        tpu.enqueue_indirect_dma source(%dma_start3A_455 : memref<20480x64xf32, #tpu.memory_space<hbm>>) target(%arg11 : memref<128x64xf32, #tpu.memory_space<vmem>>) offsets(%dma_start3A_452 : memref<128xi32, #tpu.memory_space<vmem>>) semaphore(%arg19 : memref<!tpu.dma_semaphore, #tpu.memory_space<semaphore_mem>>)
      } else {
      }
      %mul3A_364 = arith.constant 7 : i32
      %mul3A_365 = arith.muli %scan3A_255, %mul3A_364 : i32
      %add3A_366 = arith.constant 4 : i32
      %add3A_367 = arith.addi %mul3A_365, %add3A_366 : i32
      %dma_wait3A_368 = arith.constant 0 : i32
      %dma_wait3A_369 = tpu.memref_slice %arg8[%add3A_367, %dma_wait3A_368] : memref<80x128xi32, #tpu.memory_space<vmem>> -> memref<1x128xi32, #tpu.memory_space<vmem>>
      %dma_wait3A_370 = tpu.memref_squeeze %dma_wait3A_369 : memref<1x128xi32, #tpu.memory_space<vmem>> -> memref<128xi32, #tpu.memory_space<vmem>>
      %dma_wait3A_371 = arith.constant 0 : i32
      %dma_wait3A_372 = arith.constant 0 : i32
      %dma_wait3A_373 = tpu.memref_slice %arg2[%dma_wait3A_371, %dma_wait3A_372] : memref<20480x64xf32, #tpu.memory_space<hbm>> -> memref<20480x64xf32, #tpu.memory_space<hbm>>
      tpu.wait_indirect_dma semaphore(%arg22 : memref<!tpu.dma_semaphore, #tpu.memory_space<semaphore_mem>>) src(%dma_wait3A_373 : memref<20480x64xf32, #tpu.memory_space<hbm>>) dst(%arg14 : memref<128x64xf32, #tpu.memory_space<vmem>>)
      %dma_start3A_374 = arith.constant 0 : i32
      %dma_start3A_375 = tpu.memref_slice %arg9[%add3A_367, %dma_start3A_374] : memref<80x128xi32, #tpu.memory_space<vmem>> -> memref<1x128xi32, #tpu.memory_space<vmem>>
      %dma_start3A_376 = tpu.memref_squeeze %dma_start3A_375 : memref<1x128xi32, #tpu.memory_space<vmem>> -> memref<128xi32, #tpu.memory_space<vmem>>
      %dma_start3A_377 = arith.constant 0 : i32
      %dma_start3A_378 = arith.constant 0 : i32
      %dma_start3A_379 = tpu.memref_slice %arg17[%dma_start3A_377, %dma_start3A_378] : memref<10240x64xf32, #tpu.memory_space<vmem_shared>> -> memref<10240x64xf32, #tpu.memory_space<vmem_shared>>
      tpu.enqueue_indirect_dma source(%arg14 : memref<128x64xf32, #tpu.memory_space<vmem>>) target(%dma_start3A_379 : memref<10240x64xf32, #tpu.memory_space<vmem_shared>>) offsets(%dma_start3A_376 : memref<128xi32, #tpu.memory_space<vmem>>) semaphore(%arg29 : memref<!tpu.dma_semaphore, #tpu.memory_space<semaphore_mem>>) {add = true}
      %ge3A_380 = arith.constant 2 : i32
      %ge3A_381 = arith.cmpi sge, %add3A_367, %ge3A_380 : i32
      %convert_element_type3A_382 = arith.extui %ge3A_381 : i1 to i32
      %cond3A_383 = arith.constant 0 : i32
      %cond3A_384 = arith.cmpi ne, %convert_element_type3A_382, %cond3A_383 : i32
      scf.if %cond3A_384 {
        %sub3A = arith.constant 2 : i32
        %sub3A_448 = arith.subi %add3A_367, %sub3A : i32
        %dma_wait3A_449 = arith.constant 0 : i32
        %dma_wait3A_450 = tpu.memref_slice %arg9[%sub3A_448, %dma_wait3A_449] : memref<80x128xi32, #tpu.memory_space<vmem>> -> memref<1x128xi32, #tpu.memory_space<vmem>>
        %dma_wait3A_451 = tpu.memref_squeeze %dma_wait3A_450 : memref<1x128xi32, #tpu.memory_space<vmem>> -> memref<128xi32, #tpu.memory_space<vmem>>
        %dma_wait3A_452 = arith.constant 0 : i32
        %dma_wait3A_453 = arith.constant 0 : i32
        %dma_wait3A_454 = tpu.memref_slice %arg17[%dma_wait3A_452, %dma_wait3A_453] : memref<10240x64xf32, #tpu.memory_space<vmem_shared>> -> memref<10240x64xf32, #tpu.memory_space<vmem_shared>>
        tpu.wait_indirect_dma semaphore(%arg27 : memref<!tpu.dma_semaphore, #tpu.memory_space<semaphore_mem>>) src(%arg12 : memref<128x64xf32, #tpu.memory_space<vmem>>) dst(%dma_wait3A_454 : memref<10240x64xf32, #tpu.memory_space<vmem_shared>>)
      } else {
      }
      %add3A_385 = arith.constant 5 : i32
      %add3A_386 = arith.addi %add3A_367, %add3A_385 : i32
      %lt3A_387 = arith.constant 80 : i32
      %lt3A_388 = arith.cmpi slt, %add3A_386, %lt3A_387 : i32
      %convert_element_type3A_389 = arith.extui %lt3A_388 : i1 to i32
      %cond3A_390 = arith.constant 0 : i32
      %cond3A_391 = arith.cmpi ne, %convert_element_type3A_389, %cond3A_390 : i32
      scf.if %cond3A_391 {
        %add3A_448 = arith.constant 5 : i32
        %add3A_449 = arith.addi %add3A_367, %add3A_448 : i32
        %dma_start3A_450 = arith.constant 0 : i32
        %dma_start3A_451 = tpu.memref_slice %arg8[%add3A_449, %dma_start3A_450] : memref<80x128xi32, #tpu.memory_space<vmem>> -> memref<1x128xi32, #tpu.memory_space<vmem>>
        %dma_start3A_452 = tpu.memref_squeeze %dma_start3A_451 : memref<1x128xi32, #tpu.memory_space<vmem>> -> memref<128xi32, #tpu.memory_space<vmem>>
        %dma_start3A_453 = arith.constant 0 : i32
        %dma_start3A_454 = arith.constant 0 : i32
        %dma_start3A_455 = tpu.memref_slice %arg2[%dma_start3A_453, %dma_start3A_454] : memref<20480x64xf32, #tpu.memory_space<hbm>> -> memref<20480x64xf32, #tpu.memory_space<hbm>>
        tpu.enqueue_indirect_dma source(%dma_start3A_455 : memref<20480x64xf32, #tpu.memory_space<hbm>>) target(%arg12 : memref<128x64xf32, #tpu.memory_space<vmem>>) offsets(%dma_start3A_452 : memref<128xi32, #tpu.memory_space<vmem>>) semaphore(%arg20 : memref<!tpu.dma_semaphore, #tpu.memory_space<semaphore_mem>>)
      } else {
      }
      %mul3A_392 = arith.constant 7 : i32
      %mul3A_393 = arith.muli %scan3A_255, %mul3A_392 : i32
      %add3A_394 = arith.constant 5 : i32
      %add3A_395 = arith.addi %mul3A_393, %add3A_394 : i32
      %dma_wait3A_396 = arith.constant 0 : i32
      %dma_wait3A_397 = tpu.memref_slice %arg8[%add3A_395, %dma_wait3A_396] : memref<80x128xi32, #tpu.memory_space<vmem>> -> memref<1x128xi32, #tpu.memory_space<vmem>>
      %dma_wait3A_398 = tpu.memref_squeeze %dma_wait3A_397 : memref<1x128xi32, #tpu.memory_space<vmem>> -> memref<128xi32, #tpu.memory_space<vmem>>
      %dma_wait3A_399 = arith.constant 0 : i32
      %dma_wait3A_400 = arith.constant 0 : i32
      %dma_wait3A_401 = tpu.memref_slice %arg2[%dma_wait3A_399, %dma_wait3A_400] : memref<20480x64xf32, #tpu.memory_space<hbm>> -> memref<20480x64xf32, #tpu.memory_space<hbm>>
      tpu.wait_indirect_dma semaphore(%arg23 : memref<!tpu.dma_semaphore, #tpu.memory_space<semaphore_mem>>) src(%dma_wait3A_401 : memref<20480x64xf32, #tpu.memory_space<hbm>>) dst(%arg15 : memref<128x64xf32, #tpu.memory_space<vmem>>)
      %dma_start3A_402 = arith.constant 0 : i32
      %dma_start3A_403 = tpu.memref_slice %arg9[%add3A_395, %dma_start3A_402] : memref<80x128xi32, #tpu.memory_space<vmem>> -> memref<1x128xi32, #tpu.memory_space<vmem>>
      %dma_start3A_404 = tpu.memref_squeeze %dma_start3A_403 : memref<1x128xi32, #tpu.memory_space<vmem>> -> memref<128xi32, #tpu.memory_space<vmem>>
      %dma_start3A_405 = arith.constant 0 : i32
      %dma_start3A_406 = arith.constant 0 : i32
      %dma_start3A_407 = tpu.memref_slice %arg17[%dma_start3A_405, %dma_start3A_406] : memref<10240x64xf32, #tpu.memory_space<vmem_shared>> -> memref<10240x64xf32, #tpu.memory_space<vmem_shared>>
      tpu.enqueue_indirect_dma source(%arg15 : memref<128x64xf32, #tpu.memory_space<vmem>>) target(%dma_start3A_407 : memref<10240x64xf32, #tpu.memory_space<vmem_shared>>) offsets(%dma_start3A_404 : memref<128xi32, #tpu.memory_space<vmem>>) semaphore(%arg30 : memref<!tpu.dma_semaphore, #tpu.memory_space<semaphore_mem>>) {add = true}
      %ge3A_408 = arith.constant 2 : i32
      %ge3A_409 = arith.cmpi sge, %add3A_395, %ge3A_408 : i32
      %convert_element_type3A_410 = arith.extui %ge3A_409 : i1 to i32
      %cond3A_411 = arith.constant 0 : i32
      %cond3A_412 = arith.cmpi ne, %convert_element_type3A_410, %cond3A_411 : i32
      scf.if %cond3A_412 {
        %sub3A = arith.constant 2 : i32
        %sub3A_448 = arith.subi %add3A_395, %sub3A : i32
        %dma_wait3A_449 = arith.constant 0 : i32
        %dma_wait3A_450 = tpu.memref_slice %arg9[%sub3A_448, %dma_wait3A_449] : memref<80x128xi32, #tpu.memory_space<vmem>> -> memref<1x128xi32, #tpu.memory_space<vmem>>
        %dma_wait3A_451 = tpu.memref_squeeze %dma_wait3A_450 : memref<1x128xi32, #tpu.memory_space<vmem>> -> memref<128xi32, #tpu.memory_space<vmem>>
        %dma_wait3A_452 = arith.constant 0 : i32
        %dma_wait3A_453 = arith.constant 0 : i32
        %dma_wait3A_454 = tpu.memref_slice %arg17[%dma_wait3A_452, %dma_wait3A_453] : memref<10240x64xf32, #tpu.memory_space<vmem_shared>> -> memref<10240x64xf32, #tpu.memory_space<vmem_shared>>
        tpu.wait_indirect_dma semaphore(%arg28 : memref<!tpu.dma_semaphore, #tpu.memory_space<semaphore_mem>>) src(%arg13 : memref<128x64xf32, #tpu.memory_space<vmem>>) dst(%dma_wait3A_454 : memref<10240x64xf32, #tpu.memory_space<vmem_shared>>)
      } else {
      }
      %add3A_413 = arith.constant 5 : i32
      %add3A_414 = arith.addi %add3A_395, %add3A_413 : i32
      %lt3A_415 = arith.constant 80 : i32
      %lt3A_416 = arith.cmpi slt, %add3A_414, %lt3A_415 : i32
      %convert_element_type3A_417 = arith.extui %lt3A_416 : i1 to i32
      %cond3A_418 = arith.constant 0 : i32
      %cond3A_419 = arith.cmpi ne, %convert_element_type3A_417, %cond3A_418 : i32
      scf.if %cond3A_419 {
        %add3A_448 = arith.constant 5 : i32
        %add3A_449 = arith.addi %add3A_395, %add3A_448 : i32
        %dma_start3A_450 = arith.constant 0 : i32
        %dma_start3A_451 = tpu.memref_slice %arg8[%add3A_449, %dma_start3A_450] : memref<80x128xi32, #tpu.memory_space<vmem>> -> memref<1x128xi32, #tpu.memory_space<vmem>>
        %dma_start3A_452 = tpu.memref_squeeze %dma_start3A_451 : memref<1x128xi32, #tpu.memory_space<vmem>> -> memref<128xi32, #tpu.memory_space<vmem>>
        %dma_start3A_453 = arith.constant 0 : i32
        %dma_start3A_454 = arith.constant 0 : i32
        %dma_start3A_455 = tpu.memref_slice %arg2[%dma_start3A_453, %dma_start3A_454] : memref<20480x64xf32, #tpu.memory_space<hbm>> -> memref<20480x64xf32, #tpu.memory_space<hbm>>
        tpu.enqueue_indirect_dma source(%dma_start3A_455 : memref<20480x64xf32, #tpu.memory_space<hbm>>) target(%arg13 : memref<128x64xf32, #tpu.memory_space<vmem>>) offsets(%dma_start3A_452 : memref<128xi32, #tpu.memory_space<vmem>>) semaphore(%arg21 : memref<!tpu.dma_semaphore, #tpu.memory_space<semaphore_mem>>)
      } else {
      }
      %mul3A_420 = arith.constant 7 : i32
      %mul3A_421 = arith.muli %scan3A_255, %mul3A_420 : i32
      %add3A_422 = arith.constant 6 : i32
      %add3A_423 = arith.addi %mul3A_421, %add3A_422 : i32
      %dma_wait3A_424 = arith.constant 0 : i32
      %dma_wait3A_425 = tpu.memref_slice %arg8[%add3A_423, %dma_wait3A_424] : memref<80x128xi32, #tpu.memory_space<vmem>> -> memref<1x128xi32, #tpu.memory_space<vmem>>
      %dma_wait3A_426 = tpu.memref_squeeze %dma_wait3A_425 : memref<1x128xi32, #tpu.memory_space<vmem>> -> memref<128xi32, #tpu.memory_space<vmem>>
      %dma_wait3A_427 = arith.constant 0 : i32
      %dma_wait3A_428 = arith.constant 0 : i32
      %dma_wait3A_429 = tpu.memref_slice %arg2[%dma_wait3A_427, %dma_wait3A_428] : memref<20480x64xf32, #tpu.memory_space<hbm>> -> memref<20480x64xf32, #tpu.memory_space<hbm>>
      tpu.wait_indirect_dma semaphore(%arg24 : memref<!tpu.dma_semaphore, #tpu.memory_space<semaphore_mem>>) src(%dma_wait3A_429 : memref<20480x64xf32, #tpu.memory_space<hbm>>) dst(%arg16 : memref<128x64xf32, #tpu.memory_space<vmem>>)
      %dma_start3A_430 = arith.constant 0 : i32
      %dma_start3A_431 = tpu.memref_slice %arg9[%add3A_423, %dma_start3A_430] : memref<80x128xi32, #tpu.memory_space<vmem>> -> memref<1x128xi32, #tpu.memory_space<vmem>>
      %dma_start3A_432 = tpu.memref_squeeze %dma_start3A_431 : memref<1x128xi32, #tpu.memory_space<vmem>> -> memref<128xi32, #tpu.memory_space<vmem>>
      %dma_start3A_433 = arith.constant 0 : i32
      %dma_start3A_434 = arith.constant 0 : i32
      %dma_start3A_435 = tpu.memref_slice %arg17[%dma_start3A_433, %dma_start3A_434] : memref<10240x64xf32, #tpu.memory_space<vmem_shared>> -> memref<10240x64xf32, #tpu.memory_space<vmem_shared>>
      tpu.enqueue_indirect_dma source(%arg16 : memref<128x64xf32, #tpu.memory_space<vmem>>) target(%dma_start3A_435 : memref<10240x64xf32, #tpu.memory_space<vmem_shared>>) offsets(%dma_start3A_432 : memref<128xi32, #tpu.memory_space<vmem>>) semaphore(%arg31 : memref<!tpu.dma_semaphore, #tpu.memory_space<semaphore_mem>>) {add = true}
      %ge3A_436 = arith.constant 2 : i32
      %ge3A_437 = arith.cmpi sge, %add3A_423, %ge3A_436 : i32
      %convert_element_type3A_438 = arith.extui %ge3A_437 : i1 to i32
      %cond3A_439 = arith.constant 0 : i32
      %cond3A_440 = arith.cmpi ne, %convert_element_type3A_438, %cond3A_439 : i32
      scf.if %cond3A_440 {
        %sub3A = arith.constant 2 : i32
        %sub3A_448 = arith.subi %add3A_423, %sub3A : i32
        %dma_wait3A_449 = arith.constant 0 : i32
        %dma_wait3A_450 = tpu.memref_slice %arg9[%sub3A_448, %dma_wait3A_449] : memref<80x128xi32, #tpu.memory_space<vmem>> -> memref<1x128xi32, #tpu.memory_space<vmem>>
        %dma_wait3A_451 = tpu.memref_squeeze %dma_wait3A_450 : memref<1x128xi32, #tpu.memory_space<vmem>> -> memref<128xi32, #tpu.memory_space<vmem>>
        %dma_wait3A_452 = arith.constant 0 : i32
        %dma_wait3A_453 = arith.constant 0 : i32
        %dma_wait3A_454 = tpu.memref_slice %arg17[%dma_wait3A_452, %dma_wait3A_453] : memref<10240x64xf32, #tpu.memory_space<vmem_shared>> -> memref<10240x64xf32, #tpu.memory_space<vmem_shared>>
        tpu.wait_indirect_dma semaphore(%arg29 : memref<!tpu.dma_semaphore, #tpu.memory_space<semaphore_mem>>) src(%arg14 : memref<128x64xf32, #tpu.memory_space<vmem>>) dst(%dma_wait3A_454 : memref<10240x64xf32, #tpu.memory_space<vmem_shared>>)
      } else {
      }
      %add3A_441 = arith.constant 5 : i32
      %add3A_442 = arith.addi %add3A_423, %add3A_441 : i32
      %lt3A_443 = arith.constant 80 : i32
      %lt3A_444 = arith.cmpi slt, %add3A_442, %lt3A_443 : i32
      %convert_element_type3A_445 = arith.extui %lt3A_444 : i1 to i32
      %cond3A_446 = arith.constant 0 : i32
      %cond3A_447 = arith.cmpi ne, %convert_element_type3A_445, %cond3A_446 : i32
      scf.if %cond3A_447 {
        %add3A_448 = arith.constant 5 : i32
        %add3A_449 = arith.addi %add3A_423, %add3A_448 : i32
        %dma_start3A_450 = arith.constant 0 : i32
        %dma_start3A_451 = tpu.memref_slice %arg8[%add3A_449, %dma_start3A_450] : memref<80x128xi32, #tpu.memory_space<vmem>> -> memref<1x128xi32, #tpu.memory_space<vmem>>
        %dma_start3A_452 = tpu.memref_squeeze %dma_start3A_451 : memref<1x128xi32, #tpu.memory_space<vmem>> -> memref<128xi32, #tpu.memory_space<vmem>>
        %dma_start3A_453 = arith.constant 0 : i32
        %dma_start3A_454 = arith.constant 0 : i32
        %dma_start3A_455 = tpu.memref_slice %arg2[%dma_start3A_453, %dma_start3A_454] : memref<20480x64xf32, #tpu.memory_space<hbm>> -> memref<20480x64xf32, #tpu.memory_space<hbm>>
        tpu.enqueue_indirect_dma source(%dma_start3A_455 : memref<20480x64xf32, #tpu.memory_space<hbm>>) target(%arg14 : memref<128x64xf32, #tpu.memory_space<vmem>>) offsets(%dma_start3A_452 : memref<128xi32, #tpu.memory_space<vmem>>) semaphore(%arg22 : memref<!tpu.dma_semaphore, #tpu.memory_space<semaphore_mem>>)
      } else {
      }
    }
    %scan3A_45 = arith.constant 11 : i32
    %dma_wait3A = arith.constant 77 : i32
    %dma_wait3A_46 = arith.constant 0 : i32
    %dma_wait3A_47 = tpu.memref_slice %arg8[%dma_wait3A, %dma_wait3A_46] : memref<80x128xi32, #tpu.memory_space<vmem>> -> memref<1x128xi32, #tpu.memory_space<vmem>>
    %dma_wait3A_48 = tpu.memref_squeeze %dma_wait3A_47 : memref<1x128xi32, #tpu.memory_space<vmem>> -> memref<128xi32, #tpu.memory_space<vmem>>
    %dma_wait3A_49 = arith.constant 0 : i32
    %dma_wait3A_50 = arith.constant 0 : i32
    %dma_wait3A_51 = tpu.memref_slice %arg2[%dma_wait3A_49, %dma_wait3A_50] : memref<20480x64xf32, #tpu.memory_space<hbm>> -> memref<20480x64xf32, #tpu.memory_space<hbm>>
    tpu.wait_indirect_dma semaphore(%arg18 : memref<!tpu.dma_semaphore, #tpu.memory_space<semaphore_mem>>) src(%dma_wait3A_51 : memref<20480x64xf32, #tpu.memory_space<hbm>>) dst(%arg10 : memref<128x64xf32, #tpu.memory_space<vmem>>)
    %dma_start3A_52 = arith.constant 77 : i32
    %dma_start3A_53 = arith.constant 0 : i32
    %dma_start3A_54 = tpu.memref_slice %arg9[%dma_start3A_52, %dma_start3A_53] : memref<80x128xi32, #tpu.memory_space<vmem>> -> memref<1x128xi32, #tpu.memory_space<vmem>>
    %dma_start3A_55 = tpu.memref_squeeze %dma_start3A_54 : memref<1x128xi32, #tpu.memory_space<vmem>> -> memref<128xi32, #tpu.memory_space<vmem>>
    %dma_start3A_56 = arith.constant 0 : i32
    %dma_start3A_57 = arith.constant 0 : i32
    %dma_start3A_58 = tpu.memref_slice %arg17[%dma_start3A_56, %dma_start3A_57] : memref<10240x64xf32, #tpu.memory_space<vmem_shared>> -> memref<10240x64xf32, #tpu.memory_space<vmem_shared>>
    tpu.enqueue_indirect_dma source(%arg10 : memref<128x64xf32, #tpu.memory_space<vmem>>) target(%dma_start3A_58 : memref<10240x64xf32, #tpu.memory_space<vmem_shared>>) offsets(%dma_start3A_55 : memref<128xi32, #tpu.memory_space<vmem>>) semaphore(%arg25 : memref<!tpu.dma_semaphore, #tpu.memory_space<semaphore_mem>>) {add = true}
    %dma_wait3A_59 = arith.constant 75 : i32
    %dma_wait3A_60 = arith.constant 0 : i32
    %dma_wait3A_61 = tpu.memref_slice %arg9[%dma_wait3A_59, %dma_wait3A_60] : memref<80x128xi32, #tpu.memory_space<vmem>> -> memref<1x128xi32, #tpu.memory_space<vmem>>
    %dma_wait3A_62 = tpu.memref_squeeze %dma_wait3A_61 : memref<1x128xi32, #tpu.memory_space<vmem>> -> memref<128xi32, #tpu.memory_space<vmem>>
    %dma_wait3A_63 = arith.constant 0 : i32
    %dma_wait3A_64 = arith.constant 0 : i32
    %dma_wait3A_65 = tpu.memref_slice %arg17[%dma_wait3A_63, %dma_wait3A_64] : memref<10240x64xf32, #tpu.memory_space<vmem_shared>> -> memref<10240x64xf32, #tpu.memory_space<vmem_shared>>
    tpu.wait_indirect_dma semaphore(%arg30 : memref<!tpu.dma_semaphore, #tpu.memory_space<semaphore_mem>>) src(%arg15 : memref<128x64xf32, #tpu.memory_space<vmem>>) dst(%dma_wait3A_65 : memref<10240x64xf32, #tpu.memory_space<vmem_shared>>)
    %dma_wait3A_66 = arith.constant 78 : i32
    %dma_wait3A_67 = arith.constant 0 : i32
    %dma_wait3A_68 = tpu.memref_slice %arg8[%dma_wait3A_66, %dma_wait3A_67] : memref<80x128xi32, #tpu.memory_space<vmem>> -> memref<1x128xi32, #tpu.memory_space<vmem>>
    %dma_wait3A_69 = tpu.memref_squeeze %dma_wait3A_68 : memref<1x128xi32, #tpu.memory_space<vmem>> -> memref<128xi32, #tpu.memory_space<vmem>>
    %dma_wait3A_70 = arith.constant 0 : i32
    %dma_wait3A_71 = arith.constant 0 : i32
    %dma_wait3A_72 = tpu.memref_slice %arg2[%dma_wait3A_70, %dma_wait3A_71] : memref<20480x64xf32, #tpu.memory_space<hbm>> -> memref<20480x64xf32, #tpu.memory_space<hbm>>
    tpu.wait_indirect_dma semaphore(%arg19 : memref<!tpu.dma_semaphore, #tpu.memory_space<semaphore_mem>>) src(%dma_wait3A_72 : memref<20480x64xf32, #tpu.memory_space<hbm>>) dst(%arg11 : memref<128x64xf32, #tpu.memory_space<vmem>>)
    %dma_start3A_73 = arith.constant 78 : i32
    %dma_start3A_74 = arith.constant 0 : i32
    %dma_start3A_75 = tpu.memref_slice %arg9[%dma_start3A_73, %dma_start3A_74] : memref<80x128xi32, #tpu.memory_space<vmem>> -> memref<1x128xi32, #tpu.memory_space<vmem>>
    %dma_start3A_76 = tpu.memref_squeeze %dma_start3A_75 : memref<1x128xi32, #tpu.memory_space<vmem>> -> memref<128xi32, #tpu.memory_space<vmem>>
    %dma_start3A_77 = arith.constant 0 : i32
    %dma_start3A_78 = arith.constant 0 : i32
    %dma_start3A_79 = tpu.memref_slice %arg17[%dma_start3A_77, %dma_start3A_78] : memref<10240x64xf32, #tpu.memory_space<vmem_shared>> -> memref<10240x64xf32, #tpu.memory_space<vmem_shared>>
    tpu.enqueue_indirect_dma source(%arg11 : memref<128x64xf32, #tpu.memory_space<vmem>>) target(%dma_start3A_79 : memref<10240x64xf32, #tpu.memory_space<vmem_shared>>) offsets(%dma_start3A_76 : memref<128xi32, #tpu.memory_space<vmem>>) semaphore(%arg26 : memref<!tpu.dma_semaphore, #tpu.memory_space<semaphore_mem>>) {add = true}
    %dma_wait3A_80 = arith.constant 76 : i32
    %dma_wait3A_81 = arith.constant 0 : i32
    %dma_wait3A_82 = tpu.memref_slice %arg9[%dma_wait3A_80, %dma_wait3A_81] : memref<80x128xi32, #tpu.memory_space<vmem>> -> memref<1x128xi32, #tpu.memory_space<vmem>>
    %dma_wait3A_83 = tpu.memref_squeeze %dma_wait3A_82 : memref<1x128xi32, #tpu.memory_space<vmem>> -> memref<128xi32, #tpu.memory_space<vmem>>
    %dma_wait3A_84 = arith.constant 0 : i32
    %dma_wait3A_85 = arith.constant 0 : i32
    %dma_wait3A_86 = tpu.memref_slice %arg17[%dma_wait3A_84, %dma_wait3A_85] : memref<10240x64xf32, #tpu.memory_space<vmem_shared>> -> memref<10240x64xf32, #tpu.memory_space<vmem_shared>>
    tpu.wait_indirect_dma semaphore(%arg31 : memref<!tpu.dma_semaphore, #tpu.memory_space<semaphore_mem>>) src(%arg16 : memref<128x64xf32, #tpu.memory_space<vmem>>) dst(%dma_wait3A_86 : memref<10240x64xf32, #tpu.memory_space<vmem_shared>>)
    %dma_wait3A_87 = arith.constant 79 : i32
    %dma_wait3A_88 = arith.constant 0 : i32
    %dma_wait3A_89 = tpu.memref_slice %arg8[%dma_wait3A_87, %dma_wait3A_88] : memref<80x128xi32, #tpu.memory_space<vmem>> -> memref<1x128xi32, #tpu.memory_space<vmem>>
    %dma_wait3A_90 = tpu.memref_squeeze %dma_wait3A_89 : memref<1x128xi32, #tpu.memory_space<vmem>> -> memref<128xi32, #tpu.memory_space<vmem>>
    %dma_wait3A_91 = arith.constant 0 : i32
    %dma_wait3A_92 = arith.constant 0 : i32
    %dma_wait3A_93 = tpu.memref_slice %arg2[%dma_wait3A_91, %dma_wait3A_92] : memref<20480x64xf32, #tpu.memory_space<hbm>> -> memref<20480x64xf32, #tpu.memory_space<hbm>>
    tpu.wait_indirect_dma semaphore(%arg20 : memref<!tpu.dma_semaphore, #tpu.memory_space<semaphore_mem>>) src(%dma_wait3A_93 : memref<20480x64xf32, #tpu.memory_space<hbm>>) dst(%arg12 : memref<128x64xf32, #tpu.memory_space<vmem>>)
    %dma_start3A_94 = arith.constant 79 : i32
    %dma_start3A_95 = arith.constant 0 : i32
    %dma_start3A_96 = tpu.memref_slice %arg9[%dma_start3A_94, %dma_start3A_95] : memref<80x128xi32, #tpu.memory_space<vmem>> -> memref<1x128xi32, #tpu.memory_space<vmem>>
    %dma_start3A_97 = tpu.memref_squeeze %dma_start3A_96 : memref<1x128xi32, #tpu.memory_space<vmem>> -> memref<128xi32, #tpu.memory_space<vmem>>
    %dma_start3A_98 = arith.constant 0 : i32
    %dma_start3A_99 = arith.constant 0 : i32
    %dma_start3A_100 = tpu.memref_slice %arg17[%dma_start3A_98, %dma_start3A_99] : memref<10240x64xf32, #tpu.memory_space<vmem_shared>> -> memref<10240x64xf32, #tpu.memory_space<vmem_shared>>
    tpu.enqueue_indirect_dma source(%arg12 : memref<128x64xf32, #tpu.memory_space<vmem>>) target(%dma_start3A_100 : memref<10240x64xf32, #tpu.memory_space<vmem_shared>>) offsets(%dma_start3A_97 : memref<128xi32, #tpu.memory_space<vmem>>) semaphore(%arg27 : memref<!tpu.dma_semaphore, #tpu.memory_space<semaphore_mem>>) {add = true}
    %dma_wait3A_101 = arith.constant 77 : i32
    %dma_wait3A_102 = arith.constant 0 : i32
    %dma_wait3A_103 = tpu.memref_slice %arg9[%dma_wait3A_101, %dma_wait3A_102] : memref<80x128xi32, #tpu.memory_space<vmem>> -> memref<1x128xi32, #tpu.memory_space<vmem>>
    %dma_wait3A_104 = tpu.memref_squeeze %dma_wait3A_103 : memref<1x128xi32, #tpu.memory_space<vmem>> -> memref<128xi32, #tpu.memory_space<vmem>>
    %dma_wait3A_105 = arith.constant 0 : i32
    %dma_wait3A_106 = arith.constant 0 : i32
    %dma_wait3A_107 = tpu.memref_slice %arg17[%dma_wait3A_105, %dma_wait3A_106] : memref<10240x64xf32, #tpu.memory_space<vmem_shared>> -> memref<10240x64xf32, #tpu.memory_space<vmem_shared>>
    tpu.wait_indirect_dma semaphore(%arg25 : memref<!tpu.dma_semaphore, #tpu.memory_space<semaphore_mem>>) src(%arg10 : memref<128x64xf32, #tpu.memory_space<vmem>>) dst(%dma_wait3A_107 : memref<10240x64xf32, #tpu.memory_space<vmem_shared>>)
    %dma_wait3A_108 = arith.constant 78 : i32
    %dma_wait3A_109 = arith.constant 0 : i32
    %dma_wait3A_110 = tpu.memref_slice %arg9[%dma_wait3A_108, %dma_wait3A_109] : memref<80x128xi32, #tpu.memory_space<vmem>> -> memref<1x128xi32, #tpu.memory_space<vmem>>
    %dma_wait3A_111 = tpu.memref_squeeze %dma_wait3A_110 : memref<1x128xi32, #tpu.memory_space<vmem>> -> memref<128xi32, #tpu.memory_space<vmem>>
    %dma_wait3A_112 = arith.constant 0 : i32
    %dma_wait3A_113 = arith.constant 0 : i32
    %dma_wait3A_114 = tpu.memref_slice %arg17[%dma_wait3A_112, %dma_wait3A_113] : memref<10240x64xf32, #tpu.memory_space<vmem_shared>> -> memref<10240x64xf32, #tpu.memory_space<vmem_shared>>
    tpu.wait_indirect_dma semaphore(%arg26 : memref<!tpu.dma_semaphore, #tpu.memory_space<semaphore_mem>>) src(%arg11 : memref<128x64xf32, #tpu.memory_space<vmem>>) dst(%dma_wait3A_114 : memref<10240x64xf32, #tpu.memory_space<vmem_shared>>)
    %dma_wait3A_115 = arith.constant 79 : i32
    %dma_wait3A_116 = arith.constant 0 : i32
    %dma_wait3A_117 = tpu.memref_slice %arg9[%dma_wait3A_115, %dma_wait3A_116] : memref<80x128xi32, #tpu.memory_space<vmem>> -> memref<1x128xi32, #tpu.memory_space<vmem>>
    %dma_wait3A_118 = tpu.memref_squeeze %dma_wait3A_117 : memref<1x128xi32, #tpu.memory_space<vmem>> -> memref<128xi32, #tpu.memory_space<vmem>>
    %dma_wait3A_119 = arith.constant 0 : i32
    %dma_wait3A_120 = arith.constant 0 : i32
    %dma_wait3A_121 = tpu.memref_slice %arg17[%dma_wait3A_119, %dma_wait3A_120] : memref<10240x64xf32, #tpu.memory_space<vmem_shared>> -> memref<10240x64xf32, #tpu.memory_space<vmem_shared>>
    tpu.wait_indirect_dma semaphore(%arg27 : memref<!tpu.dma_semaphore, #tpu.memory_space<semaphore_mem>>) src(%arg12 : memref<128x64xf32, #tpu.memory_space<vmem>>) dst(%dma_wait3A_121 : memref<10240x64xf32, #tpu.memory_space<vmem_shared>>)
    %barrier3A_122 = arith.constant 0 : index
    tpu.barrier barrier_id(%barrier3A_122)
    %mul3A_123 = arith.constant 640 : i32
    %mul3A_124 = arith.muli %arg1, %mul3A_123 : i32
    %mul3A_125 = arith.constant 640 : i32
    %mul3A_126 = arith.muli %arg1, %mul3A_125 : i32
    "tpu.region"() ({
      %run_scoped3A = tpu.sem_alloc : memref<!tpu.dma_semaphore, #tpu.memory_space<semaphore_mem>>
      %dma_start3A_255 = arith.constant 0 : i32
      %dma_start3A_256 = tpu.memref_slice %arg7[%arg0, %mul3A_126, %dma_start3A_255] : memref<2x10240x128xf32, #tpu.memory_space<hbm>> -> memref<1x640x64xf32, #tpu.memory_space<hbm>>
      %dma_start3A_257 = tpu.memref_squeeze %dma_start3A_256 : memref<1x640x64xf32, #tpu.memory_space<hbm>> -> memref<640x64xf32, #tpu.memory_space<hbm>>
      %dma_start3A_258 = arith.constant 0 : i32
      %dma_start3A_259 = tpu.memref_slice %arg17[%mul3A_124, %dma_start3A_258] : memref<10240x64xf32, #tpu.memory_space<vmem_shared>> -> memref<640x64xf32, #tpu.memory_space<vmem_shared>>
      tpu.enqueue_dma source(%dma_start3A_259 : memref<640x64xf32, #tpu.memory_space<vmem_shared>>) target(%dma_start3A_257 : memref<640x64xf32, #tpu.memory_space<hbm>>) target_semaphore(%run_scoped3A : memref<!tpu.dma_semaphore, #tpu.memory_space<semaphore_mem>>)
      %dma_wait3A_260 = arith.constant 0 : i32
      %dma_wait3A_261 = tpu.memref_slice %arg7[%arg0, %mul3A_126, %dma_wait3A_260] : memref<2x10240x128xf32, #tpu.memory_space<hbm>> -> memref<1x640x64xf32, #tpu.memory_space<hbm>>
      %dma_wait3A_262 = tpu.memref_squeeze %dma_wait3A_261 : memref<1x640x64xf32, #tpu.memory_space<hbm>> -> memref<640x64xf32, #tpu.memory_space<hbm>>
      %dma_wait3A_263 = arith.constant 0 : i32
      %dma_wait3A_264 = tpu.memref_slice %arg17[%mul3A_124, %dma_wait3A_263] : memref<10240x64xf32, #tpu.memory_space<vmem_shared>> -> memref<640x64xf32, #tpu.memory_space<vmem_shared>>
      tpu.wait_dma2 semaphore(%run_scoped3A : memref<!tpu.dma_semaphore, #tpu.memory_space<semaphore_mem>>) src(%dma_wait3A_264 : memref<640x64xf32, #tpu.memory_space<vmem_shared>>) dst(%dma_wait3A_262 : memref<640x64xf32, #tpu.memory_space<hbm>>)
      tpu.yield
    }) : () -> ()
    %mul3A_127 = arith.constant 80 : i32
    %mul3A_128 = arith.muli %add3A, %mul3A_127 : i32
    "tpu.region"() ({
      %run_scoped3A = tpu.sem_alloc : memref<!tpu.dma_semaphore, #tpu.memory_space<semaphore_mem>>
      %dma_start3A_255 = arith.constant 0 : i32
      %dma_start3A_256 = tpu.memref_slice %arg4[%mul3A_128, %dma_start3A_255] : memref<2560x128xi32, #tpu.memory_space<hbm>> -> memref<80x128xi32, #tpu.memory_space<hbm>>
      %dma_start3A_257 = arith.constant 0 : i32
      %dma_start3A_258 = tpu.memref_slice %arg4[%mul3A_128, %dma_start3A_257] : memref<2560x128xi32, #tpu.memory_space<hbm>> -> memref<80x128xi32, #tpu.memory_space<hbm>>
      tpu.enqueue_dma source(%dma_start3A_258 : memref<80x128xi32, #tpu.memory_space<hbm>>) target(%arg8 : memref<80x128xi32, #tpu.memory_space<vmem>>) target_semaphore(%run_scoped3A : memref<!tpu.dma_semaphore, #tpu.memory_space<semaphore_mem>>)
      %dma_wait3A_259 = arith.constant 0 : i32
      %dma_wait3A_260 = tpu.memref_slice %arg4[%mul3A_128, %dma_wait3A_259] : memref<2560x128xi32, #tpu.memory_space<hbm>> -> memref<80x128xi32, #tpu.memory_space<hbm>>
      %dma_wait3A_261 = arith.constant 0 : i32
      %dma_wait3A_262 = tpu.memref_slice %arg4[%mul3A_128, %dma_wait3A_261] : memref<2560x128xi32, #tpu.memory_space<hbm>> -> memref<80x128xi32, #tpu.memory_space<hbm>>
      tpu.wait_dma2 semaphore(%run_scoped3A : memref<!tpu.dma_semaphore, #tpu.memory_space<semaphore_mem>>) src(%dma_wait3A_262 : memref<80x128xi32, #tpu.memory_space<hbm>>) dst(%arg8 : memref<80x128xi32, #tpu.memory_space<vmem>>)
      tpu.yield
    }) : () -> ()
    %mul3A_129 = arith.constant 640 : i32
    %mul3A_130 = arith.muli %arg1, %mul3A_129 : i32
    "tpu.region"() ({
      %run_scoped3A = tpu.sem_alloc : memref<!tpu.dma_semaphore, #tpu.memory_space<semaphore_mem>>
      %dma_start3A_255 = arith.constant 0 : i32
      %dma_start3A_256 = tpu.memref_slice %arg17[%mul3A_130, %dma_start3A_255] : memref<10240x64xf32, #tpu.memory_space<vmem_shared>> -> memref<640x64xf32, #tpu.memory_space<vmem_shared>>
      tpu.enqueue_dma source(%arg6 : memref<640x64xf32, #tpu.memory_space<hbm>>) target(%dma_start3A_256 : memref<640x64xf32, #tpu.memory_space<vmem_shared>>) target_semaphore(%run_scoped3A : memref<!tpu.dma_semaphore, #tpu.memory_space<semaphore_mem>>)
      %dma_wait3A_257 = arith.constant 0 : i32
      %dma_wait3A_258 = tpu.memref_slice %arg17[%mul3A_130, %dma_wait3A_257] : memref<10240x64xf32, #tpu.memory_space<vmem_shared>> -> memref<640x64xf32, #tpu.memory_space<vmem_shared>>
      tpu.wait_dma2 semaphore(%run_scoped3A : memref<!tpu.dma_semaphore, #tpu.memory_space<semaphore_mem>>) src(%arg6 : memref<640x64xf32, #tpu.memory_space<hbm>>) dst(%dma_wait3A_258 : memref<640x64xf32, #tpu.memory_space<vmem_shared>>)
      tpu.yield
    }) : () -> ()
    %barrier3A_131 = arith.constant 0 : index
    tpu.barrier barrier_id(%barrier3A_131)
    %dma_start3A_132 = arith.constant 0 : i32
    %dma_start3A_133 = arith.constant 0 : i32
    %dma_start3A_134 = tpu.memref_slice %arg8[%dma_start3A_132, %dma_start3A_133] : memref<80x128xi32, #tpu.memory_space<vmem>> -> memref<1x128xi32, #tpu.memory_space<vmem>>
    %dma_start3A_135 = tpu.memref_squeeze %dma_start3A_134 : memref<1x128xi32, #tpu.memory_space<vmem>> -> memref<128xi32, #tpu.memory_space<vmem>>
    %dma_start3A_136 = arith.constant 0 : i32
    %dma_start3A_137 = arith.constant 0 : i32
    %dma_start3A_138 = tpu.memref_slice %arg2[%dma_start3A_136, %dma_start3A_137] : memref<20480x64xf32, #tpu.memory_space<hbm>> -> memref<20480x64xf32, #tpu.memory_space<hbm>>
    tpu.enqueue_indirect_dma source(%dma_start3A_138 : memref<20480x64xf32, #tpu.memory_space<hbm>>) target(%arg10 : memref<128x64xf32, #tpu.memory_space<vmem>>) offsets(%dma_start3A_135 : memref<128xi32, #tpu.memory_space<vmem>>) semaphore(%arg18 : memref<!tpu.dma_semaphore, #tpu.memory_space<semaphore_mem>>)
    %dma_start3A_139 = arith.constant 1 : i32
    %dma_start3A_140 = arith.constant 0 : i32
    %dma_start3A_141 = tpu.memref_slice %arg8[%dma_start3A_139, %dma_start3A_140] : memref<80x128xi32, #tpu.memory_space<vmem>> -> memref<1x128xi32, #tpu.memory_space<vmem>>
    %dma_start3A_142 = tpu.memref_squeeze %dma_start3A_141 : memref<1x128xi32, #tpu.memory_space<vmem>> -> memref<128xi32, #tpu.memory_space<vmem>>
    %dma_start3A_143 = arith.constant 0 : i32
    %dma_start3A_144 = arith.constant 0 : i32
    %dma_start3A_145 = tpu.memref_slice %arg2[%dma_start3A_143, %dma_start3A_144] : memref<20480x64xf32, #tpu.memory_space<hbm>> -> memref<20480x64xf32, #tpu.memory_space<hbm>>
    tpu.enqueue_indirect_dma source(%dma_start3A_145 : memref<20480x64xf32, #tpu.memory_space<hbm>>) target(%arg11 : memref<128x64xf32, #tpu.memory_space<vmem>>) offsets(%dma_start3A_142 : memref<128xi32, #tpu.memory_space<vmem>>) semaphore(%arg19 : memref<!tpu.dma_semaphore, #tpu.memory_space<semaphore_mem>>)
    %dma_start3A_146 = arith.constant 2 : i32
    %dma_start3A_147 = arith.constant 0 : i32
    %dma_start3A_148 = tpu.memref_slice %arg8[%dma_start3A_146, %dma_start3A_147] : memref<80x128xi32, #tpu.memory_space<vmem>> -> memref<1x128xi32, #tpu.memory_space<vmem>>
    %dma_start3A_149 = tpu.memref_squeeze %dma_start3A_148 : memref<1x128xi32, #tpu.memory_space<vmem>> -> memref<128xi32, #tpu.memory_space<vmem>>
    %dma_start3A_150 = arith.constant 0 : i32
    %dma_start3A_151 = arith.constant 0 : i32
    %dma_start3A_152 = tpu.memref_slice %arg2[%dma_start3A_150, %dma_start3A_151] : memref<20480x64xf32, #tpu.memory_space<hbm>> -> memref<20480x64xf32, #tpu.memory_space<hbm>>
    tpu.enqueue_indirect_dma source(%dma_start3A_152 : memref<20480x64xf32, #tpu.memory_space<hbm>>) target(%arg12 : memref<128x64xf32, #tpu.memory_space<vmem>>) offsets(%dma_start3A_149 : memref<128xi32, #tpu.memory_space<vmem>>) semaphore(%arg20 : memref<!tpu.dma_semaphore, #tpu.memory_space<semaphore_mem>>)
    %dma_start3A_153 = arith.constant 3 : i32
    %dma_start3A_154 = arith.constant 0 : i32
    %dma_start3A_155 = tpu.memref_slice %arg8[%dma_start3A_153, %dma_start3A_154] : memref<80x128xi32, #tpu.memory_space<vmem>> -> memref<1x128xi32, #tpu.memory_space<vmem>>
    %dma_start3A_156 = tpu.memref_squeeze %dma_start3A_155 : memref<1x128xi32, #tpu.memory_space<vmem>> -> memref<128xi32, #tpu.memory_space<vmem>>
    %dma_start3A_157 = arith.constant 0 : i32
    %dma_start3A_158 = arith.constant 0 : i32
    %dma_start3A_159 = tpu.memref_slice %arg2[%dma_start3A_157, %dma_start3A_158] : memref<20480x64xf32, #tpu.memory_space<hbm>> -> memref<20480x64xf32, #tpu.memory_space<hbm>>
    tpu.enqueue_indirect_dma source(%dma_start3A_159 : memref<20480x64xf32, #tpu.memory_space<hbm>>) target(%arg13 : memref<128x64xf32, #tpu.memory_space<vmem>>) offsets(%dma_start3A_156 : memref<128xi32, #tpu.memory_space<vmem>>) semaphore(%arg21 : memref<!tpu.dma_semaphore, #tpu.memory_space<semaphore_mem>>)
    %dma_start3A_160 = arith.constant 4 : i32
    %dma_start3A_161 = arith.constant 0 : i32
    %dma_start3A_162 = tpu.memref_slice %arg8[%dma_start3A_160, %dma_start3A_161] : memref<80x128xi32, #tpu.memory_space<vmem>> -> memref<1x128xi32, #tpu.memory_space<vmem>>
    %dma_start3A_163 = tpu.memref_squeeze %dma_start3A_162 : memref<1x128xi32, #tpu.memory_space<vmem>> -> memref<128xi32, #tpu.memory_space<vmem>>
    %dma_start3A_164 = arith.constant 0 : i32
    %dma_start3A_165 = arith.constant 0 : i32
    %dma_start3A_166 = tpu.memref_slice %arg2[%dma_start3A_164, %dma_start3A_165] : memref<20480x64xf32, #tpu.memory_space<hbm>> -> memref<20480x64xf32, #tpu.memory_space<hbm>>
    tpu.enqueue_indirect_dma source(%dma_start3A_166 : memref<20480x64xf32, #tpu.memory_space<hbm>>) target(%arg14 : memref<128x64xf32, #tpu.memory_space<vmem>>) offsets(%dma_start3A_163 : memref<128xi32, #tpu.memory_space<vmem>>) semaphore(%arg22 : memref<!tpu.dma_semaphore, #tpu.memory_space<semaphore_mem>>)
    %scan3A_167 = arith.constant 0 : i32
    %scan3A_168 = arith.constant 0 : i32
    %scan3A_169 = arith.constant 11 : i32
    %scan3A_170 = arith.addi %scan3A_168, %scan3A_169 : i32
    %scan3A_171 = arith.constant 1 : i32
    scf.for %scan3A_255 = %scan3A_168 to %scan3A_170 step %scan3A_171  : i32 {
      %mul3A_256 = arith.constant 7 : i32
      %mul3A_257 = arith.muli %scan3A_255, %mul3A_256 : i32
      %add3A_258 = arith.constant 0 : i32
      %add3A_259 = arith.addi %mul3A_257, %add3A_258 : i32
      %dma_wait3A_260 = arith.constant 0 : i32
      %dma_wait3A_261 = tpu.memref_slice %arg8[%add3A_259, %dma_wait3A_260] : memref<80x128xi32, #tpu.memory_space<vmem>> -> memref<1x128xi32, #tpu.memory_space<vmem>>
      %dma_wait3A_262 = tpu.memref_squeeze %dma_wait3A_261 : memref<1x128xi32, #tpu.memory_space<vmem>> -> memref<128xi32, #tpu.memory_space<vmem>>
      %dma_wait3A_263 = arith.constant 0 : i32
      %dma_wait3A_264 = arith.constant 0 : i32
      %dma_wait3A_265 = tpu.memref_slice %arg2[%dma_wait3A_263, %dma_wait3A_264] : memref<20480x64xf32, #tpu.memory_space<hbm>> -> memref<20480x64xf32, #tpu.memory_space<hbm>>
      tpu.wait_indirect_dma semaphore(%arg18 : memref<!tpu.dma_semaphore, #tpu.memory_space<semaphore_mem>>) src(%dma_wait3A_265 : memref<20480x64xf32, #tpu.memory_space<hbm>>) dst(%arg10 : memref<128x64xf32, #tpu.memory_space<vmem>>)
      %dma_start3A_266 = arith.constant 0 : i32
      %dma_start3A_267 = tpu.memref_slice %arg9[%add3A_259, %dma_start3A_266] : memref<80x128xi32, #tpu.memory_space<vmem>> -> memref<1x128xi32, #tpu.memory_space<vmem>>
      %dma_start3A_268 = tpu.memref_squeeze %dma_start3A_267 : memref<1x128xi32, #tpu.memory_space<vmem>> -> memref<128xi32, #tpu.memory_space<vmem>>
      %dma_start3A_269 = arith.constant 0 : i32
      %dma_start3A_270 = arith.constant 0 : i32
      %dma_start3A_271 = tpu.memref_slice %arg17[%dma_start3A_269, %dma_start3A_270] : memref<10240x64xf32, #tpu.memory_space<vmem_shared>> -> memref<10240x64xf32, #tpu.memory_space<vmem_shared>>
      tpu.enqueue_indirect_dma source(%arg10 : memref<128x64xf32, #tpu.memory_space<vmem>>) target(%dma_start3A_271 : memref<10240x64xf32, #tpu.memory_space<vmem_shared>>) offsets(%dma_start3A_268 : memref<128xi32, #tpu.memory_space<vmem>>) semaphore(%arg25 : memref<!tpu.dma_semaphore, #tpu.memory_space<semaphore_mem>>) {add = true}
      %ge3A = arith.constant 2 : i32
      %ge3A_272 = arith.cmpi sge, %add3A_259, %ge3A : i32
      %convert_element_type3A = arith.extui %ge3A_272 : i1 to i32
      %cond3A = arith.constant 0 : i32
      %cond3A_273 = arith.cmpi ne, %convert_element_type3A, %cond3A : i32
      scf.if %cond3A_273 {
        %sub3A = arith.constant 2 : i32
        %sub3A_448 = arith.subi %add3A_259, %sub3A : i32
        %dma_wait3A_449 = arith.constant 0 : i32
        %dma_wait3A_450 = tpu.memref_slice %arg9[%sub3A_448, %dma_wait3A_449] : memref<80x128xi32, #tpu.memory_space<vmem>> -> memref<1x128xi32, #tpu.memory_space<vmem>>
        %dma_wait3A_451 = tpu.memref_squeeze %dma_wait3A_450 : memref<1x128xi32, #tpu.memory_space<vmem>> -> memref<128xi32, #tpu.memory_space<vmem>>
        %dma_wait3A_452 = arith.constant 0 : i32
        %dma_wait3A_453 = arith.constant 0 : i32
        %dma_wait3A_454 = tpu.memref_slice %arg17[%dma_wait3A_452, %dma_wait3A_453] : memref<10240x64xf32, #tpu.memory_space<vmem_shared>> -> memref<10240x64xf32, #tpu.memory_space<vmem_shared>>
        tpu.wait_indirect_dma semaphore(%arg30 : memref<!tpu.dma_semaphore, #tpu.memory_space<semaphore_mem>>) src(%arg15 : memref<128x64xf32, #tpu.memory_space<vmem>>) dst(%dma_wait3A_454 : memref<10240x64xf32, #tpu.memory_space<vmem_shared>>)
      } else {
      }
      %add3A_274 = arith.constant 5 : i32
      %add3A_275 = arith.addi %add3A_259, %add3A_274 : i32
      %lt3A = arith.constant 80 : i32
      %lt3A_276 = arith.cmpi slt, %add3A_275, %lt3A : i32
      %convert_element_type3A_277 = arith.extui %lt3A_276 : i1 to i32
      %cond3A_278 = arith.constant 0 : i32
      %cond3A_279 = arith.cmpi ne, %convert_element_type3A_277, %cond3A_278 : i32
      scf.if %cond3A_279 {
        %add3A_448 = arith.constant 5 : i32
        %add3A_449 = arith.addi %add3A_259, %add3A_448 : i32
        %dma_start3A_450 = arith.constant 0 : i32
        %dma_start3A_451 = tpu.memref_slice %arg8[%add3A_449, %dma_start3A_450] : memref<80x128xi32, #tpu.memory_space<vmem>> -> memref<1x128xi32, #tpu.memory_space<vmem>>
        %dma_start3A_452 = tpu.memref_squeeze %dma_start3A_451 : memref<1x128xi32, #tpu.memory_space<vmem>> -> memref<128xi32, #tpu.memory_space<vmem>>
        %dma_start3A_453 = arith.constant 0 : i32
        %dma_start3A_454 = arith.constant 0 : i32
        %dma_start3A_455 = tpu.memref_slice %arg2[%dma_start3A_453, %dma_start3A_454] : memref<20480x64xf32, #tpu.memory_space<hbm>> -> memref<20480x64xf32, #tpu.memory_space<hbm>>
        tpu.enqueue_indirect_dma source(%dma_start3A_455 : memref<20480x64xf32, #tpu.memory_space<hbm>>) target(%arg15 : memref<128x64xf32, #tpu.memory_space<vmem>>) offsets(%dma_start3A_452 : memref<128xi32, #tpu.memory_space<vmem>>) semaphore(%arg23 : memref<!tpu.dma_semaphore, #tpu.memory_space<semaphore_mem>>)
      } else {
      }
      %mul3A_280 = arith.constant 7 : i32
      %mul3A_281 = arith.muli %scan3A_255, %mul3A_280 : i32
      %add3A_282 = arith.constant 1 : i32
      %add3A_283 = arith.addi %mul3A_281, %add3A_282 : i32
      %dma_wait3A_284 = arith.constant 0 : i32
      %dma_wait3A_285 = tpu.memref_slice %arg8[%add3A_283, %dma_wait3A_284] : memref<80x128xi32, #tpu.memory_space<vmem>> -> memref<1x128xi32, #tpu.memory_space<vmem>>
      %dma_wait3A_286 = tpu.memref_squeeze %dma_wait3A_285 : memref<1x128xi32, #tpu.memory_space<vmem>> -> memref<128xi32, #tpu.memory_space<vmem>>
      %dma_wait3A_287 = arith.constant 0 : i32
      %dma_wait3A_288 = arith.constant 0 : i32
      %dma_wait3A_289 = tpu.memref_slice %arg2[%dma_wait3A_287, %dma_wait3A_288] : memref<20480x64xf32, #tpu.memory_space<hbm>> -> memref<20480x64xf32, #tpu.memory_space<hbm>>
      tpu.wait_indirect_dma semaphore(%arg19 : memref<!tpu.dma_semaphore, #tpu.memory_space<semaphore_mem>>) src(%dma_wait3A_289 : memref<20480x64xf32, #tpu.memory_space<hbm>>) dst(%arg11 : memref<128x64xf32, #tpu.memory_space<vmem>>)
      %dma_start3A_290 = arith.constant 0 : i32
      %dma_start3A_291 = tpu.memref_slice %arg9[%add3A_283, %dma_start3A_290] : memref<80x128xi32, #tpu.memory_space<vmem>> -> memref<1x128xi32, #tpu.memory_space<vmem>>
      %dma_start3A_292 = tpu.memref_squeeze %dma_start3A_291 : memref<1x128xi32, #tpu.memory_space<vmem>> -> memref<128xi32, #tpu.memory_space<vmem>>
      %dma_start3A_293 = arith.constant 0 : i32
      %dma_start3A_294 = arith.constant 0 : i32
      %dma_start3A_295 = tpu.memref_slice %arg17[%dma_start3A_293, %dma_start3A_294] : memref<10240x64xf32, #tpu.memory_space<vmem_shared>> -> memref<10240x64xf32, #tpu.memory_space<vmem_shared>>
      tpu.enqueue_indirect_dma source(%arg11 : memref<128x64xf32, #tpu.memory_space<vmem>>) target(%dma_start3A_295 : memref<10240x64xf32, #tpu.memory_space<vmem_shared>>) offsets(%dma_start3A_292 : memref<128xi32, #tpu.memory_space<vmem>>) semaphore(%arg26 : memref<!tpu.dma_semaphore, #tpu.memory_space<semaphore_mem>>) {add = true}
      %ge3A_296 = arith.constant 2 : i32
      %ge3A_297 = arith.cmpi sge, %add3A_283, %ge3A_296 : i32
      %convert_element_type3A_298 = arith.extui %ge3A_297 : i1 to i32
      %cond3A_299 = arith.constant 0 : i32
      %cond3A_300 = arith.cmpi ne, %convert_element_type3A_298, %cond3A_299 : i32
      scf.if %cond3A_300 {
        %sub3A = arith.constant 2 : i32
        %sub3A_448 = arith.subi %add3A_283, %sub3A : i32
        %dma_wait3A_449 = arith.constant 0 : i32
        %dma_wait3A_450 = tpu.memref_slice %arg9[%sub3A_448, %dma_wait3A_449] : memref<80x128xi32, #tpu.memory_space<vmem>> -> memref<1x128xi32, #tpu.memory_space<vmem>>
        %dma_wait3A_451 = tpu.memref_squeeze %dma_wait3A_450 : memref<1x128xi32, #tpu.memory_space<vmem>> -> memref<128xi32, #tpu.memory_space<vmem>>
        %dma_wait3A_452 = arith.constant 0 : i32
        %dma_wait3A_453 = arith.constant 0 : i32
        %dma_wait3A_454 = tpu.memref_slice %arg17[%dma_wait3A_452, %dma_wait3A_453] : memref<10240x64xf32, #tpu.memory_space<vmem_shared>> -> memref<10240x64xf32, #tpu.memory_space<vmem_shared>>
        tpu.wait_indirect_dma semaphore(%arg31 : memref<!tpu.dma_semaphore, #tpu.memory_space<semaphore_mem>>) src(%arg16 : memref<128x64xf32, #tpu.memory_space<vmem>>) dst(%dma_wait3A_454 : memref<10240x64xf32, #tpu.memory_space<vmem_shared>>)
      } else {
      }
      %add3A_301 = arith.constant 5 : i32
      %add3A_302 = arith.addi %add3A_283, %add3A_301 : i32
      %lt3A_303 = arith.constant 80 : i32
      %lt3A_304 = arith.cmpi slt, %add3A_302, %lt3A_303 : i32
      %convert_element_type3A_305 = arith.extui %lt3A_304 : i1 to i32
      %cond3A_306 = arith.constant 0 : i32
      %cond3A_307 = arith.cmpi ne, %convert_element_type3A_305, %cond3A_306 : i32
      scf.if %cond3A_307 {
        %add3A_448 = arith.constant 5 : i32
        %add3A_449 = arith.addi %add3A_283, %add3A_448 : i32
        %dma_start3A_450 = arith.constant 0 : i32
        %dma_start3A_451 = tpu.memref_slice %arg8[%add3A_449, %dma_start3A_450] : memref<80x128xi32, #tpu.memory_space<vmem>> -> memref<1x128xi32, #tpu.memory_space<vmem>>
        %dma_start3A_452 = tpu.memref_squeeze %dma_start3A_451 : memref<1x128xi32, #tpu.memory_space<vmem>> -> memref<128xi32, #tpu.memory_space<vmem>>
        %dma_start3A_453 = arith.constant 0 : i32
        %dma_start3A_454 = arith.constant 0 : i32
        %dma_start3A_455 = tpu.memref_slice %arg2[%dma_start3A_453, %dma_start3A_454] : memref<20480x64xf32, #tpu.memory_space<hbm>> -> memref<20480x64xf32, #tpu.memory_space<hbm>>
        tpu.enqueue_indirect_dma source(%dma_start3A_455 : memref<20480x64xf32, #tpu.memory_space<hbm>>) target(%arg16 : memref<128x64xf32, #tpu.memory_space<vmem>>) offsets(%dma_start3A_452 : memref<128xi32, #tpu.memory_space<vmem>>) semaphore(%arg24 : memref<!tpu.dma_semaphore, #tpu.memory_space<semaphore_mem>>)
      } else {
      }
      %mul3A_308 = arith.constant 7 : i32
      %mul3A_309 = arith.muli %scan3A_255, %mul3A_308 : i32
      %add3A_310 = arith.constant 2 : i32
      %add3A_311 = arith.addi %mul3A_309, %add3A_310 : i32
      %dma_wait3A_312 = arith.constant 0 : i32
      %dma_wait3A_313 = tpu.memref_slice %arg8[%add3A_311, %dma_wait3A_312] : memref<80x128xi32, #tpu.memory_space<vmem>> -> memref<1x128xi32, #tpu.memory_space<vmem>>
      %dma_wait3A_314 = tpu.memref_squeeze %dma_wait3A_313 : memref<1x128xi32, #tpu.memory_space<vmem>> -> memref<128xi32, #tpu.memory_space<vmem>>
      %dma_wait3A_315 = arith.constant 0 : i32
      %dma_wait3A_316 = arith.constant 0 : i32
      %dma_wait3A_317 = tpu.memref_slice %arg2[%dma_wait3A_315, %dma_wait3A_316] : memref<20480x64xf32, #tpu.memory_space<hbm>> -> memref<20480x64xf32, #tpu.memory_space<hbm>>
      tpu.wait_indirect_dma semaphore(%arg20 : memref<!tpu.dma_semaphore, #tpu.memory_space<semaphore_mem>>) src(%dma_wait3A_317 : memref<20480x64xf32, #tpu.memory_space<hbm>>) dst(%arg12 : memref<128x64xf32, #tpu.memory_space<vmem>>)
      %dma_start3A_318 = arith.constant 0 : i32
      %dma_start3A_319 = tpu.memref_slice %arg9[%add3A_311, %dma_start3A_318] : memref<80x128xi32, #tpu.memory_space<vmem>> -> memref<1x128xi32, #tpu.memory_space<vmem>>
      %dma_start3A_320 = tpu.memref_squeeze %dma_start3A_319 : memref<1x128xi32, #tpu.memory_space<vmem>> -> memref<128xi32, #tpu.memory_space<vmem>>
      %dma_start3A_321 = arith.constant 0 : i32
      %dma_start3A_322 = arith.constant 0 : i32
      %dma_start3A_323 = tpu.memref_slice %arg17[%dma_start3A_321, %dma_start3A_322] : memref<10240x64xf32, #tpu.memory_space<vmem_shared>> -> memref<10240x64xf32, #tpu.memory_space<vmem_shared>>
      tpu.enqueue_indirect_dma source(%arg12 : memref<128x64xf32, #tpu.memory_space<vmem>>) target(%dma_start3A_323 : memref<10240x64xf32, #tpu.memory_space<vmem_shared>>) offsets(%dma_start3A_320 : memref<128xi32, #tpu.memory_space<vmem>>) semaphore(%arg27 : memref<!tpu.dma_semaphore, #tpu.memory_space<semaphore_mem>>) {add = true}
      %ge3A_324 = arith.constant 2 : i32
      %ge3A_325 = arith.cmpi sge, %add3A_311, %ge3A_324 : i32
      %convert_element_type3A_326 = arith.extui %ge3A_325 : i1 to i32
      %cond3A_327 = arith.constant 0 : i32
      %cond3A_328 = arith.cmpi ne, %convert_element_type3A_326, %cond3A_327 : i32
      scf.if %cond3A_328 {
        %sub3A = arith.constant 2 : i32
        %sub3A_448 = arith.subi %add3A_311, %sub3A : i32
        %dma_wait3A_449 = arith.constant 0 : i32
        %dma_wait3A_450 = tpu.memref_slice %arg9[%sub3A_448, %dma_wait3A_449] : memref<80x128xi32, #tpu.memory_space<vmem>> -> memref<1x128xi32, #tpu.memory_space<vmem>>
        %dma_wait3A_451 = tpu.memref_squeeze %dma_wait3A_450 : memref<1x128xi32, #tpu.memory_space<vmem>> -> memref<128xi32, #tpu.memory_space<vmem>>
        %dma_wait3A_452 = arith.constant 0 : i32
        %dma_wait3A_453 = arith.constant 0 : i32
        %dma_wait3A_454 = tpu.memref_slice %arg17[%dma_wait3A_452, %dma_wait3A_453] : memref<10240x64xf32, #tpu.memory_space<vmem_shared>> -> memref<10240x64xf32, #tpu.memory_space<vmem_shared>>
        tpu.wait_indirect_dma semaphore(%arg25 : memref<!tpu.dma_semaphore, #tpu.memory_space<semaphore_mem>>) src(%arg10 : memref<128x64xf32, #tpu.memory_space<vmem>>) dst(%dma_wait3A_454 : memref<10240x64xf32, #tpu.memory_space<vmem_shared>>)
      } else {
      }
      %add3A_329 = arith.constant 5 : i32
      %add3A_330 = arith.addi %add3A_311, %add3A_329 : i32
      %lt3A_331 = arith.constant 80 : i32
      %lt3A_332 = arith.cmpi slt, %add3A_330, %lt3A_331 : i32
      %convert_element_type3A_333 = arith.extui %lt3A_332 : i1 to i32
      %cond3A_334 = arith.constant 0 : i32
      %cond3A_335 = arith.cmpi ne, %convert_element_type3A_333, %cond3A_334 : i32
      scf.if %cond3A_335 {
        %add3A_448 = arith.constant 5 : i32
        %add3A_449 = arith.addi %add3A_311, %add3A_448 : i32
        %dma_start3A_450 = arith.constant 0 : i32
        %dma_start3A_451 = tpu.memref_slice %arg8[%add3A_449, %dma_start3A_450] : memref<80x128xi32, #tpu.memory_space<vmem>> -> memref<1x128xi32, #tpu.memory_space<vmem>>
        %dma_start3A_452 = tpu.memref_squeeze %dma_start3A_451 : memref<1x128xi32, #tpu.memory_space<vmem>> -> memref<128xi32, #tpu.memory_space<vmem>>
        %dma_start3A_453 = arith.constant 0 : i32
        %dma_start3A_454 = arith.constant 0 : i32
        %dma_start3A_455 = tpu.memref_slice %arg2[%dma_start3A_453, %dma_start3A_454] : memref<20480x64xf32, #tpu.memory_space<hbm>> -> memref<20480x64xf32, #tpu.memory_space<hbm>>
        tpu.enqueue_indirect_dma source(%dma_start3A_455 : memref<20480x64xf32, #tpu.memory_space<hbm>>) target(%arg10 : memref<128x64xf32, #tpu.memory_space<vmem>>) offsets(%dma_start3A_452 : memref<128xi32, #tpu.memory_space<vmem>>) semaphore(%arg18 : memref<!tpu.dma_semaphore, #tpu.memory_space<semaphore_mem>>)
      } else {
      }
      %mul3A_336 = arith.constant 7 : i32
      %mul3A_337 = arith.muli %scan3A_255, %mul3A_336 : i32
      %add3A_338 = arith.constant 3 : i32
      %add3A_339 = arith.addi %mul3A_337, %add3A_338 : i32
      %dma_wait3A_340 = arith.constant 0 : i32
      %dma_wait3A_341 = tpu.memref_slice %arg8[%add3A_339, %dma_wait3A_340] : memref<80x128xi32, #tpu.memory_space<vmem>> -> memref<1x128xi32, #tpu.memory_space<vmem>>
      %dma_wait3A_342 = tpu.memref_squeeze %dma_wait3A_341 : memref<1x128xi32, #tpu.memory_space<vmem>> -> memref<128xi32, #tpu.memory_space<vmem>>
      %dma_wait3A_343 = arith.constant 0 : i32
      %dma_wait3A_344 = arith.constant 0 : i32
      %dma_wait3A_345 = tpu.memref_slice %arg2[%dma_wait3A_343, %dma_wait3A_344] : memref<20480x64xf32, #tpu.memory_space<hbm>> -> memref<20480x64xf32, #tpu.memory_space<hbm>>
      tpu.wait_indirect_dma semaphore(%arg21 : memref<!tpu.dma_semaphore, #tpu.memory_space<semaphore_mem>>) src(%dma_wait3A_345 : memref<20480x64xf32, #tpu.memory_space<hbm>>) dst(%arg13 : memref<128x64xf32, #tpu.memory_space<vmem>>)
      %dma_start3A_346 = arith.constant 0 : i32
      %dma_start3A_347 = tpu.memref_slice %arg9[%add3A_339, %dma_start3A_346] : memref<80x128xi32, #tpu.memory_space<vmem>> -> memref<1x128xi32, #tpu.memory_space<vmem>>
      %dma_start3A_348 = tpu.memref_squeeze %dma_start3A_347 : memref<1x128xi32, #tpu.memory_space<vmem>> -> memref<128xi32, #tpu.memory_space<vmem>>
      %dma_start3A_349 = arith.constant 0 : i32
      %dma_start3A_350 = arith.constant 0 : i32
      %dma_start3A_351 = tpu.memref_slice %arg17[%dma_start3A_349, %dma_start3A_350] : memref<10240x64xf32, #tpu.memory_space<vmem_shared>> -> memref<10240x64xf32, #tpu.memory_space<vmem_shared>>
      tpu.enqueue_indirect_dma source(%arg13 : memref<128x64xf32, #tpu.memory_space<vmem>>) target(%dma_start3A_351 : memref<10240x64xf32, #tpu.memory_space<vmem_shared>>) offsets(%dma_start3A_348 : memref<128xi32, #tpu.memory_space<vmem>>) semaphore(%arg28 : memref<!tpu.dma_semaphore, #tpu.memory_space<semaphore_mem>>) {add = true}
      %ge3A_352 = arith.constant 2 : i32
      %ge3A_353 = arith.cmpi sge, %add3A_339, %ge3A_352 : i32
      %convert_element_type3A_354 = arith.extui %ge3A_353 : i1 to i32
      %cond3A_355 = arith.constant 0 : i32
      %cond3A_356 = arith.cmpi ne, %convert_element_type3A_354, %cond3A_355 : i32
      scf.if %cond3A_356 {
        %sub3A = arith.constant 2 : i32
        %sub3A_448 = arith.subi %add3A_339, %sub3A : i32
        %dma_wait3A_449 = arith.constant 0 : i32
        %dma_wait3A_450 = tpu.memref_slice %arg9[%sub3A_448, %dma_wait3A_449] : memref<80x128xi32, #tpu.memory_space<vmem>> -> memref<1x128xi32, #tpu.memory_space<vmem>>
        %dma_wait3A_451 = tpu.memref_squeeze %dma_wait3A_450 : memref<1x128xi32, #tpu.memory_space<vmem>> -> memref<128xi32, #tpu.memory_space<vmem>>
        %dma_wait3A_452 = arith.constant 0 : i32
        %dma_wait3A_453 = arith.constant 0 : i32
        %dma_wait3A_454 = tpu.memref_slice %arg17[%dma_wait3A_452, %dma_wait3A_453] : memref<10240x64xf32, #tpu.memory_space<vmem_shared>> -> memref<10240x64xf32, #tpu.memory_space<vmem_shared>>
        tpu.wait_indirect_dma semaphore(%arg26 : memref<!tpu.dma_semaphore, #tpu.memory_space<semaphore_mem>>) src(%arg11 : memref<128x64xf32, #tpu.memory_space<vmem>>) dst(%dma_wait3A_454 : memref<10240x64xf32, #tpu.memory_space<vmem_shared>>)
      } else {
      }
      %add3A_357 = arith.constant 5 : i32
      %add3A_358 = arith.addi %add3A_339, %add3A_357 : i32
      %lt3A_359 = arith.constant 80 : i32
      %lt3A_360 = arith.cmpi slt, %add3A_358, %lt3A_359 : i32
      %convert_element_type3A_361 = arith.extui %lt3A_360 : i1 to i32
      %cond3A_362 = arith.constant 0 : i32
      %cond3A_363 = arith.cmpi ne, %convert_element_type3A_361, %cond3A_362 : i32
      scf.if %cond3A_363 {
        %add3A_448 = arith.constant 5 : i32
        %add3A_449 = arith.addi %add3A_339, %add3A_448 : i32
        %dma_start3A_450 = arith.constant 0 : i32
        %dma_start3A_451 = tpu.memref_slice %arg8[%add3A_449, %dma_start3A_450] : memref<80x128xi32, #tpu.memory_space<vmem>> -> memref<1x128xi32, #tpu.memory_space<vmem>>
        %dma_start3A_452 = tpu.memref_squeeze %dma_start3A_451 : memref<1x128xi32, #tpu.memory_space<vmem>> -> memref<128xi32, #tpu.memory_space<vmem>>
        %dma_start3A_453 = arith.constant 0 : i32
        %dma_start3A_454 = arith.constant 0 : i32
        %dma_start3A_455 = tpu.memref_slice %arg2[%dma_start3A_453, %dma_start3A_454] : memref<20480x64xf32, #tpu.memory_space<hbm>> -> memref<20480x64xf32, #tpu.memory_space<hbm>>
        tpu.enqueue_indirect_dma source(%dma_start3A_455 : memref<20480x64xf32, #tpu.memory_space<hbm>>) target(%arg11 : memref<128x64xf32, #tpu.memory_space<vmem>>) offsets(%dma_start3A_452 : memref<128xi32, #tpu.memory_space<vmem>>) semaphore(%arg19 : memref<!tpu.dma_semaphore, #tpu.memory_space<semaphore_mem>>)
      } else {
      }
      %mul3A_364 = arith.constant 7 : i32
      %mul3A_365 = arith.muli %scan3A_255, %mul3A_364 : i32
      %add3A_366 = arith.constant 4 : i32
      %add3A_367 = arith.addi %mul3A_365, %add3A_366 : i32
      %dma_wait3A_368 = arith.constant 0 : i32
      %dma_wait3A_369 = tpu.memref_slice %arg8[%add3A_367, %dma_wait3A_368] : memref<80x128xi32, #tpu.memory_space<vmem>> -> memref<1x128xi32, #tpu.memory_space<vmem>>
      %dma_wait3A_370 = tpu.memref_squeeze %dma_wait3A_369 : memref<1x128xi32, #tpu.memory_space<vmem>> -> memref<128xi32, #tpu.memory_space<vmem>>
      %dma_wait3A_371 = arith.constant 0 : i32
      %dma_wait3A_372 = arith.constant 0 : i32
      %dma_wait3A_373 = tpu.memref_slice %arg2[%dma_wait3A_371, %dma_wait3A_372] : memref<20480x64xf32, #tpu.memory_space<hbm>> -> memref<20480x64xf32, #tpu.memory_space<hbm>>
      tpu.wait_indirect_dma semaphore(%arg22 : memref<!tpu.dma_semaphore, #tpu.memory_space<semaphore_mem>>) src(%dma_wait3A_373 : memref<20480x64xf32, #tpu.memory_space<hbm>>) dst(%arg14 : memref<128x64xf32, #tpu.memory_space<vmem>>)
      %dma_start3A_374 = arith.constant 0 : i32
      %dma_start3A_375 = tpu.memref_slice %arg9[%add3A_367, %dma_start3A_374] : memref<80x128xi32, #tpu.memory_space<vmem>> -> memref<1x128xi32, #tpu.memory_space<vmem>>
      %dma_start3A_376 = tpu.memref_squeeze %dma_start3A_375 : memref<1x128xi32, #tpu.memory_space<vmem>> -> memref<128xi32, #tpu.memory_space<vmem>>
      %dma_start3A_377 = arith.constant 0 : i32
      %dma_start3A_378 = arith.constant 0 : i32
      %dma_start3A_379 = tpu.memref_slice %arg17[%dma_start3A_377, %dma_start3A_378] : memref<10240x64xf32, #tpu.memory_space<vmem_shared>> -> memref<10240x64xf32, #tpu.memory_space<vmem_shared>>
      tpu.enqueue_indirect_dma source(%arg14 : memref<128x64xf32, #tpu.memory_space<vmem>>) target(%dma_start3A_379 : memref<10240x64xf32, #tpu.memory_space<vmem_shared>>) offsets(%dma_start3A_376 : memref<128xi32, #tpu.memory_space<vmem>>) semaphore(%arg29 : memref<!tpu.dma_semaphore, #tpu.memory_space<semaphore_mem>>) {add = true}
      %ge3A_380 = arith.constant 2 : i32
      %ge3A_381 = arith.cmpi sge, %add3A_367, %ge3A_380 : i32
      %convert_element_type3A_382 = arith.extui %ge3A_381 : i1 to i32
      %cond3A_383 = arith.constant 0 : i32
      %cond3A_384 = arith.cmpi ne, %convert_element_type3A_382, %cond3A_383 : i32
      scf.if %cond3A_384 {
        %sub3A = arith.constant 2 : i32
        %sub3A_448 = arith.subi %add3A_367, %sub3A : i32
        %dma_wait3A_449 = arith.constant 0 : i32
        %dma_wait3A_450 = tpu.memref_slice %arg9[%sub3A_448, %dma_wait3A_449] : memref<80x128xi32, #tpu.memory_space<vmem>> -> memref<1x128xi32, #tpu.memory_space<vmem>>
        %dma_wait3A_451 = tpu.memref_squeeze %dma_wait3A_450 : memref<1x128xi32, #tpu.memory_space<vmem>> -> memref<128xi32, #tpu.memory_space<vmem>>
        %dma_wait3A_452 = arith.constant 0 : i32
        %dma_wait3A_453 = arith.constant 0 : i32
        %dma_wait3A_454 = tpu.memref_slice %arg17[%dma_wait3A_452, %dma_wait3A_453] : memref<10240x64xf32, #tpu.memory_space<vmem_shared>> -> memref<10240x64xf32, #tpu.memory_space<vmem_shared>>
        tpu.wait_indirect_dma semaphore(%arg27 : memref<!tpu.dma_semaphore, #tpu.memory_space<semaphore_mem>>) src(%arg12 : memref<128x64xf32, #tpu.memory_space<vmem>>) dst(%dma_wait3A_454 : memref<10240x64xf32, #tpu.memory_space<vmem_shared>>)
      } else {
      }
      %add3A_385 = arith.constant 5 : i32
      %add3A_386 = arith.addi %add3A_367, %add3A_385 : i32
      %lt3A_387 = arith.constant 80 : i32
      %lt3A_388 = arith.cmpi slt, %add3A_386, %lt3A_387 : i32
      %convert_element_type3A_389 = arith.extui %lt3A_388 : i1 to i32
      %cond3A_390 = arith.constant 0 : i32
      %cond3A_391 = arith.cmpi ne, %convert_element_type3A_389, %cond3A_390 : i32
      scf.if %cond3A_391 {
        %add3A_448 = arith.constant 5 : i32
        %add3A_449 = arith.addi %add3A_367, %add3A_448 : i32
        %dma_start3A_450 = arith.constant 0 : i32
        %dma_start3A_451 = tpu.memref_slice %arg8[%add3A_449, %dma_start3A_450] : memref<80x128xi32, #tpu.memory_space<vmem>> -> memref<1x128xi32, #tpu.memory_space<vmem>>
        %dma_start3A_452 = tpu.memref_squeeze %dma_start3A_451 : memref<1x128xi32, #tpu.memory_space<vmem>> -> memref<128xi32, #tpu.memory_space<vmem>>
        %dma_start3A_453 = arith.constant 0 : i32
        %dma_start3A_454 = arith.constant 0 : i32
        %dma_start3A_455 = tpu.memref_slice %arg2[%dma_start3A_453, %dma_start3A_454] : memref<20480x64xf32, #tpu.memory_space<hbm>> -> memref<20480x64xf32, #tpu.memory_space<hbm>>
        tpu.enqueue_indirect_dma source(%dma_start3A_455 : memref<20480x64xf32, #tpu.memory_space<hbm>>) target(%arg12 : memref<128x64xf32, #tpu.memory_space<vmem>>) offsets(%dma_start3A_452 : memref<128xi32, #tpu.memory_space<vmem>>) semaphore(%arg20 : memref<!tpu.dma_semaphore, #tpu.memory_space<semaphore_mem>>)
      } else {
      }
      %mul3A_392 = arith.constant 7 : i32
      %mul3A_393 = arith.muli %scan3A_255, %mul3A_392 : i32
      %add3A_394 = arith.constant 5 : i32
      %add3A_395 = arith.addi %mul3A_393, %add3A_394 : i32
      %dma_wait3A_396 = arith.constant 0 : i32
      %dma_wait3A_397 = tpu.memref_slice %arg8[%add3A_395, %dma_wait3A_396] : memref<80x128xi32, #tpu.memory_space<vmem>> -> memref<1x128xi32, #tpu.memory_space<vmem>>
      %dma_wait3A_398 = tpu.memref_squeeze %dma_wait3A_397 : memref<1x128xi32, #tpu.memory_space<vmem>> -> memref<128xi32, #tpu.memory_space<vmem>>
      %dma_wait3A_399 = arith.constant 0 : i32
      %dma_wait3A_400 = arith.constant 0 : i32
      %dma_wait3A_401 = tpu.memref_slice %arg2[%dma_wait3A_399, %dma_wait3A_400] : memref<20480x64xf32, #tpu.memory_space<hbm>> -> memref<20480x64xf32, #tpu.memory_space<hbm>>
      tpu.wait_indirect_dma semaphore(%arg23 : memref<!tpu.dma_semaphore, #tpu.memory_space<semaphore_mem>>) src(%dma_wait3A_401 : memref<20480x64xf32, #tpu.memory_space<hbm>>) dst(%arg15 : memref<128x64xf32, #tpu.memory_space<vmem>>)
      %dma_start3A_402 = arith.constant 0 : i32
      %dma_start3A_403 = tpu.memref_slice %arg9[%add3A_395, %dma_start3A_402] : memref<80x128xi32, #tpu.memory_space<vmem>> -> memref<1x128xi32, #tpu.memory_space<vmem>>
      %dma_start3A_404 = tpu.memref_squeeze %dma_start3A_403 : memref<1x128xi32, #tpu.memory_space<vmem>> -> memref<128xi32, #tpu.memory_space<vmem>>
      %dma_start3A_405 = arith.constant 0 : i32
      %dma_start3A_406 = arith.constant 0 : i32
      %dma_start3A_407 = tpu.memref_slice %arg17[%dma_start3A_405, %dma_start3A_406] : memref<10240x64xf32, #tpu.memory_space<vmem_shared>> -> memref<10240x64xf32, #tpu.memory_space<vmem_shared>>
      tpu.enqueue_indirect_dma source(%arg15 : memref<128x64xf32, #tpu.memory_space<vmem>>) target(%dma_start3A_407 : memref<10240x64xf32, #tpu.memory_space<vmem_shared>>) offsets(%dma_start3A_404 : memref<128xi32, #tpu.memory_space<vmem>>) semaphore(%arg30 : memref<!tpu.dma_semaphore, #tpu.memory_space<semaphore_mem>>) {add = true}
      %ge3A_408 = arith.constant 2 : i32
      %ge3A_409 = arith.cmpi sge, %add3A_395, %ge3A_408 : i32
      %convert_element_type3A_410 = arith.extui %ge3A_409 : i1 to i32
      %cond3A_411 = arith.constant 0 : i32
      %cond3A_412 = arith.cmpi ne, %convert_element_type3A_410, %cond3A_411 : i32
      scf.if %cond3A_412 {
        %sub3A = arith.constant 2 : i32
        %sub3A_448 = arith.subi %add3A_395, %sub3A : i32
        %dma_wait3A_449 = arith.constant 0 : i32
        %dma_wait3A_450 = tpu.memref_slice %arg9[%sub3A_448, %dma_wait3A_449] : memref<80x128xi32, #tpu.memory_space<vmem>> -> memref<1x128xi32, #tpu.memory_space<vmem>>
        %dma_wait3A_451 = tpu.memref_squeeze %dma_wait3A_450 : memref<1x128xi32, #tpu.memory_space<vmem>> -> memref<128xi32, #tpu.memory_space<vmem>>
        %dma_wait3A_452 = arith.constant 0 : i32
        %dma_wait3A_453 = arith.constant 0 : i32
        %dma_wait3A_454 = tpu.memref_slice %arg17[%dma_wait3A_452, %dma_wait3A_453] : memref<10240x64xf32, #tpu.memory_space<vmem_shared>> -> memref<10240x64xf32, #tpu.memory_space<vmem_shared>>
        tpu.wait_indirect_dma semaphore(%arg28 : memref<!tpu.dma_semaphore, #tpu.memory_space<semaphore_mem>>) src(%arg13 : memref<128x64xf32, #tpu.memory_space<vmem>>) dst(%dma_wait3A_454 : memref<10240x64xf32, #tpu.memory_space<vmem_shared>>)
      } else {
      }
      %add3A_413 = arith.constant 5 : i32
      %add3A_414 = arith.addi %add3A_395, %add3A_413 : i32
      %lt3A_415 = arith.constant 80 : i32
      %lt3A_416 = arith.cmpi slt, %add3A_414, %lt3A_415 : i32
      %convert_element_type3A_417 = arith.extui %lt3A_416 : i1 to i32
      %cond3A_418 = arith.constant 0 : i32
      %cond3A_419 = arith.cmpi ne, %convert_element_type3A_417, %cond3A_418 : i32
      scf.if %cond3A_419 {
        %add3A_448 = arith.constant 5 : i32
        %add3A_449 = arith.addi %add3A_395, %add3A_448 : i32
        %dma_start3A_450 = arith.constant 0 : i32
        %dma_start3A_451 = tpu.memref_slice %arg8[%add3A_449, %dma_start3A_450] : memref<80x128xi32, #tpu.memory_space<vmem>> -> memref<1x128xi32, #tpu.memory_space<vmem>>
        %dma_start3A_452 = tpu.memref_squeeze %dma_start3A_451 : memref<1x128xi32, #tpu.memory_space<vmem>> -> memref<128xi32, #tpu.memory_space<vmem>>
        %dma_start3A_453 = arith.constant 0 : i32
        %dma_start3A_454 = arith.constant 0 : i32
        %dma_start3A_455 = tpu.memref_slice %arg2[%dma_start3A_453, %dma_start3A_454] : memref<20480x64xf32, #tpu.memory_space<hbm>> -> memref<20480x64xf32, #tpu.memory_space<hbm>>
        tpu.enqueue_indirect_dma source(%dma_start3A_455 : memref<20480x64xf32, #tpu.memory_space<hbm>>) target(%arg13 : memref<128x64xf32, #tpu.memory_space<vmem>>) offsets(%dma_start3A_452 : memref<128xi32, #tpu.memory_space<vmem>>) semaphore(%arg21 : memref<!tpu.dma_semaphore, #tpu.memory_space<semaphore_mem>>)
      } else {
      }
      %mul3A_420 = arith.constant 7 : i32
      %mul3A_421 = arith.muli %scan3A_255, %mul3A_420 : i32
      %add3A_422 = arith.constant 6 : i32
      %add3A_423 = arith.addi %mul3A_421, %add3A_422 : i32
      %dma_wait3A_424 = arith.constant 0 : i32
      %dma_wait3A_425 = tpu.memref_slice %arg8[%add3A_423, %dma_wait3A_424] : memref<80x128xi32, #tpu.memory_space<vmem>> -> memref<1x128xi32, #tpu.memory_space<vmem>>
      %dma_wait3A_426 = tpu.memref_squeeze %dma_wait3A_425 : memref<1x128xi32, #tpu.memory_space<vmem>> -> memref<128xi32, #tpu.memory_space<vmem>>
      %dma_wait3A_427 = arith.constant 0 : i32
      %dma_wait3A_428 = arith.constant 0 : i32
      %dma_wait3A_429 = tpu.memref_slice %arg2[%dma_wait3A_427, %dma_wait3A_428] : memref<20480x64xf32, #tpu.memory_space<hbm>> -> memref<20480x64xf32, #tpu.memory_space<hbm>>
      tpu.wait_indirect_dma semaphore(%arg24 : memref<!tpu.dma_semaphore, #tpu.memory_space<semaphore_mem>>) src(%dma_wait3A_429 : memref<20480x64xf32, #tpu.memory_space<hbm>>) dst(%arg16 : memref<128x64xf32, #tpu.memory_space<vmem>>)
      %dma_start3A_430 = arith.constant 0 : i32
      %dma_start3A_431 = tpu.memref_slice %arg9[%add3A_423, %dma_start3A_430] : memref<80x128xi32, #tpu.memory_space<vmem>> -> memref<1x128xi32, #tpu.memory_space<vmem>>
      %dma_start3A_432 = tpu.memref_squeeze %dma_start3A_431 : memref<1x128xi32, #tpu.memory_space<vmem>> -> memref<128xi32, #tpu.memory_space<vmem>>
      %dma_start3A_433 = arith.constant 0 : i32
      %dma_start3A_434 = arith.constant 0 : i32
      %dma_start3A_435 = tpu.memref_slice %arg17[%dma_start3A_433, %dma_start3A_434] : memref<10240x64xf32, #tpu.memory_space<vmem_shared>> -> memref<10240x64xf32, #tpu.memory_space<vmem_shared>>
      tpu.enqueue_indirect_dma source(%arg16 : memref<128x64xf32, #tpu.memory_space<vmem>>) target(%dma_start3A_435 : memref<10240x64xf32, #tpu.memory_space<vmem_shared>>) offsets(%dma_start3A_432 : memref<128xi32, #tpu.memory_space<vmem>>) semaphore(%arg31 : memref<!tpu.dma_semaphore, #tpu.memory_space<semaphore_mem>>) {add = true}
      %ge3A_436 = arith.constant 2 : i32
      %ge3A_437 = arith.cmpi sge, %add3A_423, %ge3A_436 : i32
      %convert_element_type3A_438 = arith.extui %ge3A_437 : i1 to i32
      %cond3A_439 = arith.constant 0 : i32
      %cond3A_440 = arith.cmpi ne, %convert_element_type3A_438, %cond3A_439 : i32
      scf.if %cond3A_440 {
        %sub3A = arith.constant 2 : i32
        %sub3A_448 = arith.subi %add3A_423, %sub3A : i32
        %dma_wait3A_449 = arith.constant 0 : i32
        %dma_wait3A_450 = tpu.memref_slice %arg9[%sub3A_448, %dma_wait3A_449] : memref<80x128xi32, #tpu.memory_space<vmem>> -> memref<1x128xi32, #tpu.memory_space<vmem>>
        %dma_wait3A_451 = tpu.memref_squeeze %dma_wait3A_450 : memref<1x128xi32, #tpu.memory_space<vmem>> -> memref<128xi32, #tpu.memory_space<vmem>>
        %dma_wait3A_452 = arith.constant 0 : i32
        %dma_wait3A_453 = arith.constant 0 : i32
        %dma_wait3A_454 = tpu.memref_slice %arg17[%dma_wait3A_452, %dma_wait3A_453] : memref<10240x64xf32, #tpu.memory_space<vmem_shared>> -> memref<10240x64xf32, #tpu.memory_space<vmem_shared>>
        tpu.wait_indirect_dma semaphore(%arg29 : memref<!tpu.dma_semaphore, #tpu.memory_space<semaphore_mem>>) src(%arg14 : memref<128x64xf32, #tpu.memory_space<vmem>>) dst(%dma_wait3A_454 : memref<10240x64xf32, #tpu.memory_space<vmem_shared>>)
      } else {
      }
      %add3A_441 = arith.constant 5 : i32
      %add3A_442 = arith.addi %add3A_423, %add3A_441 : i32
      %lt3A_443 = arith.constant 80 : i32
      %lt3A_444 = arith.cmpi slt, %add3A_442, %lt3A_443 : i32
      %convert_element_type3A_445 = arith.extui %lt3A_444 : i1 to i32
      %cond3A_446 = arith.constant 0 : i32
      %cond3A_447 = arith.cmpi ne, %convert_element_type3A_445, %cond3A_446 : i32
      scf.if %cond3A_447 {
        %add3A_448 = arith.constant 5 : i32
        %add3A_449 = arith.addi %add3A_423, %add3A_448 : i32
        %dma_start3A_450 = arith.constant 0 : i32
        %dma_start3A_451 = tpu.memref_slice %arg8[%add3A_449, %dma_start3A_450] : memref<80x128xi32, #tpu.memory_space<vmem>> -> memref<1x128xi32, #tpu.memory_space<vmem>>
        %dma_start3A_452 = tpu.memref_squeeze %dma_start3A_451 : memref<1x128xi32, #tpu.memory_space<vmem>> -> memref<128xi32, #tpu.memory_space<vmem>>
        %dma_start3A_453 = arith.constant 0 : i32
        %dma_start3A_454 = arith.constant 0 : i32
        %dma_start3A_455 = tpu.memref_slice %arg2[%dma_start3A_453, %dma_start3A_454] : memref<20480x64xf32, #tpu.memory_space<hbm>> -> memref<20480x64xf32, #tpu.memory_space<hbm>>
        tpu.enqueue_indirect_dma source(%dma_start3A_455 : memref<20480x64xf32, #tpu.memory_space<hbm>>) target(%arg14 : memref<128x64xf32, #tpu.memory_space<vmem>>) offsets(%dma_start3A_452 : memref<128xi32, #tpu.memory_space<vmem>>) semaphore(%arg22 : memref<!tpu.dma_semaphore, #tpu.memory_space<semaphore_mem>>)
      } else {
      }
    }
    %scan3A_172 = arith.constant 11 : i32
    %dma_wait3A_173 = arith.constant 77 : i32
    %dma_wait3A_174 = arith.constant 0 : i32
    %dma_wait3A_175 = tpu.memref_slice %arg8[%dma_wait3A_173, %dma_wait3A_174] : memref<80x128xi32, #tpu.memory_space<vmem>> -> memref<1x128xi32, #tpu.memory_space<vmem>>
    %dma_wait3A_176 = tpu.memref_squeeze %dma_wait3A_175 : memref<1x128xi32, #tpu.memory_space<vmem>> -> memref<128xi32, #tpu.memory_space<vmem>>
    %dma_wait3A_177 = arith.constant 0 : i32
    %dma_wait3A_178 = arith.constant 0 : i32
    %dma_wait3A_179 = tpu.memref_slice %arg2[%dma_wait3A_177, %dma_wait3A_178] : memref<20480x64xf32, #tpu.memory_space<hbm>> -> memref<20480x64xf32, #tpu.memory_space<hbm>>
    tpu.wait_indirect_dma semaphore(%arg18 : memref<!tpu.dma_semaphore, #tpu.memory_space<semaphore_mem>>) src(%dma_wait3A_179 : memref<20480x64xf32, #tpu.memory_space<hbm>>) dst(%arg10 : memref<128x64xf32, #tpu.memory_space<vmem>>)
    %dma_start3A_180 = arith.constant 77 : i32
    %dma_start3A_181 = arith.constant 0 : i32
    %dma_start3A_182 = tpu.memref_slice %arg9[%dma_start3A_180, %dma_start3A_181] : memref<80x128xi32, #tpu.memory_space<vmem>> -> memref<1x128xi32, #tpu.memory_space<vmem>>
    %dma_start3A_183 = tpu.memref_squeeze %dma_start3A_182 : memref<1x128xi32, #tpu.memory_space<vmem>> -> memref<128xi32, #tpu.memory_space<vmem>>
    %dma_start3A_184 = arith.constant 0 : i32
    %dma_start3A_185 = arith.constant 0 : i32
    %dma_start3A_186 = tpu.memref_slice %arg17[%dma_start3A_184, %dma_start3A_185] : memref<10240x64xf32, #tpu.memory_space<vmem_shared>> -> memref<10240x64xf32, #tpu.memory_space<vmem_shared>>
    tpu.enqueue_indirect_dma source(%arg10 : memref<128x64xf32, #tpu.memory_space<vmem>>) target(%dma_start3A_186 : memref<10240x64xf32, #tpu.memory_space<vmem_shared>>) offsets(%dma_start3A_183 : memref<128xi32, #tpu.memory_space<vmem>>) semaphore(%arg25 : memref<!tpu.dma_semaphore, #tpu.memory_space<semaphore_mem>>) {add = true}
    %dma_wait3A_187 = arith.constant 75 : i32
    %dma_wait3A_188 = arith.constant 0 : i32
    %dma_wait3A_189 = tpu.memref_slice %arg9[%dma_wait3A_187, %dma_wait3A_188] : memref<80x128xi32, #tpu.memory_space<vmem>> -> memref<1x128xi32, #tpu.memory_space<vmem>>
    %dma_wait3A_190 = tpu.memref_squeeze %dma_wait3A_189 : memref<1x128xi32, #tpu.memory_space<vmem>> -> memref<128xi32, #tpu.memory_space<vmem>>
    %dma_wait3A_191 = arith.constant 0 : i32
    %dma_wait3A_192 = arith.constant 0 : i32
    %dma_wait3A_193 = tpu.memref_slice %arg17[%dma_wait3A_191, %dma_wait3A_192] : memref<10240x64xf32, #tpu.memory_space<vmem_shared>> -> memref<10240x64xf32, #tpu.memory_space<vmem_shared>>
    tpu.wait_indirect_dma semaphore(%arg30 : memref<!tpu.dma_semaphore, #tpu.memory_space<semaphore_mem>>) src(%arg15 : memref<128x64xf32, #tpu.memory_space<vmem>>) dst(%dma_wait3A_193 : memref<10240x64xf32, #tpu.memory_space<vmem_shared>>)
    %dma_wait3A_194 = arith.constant 78 : i32
    %dma_wait3A_195 = arith.constant 0 : i32
    %dma_wait3A_196 = tpu.memref_slice %arg8[%dma_wait3A_194, %dma_wait3A_195] : memref<80x128xi32, #tpu.memory_space<vmem>> -> memref<1x128xi32, #tpu.memory_space<vmem>>
    %dma_wait3A_197 = tpu.memref_squeeze %dma_wait3A_196 : memref<1x128xi32, #tpu.memory_space<vmem>> -> memref<128xi32, #tpu.memory_space<vmem>>
    %dma_wait3A_198 = arith.constant 0 : i32
    %dma_wait3A_199 = arith.constant 0 : i32
    %dma_wait3A_200 = tpu.memref_slice %arg2[%dma_wait3A_198, %dma_wait3A_199] : memref<20480x64xf32, #tpu.memory_space<hbm>> -> memref<20480x64xf32, #tpu.memory_space<hbm>>
    tpu.wait_indirect_dma semaphore(%arg19 : memref<!tpu.dma_semaphore, #tpu.memory_space<semaphore_mem>>) src(%dma_wait3A_200 : memref<20480x64xf32, #tpu.memory_space<hbm>>) dst(%arg11 : memref<128x64xf32, #tpu.memory_space<vmem>>)
    %dma_start3A_201 = arith.constant 78 : i32
    %dma_start3A_202 = arith.constant 0 : i32
    %dma_start3A_203 = tpu.memref_slice %arg9[%dma_start3A_201, %dma_start3A_202] : memref<80x128xi32, #tpu.memory_space<vmem>> -> memref<1x128xi32, #tpu.memory_space<vmem>>
    %dma_start3A_204 = tpu.memref_squeeze %dma_start3A_203 : memref<1x128xi32, #tpu.memory_space<vmem>> -> memref<128xi32, #tpu.memory_space<vmem>>
    %dma_start3A_205 = arith.constant 0 : i32
    %dma_start3A_206 = arith.constant 0 : i32
    %dma_start3A_207 = tpu.memref_slice %arg17[%dma_start3A_205, %dma_start3A_206] : memref<10240x64xf32, #tpu.memory_space<vmem_shared>> -> memref<10240x64xf32, #tpu.memory_space<vmem_shared>>
    tpu.enqueue_indirect_dma source(%arg11 : memref<128x64xf32, #tpu.memory_space<vmem>>) target(%dma_start3A_207 : memref<10240x64xf32, #tpu.memory_space<vmem_shared>>) offsets(%dma_start3A_204 : memref<128xi32, #tpu.memory_space<vmem>>) semaphore(%arg26 : memref<!tpu.dma_semaphore, #tpu.memory_space<semaphore_mem>>) {add = true}
    %dma_wait3A_208 = arith.constant 76 : i32
    %dma_wait3A_209 = arith.constant 0 : i32
    %dma_wait3A_210 = tpu.memref_slice %arg9[%dma_wait3A_208, %dma_wait3A_209] : memref<80x128xi32, #tpu.memory_space<vmem>> -> memref<1x128xi32, #tpu.memory_space<vmem>>
    %dma_wait3A_211 = tpu.memref_squeeze %dma_wait3A_210 : memref<1x128xi32, #tpu.memory_space<vmem>> -> memref<128xi32, #tpu.memory_space<vmem>>
    %dma_wait3A_212 = arith.constant 0 : i32
    %dma_wait3A_213 = arith.constant 0 : i32
    %dma_wait3A_214 = tpu.memref_slice %arg17[%dma_wait3A_212, %dma_wait3A_213] : memref<10240x64xf32, #tpu.memory_space<vmem_shared>> -> memref<10240x64xf32, #tpu.memory_space<vmem_shared>>
    tpu.wait_indirect_dma semaphore(%arg31 : memref<!tpu.dma_semaphore, #tpu.memory_space<semaphore_mem>>) src(%arg16 : memref<128x64xf32, #tpu.memory_space<vmem>>) dst(%dma_wait3A_214 : memref<10240x64xf32, #tpu.memory_space<vmem_shared>>)
    %dma_wait3A_215 = arith.constant 79 : i32
    %dma_wait3A_216 = arith.constant 0 : i32
    %dma_wait3A_217 = tpu.memref_slice %arg8[%dma_wait3A_215, %dma_wait3A_216] : memref<80x128xi32, #tpu.memory_space<vmem>> -> memref<1x128xi32, #tpu.memory_space<vmem>>
    %dma_wait3A_218 = tpu.memref_squeeze %dma_wait3A_217 : memref<1x128xi32, #tpu.memory_space<vmem>> -> memref<128xi32, #tpu.memory_space<vmem>>
    %dma_wait3A_219 = arith.constant 0 : i32
    %dma_wait3A_220 = arith.constant 0 : i32
    %dma_wait3A_221 = tpu.memref_slice %arg2[%dma_wait3A_219, %dma_wait3A_220] : memref<20480x64xf32, #tpu.memory_space<hbm>> -> memref<20480x64xf32, #tpu.memory_space<hbm>>
    tpu.wait_indirect_dma semaphore(%arg20 : memref<!tpu.dma_semaphore, #tpu.memory_space<semaphore_mem>>) src(%dma_wait3A_221 : memref<20480x64xf32, #tpu.memory_space<hbm>>) dst(%arg12 : memref<128x64xf32, #tpu.memory_space<vmem>>)
    %dma_start3A_222 = arith.constant 79 : i32
    %dma_start3A_223 = arith.constant 0 : i32
    %dma_start3A_224 = tpu.memref_slice %arg9[%dma_start3A_222, %dma_start3A_223] : memref<80x128xi32, #tpu.memory_space<vmem>> -> memref<1x128xi32, #tpu.memory_space<vmem>>
    %dma_start3A_225 = tpu.memref_squeeze %dma_start3A_224 : memref<1x128xi32, #tpu.memory_space<vmem>> -> memref<128xi32, #tpu.memory_space<vmem>>
    %dma_start3A_226 = arith.constant 0 : i32
    %dma_start3A_227 = arith.constant 0 : i32
    %dma_start3A_228 = tpu.memref_slice %arg17[%dma_start3A_226, %dma_start3A_227] : memref<10240x64xf32, #tpu.memory_space<vmem_shared>> -> memref<10240x64xf32, #tpu.memory_space<vmem_shared>>
    tpu.enqueue_indirect_dma source(%arg12 : memref<128x64xf32, #tpu.memory_space<vmem>>) target(%dma_start3A_228 : memref<10240x64xf32, #tpu.memory_space<vmem_shared>>) offsets(%dma_start3A_225 : memref<128xi32, #tpu.memory_space<vmem>>) semaphore(%arg27 : memref<!tpu.dma_semaphore, #tpu.memory_space<semaphore_mem>>) {add = true}
    %dma_wait3A_229 = arith.constant 77 : i32
    %dma_wait3A_230 = arith.constant 0 : i32
    %dma_wait3A_231 = tpu.memref_slice %arg9[%dma_wait3A_229, %dma_wait3A_230] : memref<80x128xi32, #tpu.memory_space<vmem>> -> memref<1x128xi32, #tpu.memory_space<vmem>>
    %dma_wait3A_232 = tpu.memref_squeeze %dma_wait3A_231 : memref<1x128xi32, #tpu.memory_space<vmem>> -> memref<128xi32, #tpu.memory_space<vmem>>
    %dma_wait3A_233 = arith.constant 0 : i32
    %dma_wait3A_234 = arith.constant 0 : i32
    %dma_wait3A_235 = tpu.memref_slice %arg17[%dma_wait3A_233, %dma_wait3A_234] : memref<10240x64xf32, #tpu.memory_space<vmem_shared>> -> memref<10240x64xf32, #tpu.memory_space<vmem_shared>>
    tpu.wait_indirect_dma semaphore(%arg25 : memref<!tpu.dma_semaphore, #tpu.memory_space<semaphore_mem>>) src(%arg10 : memref<128x64xf32, #tpu.memory_space<vmem>>) dst(%dma_wait3A_235 : memref<10240x64xf32, #tpu.memory_space<vmem_shared>>)
    %dma_wait3A_236 = arith.constant 78 : i32
    %dma_wait3A_237 = arith.constant 0 : i32
    %dma_wait3A_238 = tpu.memref_slice %arg9[%dma_wait3A_236, %dma_wait3A_237] : memref<80x128xi32, #tpu.memory_space<vmem>> -> memref<1x128xi32, #tpu.memory_space<vmem>>
    %dma_wait3A_239 = tpu.memref_squeeze %dma_wait3A_238 : memref<1x128xi32, #tpu.memory_space<vmem>> -> memref<128xi32, #tpu.memory_space<vmem>>
    %dma_wait3A_240 = arith.constant 0 : i32
    %dma_wait3A_241 = arith.constant 0 : i32
    %dma_wait3A_242 = tpu.memref_slice %arg17[%dma_wait3A_240, %dma_wait3A_241] : memref<10240x64xf32, #tpu.memory_space<vmem_shared>> -> memref<10240x64xf32, #tpu.memory_space<vmem_shared>>
    tpu.wait_indirect_dma semaphore(%arg26 : memref<!tpu.dma_semaphore, #tpu.memory_space<semaphore_mem>>) src(%arg11 : memref<128x64xf32, #tpu.memory_space<vmem>>) dst(%dma_wait3A_242 : memref<10240x64xf32, #tpu.memory_space<vmem_shared>>)
    %dma_wait3A_243 = arith.constant 79 : i32
    %dma_wait3A_244 = arith.constant 0 : i32
    %dma_wait3A_245 = tpu.memref_slice %arg9[%dma_wait3A_243, %dma_wait3A_244] : memref<80x128xi32, #tpu.memory_space<vmem>> -> memref<1x128xi32, #tpu.memory_space<vmem>>
    %dma_wait3A_246 = tpu.memref_squeeze %dma_wait3A_245 : memref<1x128xi32, #tpu.memory_space<vmem>> -> memref<128xi32, #tpu.memory_space<vmem>>
    %dma_wait3A_247 = arith.constant 0 : i32
    %dma_wait3A_248 = arith.constant 0 : i32
    %dma_wait3A_249 = tpu.memref_slice %arg17[%dma_wait3A_247, %dma_wait3A_248] : memref<10240x64xf32, #tpu.memory_space<vmem_shared>> -> memref<10240x64xf32, #tpu.memory_space<vmem_shared>>
    tpu.wait_indirect_dma semaphore(%arg27 : memref<!tpu.dma_semaphore, #tpu.memory_space<semaphore_mem>>) src(%arg12 : memref<128x64xf32, #tpu.memory_space<vmem>>) dst(%dma_wait3A_249 : memref<10240x64xf32, #tpu.memory_space<vmem_shared>>)
    %barrier3A_250 = arith.constant 0 : index
    tpu.barrier barrier_id(%barrier3A_250)
    %mul3A_251 = arith.constant 640 : i32
    %mul3A_252 = arith.muli %arg1, %mul3A_251 : i32
    %mul3A_253 = arith.constant 640 : i32
    %mul3A_254 = arith.muli %arg1, %mul3A_253 : i32
    "tpu.region"() ({
      %run_scoped3A = tpu.sem_alloc : memref<!tpu.dma_semaphore, #tpu.memory_space<semaphore_mem>>
      %dma_start3A_255 = arith.constant 64 : i32
      %dma_start3A_256 = tpu.memref_slice %arg7[%arg0, %mul3A_254, %dma_start3A_255] : memref<2x10240x128xf32, #tpu.memory_space<hbm>> -> memref<1x640x64xf32, #tpu.memory_space<hbm>>
      %dma_start3A_257 = tpu.memref_squeeze %dma_start3A_256 : memref<1x640x64xf32, #tpu.memory_space<hbm>> -> memref<640x64xf32, #tpu.memory_space<hbm>>
      %dma_start3A_258 = arith.constant 0 : i32
      %dma_start3A_259 = tpu.memref_slice %arg17[%mul3A_252, %dma_start3A_258] : memref<10240x64xf32, #tpu.memory_space<vmem_shared>> -> memref<640x64xf32, #tpu.memory_space<vmem_shared>>
      tpu.enqueue_dma source(%dma_start3A_259 : memref<640x64xf32, #tpu.memory_space<vmem_shared>>) target(%dma_start3A_257 : memref<640x64xf32, #tpu.memory_space<hbm>>) target_semaphore(%run_scoped3A : memref<!tpu.dma_semaphore, #tpu.memory_space<semaphore_mem>>)
      %dma_wait3A_260 = arith.constant 64 : i32
      %dma_wait3A_261 = tpu.memref_slice %arg7[%arg0, %mul3A_254, %dma_wait3A_260] : memref<2x10240x128xf32, #tpu.memory_space<hbm>> -> memref<1x640x64xf32, #tpu.memory_space<hbm>>
      %dma_wait3A_262 = tpu.memref_squeeze %dma_wait3A_261 : memref<1x640x64xf32, #tpu.memory_space<hbm>> -> memref<640x64xf32, #tpu.memory_space<hbm>>
      %dma_wait3A_263 = arith.constant 0 : i32
      %dma_wait3A_264 = tpu.memref_slice %arg17[%mul3A_252, %dma_wait3A_263] : memref<10240x64xf32, #tpu.memory_space<vmem_shared>> -> memref<640x64xf32, #tpu.memory_space<vmem_shared>>
      tpu.wait_dma2 semaphore(%run_scoped3A : memref<!tpu.dma_semaphore, #tpu.memory_space<semaphore_mem>>) src(%dma_wait3A_264 : memref<640x64xf32, #tpu.memory_space<vmem_shared>>) dst(%dma_wait3A_262 : memref<640x64xf32, #tpu.memory_space<hbm>>)
      tpu.yield
    }) : () -> ()
    return
  }
}

module attributes {stable_mosaic.version = 14 : i64} {
  func.func @_dense1_body(%arg0: i32, %arg1: memref<2x512x1xf32, #tpu.memory_space<vmem>>, %arg2: memref<512x128xf32, #tpu.memory_space<vmem>>, %arg3: memref<128x128xf32, #tpu.memory_space<vmem>>, %arg4: memref<1x128xf32, #tpu.memory_space<vmem>>, %arg5: memref<512x128xf32, #tpu.memory_space<vmem>>) attributes {dimension_semantics = [#tpu.dimension_semantics<arbitrary>], iteration_bounds = array<i64: 20>, scalar_prefetch = 0 : i64, scratch_operands = 0 : i64, tpu.core_type = #tpu.core_type<tc>, window_params = [{transform_indices = @transform_0, window_bounds = array<i64: 2, 512, 1>}, {transform_indices = @transform_1, window_bounds = array<i64: 512, 128>}, {pipeline_mode = #tpu.pipeline_mode<synchronous>, transform_indices = @transform_2, window_bounds = array<i64: 128, 128>}, {pipeline_mode = #tpu.pipeline_mode<synchronous>, transform_indices = @transform_3, window_bounds = array<i64: 1, 128>}, {transform_indices = @transform_4, window_bounds = array<i64: 512, 128>}]} {
    %get3A = arith.constant 0 : index
    %get3A_0 = arith.constant 0 : index
    %get3A_1 = arith.constant 0 : index
    %get3A_2 = vector.load %arg1[%get3A, %get3A_0, %get3A_1] : memref<2x512x1xf32, #tpu.memory_space<vmem>>, vector<1x512x1xf32>
    %get3A_3 = vector.shape_cast %get3A_2 : vector<1x512x1xf32> to vector<512x1xf32>
    %get3A_4 = arith.constant 1 : index
    %get3A_5 = arith.constant 0 : index
    %get3A_6 = arith.constant 0 : index
    %get3A_7 = vector.load %arg1[%get3A_4, %get3A_5, %get3A_6] : memref<2x512x1xf32, #tpu.memory_space<vmem>>, vector<1x512x1xf32>
    %get3A_8 = vector.shape_cast %get3A_7 : vector<1x512x1xf32> to vector<512x1xf32>
    %add3A = arith.addf %get3A_3, %get3A_8 : vector<512x1xf32>
    %add3A_9 = arith.constant 1.000000e+00 : f32
    %add3A_10 = vector.broadcast %add3A_9 : f32 to vector<512x1xf32>
    %add3A_11 = arith.addf %add3A, %add3A_10 : vector<512x1xf32>
    %iota3A = tpu.iota {dimensions = array<i32: 0>} : vector<512x1xi32>
    %mul3A = arith.constant 512 : i32
    %mul3A_12 = arith.muli %arg0, %mul3A : i32
    %add3A_13 = vector.broadcast %mul3A_12 : i32 to vector<512x1xi32>
    %add3A_14 = arith.addi %iota3A, %add3A_13 : vector<512x1xi32>
    %lt3A = arith.constant 10000 : i32
    %lt3A_15 = vector.broadcast %lt3A : i32 to vector<512x1xi32>
    %lt3A_16 = arith.cmpi slt, %add3A_14, %lt3A_15 : vector<512x1xi32>
    %rsqrt3A = math.rsqrt %add3A_11 : vector<512x1xf32>
    %jit3A = arith.constant 0.000000e+00 : f32
    %broadcast_in_dim3A = vector.broadcast %jit3A : f32 to vector<512x1xf32>
    %select_n3A = arith.select %lt3A_16, %rsqrt3A, %broadcast_in_dim3A : vector<512x1xi1>, vector<512x1xf32>
    %get3A_17 = arith.constant 0 : index
    %get3A_18 = arith.constant 0 : index
    %get3A_19 = vector.load %arg2[%get3A_17, %get3A_18] : memref<512x128xf32, #tpu.memory_space<vmem>>, vector<512x128xf32>
    %get3A_20 = arith.constant 0 : index
    %get3A_21 = arith.constant 0 : index
    %get3A_22 = vector.load %arg3[%get3A_20, %get3A_21] : memref<128x128xf32, #tpu.memory_space<vmem>>, vector<128x128xf32>
    %dot_general3A = arith.constant dense<0.000000e+00> : vector<512x128xf32>
    %dot_general3A_23 = tpu.matmul %get3A_19, %get3A_22, %dot_general3A {dimension_numbers = #tpu.dot_dimension_numbers<[1], [0], [0], [1], [0, 0, 1, 1], [], []>, transpose_lhs_hint = false} : vector<512x128xf32>, vector<128x128xf32>, vector<512x128xf32> -> vector<512x128xf32>
    %get3A_24 = arith.constant 0 : index
    %get3A_25 = arith.constant 0 : index
    %get3A_26 = vector.load %arg4[%get3A_24, %get3A_25] : memref<1x128xf32, #tpu.memory_space<vmem>>, vector<1x128xf32>
    %add3A_27 = vector.broadcast %get3A_26 : vector<1x128xf32> to vector<512x128xf32>
    %add3A_28 = arith.addf %dot_general3A_23, %add3A_27 : vector<512x128xf32>
    %mul3A_29 = vector.broadcast %select_n3A : vector<512x1xf32> to vector<512x128xf32>
    %mul3A_30 = arith.mulf %mul3A_29, %add3A_28 : vector<512x128xf32>
    %swap3A = arith.constant 0 : index
    %swap3A_31 = arith.constant 0 : index
    %swap3A_32 = vector.load %arg5[%swap3A, %swap3A_31] : memref<512x128xf32, #tpu.memory_space<vmem>>, vector<512x128xf32>
    tpu.vector_store %arg5[%swap3A, %swap3A_31], %mul3A_30 {strides = array<i32>} : memref<512x128xf32, #tpu.memory_space<vmem>>, vector<512x128xf32>,
    return
  }
  func.func @transform_0(%arg0: i32) -> (i32, i32, i32) {
    %c0_i32 = arith.constant 0 : i32
    %c0_i32_0 = arith.constant 0 : i32
    %c0_i32_1 = arith.constant 0 : i32
    return %c0_i32, %arg0, %c0_i32_0 : i32, i32, i32
  }
  func.func @transform_1(%arg0: i32) -> (i32, i32) {
    %c0_i32 = arith.constant 0 : i32
    %c0_i32_0 = arith.constant 0 : i32
    return %arg0, %c0_i32 : i32, i32
  }
  func.func @transform_2(%arg0: i32) -> (i32, i32) {
    %c0_i32 = arith.constant 0 : i32
    %c0_i32_0 = arith.constant 0 : i32
    %c0_i32_1 = arith.constant 0 : i32
    return %c0_i32, %c0_i32_0 : i32, i32
  }
  func.func @transform_3(%arg0: i32) -> (i32, i32) {
    %c0_i32 = arith.constant 0 : i32
    %c0_i32_0 = arith.constant 0 : i32
    %c0_i32_1 = arith.constant 0 : i32
    return %c0_i32, %c0_i32_0 : i32, i32
  }
  func.func @transform_4(%arg0: i32) -> (i32, i32) {
    %c0_i32 = arith.constant 0 : i32
    %c0_i32_0 = arith.constant 0 : i32
    return %arg0, %c0_i32 : i32, i32
  }
}

module attributes {stable_mosaic.version = 14 : i64} {
  func.func @_dense2_body(%arg0: i32, %arg1: memref<2x512x1xf32, #tpu.memory_space<vmem>>, %arg2: memref<2x512x128xf32, #tpu.memory_space<vmem>>, %arg3: memref<512x128xf32, #tpu.memory_space<vmem>>, %arg4: memref<128x128xf32, #tpu.memory_space<vmem>>, %arg5: memref<1x128xf32, #tpu.memory_space<vmem>>, %arg6: memref<512x128xf32, #tpu.memory_space<vmem>>) attributes {dimension_semantics = [#tpu.dimension_semantics<arbitrary>], iteration_bounds = array<i64: 20>, scalar_prefetch = 0 : i64, scratch_operands = 0 : i64, tpu.core_type = #tpu.core_type<tc>, window_params = [{transform_indices = @transform_0, window_bounds = array<i64: 2, 512, 1>}, {transform_indices = @transform_1, window_bounds = array<i64: 2, 512, 128>}, {transform_indices = @transform_2, window_bounds = array<i64: 512, 128>}, {pipeline_mode = #tpu.pipeline_mode<synchronous>, transform_indices = @transform_3, window_bounds = array<i64: 128, 128>}, {pipeline_mode = #tpu.pipeline_mode<synchronous>, transform_indices = @transform_4, window_bounds = array<i64: 1, 128>}, {transform_indices = @transform_5, window_bounds = array<i64: 512, 128>}]} {
    %get3A = arith.constant 0 : index
    %get3A_0 = arith.constant 0 : index
    %get3A_1 = arith.constant 0 : index
    %get3A_2 = vector.load %arg1[%get3A, %get3A_0, %get3A_1] : memref<2x512x1xf32, #tpu.memory_space<vmem>>, vector<1x512x1xf32>
    %get3A_3 = vector.shape_cast %get3A_2 : vector<1x512x1xf32> to vector<512x1xf32>
    %get3A_4 = arith.constant 1 : index
    %get3A_5 = arith.constant 0 : index
    %get3A_6 = arith.constant 0 : index
    %get3A_7 = vector.load %arg1[%get3A_4, %get3A_5, %get3A_6] : memref<2x512x1xf32, #tpu.memory_space<vmem>>, vector<1x512x1xf32>
    %get3A_8 = vector.shape_cast %get3A_7 : vector<1x512x1xf32> to vector<512x1xf32>
    %add3A = arith.addf %get3A_3, %get3A_8 : vector<512x1xf32>
    %add3A_9 = arith.constant 1.000000e+00 : f32
    %add3A_10 = vector.broadcast %add3A_9 : f32 to vector<512x1xf32>
    %add3A_11 = arith.addf %add3A, %add3A_10 : vector<512x1xf32>
    %iota3A = tpu.iota {dimensions = array<i32: 0>} : vector<512x1xi32>
    %mul3A = arith.constant 512 : i32
    %mul3A_12 = arith.muli %arg0, %mul3A : i32
    %add3A_13 = vector.broadcast %mul3A_12 : i32 to vector<512x1xi32>
    %add3A_14 = arith.addi %iota3A, %add3A_13 : vector<512x1xi32>
    %lt3A = arith.constant 10000 : i32
    %lt3A_15 = vector.broadcast %lt3A : i32 to vector<512x1xi32>
    %lt3A_16 = arith.cmpi slt, %add3A_14, %lt3A_15 : vector<512x1xi32>
    %rsqrt3A = math.rsqrt %add3A_11 : vector<512x1xf32>
    %jit3A = arith.constant 0.000000e+00 : f32
    %broadcast_in_dim3A = vector.broadcast %jit3A : f32 to vector<512x1xf32>
    %select_n3A = arith.select %lt3A_16, %rsqrt3A, %broadcast_in_dim3A : vector<512x1xi1>, vector<512x1xf32>
    %get3A_17 = arith.constant 0 : index
    %get3A_18 = arith.constant 0 : index
    %get3A_19 = arith.constant 0 : index
    %get3A_20 = vector.load %arg2[%get3A_17, %get3A_18, %get3A_19] : memref<2x512x128xf32, #tpu.memory_space<vmem>>, vector<1x512x128xf32>
    %get3A_21 = vector.shape_cast %get3A_20 : vector<1x512x128xf32> to vector<512x128xf32>
    %get3A_22 = arith.constant 1 : index
    %get3A_23 = arith.constant 0 : index
    %get3A_24 = arith.constant 0 : index
    %get3A_25 = vector.load %arg2[%get3A_22, %get3A_23, %get3A_24] : memref<2x512x128xf32, #tpu.memory_space<vmem>>, vector<1x512x128xf32>
    %get3A_26 = vector.shape_cast %get3A_25 : vector<1x512x128xf32> to vector<512x128xf32>
    %add3A_27 = arith.addf %get3A_21, %get3A_26 : vector<512x128xf32>
    %get3A_28 = arith.constant 0 : index
    %get3A_29 = arith.constant 0 : index
    %get3A_30 = vector.load %arg3[%get3A_28, %get3A_29] : memref<512x128xf32, #tpu.memory_space<vmem>>, vector<512x128xf32>
    %add3A_31 = arith.addf %add3A_27, %get3A_30 : vector<512x128xf32>
    %mul3A_32 = vector.broadcast %select_n3A : vector<512x1xf32> to vector<512x128xf32>
    %mul3A_33 = arith.mulf %mul3A_32, %add3A_31 : vector<512x128xf32>
    %max3A = arith.constant 0.000000e+00 : f32
    %max3A_34 = vector.broadcast %max3A : f32 to vector<512x128xf32>
    %max3A_35 = arith.maximumf %mul3A_33, %max3A_34 : vector<512x128xf32>
    %get3A_36 = arith.constant 0 : index
    %get3A_37 = arith.constant 0 : index
    %get3A_38 = vector.load %arg4[%get3A_36, %get3A_37] : memref<128x128xf32, #tpu.memory_space<vmem>>, vector<128x128xf32>
    %dot_general3A = arith.constant dense<0.000000e+00> : vector<512x128xf32>
    %dot_general3A_39 = tpu.matmul %max3A_35, %get3A_38, %dot_general3A {dimension_numbers = #tpu.dot_dimension_numbers<[1], [0], [0], [1], [0, 0, 1, 1], [], []>, transpose_lhs_hint = false} : vector<512x128xf32>, vector<128x128xf32>, vector<512x128xf32> -> vector<512x128xf32>
    %get3A_40 = arith.constant 0 : index
    %get3A_41 = arith.constant 0 : index
    %get3A_42 = vector.load %arg5[%get3A_40, %get3A_41] : memref<1x128xf32, #tpu.memory_space<vmem>>, vector<1x128xf32>
    %add3A_43 = vector.broadcast %get3A_42 : vector<1x128xf32> to vector<512x128xf32>
    %add3A_44 = arith.addf %dot_general3A_39, %add3A_43 : vector<512x128xf32>
    %mul3A_45 = vector.broadcast %select_n3A : vector<512x1xf32> to vector<512x128xf32>
    %mul3A_46 = arith.mulf %mul3A_45, %add3A_44 : vector<512x128xf32>
    %swap3A = arith.constant 0 : index
    %swap3A_47 = arith.constant 0 : index
    %swap3A_48 = vector.load %arg6[%swap3A, %swap3A_47] : memref<512x128xf32, #tpu.memory_space<vmem>>, vector<512x128xf32>
    tpu.vector_store %arg6[%swap3A, %swap3A_47], %mul3A_46 {strides = array<i32>} : memref<512x128xf32, #tpu.memory_space<vmem>>, vector<512x128xf32>,
    return
  }
  func.func @transform_0(%arg0: i32) -> (i32, i32, i32) {
    %c0_i32 = arith.constant 0 : i32
    %c0_i32_0 = arith.constant 0 : i32
    %c0_i32_1 = arith.constant 0 : i32
    return %c0_i32, %arg0, %c0_i32_0 : i32, i32, i32
  }
  func.func @transform_1(%arg0: i32) -> (i32, i32, i32) {
    %c0_i32 = arith.constant 0 : i32
    %c0_i32_0 = arith.constant 0 : i32
    %c0_i32_1 = arith.constant 0 : i32
    return %c0_i32, %arg0, %c0_i32_0 : i32, i32, i32
  }
  func.func @transform_2(%arg0: i32) -> (i32, i32) {
    %c0_i32 = arith.constant 0 : i32
    %c0_i32_0 = arith.constant 0 : i32
    return %arg0, %c0_i32 : i32, i32
  }
  func.func @transform_3(%arg0: i32) -> (i32, i32) {
    %c0_i32 = arith.constant 0 : i32
    %c0_i32_0 = arith.constant 0 : i32
    %c0_i32_1 = arith.constant 0 : i32
    return %c0_i32, %c0_i32_0 : i32, i32
  }
  func.func @transform_4(%arg0: i32) -> (i32, i32) {
    %c0_i32 = arith.constant 0 : i32
    %c0_i32_0 = arith.constant 0 : i32
    %c0_i32_1 = arith.constant 0 : i32
    return %c0_i32, %c0_i32_0 : i32, i32
  }
  func.func @transform_5(%arg0: i32) -> (i32, i32) {
    %c0_i32 = arith.constant 0 : i32
    %c0_i32_0 = arith.constant 0 : i32
    return %arg0, %c0_i32 : i32, i32
  }
}

module attributes {stable_mosaic.version = 14 : i64} {
  func.func @_dense3_body(%arg0: i32, %arg1: memref<2x512x1xf32, #tpu.memory_space<vmem>>, %arg2: memref<2x512x128xf32, #tpu.memory_space<vmem>>, %arg3: memref<512x128xf32, #tpu.memory_space<vmem>>, %arg4: memref<512x128xf32, #tpu.memory_space<vmem>>) attributes {dimension_semantics = [#tpu.dimension_semantics<arbitrary>], iteration_bounds = array<i64: 20>, scalar_prefetch = 0 : i64, scratch_operands = 0 : i64, tpu.core_type = #tpu.core_type<tc>, window_params = [{transform_indices = @transform_0, window_bounds = array<i64: 2, 512, 1>}, {transform_indices = @transform_1, window_bounds = array<i64: 2, 512, 128>}, {transform_indices = @transform_2, window_bounds = array<i64: 512, 128>}, {transform_indices = @transform_3, window_bounds = array<i64: 512, 128>}]} {
    %get3A = arith.constant 0 : index
    %get3A_0 = arith.constant 0 : index
    %get3A_1 = arith.constant 0 : index
    %get3A_2 = vector.load %arg1[%get3A, %get3A_0, %get3A_1] : memref<2x512x1xf32, #tpu.memory_space<vmem>>, vector<1x512x1xf32>
    %get3A_3 = vector.shape_cast %get3A_2 : vector<1x512x1xf32> to vector<512x1xf32>
    %get3A_4 = arith.constant 1 : index
    %get3A_5 = arith.constant 0 : index
    %get3A_6 = arith.constant 0 : index
    %get3A_7 = vector.load %arg1[%get3A_4, %get3A_5, %get3A_6] : memref<2x512x1xf32, #tpu.memory_space<vmem>>, vector<1x512x1xf32>
    %get3A_8 = vector.shape_cast %get3A_7 : vector<1x512x1xf32> to vector<512x1xf32>
    %add3A = arith.addf %get3A_3, %get3A_8 : vector<512x1xf32>
    %add3A_9 = arith.constant 1.000000e+00 : f32
    %add3A_10 = vector.broadcast %add3A_9 : f32 to vector<512x1xf32>
    %add3A_11 = arith.addf %add3A, %add3A_10 : vector<512x1xf32>
    %iota3A = tpu.iota {dimensions = array<i32: 0>} : vector<512x1xi32>
    %mul3A = arith.constant 512 : i32
    %mul3A_12 = arith.muli %arg0, %mul3A : i32
    %add3A_13 = vector.broadcast %mul3A_12 : i32 to vector<512x1xi32>
    %add3A_14 = arith.addi %iota3A, %add3A_13 : vector<512x1xi32>
    %lt3A = arith.constant 10000 : i32
    %lt3A_15 = vector.broadcast %lt3A : i32 to vector<512x1xi32>
    %lt3A_16 = arith.cmpi slt, %add3A_14, %lt3A_15 : vector<512x1xi32>
    %rsqrt3A = math.rsqrt %add3A_11 : vector<512x1xf32>
    %jit3A = arith.constant 0.000000e+00 : f32
    %broadcast_in_dim3A = vector.broadcast %jit3A : f32 to vector<512x1xf32>
    %select_n3A = arith.select %lt3A_16, %rsqrt3A, %broadcast_in_dim3A : vector<512x1xi1>, vector<512x1xf32>
    %get3A_17 = arith.constant 0 : index
    %get3A_18 = arith.constant 0 : index
    %get3A_19 = arith.constant 0 : index
    %get3A_20 = vector.load %arg2[%get3A_17, %get3A_18, %get3A_19] : memref<2x512x128xf32, #tpu.memory_space<vmem>>, vector<1x512x128xf32>
    %get3A_21 = vector.shape_cast %get3A_20 : vector<1x512x128xf32> to vector<512x128xf32>
    %get3A_22 = arith.constant 1 : index
    %get3A_23 = arith.constant 0 : index
    %get3A_24 = arith.constant 0 : index
    %get3A_25 = vector.load %arg2[%get3A_22, %get3A_23, %get3A_24] : memref<2x512x128xf32, #tpu.memory_space<vmem>>, vector<1x512x128xf32>
    %get3A_26 = vector.shape_cast %get3A_25 : vector<1x512x128xf32> to vector<512x128xf32>
    %add3A_27 = arith.addf %get3A_21, %get3A_26 : vector<512x128xf32>
    %get3A_28 = arith.constant 0 : index
    %get3A_29 = arith.constant 0 : index
    %get3A_30 = vector.load %arg3[%get3A_28, %get3A_29] : memref<512x128xf32, #tpu.memory_space<vmem>>, vector<512x128xf32>
    %add3A_31 = arith.addf %add3A_27, %get3A_30 : vector<512x128xf32>
    %mul3A_32 = vector.broadcast %select_n3A : vector<512x1xf32> to vector<512x128xf32>
    %mul3A_33 = arith.mulf %mul3A_32, %add3A_31 : vector<512x128xf32>
    %swap3A = arith.constant 0 : index
    %swap3A_34 = arith.constant 0 : index
    %swap3A_35 = vector.load %arg4[%swap3A, %swap3A_34] : memref<512x128xf32, #tpu.memory_space<vmem>>, vector<512x128xf32>
    tpu.vector_store %arg4[%swap3A, %swap3A_34], %mul3A_33 {strides = array<i32>} : memref<512x128xf32, #tpu.memory_space<vmem>>, vector<512x128xf32>,
    return
  }
  func.func @transform_0(%arg0: i32) -> (i32, i32, i32) {
    %c0_i32 = arith.constant 0 : i32
    %c0_i32_0 = arith.constant 0 : i32
    %c0_i32_1 = arith.constant 0 : i32
    return %c0_i32, %arg0, %c0_i32_0 : i32, i32, i32
  }
  func.func @transform_1(%arg0: i32) -> (i32, i32, i32) {
    %c0_i32 = arith.constant 0 : i32
    %c0_i32_0 = arith.constant 0 : i32
    %c0_i32_1 = arith.constant 0 : i32
    return %c0_i32, %arg0, %c0_i32_0 : i32, i32, i32
  }
  func.func @transform_2(%arg0: i32) -> (i32, i32) {
    %c0_i32 = arith.constant 0 : i32
    %c0_i32_0 = arith.constant 0 : i32
    return %arg0, %c0_i32 : i32, i32
  }
  func.func @transform_3(%arg0: i32) -> (i32, i32) {
    %c0_i32 = arith.constant 0 : i32
    %c0_i32_0 = arith.constant 0 : i32
    return %arg0, %c0_i32 : i32, i32
  }
}

</mosaic_0001>

<sc_bundles>
// kernel: kernel.11.cloned.1.call-start
scs
__scs_entry_jumppad:
0x0: {  	(pc) =	sbr.rel $0x88, $3  }
0x1: {  	(tag) =	ssettag $0x0;
	lr =	simm.s32 $0x1  }
0x2: {  	[smem:$0x3F9B] =	sst lr;
	_ =	strace $0xD0000000  }
0x3: {  	_ = 	snop  }
0x4: {  	_ = 	snop  }
0x5: {  	_ = 	snop  }
0x6: {  	_ = 	snop  }
0x7: {  	_ = 	snop  }
__scs_overlays_trampoline_lowered:
0x8: {  	[smem:$0x3FAA] =	sst s0  }
0x9: {  	[smem:$0x3FAB] =	sst s1  }
0xa: {  	[smem:$0x3FAC] =	sst s2  }
0xb: {  	[smem:$0x3FAD] =	sst s3  }
0xc: {  	[smem:$0x3FAE] =	sst s4  }
0xd: {  	[smem:$0x3FAF] =	sst s5  }
0xe: {  	[smem:$0x3FB0] =	sst s6  }
0xf: {  	[smem:$0x3FB1] =	sst s7  }
0x10: {  	[smem:$0x3FB2] =	sst s8  }
0x11: {  	[smem:$0x3FB3] =	sst s9;
	s0 =	simm.s32 @!p0 $0x0  }
0x12: {  	s1 =	sld [smem:$0x3F99];
	s0 =	simm.s32 @p0 $0x1  }
0x13: {  	[smem:$0x3FB4] =	sst s0;
	s0 =	simm.s32 @!p1 $0x0  }
0x14: {  	s2 =	sld [smem:$0x3F98];
	s0 =	simm.s32 @p1 $0x1  }
0x15: {  	[smem:$0x3FB5] =	sst s0;
	s0 =	simm.s32 @!p2 $0x0  }
0x16: {  	s3 =	sld [smem:$0x3FDB];
	s0 =	simm.s32 @p2 $0x1  }
0x17: {  	s4 =	simm.s32 $0x1BF5;
	[smem:$0x3FB7] =	sst s0  }
0x18: {  	s0 =	sld [smem:$0x3F9A];
	_ =	swait.ge [sflag:s4], $0x0  }
0x19: {  	s7 =	sld [smem:$0x3F9B]  }
0x1a: {  	s8 =	sadd.s32 $0xFFFFE003, lr  }
0x1b: {  	s9 =	sadd.s32 $0xFFFFFEF7, lr;
	s5 =	simm.s32 $0xFFFFFFFF;
	p2 =	slt.u32 s8, $0xFFFFF086  }
0x1c: {  	p1 =	slt.u32 s9, $0xF7A;
	s5 =	simm.s32 @!p2 $0x0  }
0x1d: {  	s5 =	simm.s32 @p1 $0x1;
	p0 =	seq.s32 s7, s2  }
0x1e: {  	s7 =	smul.u32 @!p0 $0xF7A, s2;
	p2 =	seq.s32 @!p0 s5, $0x0  }
0x1f: {  	s9 =	smul.u32 $0xF7A, s1;
	s8 =	simm.s32 @!p0 $0x1BF5;
	p2 =	por !p2, p0  }
0x20: {  	[sflag:s8] =	ssyncset.s32 @!p0 $0xFFFFF086;
	s6 =	sadd.s32 @!p0 s3, s7;
	s7 =	simm.s32 @!p0 $0x108  }
0x21: {  	s3 =	sadd.s32 s3, s9;
	s6 =	sadd.s32 @!p0 $0x88, s6;
	s7 =	simm.s32 @p2 $0x1082  }
0x22: {  	[simem:s7], [sflag:s8] =	dma.local @!p0 [hbm:s6], $0xF7A  }
0x23: {  	s9 =	sor.u32 $0xD0000000, s2;
	s6 =	simm.s32 $0x108;
	_ =	swait.ge @!p0 [sflag:s8], $0x0  }
0x24: {  	s3 =	sadd.s32 $0x88, s3;
	s6 =	simm.s32 @!p1 $0x1082;
	[sflag:s4] =	ssyncset.s32 $0xFFFFF086  }
0x25: {  	[simem:s6], [sflag:s4] =	dma.local [hbm:s3], $0xF7A  }
0x26: {  	[smem:$0x3F9B] =	sst s1;
	(tag) =	ssettag s2;
	_ =	strace s9  }
0x27: {  	s1 =	sld [smem:$0x3FAB]  }
0x28: {  	s2 =	sld [smem:$0x3FAC]  }
0x29: {  	s4 =	sld [smem:$0x3FAE]  }
0x2a: {  	p0 =	seq.s32 s5, $0x0;
	s5 =	sld [smem:$0x3FAF]  }
0x2b: {  	s6 =	sld [smem:$0x3FB0]  }
0x2c: {  	s7 =	sld [smem:$0x3FB1]  }
0x2d: {  	s3 =	simm.s32 $0x108;
	s8 =	sld [smem:$0x3FB2]  }
0x2e: {  	s3 =	simm.s32 @!p0 $0x1082;
	s9 =	sld [smem:$0x3FB3]  }
0x2f: {  	lr =	sadd.s32 s0, s3;
	s0 =	sld [smem:$0x3FAA]  }
0x30: {  	s3 =	sld [smem:$0x3FAD]  }
0x31: {  	[smem:$0x3FB6] =	sst s10  }
0x32: {  	s10 =	sld [smem:$0x3FB4];
	_ =	sdelay $0x3  }
0x33: {  	p0 =	seq.s32 s10, $0x1;
	s10 =	sld [smem:$0x3FB6];
	_ =	sdelay $0x3  }
0x34: {  	[smem:$0x3FB6] =	sst s10  }
0x35: {  	s10 =	sld [smem:$0x3FB5];
	_ =	sdelay $0x3  }
0x36: {  	p1 =	seq.s32 s10, $0x1;
	s10 =	sld [smem:$0x3FB6];
	_ =	sdelay $0x3  }
0x37: {  	[smem:$0x3FB6] =	sst s10  }
0x38: {  	s10 =	sld [smem:$0x3FB7]  }
0x39: {  	_ = 	snop;
	(pc) =	sbr.ind lr, $3  }
0x3a: {  	_ = 	snop  }
0x3b: {  	_ = 	snop  }
0x3c: {  	p2 =	seq.s32 s10, $0x1;
	s10 =	sld [smem:$0x3FB6]  }
0x3d: {  	_ =	shalt  }
0x3e: {  	_ =	shalt  }
0x3f: {  	_ =	shalt  }
0x40: {  	_ =	shalt  }
0x41: {  	_ =	shalt  }
0x42: {  	_ =	shalt  }
0x43: {  	_ =	shalt  }
0x44: {  	_ =	shalt  }
0x45: {  	_ =	shalt  }
0x46: {  	_ =	shalt  }
0x47: {  	_ =	shalt  }
0x48: {  	_ =	shalt  }
0x49: {  	_ =	shalt  }
0x4a: {  	_ =	shalt  }
0x4b: {  	_ =	shalt  }
0x4c: {  	_ =	shalt  }
0x4d: {  	_ =	shalt  }
0x4e: {  	_ =	shalt  }
0x4f: {  	_ =	shalt  }
0x50: {  	_ =	shalt  }
0x51: {  	_ =	shalt  }
0x52: {  	_ =	shalt  }
0x53: {  	_ =	shalt  }
0x54: {  	_ =	shalt  }
0x55: {  	_ =	shalt  }
0x56: {  	_ =	shalt  }
0x57: {  	_ =	shalt  }
0x58: {  	_ =	shalt  }
0x59: {  	_ =	shalt  }
0x5a: {  	_ =	shalt  }
0x5b: {  	_ =	shalt  }
0x5c: {  	_ =	shalt  }
0x5d: {  	_ =	shalt  }
0x5e: {  	_ =	shalt  }
0x5f: {  	_ =	shalt  }
0x60: {  	_ =	shalt  }
0x61: {  	_ =	shalt  }
0x62: {  	_ =	shalt  }
0x63: {  	_ =	shalt  }
0x64: {  	_ =	shalt  }
0x65: {  	_ =	shalt  }
0x66: {  	_ =	shalt  }
0x67: {  	_ =	shalt  }
0x68: {  	_ =	shalt  }
0x69: {  	_ =	shalt  }
0x6a: {  	_ =	shalt  }
0x6b: {  	_ =	shalt  }
0x6c: {  	_ =	shalt  }
0x6d: {  	_ =	shalt  }
0x6e: {  	_ =	shalt  }
0x6f: {  	_ =	shalt  }
0x70: {  	_ =	shalt  }
0x71: {  	_ =	shalt  }
0x72: {  	_ =	shalt  }
0x73: {  	_ =	shalt  }
0x74: {  	_ =	shalt  }
0x75: {  	_ =	shalt  }
0x76: {  	_ =	shalt  }
0x77: {  	_ =	shalt  }
0x78: {  	_ =	shalt  }
0x79: {  	_ =	shalt  }
0x7a: {  	_ =	shalt  }
0x7b: {  	_ =	shalt  }
0x7c: {  	_ =	shalt  }
0x7d: {  	_ =	shalt  }
0x7e: {  	_ =	shalt  }
0x7f: {  	_ =	shalt  }
0x80: {  	_ =	shalt  }
0x81: {  	_ =	shalt  }
0x82: {  	_ =	shalt  }
0x83: {  	_ =	shalt  }
0x84: {  	_ =	shalt  }
0x85: {  	_ =	shalt  }
0x86: {  	_ =	shalt  }
0x87: {  	_ =	shalt  }
.Lfunc_end0:
.L_simem_size_0:
called_computation.1_lowered:
.L_overlay_start_0:
0x88: {  	s2 =	sld [smem:$0x3FD9]  }
0x89: {  	s3 =	sld [smem:$0x3FFE];
	_ =	sdelay $0x1  }
0x8a: {  	s1 =	srdreg.scid  }
0x8b: {  	s0 =	sand.u32 $0x1, s1  }
0x8c: {  	s17 =	sshll.u32 s0, $0xA;
	s2 =	sadd.s32 s3, s2  }
0x8d: {  	s2 =	sadd.s32 s2, s17  }
0x8e: {  	[smem:$0x3FC2] =	sst s2  }
0x8f: {  	_ = 	snop  }
0x90: {  	s2 =	sld [smem:$0x3FD0];
	(tm) =	ssettm $0x1  }
0x91: {  	s18 =	sld [smem:$0x3FFB];
	_ =	sdelay $0x3  }
0x92: {  	_ =	strace s18  }
0x93: {  	s3 =	sld [smem:$0x3FFC];
	_ =	sdelay $0x3  }
0x94: {  	_ =	strace s3  }
0x95: {  	s3 =	sld [smem:$0x3FFD];
	_ =	sdelay $0x3  }
0x96: {  	_ =	strace s3  }
0x97: {  	_ =	strace $0x8FFFFFFF  }
0x98: {  	s19 =	sld [smem:$0x3FDB];
	_ =	sdelay $0x1  }
0x99: {  	s4 =	simm.s32 $_scs_section_size  }
0x9a: {  	s5 =	simm.s32 $_size__tile_overlayer_lowered;
	s6 =	simm.s32 $_tile_overlayer_lowered  }
0x9b: {  	s22 =	simm.s32 $0x1BFF;
	s21 =	sshll.u32 s6, $0x1;
	s3 =	sadd.s32 s4, s19  }
0x9c: {  	s7 =	simm.s32 $0x0;
	s20 =	sshll.u32 s5, $0x1;
	s5 =	sadd.s32 s21, s3  }
0x9d: {  	[timem:s7], [sflag:s22] =	dma.local [hbm:s5], s20  }
0x9e: {  	_ =	swait.ge [sflag:s22], s20  }
0x9f: {  	s4 =	ssub.s32 $0x0, s20;
	[sflag:s22] =	ssyncset.done $0x0  }
0xa0: {  	[sflag:s22] =	ssyncadd.s32 s4;
	_ =	sdelay $0x1  }
0xa1: {  	s23 =	simm.s32 $0x1B8B  }
0xa2: {  	_ =	swait.ge [sflag:s23], $0x1  }
0xa3: {  	[sflag:s23] =	ssyncset.done $0x0  }
0xa4: {  	s25 =	simm.s32 $0x1B8E;
	s24 =	sld [smem:$0x3FFE];
	[sflag:s23] =	ssyncadd.s32 $0xFFFFFFFF  }
0xa5: {  	s26 =	simm.s32 $execute0_lowered;
	[smem:$0x3FD2] =	sst s25  }
0xa6: {  	s5 =	sshll.u32 s26, $0x1;
	_ =	strace $0x80000049;
	[dreg:$0x1] =	wrdreg $0xFFFFFFFF  }
0xa7: {  	s28 =	simm.s32 $_size_execute0_lowered;
	s3 =	sadd.s32 s3, s5;
	[dreg:$0x0] =	wrdreg $0x0  }
0xa8: {  	s5 =	sshll.u32 s28, $0x1;
	[dreg:$0x2] =	wrdreg s3  }
0xa9: {  	[dreg:$0x3] =	wrdreg s5  }
0xaa: {  	[dreg:$0x4] =	wrdreg $0xC0  }
0xab: {  	_ =	task [dreg:s7], $0x5FFFF  }
0xac: {  	[dreg:$0x1] =	wrdreg $0xFFFFFFFF  }
0xad: {  	[dreg:$0x0] =	wrdreg $0x60  }
0xae: {  	[dreg:$0x2] =	wrdreg s24  }
0xaf: {  	[dreg:$0x3] =	wrdreg s2  }
0xb0: {  	[dreg:$0x4] =	wrdreg $0x130000  }
0xb1: {  	[dreg:$0x5] =	wrdreg $0x9  }
0xb2: {  	_ =	task.clear_ibuf [dreg:s7], $0x6FFFF;
	_ =	strace $0x90000049  }
0xb3: {  	s29 =	simm.s32 $0x9;
	_ =	strace $0x8000004B  }
0xb4: {  	_ =	swait.ge [sflag:s29], $0x1  }
0xb5: {  	[sflag:s29] =	ssyncadd.s32 $0xFFFFFFFF  }
0xb6: {  	_ =	strace $0x9000004B  }
0xb7: {  	_ =	sfence  }
0xb8: {  	s30 =	sld [smem:$0x0];
	_ =	sdelay $0x2  }
0xb9: {  	s31 =	sshll.u32 s1, $0xD;
	s1 =	sshrl.u32 s1, $0x2  }
0xba: {  	s3 =	sand.u32 $0x4000, s31;
	s1 =	sadd.s32 s1, s30  }
0xbb: {  	s0 =	sor.u32 s3, s0;
	s1 =	sshll.u32 s1, $0x11  }
0xbc: {  	s0 =	sor.u32 s1, s0  }
0xbd: {  	s0 =	sadd.s32 $0x8F2B, s0  }
0xbe: {  	[sflag:s0] =	ssyncadd.remote.s32 $0x1  }
0xbf: {  	_ =	sfence.sel $0xFFFF  }
0xc0: {  	[dreg:$0x0] =	wrdreg $0xFFFFFFFF;
	(pc) =	sbr.abs _section_cstart, $3  }
0xc1: {  	[dreg:$0x1] =	wrdreg $0xFFFFFFFF  }
0xc2: {  	_ =	task.clear_ibuf [dreg:s7], $0x2FFFF;
	_ =	strace $0x9FFFFFFF  }
0xc3: {  	(tm) =	ssettm $0x7FFFFFFF  }
tec
execute0_lowered:
.L_overlay_start_1:
0x0: {  	(tag) =	ssettag $0x1  }
0x1: {  	s0 =	srdreg.scid;
	s1 =	rddreg [dreg:$0x0]  }
0x2: {  	s9 =	stileid.u32;
	s3 =	rddreg [dreg:$0x1];
	s19 =	simm.s32 $0x0  }
0x3: {  	s13 =	simm.s32 $0xF;
	s16 =	simm.s32 $0x80;
	s17 =	simm.s32 $0x5000  }
0x4: {  	s18 =	simm.s32 $0x7000;
	s28 =	simm.s32 $0xF000;
	s29 =	simm.s32 $0x2  }
0x5: {  	s11 =	simm.s32 $0x9;
	s31 =	simm.s32 $0x6;
	s30 =	simm.s32 $0xC  }
0x6: {  	s0 =	sand.u32 $0x1, s0;
	s2 =	sshll.u32 s9, $0x1;
	s7 =	smul.u32 $0x14000, s9  }
0x7: {  	[smem:$0x7FF] =	sst s19;
	s20 =	smul.u32 $0x28000, s9;
	s10 =	sadd.s32 $0x3600, s1  }
0x8: {  	s26 =	sshll.u32 s9, $0x6;
	s9 =	simm.s32 $0x4;
	s19 =	simm.s32 $0x7  }
0x9: {  	s4 =	sor.u32 s0, s2;
	s2 =	rddreg [dreg:$0x2];
	s6 =	smul.u32 $0x140000, s0  }
0xa: {  	_ =	strace $0x8000004A;
	s0 =	ssub.s32 $0x2, s0;
	[dreg:$0x4] =	wrdreg s10  }
0xb: {  	s10 =	simm.s32 $0xD;
	s5 =	smul.u32 $0x500, s4;
	s4 =	sadd.s32 $0x26C00, s1  }
0xc: {  	s21 =	sshrl.u32 s0, $0x1;
	s22 =	sshrl.u32 s20, $0x2;
	s20 =	simm.s32 $0x9000  }
0xd: {  	s6 =	sadd.s32 s7, s6;
	s0 =	ssub.s32 s0, s21;
	s7 =	simm.s32 $0x8  }
0xe: {  	s21 =	simm.s32 $0x5;
	s8 =	sadd.s32 s5, s1;
	s6 =	sshrl.u32 s6, $0x3  }
0xf: {  	s3 =	sadd.s32 s3, s5;
	s0 =	smax.u32 s0, $0x1;
	s5 =	sor.u32 $0x1C0F, s26  }
0x10: {  	s26 =	simm.s32 $0xA;
	s1 =	sadd.s32 s6, s1;
	[dreg:$0x5] =	wrdreg s3  }
0x11: {  	s23 =	sadd.s32 $0x1CC00, s8;
	s3 =	sadd.s32 s22, s2;
	s25 =	sadd.s32 $0x12C00, s8  }
0x12: {  	[dreg:$0xa] =	wrdreg s0;
	s22 =	simm.s32 $0xB000;
	s0 =	simm.s32 $0x3  }
.Ltmp0:
0x13: {  	s8 =	simm.s32 $0xB;
	[dreg:$0xb] =	wrdreg s5;
	(pc) =	sbr.rel .LBB2_1-.Ltmp0, $4  }
0x14: {  	s6 =	simm.s32 $0x0;
	[dreg:$0x6] =	wrdreg s23;
	s24 =	sadd.s32 $0x4EC00, s1  }
0x15: {  	[dreg:$0x8] =	wrdreg s25;
	s1 =	sadd.s32 $0x4EC08, s1;
	s15 =	sshrl.u32 s3, $0x3  }
0x16: {  	s25 =	simm.s32 $0x1;
	s23 =	simm.s32 $0xE;
	[dreg:$0x7] =	wrdreg s24  }
0x17: {  	[dreg:$0x9] =	wrdreg s1;
	s24 =	simm.s32 $0xD000;
	s1 =	simm.s32 $0x11000  }
.LBB2_7:
0x18: {  	_ =	swait.ge [sflag:s19], $0x2000  }
0x19: {  	[sflag:s19] =	ssyncset.done $0x0  }
0x1a: {  	[sflag:s19] =	ssyncadd.s32 $0xFFFFE000  }
0x1b: {  	[spmem:s2] =	stream.indirect.scatter.add.f32 [tilespmem:s1], [sflag:$0xE], $0x40, s5, s16, $0xb8;
	[tilespmem:$0x1D000] =	vst v63  }
0x1c: {  	_ =	swait.ge [sflag:s30], $0x2000  }
0x1d: {  	[sflag:s30] =	ssyncset.done $0x0  }
0x1e: {  	[sflag:s30] =	ssyncadd.s32 $0xFFFFE000  }
0x1f: {  	_ =	swait.ge [sflag:s25], $0x2000  }
0x20: {  	[sflag:s25] =	ssyncset.done $0x0  }
0x21: {  	s3 =	simm.s32 $0x4E80;
	[sflag:s25] =	ssyncadd.s32 $0xFFFFE000  }
0x22: {  	[spmem:s2] =	stream.indirect.scatter.add.f32 [tilespmem:s17], [sflag:$0x8], $0x40, s3, s16, $0xb8;
	[tilespmem:$0x1D000] =	vst v63  }
0x23: {  	_ =	swait.ge [sflag:s10], $0x2000  }
0x24: {  	[sflag:s10] =	ssyncset.done $0x0  }
0x25: {  	[sflag:s10] =	ssyncadd.s32 $0xFFFFE000  }
0x26: {  	_ =	swait.ge [sflag:s29], $0x2000  }
0x27: {  	[sflag:s29] =	ssyncset.done $0x0  }
0x28: {  	s5 =	simm.s32 $0x4F00;
	[sflag:s29] =	ssyncadd.s32 $0xFFFFE000  }
0x29: {  	[spmem:s2] =	stream.indirect.scatter.add.f32 [tilespmem:s18], [sflag:$0x9], $0x40, s5, s16, $0xb8;
	[tilespmem:$0x1D000] =	vst v63  }
0x2a: {  	_ =	swait.ge [sflag:s23], $0x2000  }
0x2b: {  	[sflag:s23] =	ssyncset.done $0x0  }
0x2c: {  	[sflag:s23] =	ssyncadd.s32 $0xFFFFE000  }
0x2d: {  	_ =	swait.ge [sflag:s0], $0x2000  }
0x2e: {  	[sflag:s0] =	ssyncset.done $0x0  }
0x2f: {  	s12 =	simm.s32 $0x4F80;
	[sflag:s0] =	ssyncadd.s32 $0xFFFFE000  }
0x30: {  	[spmem:s2] =	stream.indirect.scatter.add.f32 [tilespmem:s20], [sflag:$0xA], $0x40, s12, s16, $0xb8;
	[tilespmem:$0x1D000] =	vst v63  }
0x31: {  	_ =	swait.ge [sflag:s7], $0x2000  }
0x32: {  	[sflag:s7] =	ssyncset.done $0x0  }
0x33: {  	[sflag:s7] =	ssyncadd.s32 $0xFFFFE000  }
0x34: {  	_ =	swait.ge [sflag:s11], $0x2000  }
0x35: {  	[sflag:s11] =	ssyncset.done $0x0  }
0x36: {  	[sflag:s11] =	ssyncadd.s32 $0xFFFFE000  }
0x37: {  	_ =	swait.ge [sflag:s26], $0x2000  }
0x38: {  	[sflag:s26] =	ssyncset.done $0x0  }
0x39: {  	[sflag:s26] =	ssyncadd.s32 $0xFFFFE000  }
0x3a: {  	[bflag:$0x0] =	sbarrier.arrive $0xFFFF  }
0x3b: {  	s14 =	rddreg [dreg:$0x9]  }
0x3c: {  	s12 =	simm.s32 $0x10;
	s5 =	rddreg [dreg:$0xb]  }
0x3d: {  	[hbm:s14@s12], [sflag:s5] =	dma.strided [spmem:s15@s7], $0x1400, s25, $0x8   }
0x3e: {  	_ =	swait.ge [sflag:s13], $0x1400  }
0x3f: {  	s6 =	sadd.s32 $0x1, s6;
	s14 =	rddreg [dreg:$0xa]  }
0x40: {  	p0 =	sne.s32 s6, s14  }
.Ltmp1:
0x41: {  	_ = 	snop;
	(pc) =	sbr.rel @!p0 .LBB2_8-.Ltmp1, $3  }
0x42: {  	_ =	sdelay $0x1  }
0x43: {  	[sflag:s13] =	ssyncset.done $0x0  }
0x44: {  	[sflag:s13] =	ssyncadd.s32 $0xFFFFEC00  }
.LBB2_1:
0x45: {  	s3 =	simm.s32 $0x0  }
0x46: {  	s14 =	smov.u32 s5;
	s5 =	rddreg [dreg:$0x5];
	s12 =	simm.s32 $0x2800  }
0x47: {  	[tilespmem:s12], [sflag:$0xF] =	stream.linear.gather [hbm4b:s5+s3], $0x2800, $0x38;
	[tilespmem:$0x1D000] =	vst v63  }
0x48: {  	_ =	swait.ge [sflag:s13], $0x2800  }
0x49: {  	[sflag:s13] =	ssyncset.done $0x0  }
0x4a: {  	s5 =	rddreg [dreg:$0x6];
	[sflag:s13] =	ssyncadd.s32 $0xFFFFD800  }
0x4b: {  	[tilespmem:s3], [sflag:$0xF] =	stream.linear.gather [hbm4b:s5+s3], $0x2800, $0x38;
	[tilespmem:$0x1D000] =	vst v63  }
0x4c: {  	_ =	swait.ge [sflag:s13], $0x2800  }
0x4d: {  	[sflag:s13] =	ssyncset.done $0x0  }
0x4e: {  	s5 =	rddreg [dreg:$0x4];
	[sflag:s13] =	ssyncadd.s32 $0xFFFFD800  }
0x4f: {  	[spmem:s15], [sflag:s14] =	dma.local [hbm:s5], $0x1400  }
0x50: {  	_ =	swait.ge [sflag:s13], $0x1400  }
0x51: {  	[sflag:s13] =	ssyncset.done $0x0  }
0x52: {  	[sflag:s13] =	ssyncadd.s32 $0xFFFFEC00  }
0x53: {  	[bflag:$0x0] =	sbarrier.arrive $0xFFFF  }
0x54: {  	[tilespmem:s17], [sflag:$0x1] =	stream.indirect.gather [hbm4b:s4+s16], $0x40, s3, s16, $0xb8;
	[tilespmem:$0x1D000] =	vst v63  }
0x55: {  	_ = 	snop  }
0x56: {  	[tilespmem:s18], [sflag:$0x2] =	stream.indirect.gather [hbm4b:s4+s16], $0x40, s16, s16, $0xb8;
	[tilespmem:$0x1D000] =	vst v63  }
0x57: {  	s5 =	simm.s32 $0x100  }
0x58: {  	[tilespmem:s20], [sflag:$0x3] =	stream.indirect.gather [hbm4b:s4+s16], $0x40, s5, s16, $0xb8;
	[tilespmem:$0x1D000] =	vst v63  }
0x59: {  	s14 =	simm.s32 $0x180  }
0x5a: {  	[tilespmem:s22], [sflag:$0x4] =	stream.indirect.gather [hbm4b:s4+s16], $0x40, s14, s16, $0xb8;
	[tilespmem:$0x1D000] =	vst v63  }
0x5b: {  	s5 =	simm.s32 $0x200  }
0x5c: {  	[tilespmem:s24], [sflag:$0x5] =	stream.indirect.gather [hbm4b:s4+s16], $0x40, s5, s16, $0xb8;
	[tilespmem:$0x1D000] =	vst v63  }
0x5d: {  	_ =	swait.ge [sflag:s25], $0x2000  }
0x5e: {  	[sflag:s25] =	ssyncset.done $0x0  }
0x5f: {  	[sflag:s25] =	ssyncadd.s32 $0xFFFFE000  }
0x60: {  	[spmem:s2] =	stream.indirect.scatter.add.f32 [tilespmem:s17], [sflag:$0x8], $0x40, s12, s16, $0xb8;
	[tilespmem:$0x1D000] =	vst v63  }
0x61: {  	s14 =	simm.s32 $0x280  }
0x62: {  	[tilespmem:s28], [sflag:$0x6] =	stream.indirect.gather [hbm4b:s4+s16], $0x40, s14, s16, $0xb8;
	[tilespmem:$0x1D000] =	vst v63  }
0x63: {  	_ =	swait.ge [sflag:s29], $0x2000  }
0x64: {  	[sflag:s29] =	ssyncset.done $0x0  }
0x65: {  	s5 =	simm.s32 $0x2880;
	[sflag:s29] =	ssyncadd.s32 $0xFFFFE000  }
0x66: {  	[spmem:s2] =	stream.indirect.scatter.add.f32 [tilespmem:s18], [sflag:$0x9], $0x40, s5, s16, $0xb8;
	[tilespmem:$0x1D000] =	vst v63  }
0x67: {  	s12 =	simm.s32 $0x300  }
0x68: {  	[tilespmem:s1], [sflag:$0x7] =	stream.indirect.gather [hbm4b:s4+s16], $0x40, s12, s16, $0xb8;
	[tilespmem:$0x1D000] =	vst v63  }
0x69: {  	_ =	swait.ge [sflag:s0], $0x2000  }
0x6a: {  	[sflag:s0] =	ssyncset.done $0x0  }
0x6b: {  	s14 =	simm.s32 $0x2900;
	[sflag:s0] =	ssyncadd.s32 $0xFFFFE000  }
0x6c: {  	[spmem:s2] =	stream.indirect.scatter.add.f32 [tilespmem:s20], [sflag:$0xA], $0x40, s14, s16, $0xb8;
	[tilespmem:$0x1D000] =	vst v63  }
0x6d: {  	_ =	swait.ge [sflag:s7], $0x2000  }
0x6e: {  	[sflag:s7] =	ssyncset.done $0x0  }
0x6f: {  	s5 =	simm.s32 $0x380;
	[sflag:s7] =	ssyncadd.s32 $0xFFFFE000  }
0x70: {  	[tilespmem:s17], [sflag:$0x1] =	stream.indirect.gather [hbm4b:s4+s16], $0x40, s5, s16, $0xb8;
	[tilespmem:$0x1D000] =	vst v63  }
0x71: {  	_ =	swait.ge [sflag:s9], $0x2000  }
0x72: {  	[sflag:s9] =	ssyncset.done $0x0  }
0x73: {  	s12 =	simm.s32 $0x2980;
	[sflag:s9] =	ssyncadd.s32 $0xFFFFE000  }
0x74: {  	[spmem:s2] =	stream.indirect.scatter.add.f32 [tilespmem:s22], [sflag:$0xB], $0x40, s12, s16, $0xb8;
	[tilespmem:$0x1D000] =	vst v63  }
0x75: {  	_ =	swait.ge [sflag:s11], $0x2000  }
0x76: {  	[sflag:s11] =	ssyncset.done $0x0  }
0x77: {  	s14 =	simm.s32 $0x400;
	[sflag:s11] =	ssyncadd.s32 $0xFFFFE000  }
0x78: {  	[tilespmem:s18], [sflag:$0x2] =	stream.indirect.gather [hbm4b:s4+s16], $0x40, s14, s16, $0xb8;
	[tilespmem:$0x1D000] =	vst v63  }
0x79: {  	_ =	swait.ge [sflag:s21], $0x2000  }
0x7a: {  	[sflag:s21] =	ssyncset.done $0x0  }
0x7b: {  	s5 =	simm.s32 $0x2A00;
	[sflag:s21] =	ssyncadd.s32 $0xFFFFE000  }
0x7c: {  	[spmem:s2] =	stream.indirect.scatter.add.f32 [tilespmem:s24], [sflag:$0xC], $0x40, s5, s16, $0xb8;
	[tilespmem:$0x1D000] =	vst v63  }
0x7d: {  	_ =	swait.ge [sflag:s26], $0x2000  }
0x7e: {  	[sflag:s26] =	ssyncset.done $0x0  }
0x7f: {  	s12 =	simm.s32 $0x480;
	[sflag:s26] =	ssyncadd.s32 $0xFFFFE000  }
0x80: {  	[tilespmem:s20], [sflag:$0x3] =	stream.indirect.gather [hbm4b:s4+s16], $0x40, s12, s16, $0xb8;
	[tilespmem:$0x1D000] =	vst v63  }
0x81: {  	_ =	swait.ge [sflag:s31], $0x2000  }
0x82: {  	[sflag:s31] =	ssyncset.done $0x0  }
0x83: {  	s14 =	simm.s32 $0x2A80;
	[sflag:s31] =	ssyncadd.s32 $0xFFFFE000  }
0x84: {  	[spmem:s2] =	stream.indirect.scatter.add.f32 [tilespmem:s28], [sflag:$0xD], $0x40, s14, s16, $0xb8;
	[tilespmem:$0x1D000] =	vst v63  }
0x85: {  	_ =	swait.ge [sflag:s8], $0x2000  }
0x86: {  	[sflag:s8] =	ssyncset.done $0x0  }
0x87: {  	s5 =	simm.s32 $0x500;
	[sflag:s8] =	ssyncadd.s32 $0xFFFFE000  }
0x88: {  	[tilespmem:s22], [sflag:$0x4] =	stream.indirect.gather [hbm4b:s4+s16], $0x40, s5, s16, $0xb8;
	[tilespmem:$0x1D000] =	vst v63  }
0x89: {  	_ =	swait.ge [sflag:s19], $0x2000  }
0x8a: {  	[sflag:s19] =	ssyncset.done $0x0  }
0x8b: {  	s12 =	simm.s32 $0x2B00;
	[sflag:s19] =	ssyncadd.s32 $0xFFFFE000  }
0x8c: {  	[spmem:s2] =	stream.indirect.scatter.add.f32 [tilespmem:s1], [sflag:$0xE], $0x40, s12, s16, $0xb8;
	[tilespmem:$0x1D000] =	vst v63  }
0x8d: {  	_ =	swait.ge [sflag:s30], $0x2000  }
0x8e: {  	[sflag:s30] =	ssyncset.done $0x0  }
0x8f: {  	s3 =	simm.s32 $0x0;
	s14 =	simm.s32 $0x580;
	[sflag:s30] =	ssyncadd.s32 $0xFFFFE000  }
0x90: {  	[tilespmem:s24], [sflag:$0x5] =	stream.indirect.gather [hbm4b:s4+s16], $0x40, s14, s16, $0xb8;
	[tilespmem:$0x1D000] =	vst v63  }
.LBB2_2:
0x91: {  	_ =	swait.ge [sflag:s25], $0x2000  }
0x92: {  	s12 =	sshra.s32 s3, $0x2;
	[sflag:s25] =	ssyncset.done $0x0  }
0x93: {  	s5 =	sadd.s32 $0x2B80, s12;
	[sflag:s25] =	ssyncadd.s32 $0xFFFFE000  }
0x94: {  	[spmem:s2] =	stream.indirect.scatter.add.f32 [tilespmem:s17], [sflag:$0x8], $0x40, s5, s16, $0xb8;
	[tilespmem:$0x1D000] =	vst v63  }
0x95: {  	_ =	swait.ge [sflag:s10], $0x2000  }
0x96: {  	[sflag:s10] =	ssyncset.done $0x0  }
0x97: {  	s14 =	sadd.s32 $0x600, s12;
	[sflag:s10] =	ssyncadd.s32 $0xFFFFE000  }
0x98: {  	[tilespmem:s28], [sflag:$0x6] =	stream.indirect.gather [hbm4b:s4+s16], $0x40, s14, s16, $0xb8;
	[tilespmem:$0x1D000] =	vst v63  }
0x99: {  	_ =	swait.ge [sflag:s29], $0x2000  }
0x9a: {  	[sflag:s29] =	ssyncset.done $0x0  }
0x9b: {  	s14 =	sadd.s32 $0x2C00, s12;
	[sflag:s29] =	ssyncadd.s32 $0xFFFFE000  }
0x9c: {  	[spmem:s2] =	stream.indirect.scatter.add.f32 [tilespmem:s18], [sflag:$0x9], $0x40, s14, s16, $0xb8;
	[tilespmem:$0x1D000] =	vst v63  }
0x9d: {  	_ =	swait.ge [sflag:s23], $0x2000  }
0x9e: {  	[sflag:s23] =	ssyncset.done $0x0  }
0x9f: {  	s14 =	sadd.s32 $0x680, s12;
	[sflag:s23] =	ssyncadd.s32 $0xFFFFE000  }
0xa0: {  	[tilespmem:s1], [sflag:$0x7] =	stream.indirect.gather [hbm4b:s4+s16], $0x40, s14, s16, $0xb8;
	[tilespmem:$0x1D000] =	vst v63  }
0xa1: {  	_ =	swait.ge [sflag:s0], $0x2000  }
0xa2: {  	[sflag:s0] =	ssyncset.done $0x0  }
0xa3: {  	s14 =	sadd.s32 $0x2C80, s12;
	[sflag:s0] =	ssyncadd.s32 $0xFFFFE000  }
0xa4: {  	[spmem:s2] =	stream.indirect.scatter.add.f32 [tilespmem:s20], [sflag:$0xA], $0x40, s14, s16, $0xb8;
	[tilespmem:$0x1D000] =	vst v63  }
0xa5: {  	_ =	swait.ge [sflag:s7], $0x2000  }
0xa6: {  	[sflag:s7] =	ssyncset.done $0x0  }
0xa7: {  	s14 =	sadd.s32 $0x700, s12;
	[sflag:s7] =	ssyncadd.s32 $0xFFFFE000  }
0xa8: {  	[tilespmem:s17], [sflag:$0x1] =	stream.indirect.gather [hbm4b:s4+s16], $0x40, s14, s16, $0xb8;
	[tilespmem:$0x1D000] =	vst v63  }
0xa9: {  	_ =	swait.ge [sflag:s9], $0x2000  }
0xaa: {  	[sflag:s9] =	ssyncset.done $0x0  }
0xab: {  	s14 =	sadd.s32 $0x2D00, s12;
	[sflag:s9] =	ssyncadd.s32 $0xFFFFE000  }
0xac: {  	[spmem:s2] =	stream.indirect.scatter.add.f32 [tilespmem:s22], [sflag:$0xB], $0x40, s14, s16, $0xb8;
	[tilespmem:$0x1D000] =	vst v63  }
0xad: {  	_ =	swait.ge [sflag:s11], $0x2000  }
0xae: {  	[sflag:s11] =	ssyncset.done $0x0  }
0xaf: {  	s14 =	sadd.s32 $0x780, s12;
	[sflag:s11] =	ssyncadd.s32 $0xFFFFE000  }
0xb0: {  	[tilespmem:s18], [sflag:$0x2] =	stream.indirect.gather [hbm4b:s4+s16], $0x40, s14, s16, $0xb8;
	[tilespmem:$0x1D000] =	vst v63  }
0xb1: {  	_ =	swait.ge [sflag:s21], $0x2000  }
0xb2: {  	[sflag:s21] =	ssyncset.done $0x0  }
0xb3: {  	s14 =	sadd.s32 $0x2D80, s12;
	[sflag:s21] =	ssyncadd.s32 $0xFFFFE000  }
0xb4: {  	[spmem:s2] =	stream.indirect.scatter.add.f32 [tilespmem:s24], [sflag:$0xC], $0x40, s14, s16, $0xb8;
	[tilespmem:$0x1D000] =	vst v63  }
0xb5: {  	_ =	swait.ge [sflag:s26], $0x2000  }
0xb6: {  	[sflag:s26] =	ssyncset.done $0x0  }
0xb7: {  	s14 =	sadd.s32 $0x800, s12;
	[sflag:s26] =	ssyncadd.s32 $0xFFFFE000  }
0xb8: {  	[tilespmem:s20], [sflag:$0x3] =	stream.indirect.gather [hbm4b:s4+s16], $0x40, s14, s16, $0xb8;
	[tilespmem:$0x1D000] =	vst v63  }
0xb9: {  	_ =	swait.ge [sflag:s31], $0x2000  }
0xba: {  	p0 =	seq.s32 s3, $0x7E00;
	[sflag:s31] =	ssyncset.done $0x0  }
.Ltmp2:
0xbb: {  	s14 =	sadd.s32 $0x2E00, s12;
	[sflag:s31] =	ssyncadd.s32 $0xFFFFE000;
	(pc) =	sbr.rel @p0 .LBB2_4-.Ltmp2, $4  }
0xbc: {  	[spmem:s2] =	stream.indirect.scatter.add.f32 [tilespmem:s28], [sflag:$0xD], $0x40, s14, s16, $0xb8;
	[tilespmem:$0x1D000] =	vst v63  }
0xbd: {  	_ =	swait.ge [sflag:s8], $0x2000  }
0xbe: {  	[sflag:s8] =	ssyncset.done $0x0  }
0xbf: {  	s5 =	sadd.s32 $0x2E80, s12;
	[sflag:s8] =	ssyncadd.s32 $0xFFFFE000  }
0xc0: {  	s14 =	sadd.s32 $0x880, s12  }
0xc1: {  	[tilespmem:s22], [sflag:$0x4] =	stream.indirect.gather [hbm4b:s4+s16], $0x40, s14, s16, $0xb8;
	[tilespmem:$0x1D000] =	vst v63  }
0xc2: {  	_ =	swait.ge [sflag:s19], $0x2000  }
0xc3: {  	[sflag:s19] =	ssyncset.done $0x0  }
0xc4: {  	[sflag:s19] =	ssyncadd.s32 $0xFFFFE000  }
0xc5: {  	[spmem:s2] =	stream.indirect.scatter.add.f32 [tilespmem:s1], [sflag:$0xE], $0x40, s5, s16, $0xb8;
	[tilespmem:$0x1D000] =	vst v63  }
.Ltmp3:
0xc6: {  	_ = 	snop;
	(pc) =	sbr.rel .LBB2_2-.Ltmp3, $4  }
0xc7: {  	_ =	swait.ge [sflag:s30], $0x2000  }
0xc8: {  	[sflag:s30] =	ssyncset.done $0x0  }
0xc9: {  	s3 =	sadd.s32 $0xE00, s3;
	s14 =	sadd.s32 $0x900, s12;
	[sflag:s30] =	ssyncadd.s32 $0xFFFFE000  }
0xca: {  	[tilespmem:s24], [sflag:$0x5] =	stream.indirect.gather [hbm4b:s4+s16], $0x40, s14, s16, $0xb8;
	[tilespmem:$0x1D000] =	vst v63  }
.LBB2_4:
0xcb: {  	_ =	swait.ge [sflag:s19], $0x2000  }
0xcc: {  	[sflag:s19] =	ssyncset.done $0x0  }
0xcd: {  	[sflag:s19] =	ssyncadd.s32 $0xFFFFE000  }
0xce: {  	[spmem:s2] =	stream.indirect.scatter.add.f32 [tilespmem:s1], [sflag:$0xE], $0x40, s5, s16, $0xb8;
	[tilespmem:$0x1D000] =	vst v63  }
0xcf: {  	_ =	swait.ge [sflag:s30], $0x2000  }
0xd0: {  	[sflag:s30] =	ssyncset.done $0x0  }
0xd1: {  	[sflag:s30] =	ssyncadd.s32 $0xFFFFE000  }
0xd2: {  	_ =	swait.ge [sflag:s25], $0x2000  }
0xd3: {  	[sflag:s25] =	ssyncset.done $0x0  }
0xd4: {  	s3 =	simm.s32 $0x4E80;
	[sflag:s25] =	ssyncadd.s32 $0xFFFFE000  }
0xd5: {  	[spmem:s2] =	stream.indirect.scatter.add.f32 [tilespmem:s17], [sflag:$0x8], $0x40, s3, s16, $0xb8;
	[tilespmem:$0x1D000] =	vst v63  }
0xd6: {  	_ =	swait.ge [sflag:s10], $0x2000  }
0xd7: {  	[sflag:s10] =	ssyncset.done $0x0  }
0xd8: {  	[sflag:s10] =	ssyncadd.s32 $0xFFFFE000  }
0xd9: {  	_ =	swait.ge [sflag:s29], $0x2000  }
0xda: {  	[sflag:s29] =	ssyncset.done $0x0  }
0xdb: {  	s12 =	simm.s32 $0x4F00;
	[sflag:s29] =	ssyncadd.s32 $0xFFFFE000  }
0xdc: {  	[spmem:s2] =	stream.indirect.scatter.add.f32 [tilespmem:s18], [sflag:$0x9], $0x40, s12, s16, $0xb8;
	[tilespmem:$0x1D000] =	vst v63  }
0xdd: {  	_ =	swait.ge [sflag:s23], $0x2000  }
0xde: {  	[sflag:s23] =	ssyncset.done $0x0  }
0xdf: {  	[sflag:s23] =	ssyncadd.s32 $0xFFFFE000  }
0xe0: {  	_ =	swait.ge [sflag:s0], $0x2000  }
0xe1: {  	[sflag:s0] =	ssyncset.done $0x0  }
0xe2: {  	s14 =	simm.s32 $0x4F80;
	[sflag:s0] =	ssyncadd.s32 $0xFFFFE000  }
0xe3: {  	[spmem:s2] =	stream.indirect.scatter.add.f32 [tilespmem:s20], [sflag:$0xA], $0x40, s14, s16, $0xb8;
	[tilespmem:$0x1D000] =	vst v63  }
0xe4: {  	_ =	swait.ge [sflag:s7], $0x2000  }
0xe5: {  	[sflag:s7] =	ssyncset.done $0x0  }
0xe6: {  	[sflag:s7] =	ssyncadd.s32 $0xFFFFE000  }
0xe7: {  	_ =	swait.ge [sflag:s11], $0x2000  }
0xe8: {  	[sflag:s11] =	ssyncset.done $0x0  }
0xe9: {  	[sflag:s11] =	ssyncadd.s32 $0xFFFFE000  }
0xea: {  	_ =	swait.ge [sflag:s26], $0x2000  }
0xeb: {  	[sflag:s26] =	ssyncset.done $0x0  }
0xec: {  	[sflag:s26] =	ssyncadd.s32 $0xFFFFE000  }
0xed: {  	[bflag:$0x0] =	sbarrier.arrive $0xFFFF  }
0xee: {  	s5 =	rddreg [dreg:$0x7]  }
0xef: {  	s14 =	simm.s32 $0x10;
	s12 =	rddreg [dreg:$0xb]  }
0xf0: {  	[hbm:s5@s14], [sflag:s12] =	dma.strided [spmem:s15@s7], $0x1400, s25, $0x8   }
0xf1: {  	_ =	swait.ge [sflag:s13], $0x1400  }
0xf2: {  	[sflag:s13] =	ssyncset.done $0x0  }
0xf3: {  	s3 =	simm.s32 $0x0;
	s14 =	rddreg [dreg:$0x8];
	[sflag:s13] =	ssyncadd.s32 $0xFFFFEC00  }
0xf4: {  	[tilespmem:s3], [sflag:$0xF] =	stream.linear.gather [hbm4b:s14+s3], $0x2800, $0x38;
	[tilespmem:$0x1D000] =	vst v63  }
0xf5: {  	_ =	swait.ge [sflag:s13], $0x2800  }
0xf6: {  	[sflag:s13] =	ssyncset.done $0x0  }
0xf7: {  	s14 =	rddreg [dreg:$0x4];
	[sflag:s13] =	ssyncadd.s32 $0xFFFFD800  }
0xf8: {  	[spmem:s15], [sflag:s12] =	dma.local [hbm:s14], $0x1400  }
0xf9: {  	_ =	swait.ge [sflag:s13], $0x1400  }
0xfa: {  	[sflag:s13] =	ssyncset.done $0x0  }
0xfb: {  	[sflag:s13] =	ssyncadd.s32 $0xFFFFEC00  }
0xfc: {  	[bflag:$0x0] =	sbarrier.arrive $0xFFFF  }
0xfd: {  	[tilespmem:s17], [sflag:$0x1] =	stream.indirect.gather [hbm4b:s4+s16], $0x40, s3, s16, $0xb8;
	[tilespmem:$0x1D000] =	vst v63  }
0xfe: {  	_ = 	snop  }
0xff: {  	[tilespmem:s18], [sflag:$0x2] =	stream.indirect.gather [hbm4b:s4+s16], $0x40, s16, s16, $0xb8;
	[tilespmem:$0x1D000] =	vst v63  }
0x100: {  	s14 =	simm.s32 $0x100  }
0x101: {  	[tilespmem:s20], [sflag:$0x3] =	stream.indirect.gather [hbm4b:s4+s16], $0x40, s14, s16, $0xb8;
	[tilespmem:$0x1D000] =	vst v63  }
0x102: {  	s12 =	simm.s32 $0x180  }
0x103: {  	[tilespmem:s22], [sflag:$0x4] =	stream.indirect.gather [hbm4b:s4+s16], $0x40, s12, s16, $0xb8;
	[tilespmem:$0x1D000] =	vst v63  }
0x104: {  	s14 =	simm.s32 $0x200  }
0x105: {  	[tilespmem:s24], [sflag:$0x5] =	stream.indirect.gather [hbm4b:s4+s16], $0x40, s14, s16, $0xb8;
	[tilespmem:$0x1D000] =	vst v63  }
0x106: {  	_ =	swait.ge [sflag:s25], $0x2000  }
0x107: {  	[sflag:s25] =	ssyncset.done $0x0  }
0x108: {  	s12 =	simm.s32 $0x2800;
	[sflag:s25] =	ssyncadd.s32 $0xFFFFE000  }
0x109: {  	[spmem:s2] =	stream.indirect.scatter.add.f32 [tilespmem:s17], [sflag:$0x8], $0x40, s12, s16, $0xb8;
	[tilespmem:$0x1D000] =	vst v63  }
0x10a: {  	s14 =	simm.s32 $0x280  }
0x10b: {  	[tilespmem:s28], [sflag:$0x6] =	stream.indirect.gather [hbm4b:s4+s16], $0x40, s14, s16, $0xb8;
	[tilespmem:$0x1D000] =	vst v63  }
0x10c: {  	_ =	swait.ge [sflag:s29], $0x2000  }
0x10d: {  	[sflag:s29] =	ssyncset.done $0x0  }
0x10e: {  	s12 =	simm.s32 $0x2880;
	[sflag:s29] =	ssyncadd.s32 $0xFFFFE000  }
0x10f: {  	[spmem:s2] =	stream.indirect.scatter.add.f32 [tilespmem:s18], [sflag:$0x9], $0x40, s12, s16, $0xb8;
	[tilespmem:$0x1D000] =	vst v63  }
0x110: {  	s14 =	simm.s32 $0x300  }
0x111: {  	[tilespmem:s1], [sflag:$0x7] =	stream.indirect.gather [hbm4b:s4+s16], $0x40, s14, s16, $0xb8;
	[tilespmem:$0x1D000] =	vst v63  }
0x112: {  	_ =	swait.ge [sflag:s0], $0x2000  }
0x113: {  	[sflag:s0] =	ssyncset.done $0x0  }
0x114: {  	s12 =	simm.s32 $0x2900;
	[sflag:s0] =	ssyncadd.s32 $0xFFFFE000  }
0x115: {  	[spmem:s2] =	stream.indirect.scatter.add.f32 [tilespmem:s20], [sflag:$0xA], $0x40, s12, s16, $0xb8;
	[tilespmem:$0x1D000] =	vst v63  }
0x116: {  	_ =	swait.ge [sflag:s7], $0x2000  }
0x117: {  	[sflag:s7] =	ssyncset.done $0x0  }
0x118: {  	s14 =	simm.s32 $0x380;
	[sflag:s7] =	ssyncadd.s32 $0xFFFFE000  }
0x119: {  	[tilespmem:s17], [sflag:$0x1] =	stream.indirect.gather [hbm4b:s4+s16], $0x40, s14, s16, $0xb8;
	[tilespmem:$0x1D000] =	vst v63  }
0x11a: {  	_ =	swait.ge [sflag:s9], $0x2000  }
0x11b: {  	[sflag:s9] =	ssyncset.done $0x0  }
0x11c: {  	s12 =	simm.s32 $0x2980;
	[sflag:s9] =	ssyncadd.s32 $0xFFFFE000  }
0x11d: {  	[spmem:s2] =	stream.indirect.scatter.add.f32 [tilespmem:s22], [sflag:$0xB], $0x40, s12, s16, $0xb8;
	[tilespmem:$0x1D000] =	vst v63  }
0x11e: {  	_ =	swait.ge [sflag:s11], $0x2000  }
0x11f: {  	[sflag:s11] =	ssyncset.done $0x0  }
0x120: {  	s14 =	simm.s32 $0x400;
	[sflag:s11] =	ssyncadd.s32 $0xFFFFE000  }
0x121: {  	[tilespmem:s18], [sflag:$0x2] =	stream.indirect.gather [hbm4b:s4+s16], $0x40, s14, s16, $0xb8;
	[tilespmem:$0x1D000] =	vst v63  }
0x122: {  	_ =	swait.ge [sflag:s21], $0x2000  }
0x123: {  	[sflag:s21] =	ssyncset.done $0x0  }
0x124: {  	s12 =	simm.s32 $0x2A00;
	[sflag:s21] =	ssyncadd.s32 $0xFFFFE000  }
0x125: {  	[spmem:s2] =	stream.indirect.scatter.add.f32 [tilespmem:s24], [sflag:$0xC], $0x40, s12, s16, $0xb8;
	[tilespmem:$0x1D000] =	vst v63  }
0x126: {  	_ =	swait.ge [sflag:s26], $0x2000  }
0x127: {  	[sflag:s26] =	ssyncset.done $0x0  }
0x128: {  	s14 =	simm.s32 $0x480;
	[sflag:s26] =	ssyncadd.s32 $0xFFFFE000  }
0x129: {  	[tilespmem:s20], [sflag:$0x3] =	stream.indirect.gather [hbm4b:s4+s16], $0x40, s14, s16, $0xb8;
	[tilespmem:$0x1D000] =	vst v63  }
0x12a: {  	_ =	swait.ge [sflag:s31], $0x2000  }
0x12b: {  	[sflag:s31] =	ssyncset.done $0x0  }
0x12c: {  	s12 =	simm.s32 $0x2A80;
	[sflag:s31] =	ssyncadd.s32 $0xFFFFE000  }
0x12d: {  	[spmem:s2] =	stream.indirect.scatter.add.f32 [tilespmem:s28], [sflag:$0xD], $0x40, s12, s16, $0xb8;
	[tilespmem:$0x1D000] =	vst v63  }
0x12e: {  	_ =	swait.ge [sflag:s8], $0x2000  }
0x12f: {  	[sflag:s8] =	ssyncset.done $0x0  }
0x130: {  	s14 =	simm.s32 $0x500;
	[sflag:s8] =	ssyncadd.s32 $0xFFFFE000  }
0x131: {  	[tilespmem:s22], [sflag:$0x4] =	stream.indirect.gather [hbm4b:s4+s16], $0x40, s14, s16, $0xb8;
	[tilespmem:$0x1D000] =	vst v63  }
0x132: {  	_ =	swait.ge [sflag:s19], $0x2000  }
0x133: {  	[sflag:s19] =	ssyncset.done $0x0  }
0x134: {  	s12 =	simm.s32 $0x2B00;
	[sflag:s19] =	ssyncadd.s32 $0xFFFFE000  }
0x135: {  	[spmem:s2] =	stream.indirect.scatter.add.f32 [tilespmem:s1], [sflag:$0xE], $0x40, s12, s16, $0xb8;
	[tilespmem:$0x1D000] =	vst v63  }
0x136: {  	_ =	swait.ge [sflag:s30], $0x2000  }
0x137: {  	[sflag:s30] =	ssyncset.done $0x0  }
0x138: {  	s14 =	simm.s32 $0x580;
	[sflag:s30] =	ssyncadd.s32 $0xFFFFE000  }
0x139: {  	[tilespmem:s24], [sflag:$0x5] =	stream.indirect.gather [hbm4b:s4+s16], $0x40, s14, s16, $0xb8;
	[tilespmem:$0x1D000] =	vst v63  }
.LBB2_5:
0x13a: {  	_ =	swait.ge [sflag:s25], $0x2000  }
0x13b: {  	s12 =	sshra.s32 s3, $0x2;
	[sflag:s25] =	ssyncset.done $0x0  }
0x13c: {  	s5 =	sadd.s32 $0x2B80, s12;
	[sflag:s25] =	ssyncadd.s32 $0xFFFFE000  }
0x13d: {  	[spmem:s2] =	stream.indirect.scatter.add.f32 [tilespmem:s17], [sflag:$0x8], $0x40, s5, s16, $0xb8;
	[tilespmem:$0x1D000] =	vst v63  }
0x13e: {  	_ =	swait.ge [sflag:s10], $0x2000  }
0x13f: {  	[sflag:s10] =	ssyncset.done $0x0  }
0x140: {  	s14 =	sadd.s32 $0x600, s12;
	[sflag:s10] =	ssyncadd.s32 $0xFFFFE000  }
0x141: {  	[tilespmem:s28], [sflag:$0x6] =	stream.indirect.gather [hbm4b:s4+s16], $0x40, s14, s16, $0xb8;
	[tilespmem:$0x1D000] =	vst v63  }
0x142: {  	_ =	swait.ge [sflag:s29], $0x2000  }
0x143: {  	[sflag:s29] =	ssyncset.done $0x0  }
0x144: {  	s14 =	sadd.s32 $0x2C00, s12;
	[sflag:s29] =	ssyncadd.s32 $0xFFFFE000  }
0x145: {  	[spmem:s2] =	stream.indirect.scatter.add.f32 [tilespmem:s18], [sflag:$0x9], $0x40, s14, s16, $0xb8;
	[tilespmem:$0x1D000] =	vst v63  }
0x146: {  	_ =	swait.ge [sflag:s23], $0x2000  }
0x147: {  	[sflag:s23] =	ssyncset.done $0x0  }
0x148: {  	s14 =	sadd.s32 $0x680, s12;
	[sflag:s23] =	ssyncadd.s32 $0xFFFFE000  }
0x149: {  	[tilespmem:s1], [sflag:$0x7] =	stream.indirect.gather [hbm4b:s4+s16], $0x40, s14, s16, $0xb8;
	[tilespmem:$0x1D000] =	vst v63  }
0x14a: {  	_ =	swait.ge [sflag:s0], $0x2000  }
0x14b: {  	[sflag:s0] =	ssyncset.done $0x0  }
0x14c: {  	s14 =	sadd.s32 $0x2C80, s12;
	[sflag:s0] =	ssyncadd.s32 $0xFFFFE000  }
0x14d: {  	[spmem:s2] =	stream.indirect.scatter.add.f32 [tilespmem:s20], [sflag:$0xA], $0x40, s14, s16, $0xb8;
	[tilespmem:$0x1D000] =	vst v63  }
0x14e: {  	_ =	swait.ge [sflag:s7], $0x2000  }
0x14f: {  	[sflag:s7] =	ssyncset.done $0x0  }
0x150: {  	s14 =	sadd.s32 $0x700, s12;
	[sflag:s7] =	ssyncadd.s32 $0xFFFFE000  }
0x151: {  	[tilespmem:s17], [sflag:$0x1] =	stream.indirect.gather [hbm4b:s4+s16], $0x40, s14, s16, $0xb8;
	[tilespmem:$0x1D000] =	vst v63  }
0x152: {  	_ =	swait.ge [sflag:s9], $0x2000  }
0x153: {  	[sflag:s9] =	ssyncset.done $0x0  }
0x154: {  	s14 =	sadd.s32 $0x2D00, s12;
	[sflag:s9] =	ssyncadd.s32 $0xFFFFE000  }
0x155: {  	[spmem:s2] =	stream.indirect.scatter.add.f32 [tilespmem:s22], [sflag:$0xB], $0x40, s14, s16, $0xb8;
	[tilespmem:$0x1D000] =	vst v63  }
0x156: {  	_ =	swait.ge [sflag:s11], $0x2000  }
0x157: {  	[sflag:s11] =	ssyncset.done $0x0  }
0x158: {  	s14 =	sadd.s32 $0x780, s12;
	[sflag:s11] =	ssyncadd.s32 $0xFFFFE000  }
0x159: {  	[tilespmem:s18], [sflag:$0x2] =	stream.indirect.gather [hbm4b:s4+s16], $0x40, s14, s16, $0xb8;
	[tilespmem:$0x1D000] =	vst v63  }
0x15a: {  	_ =	swait.ge [sflag:s21], $0x2000  }
0x15b: {  	[sflag:s21] =	ssyncset.done $0x0  }
0x15c: {  	s14 =	sadd.s32 $0x2D80, s12;
	[sflag:s21] =	ssyncadd.s32 $0xFFFFE000  }
0x15d: {  	[spmem:s2] =	stream.indirect.scatter.add.f32 [tilespmem:s24], [sflag:$0xC], $0x40, s14, s16, $0xb8;
	[tilespmem:$0x1D000] =	vst v63  }
0x15e: {  	_ =	swait.ge [sflag:s26], $0x2000  }
0x15f: {  	[sflag:s26] =	ssyncset.done $0x0  }
0x160: {  	s14 =	sadd.s32 $0x800, s12;
	[sflag:s26] =	ssyncadd.s32 $0xFFFFE000  }
0x161: {  	[tilespmem:s20], [sflag:$0x3] =	stream.indirect.gather [hbm4b:s4+s16], $0x40, s14, s16, $0xb8;
	[tilespmem:$0x1D000] =	vst v63  }
0x162: {  	_ =	swait.ge [sflag:s31], $0x2000  }
0x163: {  	p0 =	seq.s32 s3, $0x7E00;
	[sflag:s31] =	ssyncset.done $0x0  }
.Ltmp4:
0x164: {  	s14 =	sadd.s32 $0x2E00, s12;
	[sflag:s31] =	ssyncadd.s32 $0xFFFFE000;
	(pc) =	sbr.rel @p0 .LBB2_7-.Ltmp4, $4  }
0x165: {  	[spmem:s2] =	stream.indirect.scatter.add.f32 [tilespmem:s28], [sflag:$0xD], $0x40, s14, s16, $0xb8;
	[tilespmem:$0x1D000] =	vst v63  }
0x166: {  	_ =	swait.ge [sflag:s8], $0x2000  }
0x167: {  	[sflag:s8] =	ssyncset.done $0x0  }
0x168: {  	s5 =	sadd.s32 $0x2E80, s12;
	[sflag:s8] =	ssyncadd.s32 $0xFFFFE000  }
0x169: {  	s14 =	sadd.s32 $0x880, s12  }
0x16a: {  	[tilespmem:s22], [sflag:$0x4] =	stream.indirect.gather [hbm4b:s4+s16], $0x40, s14, s16, $0xb8;
	[tilespmem:$0x1D000] =	vst v63  }
0x16b: {  	_ =	swait.ge [sflag:s19], $0x2000  }
0x16c: {  	[sflag:s19] =	ssyncset.done $0x0  }
0x16d: {  	[sflag:s19] =	ssyncadd.s32 $0xFFFFE000  }
0x16e: {  	[spmem:s2] =	stream.indirect.scatter.add.f32 [tilespmem:s1], [sflag:$0xE], $0x40, s5, s16, $0xb8;
	[tilespmem:$0x1D000] =	vst v63  }
.Ltmp5:
0x16f: {  	_ = 	snop;
	(pc) =	sbr.rel .LBB2_5-.Ltmp5, $4  }
0x170: {  	_ =	swait.ge [sflag:s30], $0x2000  }
0x171: {  	[sflag:s30] =	ssyncset.done $0x0  }
0x172: {  	s3 =	sadd.s32 $0xE00, s3;
	s14 =	sadd.s32 $0x900, s12;
	[sflag:s30] =	ssyncadd.s32 $0xFFFFE000  }
0x173: {  	[tilespmem:s24], [sflag:$0x5] =	stream.indirect.gather [hbm4b:s4+s16], $0x40, s14, s16, $0xb8;
	[tilespmem:$0x1D000] =	vst v63  }
.LBB2_8:
0x174: {  	_ =	sfence.sel $0x180000  }
0x175: {  	[bflag:$0x0] =	sbarrier.arrive $0xFFFF  }
0x176: {  	_ =	strace $0x9000004A  }
0x177: {  	s0 =	stileid.u32;
	[bflag:$0x2] =	sbarrier.arrive $0xFFFF  }
0x178: {  	p0 =	sne.s32 s0, $0x0;
	s0 =	rddreg [dreg:$0x3]  }
0x179: {  	s0 =	sadd.s32 @!p0 $0x100000, s0  }
0x17a: {  	[sflag:s0] =	ssyncadd.tile.s32 @!p0 $0x1;
	_ =	shalt  }
.Lfunc_end2:
_tile_overlayer_lowered:
.L_overlay_start_2:
0x17b: {  	(tag) =	ssettag $0x2  }
0x17c: {  	s0 =	rddreg [dreg:$0x0];
	s2 =	stileid.u32  }
0x17d: {  	s1 =	rddreg [dreg:$0x1];
	p0 =	sne.s32 s2, $0x0  }
0x17e: {  	s3 =	rddreg [dreg:$0x2];
	[bflag:$0x3] =	sbarrier.arrive $0xFFFF;
	s2 =	simm.s32 @!p0 $0x1C0F  }
0x17f: {  	[timem:s3], [sflag:s2] =	dma.local @!p0 [hbm:s0], s1  }
0x180: {  	s0 =	simm.s32 @!p0 $0xF  }
0x181: {  	_ =	swait.ge @!p0 [sflag:s0], s1  }
0x182: {  	s1 =	ssub.s32 @!p0 $0x0, s1;
	[sflag:s0] =	ssyncset.done @!p0 $0x0  }
0x183: {  	[sflag:s0] =	ssyncadd.s32 @!p0 s1  }
0x184: {  	[bflag:$0x3] =	sbarrier.arrive $0xFFFF  }
0x185: {  	_ =	shalt  }

// kernel: kernel.14.cloned.1.call-start
scs
__scs_entry_jumppad:
0x0: {  	(pc) =	sbr.rel $0x88, $3  }
0x1: {  	(tag) =	ssettag $0x0;
	lr =	simm.s32 $0x1  }
0x2: {  	[smem:$0x3F9B] =	sst lr;
	_ =	strace $0xD0000000  }
0x3: {  	_ = 	snop  }
0x4: {  	_ = 	snop  }
0x5: {  	_ = 	snop  }
0x6: {  	_ = 	snop  }
0x7: {  	_ = 	snop  }
__scs_overlays_trampoline_lowered:
0x8: {  	[smem:$0x3FAA] =	sst s0  }
0x9: {  	[smem:$0x3FAB] =	sst s1  }
0xa: {  	[smem:$0x3FAC] =	sst s2  }
0xb: {  	[smem:$0x3FAD] =	sst s3  }
0xc: {  	[smem:$0x3FAE] =	sst s4  }
0xd: {  	[smem:$0x3FAF] =	sst s5  }
0xe: {  	[smem:$0x3FB0] =	sst s6  }
0xf: {  	[smem:$0x3FB1] =	sst s7  }
0x10: {  	[smem:$0x3FB2] =	sst s8  }
0x11: {  	[smem:$0x3FB3] =	sst s9;
	s0 =	simm.s32 @!p0 $0x0  }
0x12: {  	s1 =	sld [smem:$0x3F99];
	s0 =	simm.s32 @p0 $0x1  }
0x13: {  	[smem:$0x3FB4] =	sst s0;
	s0 =	simm.s32 @!p1 $0x0  }
0x14: {  	s2 =	sld [smem:$0x3F98];
	s0 =	simm.s32 @p1 $0x1  }
0x15: {  	[smem:$0x3FB5] =	sst s0;
	s0 =	simm.s32 @!p2 $0x0  }
0x16: {  	s3 =	sld [smem:$0x3FDB];
	s0 =	simm.s32 @p2 $0x1  }
0x17: {  	s4 =	simm.s32 $0x1BF5;
	[smem:$0x3FB7] =	sst s0  }
0x18: {  	s0 =	sld [smem:$0x3F9A];
	_ =	swait.ge [sflag:s4], $0x0  }
0x19: {  	s7 =	sld [smem:$0x3F9B]  }
0x1a: {  	s8 =	sadd.s32 $0xFFFFE003, lr  }
0x1b: {  	s9 =	sadd.s32 $0xFFFFFEF7, lr;
	s5 =	simm.s32 $0xFFFFFFFF;
	p2 =	slt.u32 s8, $0xFFFFF086  }
0x1c: {  	p1 =	slt.u32 s9, $0xF7A;
	s5 =	simm.s32 @!p2 $0x0  }
0x1d: {  	s5 =	simm.s32 @p1 $0x1;
	p0 =	seq.s32 s7, s2  }
0x1e: {  	s7 =	smul.u32 @!p0 $0xF7A, s2;
	p2 =	seq.s32 @!p0 s5, $0x0  }
0x1f: {  	s9 =	smul.u32 $0xF7A, s1;
	s8 =	simm.s32 @!p0 $0x1BF5;
	p2 =	por !p2, p0  }
0x20: {  	[sflag:s8] =	ssyncset.s32 @!p0 $0xFFFFF086;
	s6 =	sadd.s32 @!p0 s3, s7;
	s7 =	simm.s32 @!p0 $0x108  }
0x21: {  	s3 =	sadd.s32 s3, s9;
	s6 =	sadd.s32 @!p0 $0x88, s6;
	s7 =	simm.s32 @p2 $0x1082  }
0x22: {  	[simem:s7], [sflag:s8] =	dma.local @!p0 [hbm:s6], $0xF7A  }
0x23: {  	s9 =	sor.u32 $0xD0000000, s2;
	s6 =	simm.s32 $0x108;
	_ =	swait.ge @!p0 [sflag:s8], $0x0  }
0x24: {  	s3 =	sadd.s32 $0x88, s3;
	s6 =	simm.s32 @!p1 $0x1082;
	[sflag:s4] =	ssyncset.s32 $0xFFFFF086  }
0x25: {  	[simem:s6], [sflag:s4] =	dma.local [hbm:s3], $0xF7A  }
0x26: {  	[smem:$0x3F9B] =	sst s1;
	(tag) =	ssettag s2;
	_ =	strace s9  }
0x27: {  	s1 =	sld [smem:$0x3FAB]  }
0x28: {  	s2 =	sld [smem:$0x3FAC]  }
0x29: {  	s4 =	sld [smem:$0x3FAE]  }
0x2a: {  	p0 =	seq.s32 s5, $0x0;
	s5 =	sld [smem:$0x3FAF]  }
0x2b: {  	s6 =	sld [smem:$0x3FB0]  }
0x2c: {  	s7 =	sld [smem:$0x3FB1]  }
0x2d: {  	s3 =	simm.s32 $0x108;
	s8 =	sld [smem:$0x3FB2]  }
0x2e: {  	s3 =	simm.s32 @!p0 $0x1082;
	s9 =	sld [smem:$0x3FB3]  }
0x2f: {  	lr =	sadd.s32 s0, s3;
	s0 =	sld [smem:$0x3FAA]  }
0x30: {  	s3 =	sld [smem:$0x3FAD]  }
0x31: {  	[smem:$0x3FB6] =	sst s10  }
0x32: {  	s10 =	sld [smem:$0x3FB4];
	_ =	sdelay $0x3  }
0x33: {  	p0 =	seq.s32 s10, $0x1;
	s10 =	sld [smem:$0x3FB6];
	_ =	sdelay $0x3  }
0x34: {  	[smem:$0x3FB6] =	sst s10  }
0x35: {  	s10 =	sld [smem:$0x3FB5];
	_ =	sdelay $0x3  }
0x36: {  	p1 =	seq.s32 s10, $0x1;
	s10 =	sld [smem:$0x3FB6];
	_ =	sdelay $0x3  }
0x37: {  	[smem:$0x3FB6] =	sst s10  }
0x38: {  	s10 =	sld [smem:$0x3FB7]  }
0x39: {  	_ = 	snop;
	(pc) =	sbr.ind lr, $3  }
0x3a: {  	_ = 	snop  }
0x3b: {  	_ = 	snop  }
0x3c: {  	p2 =	seq.s32 s10, $0x1;
	s10 =	sld [smem:$0x3FB6]  }
0x3d: {  	_ =	shalt  }
0x3e: {  	_ =	shalt  }
0x3f: {  	_ =	shalt  }
0x40: {  	_ =	shalt  }
0x41: {  	_ =	shalt  }
0x42: {  	_ =	shalt  }
0x43: {  	_ =	shalt  }
0x44: {  	_ =	shalt  }
0x45: {  	_ =	shalt  }
0x46: {  	_ =	shalt  }
0x47: {  	_ =	shalt  }
0x48: {  	_ =	shalt  }
0x49: {  	_ =	shalt  }
0x4a: {  	_ =	shalt  }
0x4b: {  	_ =	shalt  }
0x4c: {  	_ =	shalt  }
0x4d: {  	_ =	shalt  }
0x4e: {  	_ =	shalt  }
0x4f: {  	_ =	shalt  }
0x50: {  	_ =	shalt  }
0x51: {  	_ =	shalt  }
0x52: {  	_ =	shalt  }
0x53: {  	_ =	shalt  }
0x54: {  	_ =	shalt  }
0x55: {  	_ =	shalt  }
0x56: {  	_ =	shalt  }
0x57: {  	_ =	shalt  }
0x58: {  	_ =	shalt  }
0x59: {  	_ =	shalt  }
0x5a: {  	_ =	shalt  }
0x5b: {  	_ =	shalt  }
0x5c: {  	_ =	shalt  }
0x5d: {  	_ =	shalt  }
0x5e: {  	_ =	shalt  }
0x5f: {  	_ =	shalt  }
0x60: {  	_ =	shalt  }
0x61: {  	_ =	shalt  }
0x62: {  	_ =	shalt  }
0x63: {  	_ =	shalt  }
0x64: {  	_ =	shalt  }
0x65: {  	_ =	shalt  }
0x66: {  	_ =	shalt  }
0x67: {  	_ =	shalt  }
0x68: {  	_ =	shalt  }
0x69: {  	_ =	shalt  }
0x6a: {  	_ =	shalt  }
0x6b: {  	_ =	shalt  }
0x6c: {  	_ =	shalt  }
0x6d: {  	_ =	shalt  }
0x6e: {  	_ =	shalt  }
0x6f: {  	_ =	shalt  }
0x70: {  	_ =	shalt  }
0x71: {  	_ =	shalt  }
0x72: {  	_ =	shalt  }
0x73: {  	_ =	shalt  }
0x74: {  	_ =	shalt  }
0x75: {  	_ =	shalt  }
0x76: {  	_ =	shalt  }
0x77: {  	_ =	shalt  }
0x78: {  	_ =	shalt  }
0x79: {  	_ =	shalt  }
0x7a: {  	_ =	shalt  }
0x7b: {  	_ =	shalt  }
0x7c: {  	_ =	shalt  }
0x7d: {  	_ =	shalt  }
0x7e: {  	_ =	shalt  }
0x7f: {  	_ =	shalt  }
0x80: {  	_ =	shalt  }
0x81: {  	_ =	shalt  }
0x82: {  	_ =	shalt  }
0x83: {  	_ =	shalt  }
0x84: {  	_ =	shalt  }
0x85: {  	_ =	shalt  }
0x86: {  	_ =	shalt  }
0x87: {  	_ =	shalt  }
.Lfunc_end0:
.L_simem_size_0:
called_computation.2_lowered:
.L_overlay_start_0:
0x88: {  	s2 =	sld [smem:$0x3FD9]  }
0x89: {  	s3 =	sld [smem:$0x3FFE];
	_ =	sdelay $0x1  }
0x8a: {  	s1 =	srdreg.scid  }
0x8b: {  	s0 =	sand.u32 $0x1, s1  }
0x8c: {  	s17 =	sshll.u32 s0, $0xA;
	s2 =	sadd.s32 s3, s2  }
0x8d: {  	s2 =	sadd.s32 s2, s17  }
0x8e: {  	[smem:$0x3FC2] =	sst s2  }
0x8f: {  	_ = 	snop  }
0x90: {  	s2 =	sld [smem:$0x3FD0];
	(tm) =	ssettm $0x1  }
0x91: {  	s18 =	sld [smem:$0x3FFB];
	_ =	sdelay $0x3  }
0x92: {  	_ =	strace s18  }
0x93: {  	s3 =	sld [smem:$0x3FFC];
	_ =	sdelay $0x3  }
0x94: {  	_ =	strace s3  }
0x95: {  	s3 =	sld [smem:$0x3FFD];
	_ =	sdelay $0x3  }
0x96: {  	_ =	strace s3  }
0x97: {  	_ =	strace $0x8FFFFFFF  }
0x98: {  	s19 =	sld [smem:$0x3FDB];
	_ =	sdelay $0x1  }
0x99: {  	s4 =	simm.s32 $_scs_section_size  }
0x9a: {  	s5 =	simm.s32 $_size__tile_overlayer_lowered;
	s6 =	simm.s32 $_tile_overlayer_lowered  }
0x9b: {  	s22 =	simm.s32 $0x1BFF;
	s21 =	sshll.u32 s6, $0x1;
	s3 =	sadd.s32 s4, s19  }
0x9c: {  	s7 =	simm.s32 $0x0;
	s20 =	sshll.u32 s5, $0x1;
	s5 =	sadd.s32 s21, s3  }
0x9d: {  	[timem:s7], [sflag:s22] =	dma.local [hbm:s5], s20  }
0x9e: {  	_ =	swait.ge [sflag:s22], s20  }
0x9f: {  	s4 =	ssub.s32 $0x0, s20;
	[sflag:s22] =	ssyncset.done $0x0  }
0xa0: {  	[sflag:s22] =	ssyncadd.s32 s4;
	_ =	sdelay $0x1  }
0xa1: {  	s23 =	simm.s32 $0x1B8B  }
0xa2: {  	_ =	swait.ge [sflag:s23], $0x1  }
0xa3: {  	[sflag:s23] =	ssyncset.done $0x0  }
0xa4: {  	s25 =	simm.s32 $0x1B8E;
	s24 =	sld [smem:$0x3FFE];
	[sflag:s23] =	ssyncadd.s32 $0xFFFFFFFF  }
0xa5: {  	s26 =	simm.s32 $execute0_lowered;
	[smem:$0x3FD2] =	sst s25  }
0xa6: {  	s5 =	sshll.u32 s26, $0x1;
	_ =	strace $0x8000004C;
	[dreg:$0x1] =	wrdreg $0xFFFFFFFF  }
0xa7: {  	s28 =	simm.s32 $_size_execute0_lowered;
	s3 =	sadd.s32 s3, s5;
	[dreg:$0x0] =	wrdreg $0x0  }
0xa8: {  	s5 =	sshll.u32 s28, $0x1;
	[dreg:$0x2] =	wrdreg s3  }
0xa9: {  	[dreg:$0x3] =	wrdreg s5  }
0xaa: {  	[dreg:$0x4] =	wrdreg $0xC0  }
0xab: {  	_ =	task [dreg:s7], $0x5FFFF  }
0xac: {  	[dreg:$0x1] =	wrdreg $0xFFFFFFFF  }
0xad: {  	[dreg:$0x0] =	wrdreg $0x60  }
0xae: {  	[dreg:$0x2] =	wrdreg s24  }
0xaf: {  	[dreg:$0x3] =	wrdreg s2  }
0xb0: {  	[dreg:$0x4] =	wrdreg $0x130000  }
0xb1: {  	[dreg:$0x5] =	wrdreg $0x9  }
0xb2: {  	_ =	task.clear_ibuf [dreg:s7], $0x6FFFF;
	_ =	strace $0x9000004C  }
0xb3: {  	s29 =	simm.s32 $0x9;
	_ =	strace $0x8000004E  }
0xb4: {  	_ =	swait.ge [sflag:s29], $0x1  }
0xb5: {  	[sflag:s29] =	ssyncadd.s32 $0xFFFFFFFF  }
0xb6: {  	_ =	strace $0x9000004E  }
0xb7: {  	_ =	sfence  }
0xb8: {  	s30 =	sld [smem:$0x0];
	_ =	sdelay $0x2  }
0xb9: {  	s31 =	sshll.u32 s1, $0xD;
	s1 =	sshrl.u32 s1, $0x2  }
0xba: {  	s3 =	sand.u32 $0x4000, s31;
	s1 =	sadd.s32 s1, s30  }
0xbb: {  	s0 =	sor.u32 s3, s0;
	s1 =	sshll.u32 s1, $0x11  }
0xbc: {  	s0 =	sor.u32 s1, s0  }
0xbd: {  	s0 =	sadd.s32 $0x8F2B, s0  }
0xbe: {  	[sflag:s0] =	ssyncadd.remote.s32 $0x1  }
0xbf: {  	_ =	sfence.sel $0xFFFF  }
0xc0: {  	[dreg:$0x0] =	wrdreg $0xFFFFFFFF;
	(pc) =	sbr.abs _section_cstart, $3  }
0xc1: {  	[dreg:$0x1] =	wrdreg $0xFFFFFFFF  }
0xc2: {  	_ =	task.clear_ibuf [dreg:s7], $0x2FFFF;
	_ =	strace $0x9FFFFFFF  }
0xc3: {  	(tm) =	ssettm $0x7FFFFFFF  }
tec
execute0_lowered:
.L_overlay_start_1:
0x0: {  	(tag) =	ssettag $0x1  }
0x1: {  	s0 =	srdreg.scid;
	s1 =	rddreg [dreg:$0x0]  }
0x2: {  	s9 =	stileid.u32;
	s3 =	rddreg [dreg:$0x1];
	s19 =	simm.s32 $0x0  }
0x3: {  	s13 =	simm.s32 $0xF;
	s16 =	simm.s32 $0x80;
	s17 =	simm.s32 $0x5000  }
0x4: {  	s18 =	simm.s32 $0x7000;
	s28 =	simm.s32 $0xF000;
	s29 =	simm.s32 $0x2  }
0x5: {  	s11 =	simm.s32 $0x9;
	s31 =	simm.s32 $0x6;
	s30 =	simm.s32 $0xC  }
0x6: {  	s0 =	sand.u32 $0x1, s0;
	s2 =	sshll.u32 s9, $0x1;
	s7 =	smul.u32 $0x14000, s9  }
0x7: {  	[smem:$0x7FF] =	sst s19;
	s20 =	smul.u32 $0x28000, s9;
	s10 =	sadd.s32 $0x3600, s1  }
0x8: {  	s26 =	sshll.u32 s9, $0x6;
	s9 =	simm.s32 $0x4;
	s19 =	simm.s32 $0x7  }
0x9: {  	s4 =	sor.u32 s0, s2;
	s2 =	rddreg [dreg:$0x2];
	s6 =	smul.u32 $0x140000, s0  }
0xa: {  	_ =	strace $0x8000004D;
	s0 =	ssub.s32 $0x2, s0;
	[dreg:$0x4] =	wrdreg s10  }
0xb: {  	s10 =	simm.s32 $0xD;
	s5 =	smul.u32 $0x500, s4;
	s4 =	sadd.s32 $0x26C00, s1  }
0xc: {  	s21 =	sshrl.u32 s0, $0x1;
	s22 =	sshrl.u32 s20, $0x2;
	s20 =	simm.s32 $0x9000  }
0xd: {  	s6 =	sadd.s32 s7, s6;
	s0 =	ssub.s32 s0, s21;
	s7 =	simm.s32 $0x8  }
0xe: {  	s21 =	simm.s32 $0x5;
	s8 =	sadd.s32 s5, s1;
	s6 =	sshrl.u32 s6, $0x3  }
0xf: {  	s3 =	sadd.s32 s3, s5;
	s0 =	smax.u32 s0, $0x1;
	s5 =	sor.u32 $0x1C0F, s26  }
0x10: {  	s26 =	simm.s32 $0xA;
	s1 =	sadd.s32 s6, s1;
	[dreg:$0x5] =	wrdreg s3  }
0x11: {  	s23 =	sadd.s32 $0x1CC00, s8;
	s3 =	sadd.s32 s22, s2;
	s25 =	sadd.s32 $0x12C00, s8  }
0x12: {  	[dreg:$0xa] =	wrdreg s0;
	s22 =	simm.s32 $0xB000;
	s0 =	simm.s32 $0x3  }
.Ltmp0:
0x13: {  	s8 =	simm.s32 $0xB;
	[dreg:$0xb] =	wrdreg s5;
	(pc) =	sbr.rel .LBB2_1-.Ltmp0, $4  }
0x14: {  	s6 =	simm.s32 $0x0;
	[dreg:$0x6] =	wrdreg s23;
	s24 =	sadd.s32 $0x4EC00, s1  }
0x15: {  	[dreg:$0x8] =	wrdreg s25;
	s1 =	sadd.s32 $0x4EC08, s1;
	s15 =	sshrl.u32 s3, $0x3  }
0x16: {  	s25 =	simm.s32 $0x1;
	s23 =	simm.s32 $0xE;
	[dreg:$0x7] =	wrdreg s24  }
0x17: {  	[dreg:$0x9] =	wrdreg s1;
	s24 =	simm.s32 $0xD000;
	s1 =	simm.s32 $0x11000  }
.LBB2_7:
0x18: {  	_ =	swait.ge [sflag:s19], $0x2000  }
0x19: {  	[sflag:s19] =	ssyncset.done $0x0  }
0x1a: {  	[sflag:s19] =	ssyncadd.s32 $0xFFFFE000  }
0x1b: {  	[spmem:s2] =	stream.indirect.scatter.add.f32 [tilespmem:s1], [sflag:$0xE], $0x40, s5, s16, $0xb8;
	[tilespmem:$0x1D000] =	vst v63  }
0x1c: {  	_ =	swait.ge [sflag:s30], $0x2000  }
0x1d: {  	[sflag:s30] =	ssyncset.done $0x0  }
0x1e: {  	[sflag:s30] =	ssyncadd.s32 $0xFFFFE000  }
0x1f: {  	_ =	swait.ge [sflag:s25], $0x2000  }
0x20: {  	[sflag:s25] =	ssyncset.done $0x0  }
0x21: {  	s3 =	simm.s32 $0x4E80;
	[sflag:s25] =	ssyncadd.s32 $0xFFFFE000  }
0x22: {  	[spmem:s2] =	stream.indirect.scatter.add.f32 [tilespmem:s17], [sflag:$0x8], $0x40, s3, s16, $0xb8;
	[tilespmem:$0x1D000] =	vst v63  }
0x23: {  	_ =	swait.ge [sflag:s10], $0x2000  }
0x24: {  	[sflag:s10] =	ssyncset.done $0x0  }
0x25: {  	[sflag:s10] =	ssyncadd.s32 $0xFFFFE000  }
0x26: {  	_ =	swait.ge [sflag:s29], $0x2000  }
0x27: {  	[sflag:s29] =	ssyncset.done $0x0  }
0x28: {  	s5 =	simm.s32 $0x4F00;
	[sflag:s29] =	ssyncadd.s32 $0xFFFFE000  }
0x29: {  	[spmem:s2] =	stream.indirect.scatter.add.f32 [tilespmem:s18], [sflag:$0x9], $0x40, s5, s16, $0xb8;
	[tilespmem:$0x1D000] =	vst v63  }
0x2a: {  	_ =	swait.ge [sflag:s23], $0x2000  }
0x2b: {  	[sflag:s23] =	ssyncset.done $0x0  }
0x2c: {  	[sflag:s23] =	ssyncadd.s32 $0xFFFFE000  }
0x2d: {  	_ =	swait.ge [sflag:s0], $0x2000  }
0x2e: {  	[sflag:s0] =	ssyncset.done $0x0  }
0x2f: {  	s12 =	simm.s32 $0x4F80;
	[sflag:s0] =	ssyncadd.s32 $0xFFFFE000  }
0x30: {  	[spmem:s2] =	stream.indirect.scatter.add.f32 [tilespmem:s20], [sflag:$0xA], $0x40, s12, s16, $0xb8;
	[tilespmem:$0x1D000] =	vst v63  }
0x31: {  	_ =	swait.ge [sflag:s7], $0x2000  }
0x32: {  	[sflag:s7] =	ssyncset.done $0x0  }
0x33: {  	[sflag:s7] =	ssyncadd.s32 $0xFFFFE000  }
0x34: {  	_ =	swait.ge [sflag:s11], $0x2000  }
0x35: {  	[sflag:s11] =	ssyncset.done $0x0  }
0x36: {  	[sflag:s11] =	ssyncadd.s32 $0xFFFFE000  }
0x37: {  	_ =	swait.ge [sflag:s26], $0x2000  }
0x38: {  	[sflag:s26] =	ssyncset.done $0x0  }
0x39: {  	[sflag:s26] =	ssyncadd.s32 $0xFFFFE000  }
0x3a: {  	[bflag:$0x0] =	sbarrier.arrive $0xFFFF  }
0x3b: {  	s14 =	rddreg [dreg:$0x9]  }
0x3c: {  	s12 =	simm.s32 $0x10;
	s5 =	rddreg [dreg:$0xb]  }
0x3d: {  	[hbm:s14@s12], [sflag:s5] =	dma.strided [spmem:s15@s7], $0x1400, s25, $0x8   }
0x3e: {  	_ =	swait.ge [sflag:s13], $0x1400  }
0x3f: {  	s6 =	sadd.s32 $0x1, s6;
	s14 =	rddreg [dreg:$0xa]  }
0x40: {  	p0 =	sne.s32 s6, s14  }
.Ltmp1:
0x41: {  	_ = 	snop;
	(pc) =	sbr.rel @!p0 .LBB2_8-.Ltmp1, $3  }
0x42: {  	_ =	sdelay $0x1  }
0x43: {  	[sflag:s13] =	ssyncset.done $0x0  }
0x44: {  	[sflag:s13] =	ssyncadd.s32 $0xFFFFEC00  }
.LBB2_1:
0x45: {  	s3 =	simm.s32 $0x0  }
0x46: {  	s14 =	smov.u32 s5;
	s5 =	rddreg [dreg:$0x5];
	s12 =	simm.s32 $0x2800  }
0x47: {  	[tilespmem:s12], [sflag:$0xF] =	stream.linear.gather [hbm4b:s5+s3], $0x2800, $0x38;
	[tilespmem:$0x1D000] =	vst v63  }
0x48: {  	_ =	swait.ge [sflag:s13], $0x2800  }
0x49: {  	[sflag:s13] =	ssyncset.done $0x0  }
0x4a: {  	s5 =	rddreg [dreg:$0x6];
	[sflag:s13] =	ssyncadd.s32 $0xFFFFD800  }
0x4b: {  	[tilespmem:s3], [sflag:$0xF] =	stream.linear.gather [hbm4b:s5+s3], $0x2800, $0x38;
	[tilespmem:$0x1D000] =	vst v63  }
0x4c: {  	_ =	swait.ge [sflag:s13], $0x2800  }
0x4d: {  	[sflag:s13] =	ssyncset.done $0x0  }
0x4e: {  	s5 =	rddreg [dreg:$0x4];
	[sflag:s13] =	ssyncadd.s32 $0xFFFFD800  }
0x4f: {  	[spmem:s15], [sflag:s14] =	dma.local [hbm:s5], $0x1400  }
0x50: {  	_ =	swait.ge [sflag:s13], $0x1400  }
0x51: {  	[sflag:s13] =	ssyncset.done $0x0  }
0x52: {  	[sflag:s13] =	ssyncadd.s32 $0xFFFFEC00  }
0x53: {  	[bflag:$0x0] =	sbarrier.arrive $0xFFFF  }
0x54: {  	[tilespmem:s17], [sflag:$0x1] =	stream.indirect.gather [hbm4b:s4+s16], $0x40, s3, s16, $0xb8;
	[tilespmem:$0x1D000] =	vst v63  }
0x55: {  	_ = 	snop  }
0x56: {  	[tilespmem:s18], [sflag:$0x2] =	stream.indirect.gather [hbm4b:s4+s16], $0x40, s16, s16, $0xb8;
	[tilespmem:$0x1D000] =	vst v63  }
0x57: {  	s5 =	simm.s32 $0x100  }
0x58: {  	[tilespmem:s20], [sflag:$0x3] =	stream.indirect.gather [hbm4b:s4+s16], $0x40, s5, s16, $0xb8;
	[tilespmem:$0x1D000] =	vst v63  }
0x59: {  	s14 =	simm.s32 $0x180  }
0x5a: {  	[tilespmem:s22], [sflag:$0x4] =	stream.indirect.gather [hbm4b:s4+s16], $0x40, s14, s16, $0xb8;
	[tilespmem:$0x1D000] =	vst v63  }
0x5b: {  	s5 =	simm.s32 $0x200  }
0x5c: {  	[tilespmem:s24], [sflag:$0x5] =	stream.indirect.gather [hbm4b:s4+s16], $0x40, s5, s16, $0xb8;
	[tilespmem:$0x1D000] =	vst v63  }
0x5d: {  	_ =	swait.ge [sflag:s25], $0x2000  }
0x5e: {  	[sflag:s25] =	ssyncset.done $0x0  }
0x5f: {  	[sflag:s25] =	ssyncadd.s32 $0xFFFFE000  }
0x60: {  	[spmem:s2] =	stream.indirect.scatter.add.f32 [tilespmem:s17], [sflag:$0x8], $0x40, s12, s16, $0xb8;
	[tilespmem:$0x1D000] =	vst v63  }
0x61: {  	s14 =	simm.s32 $0x280  }
0x62: {  	[tilespmem:s28], [sflag:$0x6] =	stream.indirect.gather [hbm4b:s4+s16], $0x40, s14, s16, $0xb8;
	[tilespmem:$0x1D000] =	vst v63  }
0x63: {  	_ =	swait.ge [sflag:s29], $0x2000  }
0x64: {  	[sflag:s29] =	ssyncset.done $0x0  }
0x65: {  	s5 =	simm.s32 $0x2880;
	[sflag:s29] =	ssyncadd.s32 $0xFFFFE000  }
0x66: {  	[spmem:s2] =	stream.indirect.scatter.add.f32 [tilespmem:s18], [sflag:$0x9], $0x40, s5, s16, $0xb8;
	[tilespmem:$0x1D000] =	vst v63  }
0x67: {  	s12 =	simm.s32 $0x300  }
0x68: {  	[tilespmem:s1], [sflag:$0x7] =	stream.indirect.gather [hbm4b:s4+s16], $0x40, s12, s16, $0xb8;
	[tilespmem:$0x1D000] =	vst v63  }
0x69: {  	_ =	swait.ge [sflag:s0], $0x2000  }
0x6a: {  	[sflag:s0] =	ssyncset.done $0x0  }
0x6b: {  	s14 =	simm.s32 $0x2900;
	[sflag:s0] =	ssyncadd.s32 $0xFFFFE000  }
0x6c: {  	[spmem:s2] =	stream.indirect.scatter.add.f32 [tilespmem:s20], [sflag:$0xA], $0x40, s14, s16, $0xb8;
	[tilespmem:$0x1D000] =	vst v63  }
0x6d: {  	_ =	swait.ge [sflag:s7], $0x2000  }
0x6e: {  	[sflag:s7] =	ssyncset.done $0x0  }
0x6f: {  	s5 =	simm.s32 $0x380;
	[sflag:s7] =	ssyncadd.s32 $0xFFFFE000  }
0x70: {  	[tilespmem:s17], [sflag:$0x1] =	stream.indirect.gather [hbm4b:s4+s16], $0x40, s5, s16, $0xb8;
	[tilespmem:$0x1D000] =	vst v63  }
0x71: {  	_ =	swait.ge [sflag:s9], $0x2000  }
0x72: {  	[sflag:s9] =	ssyncset.done $0x0  }
0x73: {  	s12 =	simm.s32 $0x2980;
	[sflag:s9] =	ssyncadd.s32 $0xFFFFE000  }
0x74: {  	[spmem:s2] =	stream.indirect.scatter.add.f32 [tilespmem:s22], [sflag:$0xB], $0x40, s12, s16, $0xb8;
	[tilespmem:$0x1D000] =	vst v63  }
0x75: {  	_ =	swait.ge [sflag:s11], $0x2000  }
0x76: {  	[sflag:s11] =	ssyncset.done $0x0  }
0x77: {  	s14 =	simm.s32 $0x400;
	[sflag:s11] =	ssyncadd.s32 $0xFFFFE000  }
0x78: {  	[tilespmem:s18], [sflag:$0x2] =	stream.indirect.gather [hbm4b:s4+s16], $0x40, s14, s16, $0xb8;
	[tilespmem:$0x1D000] =	vst v63  }
0x79: {  	_ =	swait.ge [sflag:s21], $0x2000  }
0x7a: {  	[sflag:s21] =	ssyncset.done $0x0  }
0x7b: {  	s5 =	simm.s32 $0x2A00;
	[sflag:s21] =	ssyncadd.s32 $0xFFFFE000  }
0x7c: {  	[spmem:s2] =	stream.indirect.scatter.add.f32 [tilespmem:s24], [sflag:$0xC], $0x40, s5, s16, $0xb8;
	[tilespmem:$0x1D000] =	vst v63  }
0x7d: {  	_ =	swait.ge [sflag:s26], $0x2000  }
0x7e: {  	[sflag:s26] =	ssyncset.done $0x0  }
0x7f: {  	s12 =	simm.s32 $0x480;
	[sflag:s26] =	ssyncadd.s32 $0xFFFFE000  }
0x80: {  	[tilespmem:s20], [sflag:$0x3] =	stream.indirect.gather [hbm4b:s4+s16], $0x40, s12, s16, $0xb8;
	[tilespmem:$0x1D000] =	vst v63  }
0x81: {  	_ =	swait.ge [sflag:s31], $0x2000  }
0x82: {  	[sflag:s31] =	ssyncset.done $0x0  }
0x83: {  	s14 =	simm.s32 $0x2A80;
	[sflag:s31] =	ssyncadd.s32 $0xFFFFE000  }
0x84: {  	[spmem:s2] =	stream.indirect.scatter.add.f32 [tilespmem:s28], [sflag:$0xD], $0x40, s14, s16, $0xb8;
	[tilespmem:$0x1D000] =	vst v63  }
0x85: {  	_ =	swait.ge [sflag:s8], $0x2000  }
0x86: {  	[sflag:s8] =	ssyncset.done $0x0  }
0x87: {  	s5 =	simm.s32 $0x500;
	[sflag:s8] =	ssyncadd.s32 $0xFFFFE000  }
0x88: {  	[tilespmem:s22], [sflag:$0x4] =	stream.indirect.gather [hbm4b:s4+s16], $0x40, s5, s16, $0xb8;
	[tilespmem:$0x1D000] =	vst v63  }
0x89: {  	_ =	swait.ge [sflag:s19], $0x2000  }
0x8a: {  	[sflag:s19] =	ssyncset.done $0x0  }
0x8b: {  	s12 =	simm.s32 $0x2B00;
	[sflag:s19] =	ssyncadd.s32 $0xFFFFE000  }
0x8c: {  	[spmem:s2] =	stream.indirect.scatter.add.f32 [tilespmem:s1], [sflag:$0xE], $0x40, s12, s16, $0xb8;
	[tilespmem:$0x1D000] =	vst v63  }
0x8d: {  	_ =	swait.ge [sflag:s30], $0x2000  }
0x8e: {  	[sflag:s30] =	ssyncset.done $0x0  }
0x8f: {  	s3 =	simm.s32 $0x0;
	s14 =	simm.s32 $0x580;
	[sflag:s30] =	ssyncadd.s32 $0xFFFFE000  }
0x90: {  	[tilespmem:s24], [sflag:$0x5] =	stream.indirect.gather [hbm4b:s4+s16], $0x40, s14, s16, $0xb8;
	[tilespmem:$0x1D000] =	vst v63  }
.LBB2_2:
0x91: {  	_ =	swait.ge [sflag:s25], $0x2000  }
0x92: {  	s12 =	sshra.s32 s3, $0x2;
	[sflag:s25] =	ssyncset.done $0x0  }
0x93: {  	s5 =	sadd.s32 $0x2B80, s12;
	[sflag:s25] =	ssyncadd.s32 $0xFFFFE000  }
0x94: {  	[spmem:s2] =	stream.indirect.scatter.add.f32 [tilespmem:s17], [sflag:$0x8], $0x40, s5, s16, $0xb8;
	[tilespmem:$0x1D000] =	vst v63  }
0x95: {  	_ =	swait.ge [sflag:s10], $0x2000  }
0x96: {  	[sflag:s10] =	ssyncset.done $0x0  }
0x97: {  	s14 =	sadd.s32 $0x600, s12;
	[sflag:s10] =	ssyncadd.s32 $0xFFFFE000  }
0x98: {  	[tilespmem:s28], [sflag:$0x6] =	stream.indirect.gather [hbm4b:s4+s16], $0x40, s14, s16, $0xb8;
	[tilespmem:$0x1D000] =	vst v63  }
0x99: {  	_ =	swait.ge [sflag:s29], $0x2000  }
0x9a: {  	[sflag:s29] =	ssyncset.done $0x0  }
0x9b: {  	s14 =	sadd.s32 $0x2C00, s12;
	[sflag:s29] =	ssyncadd.s32 $0xFFFFE000  }
0x9c: {  	[spmem:s2] =	stream.indirect.scatter.add.f32 [tilespmem:s18], [sflag:$0x9], $0x40, s14, s16, $0xb8;
	[tilespmem:$0x1D000] =	vst v63  }
0x9d: {  	_ =	swait.ge [sflag:s23], $0x2000  }
0x9e: {  	[sflag:s23] =	ssyncset.done $0x0  }
0x9f: {  	s14 =	sadd.s32 $0x680, s12;
	[sflag:s23] =	ssyncadd.s32 $0xFFFFE000  }
0xa0: {  	[tilespmem:s1], [sflag:$0x7] =	stream.indirect.gather [hbm4b:s4+s16], $0x40, s14, s16, $0xb8;
	[tilespmem:$0x1D000] =	vst v63  }
0xa1: {  	_ =	swait.ge [sflag:s0], $0x2000  }
0xa2: {  	[sflag:s0] =	ssyncset.done $0x0  }
0xa3: {  	s14 =	sadd.s32 $0x2C80, s12;
	[sflag:s0] =	ssyncadd.s32 $0xFFFFE000  }
0xa4: {  	[spmem:s2] =	stream.indirect.scatter.add.f32 [tilespmem:s20], [sflag:$0xA], $0x40, s14, s16, $0xb8;
	[tilespmem:$0x1D000] =	vst v63  }
0xa5: {  	_ =	swait.ge [sflag:s7], $0x2000  }
0xa6: {  	[sflag:s7] =	ssyncset.done $0x0  }
0xa7: {  	s14 =	sadd.s32 $0x700, s12;
	[sflag:s7] =	ssyncadd.s32 $0xFFFFE000  }
0xa8: {  	[tilespmem:s17], [sflag:$0x1] =	stream.indirect.gather [hbm4b:s4+s16], $0x40, s14, s16, $0xb8;
	[tilespmem:$0x1D000] =	vst v63  }
0xa9: {  	_ =	swait.ge [sflag:s9], $0x2000  }
0xaa: {  	[sflag:s9] =	ssyncset.done $0x0  }
0xab: {  	s14 =	sadd.s32 $0x2D00, s12;
	[sflag:s9] =	ssyncadd.s32 $0xFFFFE000  }
0xac: {  	[spmem:s2] =	stream.indirect.scatter.add.f32 [tilespmem:s22], [sflag:$0xB], $0x40, s14, s16, $0xb8;
	[tilespmem:$0x1D000] =	vst v63  }
0xad: {  	_ =	swait.ge [sflag:s11], $0x2000  }
0xae: {  	[sflag:s11] =	ssyncset.done $0x0  }
0xaf: {  	s14 =	sadd.s32 $0x780, s12;
	[sflag:s11] =	ssyncadd.s32 $0xFFFFE000  }
0xb0: {  	[tilespmem:s18], [sflag:$0x2] =	stream.indirect.gather [hbm4b:s4+s16], $0x40, s14, s16, $0xb8;
	[tilespmem:$0x1D000] =	vst v63  }
0xb1: {  	_ =	swait.ge [sflag:s21], $0x2000  }
0xb2: {  	[sflag:s21] =	ssyncset.done $0x0  }
0xb3: {  	s14 =	sadd.s32 $0x2D80, s12;
	[sflag:s21] =	ssyncadd.s32 $0xFFFFE000  }
0xb4: {  	[spmem:s2] =	stream.indirect.scatter.add.f32 [tilespmem:s24], [sflag:$0xC], $0x40, s14, s16, $0xb8;
	[tilespmem:$0x1D000] =	vst v63  }
0xb5: {  	_ =	swait.ge [sflag:s26], $0x2000  }
0xb6: {  	[sflag:s26] =	ssyncset.done $0x0  }
0xb7: {  	s14 =	sadd.s32 $0x800, s12;
	[sflag:s26] =	ssyncadd.s32 $0xFFFFE000  }
0xb8: {  	[tilespmem:s20], [sflag:$0x3] =	stream.indirect.gather [hbm4b:s4+s16], $0x40, s14, s16, $0xb8;
	[tilespmem:$0x1D000] =	vst v63  }
0xb9: {  	_ =	swait.ge [sflag:s31], $0x2000  }
0xba: {  	p0 =	seq.s32 s3, $0x7E00;
	[sflag:s31] =	ssyncset.done $0x0  }
.Ltmp2:
0xbb: {  	s14 =	sadd.s32 $0x2E00, s12;
	[sflag:s31] =	ssyncadd.s32 $0xFFFFE000;
	(pc) =	sbr.rel @p0 .LBB2_4-.Ltmp2, $4  }
0xbc: {  	[spmem:s2] =	stream.indirect.scatter.add.f32 [tilespmem:s28], [sflag:$0xD], $0x40, s14, s16, $0xb8;
	[tilespmem:$0x1D000] =	vst v63  }
0xbd: {  	_ =	swait.ge [sflag:s8], $0x2000  }
0xbe: {  	[sflag:s8] =	ssyncset.done $0x0  }
0xbf: {  	s5 =	sadd.s32 $0x2E80, s12;
	[sflag:s8] =	ssyncadd.s32 $0xFFFFE000  }
0xc0: {  	s14 =	sadd.s32 $0x880, s12  }
0xc1: {  	[tilespmem:s22], [sflag:$0x4] =	stream.indirect.gather [hbm4b:s4+s16], $0x40, s14, s16, $0xb8;
	[tilespmem:$0x1D000] =	vst v63  }
0xc2: {  	_ =	swait.ge [sflag:s19], $0x2000  }
0xc3: {  	[sflag:s19] =	ssyncset.done $0x0  }
0xc4: {  	[sflag:s19] =	ssyncadd.s32 $0xFFFFE000  }
0xc5: {  	[spmem:s2] =	stream.indirect.scatter.add.f32 [tilespmem:s1], [sflag:$0xE], $0x40, s5, s16, $0xb8;
	[tilespmem:$0x1D000] =	vst v63  }
.Ltmp3:
0xc6: {  	_ = 	snop;
	(pc) =	sbr.rel .LBB2_2-.Ltmp3, $4  }
0xc7: {  	_ =	swait.ge [sflag:s30], $0x2000  }
0xc8: {  	[sflag:s30] =	ssyncset.done $0x0  }
0xc9: {  	s3 =	sadd.s32 $0xE00, s3;
	s14 =	sadd.s32 $0x900, s12;
	[sflag:s30] =	ssyncadd.s32 $0xFFFFE000  }
0xca: {  	[tilespmem:s24], [sflag:$0x5] =	stream.indirect.gather [hbm4b:s4+s16], $0x40, s14, s16, $0xb8;
	[tilespmem:$0x1D000] =	vst v63  }
.LBB2_4:
0xcb: {  	_ =	swait.ge [sflag:s19], $0x2000  }
0xcc: {  	[sflag:s19] =	ssyncset.done $0x0  }
0xcd: {  	[sflag:s19] =	ssyncadd.s32 $0xFFFFE000  }
0xce: {  	[spmem:s2] =	stream.indirect.scatter.add.f32 [tilespmem:s1], [sflag:$0xE], $0x40, s5, s16, $0xb8;
	[tilespmem:$0x1D000] =	vst v63  }
0xcf: {  	_ =	swait.ge [sflag:s30], $0x2000  }
0xd0: {  	[sflag:s30] =	ssyncset.done $0x0  }
0xd1: {  	[sflag:s30] =	ssyncadd.s32 $0xFFFFE000  }
0xd2: {  	_ =	swait.ge [sflag:s25], $0x2000  }
0xd3: {  	[sflag:s25] =	ssyncset.done $0x0  }
0xd4: {  	s3 =	simm.s32 $0x4E80;
	[sflag:s25] =	ssyncadd.s32 $0xFFFFE000  }
0xd5: {  	[spmem:s2] =	stream.indirect.scatter.add.f32 [tilespmem:s17], [sflag:$0x8], $0x40, s3, s16, $0xb8;
	[tilespmem:$0x1D000] =	vst v63  }
0xd6: {  	_ =	swait.ge [sflag:s10], $0x2000  }
0xd7: {  	[sflag:s10] =	ssyncset.done $0x0  }
0xd8: {  	[sflag:s10] =	ssyncadd.s32 $0xFFFFE000  }
0xd9: {  	_ =	swait.ge [sflag:s29], $0x2000  }
0xda: {  	[sflag:s29] =	ssyncset.done $0x0  }
0xdb: {  	s12 =	simm.s32 $0x4F00;
	[sflag:s29] =	ssyncadd.s32 $0xFFFFE000  }
0xdc: {  	[spmem:s2] =	stream.indirect.scatter.add.f32 [tilespmem:s18], [sflag:$0x9], $0x40, s12, s16, $0xb8;
	[tilespmem:$0x1D000] =	vst v63  }
0xdd: {  	_ =	swait.ge [sflag:s23], $0x2000  }
0xde: {  	[sflag:s23] =	ssyncset.done $0x0  }
0xdf: {  	[sflag:s23] =	ssyncadd.s32 $0xFFFFE000  }
0xe0: {  	_ =	swait.ge [sflag:s0], $0x2000  }
0xe1: {  	[sflag:s0] =	ssyncset.done $0x0  }
0xe2: {  	s14 =	simm.s32 $0x4F80;
	[sflag:s0] =	ssyncadd.s32 $0xFFFFE000  }
0xe3: {  	[spmem:s2] =	stream.indirect.scatter.add.f32 [tilespmem:s20], [sflag:$0xA], $0x40, s14, s16, $0xb8;
	[tilespmem:$0x1D000] =	vst v63  }
0xe4: {  	_ =	swait.ge [sflag:s7], $0x2000  }
0xe5: {  	[sflag:s7] =	ssyncset.done $0x0  }
0xe6: {  	[sflag:s7] =	ssyncadd.s32 $0xFFFFE000  }
0xe7: {  	_ =	swait.ge [sflag:s11], $0x2000  }
0xe8: {  	[sflag:s11] =	ssyncset.done $0x0  }
0xe9: {  	[sflag:s11] =	ssyncadd.s32 $0xFFFFE000  }
0xea: {  	_ =	swait.ge [sflag:s26], $0x2000  }
0xeb: {  	[sflag:s26] =	ssyncset.done $0x0  }
0xec: {  	[sflag:s26] =	ssyncadd.s32 $0xFFFFE000  }
0xed: {  	[bflag:$0x0] =	sbarrier.arrive $0xFFFF  }
0xee: {  	s5 =	rddreg [dreg:$0x7]  }
0xef: {  	s14 =	simm.s32 $0x10;
	s12 =	rddreg [dreg:$0xb]  }
0xf0: {  	[hbm:s5@s14], [sflag:s12] =	dma.strided [spmem:s15@s7], $0x1400, s25, $0x8   }
0xf1: {  	_ =	swait.ge [sflag:s13], $0x1400  }
0xf2: {  	[sflag:s13] =	ssyncset.done $0x0  }
0xf3: {  	s3 =	simm.s32 $0x0;
	s14 =	rddreg [dreg:$0x8];
	[sflag:s13] =	ssyncadd.s32 $0xFFFFEC00  }
0xf4: {  	[tilespmem:s3], [sflag:$0xF] =	stream.linear.gather [hbm4b:s14+s3], $0x2800, $0x38;
	[tilespmem:$0x1D000] =	vst v63  }
0xf5: {  	_ =	swait.ge [sflag:s13], $0x2800  }
0xf6: {  	[sflag:s13] =	ssyncset.done $0x0  }
0xf7: {  	s14 =	rddreg [dreg:$0x4];
	[sflag:s13] =	ssyncadd.s32 $0xFFFFD800  }
0xf8: {  	[spmem:s15], [sflag:s12] =	dma.local [hbm:s14], $0x1400  }
0xf9: {  	_ =	swait.ge [sflag:s13], $0x1400  }
0xfa: {  	[sflag:s13] =	ssyncset.done $0x0  }
0xfb: {  	[sflag:s13] =	ssyncadd.s32 $0xFFFFEC00  }
0xfc: {  	[bflag:$0x0] =	sbarrier.arrive $0xFFFF  }
0xfd: {  	[tilespmem:s17], [sflag:$0x1] =	stream.indirect.gather [hbm4b:s4+s16], $0x40, s3, s16, $0xb8;
	[tilespmem:$0x1D000] =	vst v63  }
0xfe: {  	_ = 	snop  }
0xff: {  	[tilespmem:s18], [sflag:$0x2] =	stream.indirect.gather [hbm4b:s4+s16], $0x40, s16, s16, $0xb8;
	[tilespmem:$0x1D000] =	vst v63  }
0x100: {  	s14 =	simm.s32 $0x100  }
0x101: {  	[tilespmem:s20], [sflag:$0x3] =	stream.indirect.gather [hbm4b:s4+s16], $0x40, s14, s16, $0xb8;
	[tilespmem:$0x1D000] =	vst v63  }
0x102: {  	s12 =	simm.s32 $0x180  }
0x103: {  	[tilespmem:s22], [sflag:$0x4] =	stream.indirect.gather [hbm4b:s4+s16], $0x40, s12, s16, $0xb8;
	[tilespmem:$0x1D000] =	vst v63  }
0x104: {  	s14 =	simm.s32 $0x200  }
0x105: {  	[tilespmem:s24], [sflag:$0x5] =	stream.indirect.gather [hbm4b:s4+s16], $0x40, s14, s16, $0xb8;
	[tilespmem:$0x1D000] =	vst v63  }
0x106: {  	_ =	swait.ge [sflag:s25], $0x2000  }
0x107: {  	[sflag:s25] =	ssyncset.done $0x0  }
0x108: {  	s12 =	simm.s32 $0x2800;
	[sflag:s25] =	ssyncadd.s32 $0xFFFFE000  }
0x109: {  	[spmem:s2] =	stream.indirect.scatter.add.f32 [tilespmem:s17], [sflag:$0x8], $0x40, s12, s16, $0xb8;
	[tilespmem:$0x1D000] =	vst v63  }
0x10a: {  	s14 =	simm.s32 $0x280  }
0x10b: {  	[tilespmem:s28], [sflag:$0x6] =	stream.indirect.gather [hbm4b:s4+s16], $0x40, s14, s16, $0xb8;
	[tilespmem:$0x1D000] =	vst v63  }
0x10c: {  	_ =	swait.ge [sflag:s29], $0x2000  }
0x10d: {  	[sflag:s29] =	ssyncset.done $0x0  }
0x10e: {  	s12 =	simm.s32 $0x2880;
	[sflag:s29] =	ssyncadd.s32 $0xFFFFE000  }
0x10f: {  	[spmem:s2] =	stream.indirect.scatter.add.f32 [tilespmem:s18], [sflag:$0x9], $0x40, s12, s16, $0xb8;
	[tilespmem:$0x1D000] =	vst v63  }
0x110: {  	s14 =	simm.s32 $0x300  }
0x111: {  	[tilespmem:s1], [sflag:$0x7] =	stream.indirect.gather [hbm4b:s4+s16], $0x40, s14, s16, $0xb8;
	[tilespmem:$0x1D000] =	vst v63  }
0x112: {  	_ =	swait.ge [sflag:s0], $0x2000  }
0x113: {  	[sflag:s0] =	ssyncset.done $0x0  }
0x114: {  	s12 =	simm.s32 $0x2900;
	[sflag:s0] =	ssyncadd.s32 $0xFFFFE000  }
0x115: {  	[spmem:s2] =	stream.indirect.scatter.add.f32 [tilespmem:s20], [sflag:$0xA], $0x40, s12, s16, $0xb8;
	[tilespmem:$0x1D000] =	vst v63  }
0x116: {  	_ =	swait.ge [sflag:s7], $0x2000  }
0x117: {  	[sflag:s7] =	ssyncset.done $0x0  }
0x118: {  	s14 =	simm.s32 $0x380;
	[sflag:s7] =	ssyncadd.s32 $0xFFFFE000  }
0x119: {  	[tilespmem:s17], [sflag:$0x1] =	stream.indirect.gather [hbm4b:s4+s16], $0x40, s14, s16, $0xb8;
	[tilespmem:$0x1D000] =	vst v63  }
0x11a: {  	_ =	swait.ge [sflag:s9], $0x2000  }
0x11b: {  	[sflag:s9] =	ssyncset.done $0x0  }
0x11c: {  	s12 =	simm.s32 $0x2980;
	[sflag:s9] =	ssyncadd.s32 $0xFFFFE000  }
0x11d: {  	[spmem:s2] =	stream.indirect.scatter.add.f32 [tilespmem:s22], [sflag:$0xB], $0x40, s12, s16, $0xb8;
	[tilespmem:$0x1D000] =	vst v63  }
0x11e: {  	_ =	swait.ge [sflag:s11], $0x2000  }
0x11f: {  	[sflag:s11] =	ssyncset.done $0x0  }
0x120: {  	s14 =	simm.s32 $0x400;
	[sflag:s11] =	ssyncadd.s32 $0xFFFFE000  }
0x121: {  	[tilespmem:s18], [sflag:$0x2] =	stream.indirect.gather [hbm4b:s4+s16], $0x40, s14, s16, $0xb8;
	[tilespmem:$0x1D000] =	vst v63  }
0x122: {  	_ =	swait.ge [sflag:s21], $0x2000  }
0x123: {  	[sflag:s21] =	ssyncset.done $0x0  }
0x124: {  	s12 =	simm.s32 $0x2A00;
	[sflag:s21] =	ssyncadd.s32 $0xFFFFE000  }
0x125: {  	[spmem:s2] =	stream.indirect.scatter.add.f32 [tilespmem:s24], [sflag:$0xC], $0x40, s12, s16, $0xb8;
	[tilespmem:$0x1D000] =	vst v63  }
0x126: {  	_ =	swait.ge [sflag:s26], $0x2000  }
0x127: {  	[sflag:s26] =	ssyncset.done $0x0  }
0x128: {  	s14 =	simm.s32 $0x480;
	[sflag:s26] =	ssyncadd.s32 $0xFFFFE000  }
0x129: {  	[tilespmem:s20], [sflag:$0x3] =	stream.indirect.gather [hbm4b:s4+s16], $0x40, s14, s16, $0xb8;
	[tilespmem:$0x1D000] =	vst v63  }
0x12a: {  	_ =	swait.ge [sflag:s31], $0x2000  }
0x12b: {  	[sflag:s31] =	ssyncset.done $0x0  }
0x12c: {  	s12 =	simm.s32 $0x2A80;
	[sflag:s31] =	ssyncadd.s32 $0xFFFFE000  }
0x12d: {  	[spmem:s2] =	stream.indirect.scatter.add.f32 [tilespmem:s28], [sflag:$0xD], $0x40, s12, s16, $0xb8;
	[tilespmem:$0x1D000] =	vst v63  }
0x12e: {  	_ =	swait.ge [sflag:s8], $0x2000  }
0x12f: {  	[sflag:s8] =	ssyncset.done $0x0  }
0x130: {  	s14 =	simm.s32 $0x500;
	[sflag:s8] =	ssyncadd.s32 $0xFFFFE000  }
0x131: {  	[tilespmem:s22], [sflag:$0x4] =	stream.indirect.gather [hbm4b:s4+s16], $0x40, s14, s16, $0xb8;
	[tilespmem:$0x1D000] =	vst v63  }
0x132: {  	_ =	swait.ge [sflag:s19], $0x2000  }
0x133: {  	[sflag:s19] =	ssyncset.done $0x0  }
0x134: {  	s12 =	simm.s32 $0x2B00;
	[sflag:s19] =	ssyncadd.s32 $0xFFFFE000  }
0x135: {  	[spmem:s2] =	stream.indirect.scatter.add.f32 [tilespmem:s1], [sflag:$0xE], $0x40, s12, s16, $0xb8;
	[tilespmem:$0x1D000] =	vst v63  }
0x136: {  	_ =	swait.ge [sflag:s30], $0x2000  }
0x137: {  	[sflag:s30] =	ssyncset.done $0x0  }
0x138: {  	s14 =	simm.s32 $0x580;
	[sflag:s30] =	ssyncadd.s32 $0xFFFFE000  }
0x139: {  	[tilespmem:s24], [sflag:$0x5] =	stream.indirect.gather [hbm4b:s4+s16], $0x40, s14, s16, $0xb8;
	[tilespmem:$0x1D000] =	vst v63  }
.LBB2_5:
0x13a: {  	_ =	swait.ge [sflag:s25], $0x2000  }
0x13b: {  	s12 =	sshra.s32 s3, $0x2;
	[sflag:s25] =	ssyncset.done $0x0  }
0x13c: {  	s5 =	sadd.s32 $0x2B80, s12;
	[sflag:s25] =	ssyncadd.s32 $0xFFFFE000  }
0x13d: {  	[spmem:s2] =	stream.indirect.scatter.add.f32 [tilespmem:s17], [sflag:$0x8], $0x40, s5, s16, $0xb8;
	[tilespmem:$0x1D000] =	vst v63  }
0x13e: {  	_ =	swait.ge [sflag:s10], $0x2000  }
0x13f: {  	[sflag:s10] =	ssyncset.done $0x0  }
0x140: {  	s14 =	sadd.s32 $0x600, s12;
	[sflag:s10] =	ssyncadd.s32 $0xFFFFE000  }
0x141: {  	[tilespmem:s28], [sflag:$0x6] =	stream.indirect.gather [hbm4b:s4+s16], $0x40, s14, s16, $0xb8;
	[tilespmem:$0x1D000] =	vst v63  }
0x142: {  	_ =	swait.ge [sflag:s29], $0x2000  }
0x143: {  	[sflag:s29] =	ssyncset.done $0x0  }
0x144: {  	s14 =	sadd.s32 $0x2C00, s12;
	[sflag:s29] =	ssyncadd.s32 $0xFFFFE000  }
0x145: {  	[spmem:s2] =	stream.indirect.scatter.add.f32 [tilespmem:s18], [sflag:$0x9], $0x40, s14, s16, $0xb8;
	[tilespmem:$0x1D000] =	vst v63  }
0x146: {  	_ =	swait.ge [sflag:s23], $0x2000  }
0x147: {  	[sflag:s23] =	ssyncset.done $0x0  }
0x148: {  	s14 =	sadd.s32 $0x680, s12;
	[sflag:s23] =	ssyncadd.s32 $0xFFFFE000  }
0x149: {  	[tilespmem:s1], [sflag:$0x7] =	stream.indirect.gather [hbm4b:s4+s16], $0x40, s14, s16, $0xb8;
	[tilespmem:$0x1D000] =	vst v63  }
0x14a: {  	_ =	swait.ge [sflag:s0], $0x2000  }
0x14b: {  	[sflag:s0] =	ssyncset.done $0x0  }
0x14c: {  	s14 =	sadd.s32 $0x2C80, s12;
	[sflag:s0] =	ssyncadd.s32 $0xFFFFE000  }
0x14d: {  	[spmem:s2] =	stream.indirect.scatter.add.f32 [tilespmem:s20], [sflag:$0xA], $0x40, s14, s16, $0xb8;
	[tilespmem:$0x1D000] =	vst v63  }
0x14e: {  	_ =	swait.ge [sflag:s7], $0x2000  }
0x14f: {  	[sflag:s7] =	ssyncset.done $0x0  }
0x150: {  	s14 =	sadd.s32 $0x700, s12;
	[sflag:s7] =	ssyncadd.s32 $0xFFFFE000  }
0x151: {  	[tilespmem:s17], [sflag:$0x1] =	stream.indirect.gather [hbm4b:s4+s16], $0x40, s14, s16, $0xb8;
	[tilespmem:$0x1D000] =	vst v63  }
0x152: {  	_ =	swait.ge [sflag:s9], $0x2000  }
0x153: {  	[sflag:s9] =	ssyncset.done $0x0  }
0x154: {  	s14 =	sadd.s32 $0x2D00, s12;
	[sflag:s9] =	ssyncadd.s32 $0xFFFFE000  }
0x155: {  	[spmem:s2] =	stream.indirect.scatter.add.f32 [tilespmem:s22], [sflag:$0xB], $0x40, s14, s16, $0xb8;
	[tilespmem:$0x1D000] =	vst v63  }
0x156: {  	_ =	swait.ge [sflag:s11], $0x2000  }
0x157: {  	[sflag:s11] =	ssyncset.done $0x0  }
0x158: {  	s14 =	sadd.s32 $0x780, s12;
	[sflag:s11] =	ssyncadd.s32 $0xFFFFE000  }
0x159: {  	[tilespmem:s18], [sflag:$0x2] =	stream.indirect.gather [hbm4b:s4+s16], $0x40, s14, s16, $0xb8;
	[tilespmem:$0x1D000] =	vst v63  }
0x15a: {  	_ =	swait.ge [sflag:s21], $0x2000  }
0x15b: {  	[sflag:s21] =	ssyncset.done $0x0  }
0x15c: {  	s14 =	sadd.s32 $0x2D80, s12;
	[sflag:s21] =	ssyncadd.s32 $0xFFFFE000  }
0x15d: {  	[spmem:s2] =	stream.indirect.scatter.add.f32 [tilespmem:s24], [sflag:$0xC], $0x40, s14, s16, $0xb8;
	[tilespmem:$0x1D000] =	vst v63  }
0x15e: {  	_ =	swait.ge [sflag:s26], $0x2000  }
0x15f: {  	[sflag:s26] =	ssyncset.done $0x0  }
0x160: {  	s14 =	sadd.s32 $0x800, s12;
	[sflag:s26] =	ssyncadd.s32 $0xFFFFE000  }
0x161: {  	[tilespmem:s20], [sflag:$0x3] =	stream.indirect.gather [hbm4b:s4+s16], $0x40, s14, s16, $0xb8;
	[tilespmem:$0x1D000] =	vst v63  }
0x162: {  	_ =	swait.ge [sflag:s31], $0x2000  }
0x163: {  	p0 =	seq.s32 s3, $0x7E00;
	[sflag:s31] =	ssyncset.done $0x0  }
.Ltmp4:
0x164: {  	s14 =	sadd.s32 $0x2E00, s12;
	[sflag:s31] =	ssyncadd.s32 $0xFFFFE000;
	(pc) =	sbr.rel @p0 .LBB2_7-.Ltmp4, $4  }
0x165: {  	[spmem:s2] =	stream.indirect.scatter.add.f32 [tilespmem:s28], [sflag:$0xD], $0x40, s14, s16, $0xb8;
	[tilespmem:$0x1D000] =	vst v63  }
0x166: {  	_ =	swait.ge [sflag:s8], $0x2000  }
0x167: {  	[sflag:s8] =	ssyncset.done $0x0  }
0x168: {  	s5 =	sadd.s32 $0x2E80, s12;
	[sflag:s8] =	ssyncadd.s32 $0xFFFFE000  }
0x169: {  	s14 =	sadd.s32 $0x880, s12  }
0x16a: {  	[tilespmem:s22], [sflag:$0x4] =	stream.indirect.gather [hbm4b:s4+s16], $0x40, s14, s16, $0xb8;
	[tilespmem:$0x1D000] =	vst v63  }
0x16b: {  	_ =	swait.ge [sflag:s19], $0x2000  }
0x16c: {  	[sflag:s19] =	ssyncset.done $0x0  }
0x16d: {  	[sflag:s19] =	ssyncadd.s32 $0xFFFFE000  }
0x16e: {  	[spmem:s2] =	stream.indirect.scatter.add.f32 [tilespmem:s1], [sflag:$0xE], $0x40, s5, s16, $0xb8;
	[tilespmem:$0x1D000] =	vst v63  }
.Ltmp5:
0x16f: {  	_ = 	snop;
	(pc) =	sbr.rel .LBB2_5-.Ltmp5, $4  }
0x170: {  	_ =	swait.ge [sflag:s30], $0x2000  }
0x171: {  	[sflag:s30] =	ssyncset.done $0x0  }
0x172: {  	s3 =	sadd.s32 $0xE00, s3;
	s14 =	sadd.s32 $0x900, s12;
	[sflag:s30] =	ssyncadd.s32 $0xFFFFE000  }
0x173: {  	[tilespmem:s24], [sflag:$0x5] =	stream.indirect.gather [hbm4b:s4+s16], $0x40, s14, s16, $0xb8;
	[tilespmem:$0x1D000] =	vst v63  }
.LBB2_8:
0x174: {  	_ =	sfence.sel $0x180000  }
0x175: {  	[bflag:$0x0] =	sbarrier.arrive $0xFFFF  }
0x176: {  	_ =	strace $0x9000004D  }
0x177: {  	s0 =	stileid.u32;
	[bflag:$0x2] =	sbarrier.arrive $0xFFFF  }
0x178: {  	p0 =	sne.s32 s0, $0x0;
	s0 =	rddreg [dreg:$0x3]  }
0x179: {  	s0 =	sadd.s32 @!p0 $0x100000, s0  }
0x17a: {  	[sflag:s0] =	ssyncadd.tile.s32 @!p0 $0x1;
	_ =	shalt  }
.Lfunc_end2:
_tile_overlayer_lowered:
.L_overlay_start_2:
0x17b: {  	(tag) =	ssettag $0x2  }
0x17c: {  	s0 =	rddreg [dreg:$0x0];
	s2 =	stileid.u32  }
0x17d: {  	s1 =	rddreg [dreg:$0x1];
	p0 =	sne.s32 s2, $0x0  }
0x17e: {  	s3 =	rddreg [dreg:$0x2];
	[bflag:$0x3] =	sbarrier.arrive $0xFFFF;
	s2 =	simm.s32 @!p0 $0x1C0F  }
0x17f: {  	[timem:s3], [sflag:s2] =	dma.local @!p0 [hbm:s0], s1  }
0x180: {  	s0 =	simm.s32 @!p0 $0xF  }
0x181: {  	_ =	swait.ge @!p0 [sflag:s0], s1  }
0x182: {  	s1 =	ssub.s32 @!p0 $0x0, s1;
	[sflag:s0] =	ssyncset.done @!p0 $0x0  }
0x183: {  	[sflag:s0] =	ssyncadd.s32 @!p0 s1  }
0x184: {  	[bflag:$0x3] =	sbarrier.arrive $0xFFFF  }
0x185: {  	_ =	shalt  }

// kernel: kernel.8.cloned.1.call-start
scs
__scs_entry_jumppad:
0x0: {  	(pc) =	sbr.rel $0x88, $3  }
0x1: {  	(tag) =	ssettag $0x0;
	lr =	simm.s32 $0x1  }
0x2: {  	[smem:$0x3F9B] =	sst lr;
	_ =	strace $0xD0000000  }
0x3: {  	_ = 	snop  }
0x4: {  	_ = 	snop  }
0x5: {  	_ = 	snop  }
0x6: {  	_ = 	snop  }
0x7: {  	_ = 	snop  }
__scs_overlays_trampoline_lowered:
0x8: {  	[smem:$0x3FAA] =	sst s0  }
0x9: {  	[smem:$0x3FAB] =	sst s1  }
0xa: {  	[smem:$0x3FAC] =	sst s2  }
0xb: {  	[smem:$0x3FAD] =	sst s3  }
0xc: {  	[smem:$0x3FAE] =	sst s4  }
0xd: {  	[smem:$0x3FAF] =	sst s5  }
0xe: {  	[smem:$0x3FB0] =	sst s6  }
0xf: {  	[smem:$0x3FB1] =	sst s7  }
0x10: {  	[smem:$0x3FB2] =	sst s8  }
0x11: {  	[smem:$0x3FB3] =	sst s9;
	s0 =	simm.s32 @!p0 $0x0  }
0x12: {  	s1 =	sld [smem:$0x3F99];
	s0 =	simm.s32 @p0 $0x1  }
0x13: {  	[smem:$0x3FB4] =	sst s0;
	s0 =	simm.s32 @!p1 $0x0  }
0x14: {  	s2 =	sld [smem:$0x3F98];
	s0 =	simm.s32 @p1 $0x1  }
0x15: {  	[smem:$0x3FB5] =	sst s0;
	s0 =	simm.s32 @!p2 $0x0  }
0x16: {  	s3 =	sld [smem:$0x3FDB];
	s0 =	simm.s32 @p2 $0x1  }
0x17: {  	s4 =	simm.s32 $0x1BF5;
	[smem:$0x3FB7] =	sst s0  }
0x18: {  	s0 =	sld [smem:$0x3F9A];
	_ =	swait.ge [sflag:s4], $0x0  }
0x19: {  	s7 =	sld [smem:$0x3F9B]  }
0x1a: {  	s8 =	sadd.s32 $0xFFFFE003, lr  }
0x1b: {  	s9 =	sadd.s32 $0xFFFFFEF7, lr;
	s5 =	simm.s32 $0xFFFFFFFF;
	p2 =	slt.u32 s8, $0xFFFFF086  }
0x1c: {  	p1 =	slt.u32 s9, $0xF7A;
	s5 =	simm.s32 @!p2 $0x0  }
0x1d: {  	s5 =	simm.s32 @p1 $0x1;
	p0 =	seq.s32 s7, s2  }
0x1e: {  	s7 =	smul.u32 @!p0 $0xF7A, s2;
	p2 =	seq.s32 @!p0 s5, $0x0  }
0x1f: {  	s9 =	smul.u32 $0xF7A, s1;
	s8 =	simm.s32 @!p0 $0x1BF5;
	p2 =	por !p2, p0  }
0x20: {  	[sflag:s8] =	ssyncset.s32 @!p0 $0xFFFFF086;
	s6 =	sadd.s32 @!p0 s3, s7;
	s7 =	simm.s32 @!p0 $0x108  }
0x21: {  	s3 =	sadd.s32 s3, s9;
	s6 =	sadd.s32 @!p0 $0x88, s6;
	s7 =	simm.s32 @p2 $0x1082  }
0x22: {  	[simem:s7], [sflag:s8] =	dma.local @!p0 [hbm:s6], $0xF7A  }
0x23: {  	s9 =	sor.u32 $0xD0000000, s2;
	s6 =	simm.s32 $0x108;
	_ =	swait.ge @!p0 [sflag:s8], $0x0  }
0x24: {  	s3 =	sadd.s32 $0x88, s3;
	s6 =	simm.s32 @!p1 $0x1082;
	[sflag:s4] =	ssyncset.s32 $0xFFFFF086  }
0x25: {  	[simem:s6], [sflag:s4] =	dma.local [hbm:s3], $0xF7A  }
0x26: {  	[smem:$0x3F9B] =	sst s1;
	(tag) =	ssettag s2;
	_ =	strace s9  }
0x27: {  	s1 =	sld [smem:$0x3FAB]  }
0x28: {  	s2 =	sld [smem:$0x3FAC]  }
0x29: {  	s4 =	sld [smem:$0x3FAE]  }
0x2a: {  	p0 =	seq.s32 s5, $0x0;
	s5 =	sld [smem:$0x3FAF]  }
0x2b: {  	s6 =	sld [smem:$0x3FB0]  }
0x2c: {  	s7 =	sld [smem:$0x3FB1]  }
0x2d: {  	s3 =	simm.s32 $0x108;
	s8 =	sld [smem:$0x3FB2]  }
0x2e: {  	s3 =	simm.s32 @!p0 $0x1082;
	s9 =	sld [smem:$0x3FB3]  }
0x2f: {  	lr =	sadd.s32 s0, s3;
	s0 =	sld [smem:$0x3FAA]  }
0x30: {  	s3 =	sld [smem:$0x3FAD]  }
0x31: {  	[smem:$0x3FB6] =	sst s10  }
0x32: {  	s10 =	sld [smem:$0x3FB4];
	_ =	sdelay $0x3  }
0x33: {  	p0 =	seq.s32 s10, $0x1;
	s10 =	sld [smem:$0x3FB6];
	_ =	sdelay $0x3  }
0x34: {  	[smem:$0x3FB6] =	sst s10  }
0x35: {  	s10 =	sld [smem:$0x3FB5];
	_ =	sdelay $0x3  }
0x36: {  	p1 =	seq.s32 s10, $0x1;
	s10 =	sld [smem:$0x3FB6];
	_ =	sdelay $0x3  }
0x37: {  	[smem:$0x3FB6] =	sst s10  }
0x38: {  	s10 =	sld [smem:$0x3FB7]  }
0x39: {  	_ = 	snop;
	(pc) =	sbr.ind lr, $3  }
0x3a: {  	_ = 	snop  }
0x3b: {  	_ = 	snop  }
0x3c: {  	p2 =	seq.s32 s10, $0x1;
	s10 =	sld [smem:$0x3FB6]  }
0x3d: {  	_ =	shalt  }
0x3e: {  	_ =	shalt  }
0x3f: {  	_ =	shalt  }
0x40: {  	_ =	shalt  }
0x41: {  	_ =	shalt  }
0x42: {  	_ =	shalt  }
0x43: {  	_ =	shalt  }
0x44: {  	_ =	shalt  }
0x45: {  	_ =	shalt  }
0x46: {  	_ =	shalt  }
0x47: {  	_ =	shalt  }
0x48: {  	_ =	shalt  }
0x49: {  	_ =	shalt  }
0x4a: {  	_ =	shalt  }
0x4b: {  	_ =	shalt  }
0x4c: {  	_ =	shalt  }
0x4d: {  	_ =	shalt  }
0x4e: {  	_ =	shalt  }
0x4f: {  	_ =	shalt  }
0x50: {  	_ =	shalt  }
0x51: {  	_ =	shalt  }
0x52: {  	_ =	shalt  }
0x53: {  	_ =	shalt  }
0x54: {  	_ =	shalt  }
0x55: {  	_ =	shalt  }
0x56: {  	_ =	shalt  }
0x57: {  	_ =	shalt  }
0x58: {  	_ =	shalt  }
0x59: {  	_ =	shalt  }
0x5a: {  	_ =	shalt  }
0x5b: {  	_ =	shalt  }
0x5c: {  	_ =	shalt  }
0x5d: {  	_ =	shalt  }
0x5e: {  	_ =	shalt  }
0x5f: {  	_ =	shalt  }
0x60: {  	_ =	shalt  }
0x61: {  	_ =	shalt  }
0x62: {  	_ =	shalt  }
0x63: {  	_ =	shalt  }
0x64: {  	_ =	shalt  }
0x65: {  	_ =	shalt  }
0x66: {  	_ =	shalt  }
0x67: {  	_ =	shalt  }
0x68: {  	_ =	shalt  }
0x69: {  	_ =	shalt  }
0x6a: {  	_ =	shalt  }
0x6b: {  	_ =	shalt  }
0x6c: {  	_ =	shalt  }
0x6d: {  	_ =	shalt  }
0x6e: {  	_ =	shalt  }
0x6f: {  	_ =	shalt  }
0x70: {  	_ =	shalt  }
0x71: {  	_ =	shalt  }
0x72: {  	_ =	shalt  }
0x73: {  	_ =	shalt  }
0x74: {  	_ =	shalt  }
0x75: {  	_ =	shalt  }
0x76: {  	_ =	shalt  }
0x77: {  	_ =	shalt  }
0x78: {  	_ =	shalt  }
0x79: {  	_ =	shalt  }
0x7a: {  	_ =	shalt  }
0x7b: {  	_ =	shalt  }
0x7c: {  	_ =	shalt  }
0x7d: {  	_ =	shalt  }
0x7e: {  	_ =	shalt  }
0x7f: {  	_ =	shalt  }
0x80: {  	_ =	shalt  }
0x81: {  	_ =	shalt  }
0x82: {  	_ =	shalt  }
0x83: {  	_ =	shalt  }
0x84: {  	_ =	shalt  }
0x85: {  	_ =	shalt  }
0x86: {  	_ =	shalt  }
0x87: {  	_ =	shalt  }
.Lfunc_end0:
.L_simem_size_0:
called_computation_lowered:
.L_overlay_start_0:
0x88: {  	s2 =	sld [smem:$0x3FD9]  }
0x89: {  	s3 =	sld [smem:$0x3FFE];
	_ =	sdelay $0x1  }
0x8a: {  	s1 =	srdreg.scid  }
0x8b: {  	s0 =	sand.u32 $0x1, s1  }
0x8c: {  	s16 =	sshll.u32 s0, $0xA;
	s2 =	sadd.s32 s3, s2  }
0x8d: {  	s2 =	sadd.s32 s2, s16  }
0x8e: {  	[smem:$0x3FC2] =	sst s2  }
0x8f: {  	_ = 	snop  }
0x90: {  	(tm) =	ssettm $0x1  }
0x91: {  	s17 =	sld [smem:$0x3FFB];
	_ =	sdelay $0x3  }
0x92: {  	_ =	strace s17  }
0x93: {  	s2 =	sld [smem:$0x3FFC];
	_ =	sdelay $0x3  }
0x94: {  	_ =	strace s2  }
0x95: {  	s2 =	sld [smem:$0x3FFD];
	_ =	sdelay $0x3  }
0x96: {  	_ =	strace s2  }
0x97: {  	_ =	strace $0x8FFFFFFF  }
0x98: {  	s18 =	sld [smem:$0x3FDB];
	_ =	sdelay $0x1  }
0x99: {  	s19 =	simm.s32 $_scs_section_size  }
0x9a: {  	s4 =	simm.s32 $_size__tile_overlayer_lowered;
	s5 =	simm.s32 $_tile_overlayer_lowered  }
0x9b: {  	s22 =	simm.s32 $0x1BFF;
	s21 =	sshll.u32 s5, $0x1;
	s2 =	sadd.s32 s19, s18  }
0x9c: {  	s6 =	simm.s32 $0x0;
	s20 =	sshll.u32 s4, $0x1;
	s4 =	sadd.s32 s21, s2  }
0x9d: {  	[timem:s6], [sflag:s22] =	dma.local [hbm:s4], s20  }
0x9e: {  	_ =	swait.ge [sflag:s22], s20  }
0x9f: {  	s3 =	ssub.s32 $0x0, s20;
	[sflag:s22] =	ssyncset.done $0x0  }
0xa0: {  	[sflag:s22] =	ssyncadd.s32 s3;
	_ =	sdelay $0x1  }
0xa1: {  	s23 =	simm.s32 $0x1B8B  }
0xa2: {  	_ =	swait.ge [sflag:s23], $0x1  }
0xa3: {  	[sflag:s23] =	ssyncset.done $0x0  }
0xa4: {  	s25 =	simm.s32 $0x1B8E;
	s24 =	sld [smem:$0x3FFE];
	[sflag:s23] =	ssyncadd.s32 $0xFFFFFFFF  }
0xa5: {  	s26 =	simm.s32 $execute0_lowered;
	[smem:$0x3FD2] =	sst s25  }
0xa6: {  	s4 =	sshll.u32 s26, $0x1;
	_ =	strace $0x80000046;
	[dreg:$0x1] =	wrdreg $0xFFFFFFFF  }
0xa7: {  	s28 =	simm.s32 $_size_execute0_lowered;
	s2 =	sadd.s32 s2, s4;
	[dreg:$0x0] =	wrdreg $0x0  }
0xa8: {  	s4 =	sshll.u32 s28, $0x1;
	[dreg:$0x2] =	wrdreg s2  }
0xa9: {  	[dreg:$0x3] =	wrdreg s4  }
0xaa: {  	[dreg:$0x4] =	wrdreg $0xC0  }
0xab: {  	_ =	task [dreg:s6], $0x5FFFF  }
0xac: {  	[dreg:$0x1] =	wrdreg $0xFFFFFFFF  }
0xad: {  	[dreg:$0x0] =	wrdreg $0x60  }
0xae: {  	[dreg:$0x2] =	wrdreg s24  }
0xaf: {  	[dreg:$0x3] =	wrdreg $0x40000  }
0xb0: {  	[dreg:$0x4] =	wrdreg $0x9  }
0xb1: {  	_ =	task.clear_ibuf [dreg:s6], $0x5FFFF;
	_ =	strace $0x90000046  }
0xb2: {  	s29 =	simm.s32 $0x9;
	_ =	strace $0x80000048  }
0xb3: {  	_ =	swait.ge [sflag:s29], $0x1  }
0xb4: {  	[sflag:s29] =	ssyncadd.s32 $0xFFFFFFFF  }
0xb5: {  	_ =	strace $0x90000048  }
0xb6: {  	_ =	sfence  }
0xb7: {  	s30 =	sld [smem:$0x0];
	_ =	sdelay $0x2  }
0xb8: {  	s31 =	sshll.u32 s1, $0xD;
	s1 =	sshrl.u32 s1, $0x2  }
0xb9: {  	s3 =	sand.u32 $0x4000, s31;
	s1 =	sadd.s32 s1, s30  }
0xba: {  	s0 =	sor.u32 s3, s0;
	s1 =	sshll.u32 s1, $0x11  }
0xbb: {  	s0 =	sor.u32 s1, s0  }
0xbc: {  	s0 =	sadd.s32 $0x8F2B, s0  }
0xbd: {  	[sflag:s0] =	ssyncadd.remote.s32 $0x1  }
0xbe: {  	_ =	sfence.sel $0xFFFF  }
0xbf: {  	[dreg:$0x0] =	wrdreg $0xFFFFFFFF;
	(pc) =	sbr.abs _section_cstart, $3  }
0xc0: {  	[dreg:$0x1] =	wrdreg $0xFFFFFFFF  }
0xc1: {  	_ =	task.clear_ibuf [dreg:s6], $0x2FFFF;
	_ =	strace $0x9FFFFFFF  }
0xc2: {  	(tm) =	ssettm $0x7FFFFFFF  }
0xc3: {  	_ =	shalt  }
tec
execute0_lowered:
.L_overlay_start_1:
0x0: {  	(tag) =	ssettag $0x1  }
0x1: {  	s1 =	srdreg.scid;
	s6 =	rddreg [dreg:$0x0]  }
0x2: {  	s0 =	stileid.u32;
	s2 =	rddreg [dreg:$0x1];
	s3 =	simm.s32 $0x0  }
0x3: {  	s12 =	simm.s32 $0x2C00;
	s13 =	simm.s32 $0x80;
	s14 =	simm.s32 $0x0  }
0x4: {  	s4 =	sand.u32 $0x1, s1;
	s29 =	sshll.u32 s0, $0x1;
	s7 =	smul.u32 $0x1400, s0  }
0x5: {  	[smem:$0x7FF] =	sst s3;
	s1 =	sor.u32 s4, s29;
	s8 =	smul.u32 $0x14000, s4  }
0x6: {  	s31 =	ssub.s32 $0x2, s4;
	s4 =	sadd.s32 $0xD600, s6;
	s5 =	smul.u32 $0x500, s1  }
0x7: {  	s1 =	rddreg [dreg:$0x2];
	_ =	strace $0x80000047;
	s11 =	sshrl.u32 s31, $0x1  }
0x8: {  	s30 =	sadd.s32 s7, s8;
	s11 =	ssub.s32 s31, s11;
	s7 =	sadd.s32 s7, s2  }
0x9: {  	s9 =	sadd.s32 s5, s6;
	s10 =	sshrl.u32 s30, $0x3;
	s5 =	sadd.s32 $0xD800, s6  }
0xa: {  	s10 =	sadd.s32 s10, s6;
	s6 =	sadd.s32 $0x3600, s9;
	s9 =	smax.u32 s11, $0x1  }
0xb: {  	s11 =	simm.s32 $0x2800;
	s8 =	sadd.s32 $0xDC00, s10;
	s10 =	simm.s32 $0x1  }
.LBB2_1:
0xc: {  	[tilespmem:s3], [sflag:$0x1] =	stream.linear.gather [hbm4b:s6+s3], $0x2800, $0x38;
	[tilespmem:$0x5400] =	vst v63  }
0xd: {  	_ =	swait.ge [sflag:s10], $0x2800  }
0xe: {  	[sflag:s10] =	ssyncset.done $0x0  }
0xf: {  	[sflag:s10] =	ssyncadd.s32 $0xFFFFD800  }
0x10: {  	[tilespmem:s11], [sflag:$0x1] =	stream.linear.gather [hbm4b:s4+s3], $0x400, $0x38;
	[tilespmem:$0x5400] =	vst v63  }
0x11: {  	_ =	swait.ge [sflag:s10], $0x400  }
0x12: {  	[sflag:s10] =	ssyncset.done $0x0  }
0x13: {  	[sflag:s10] =	ssyncadd.s32 $0xFFFFFC00  }
0x14: {  	[tilespmem:s12], [sflag:$0x1] =	stream.linear.gather [hbm4b:s5+s3], $0x1400, $0x38;
	[tilespmem:$0x5400] =	vst v63  }
0x15: {  	_ =	swait.ge [sflag:s10], $0x1400  }
0x16: {  	[sflag:s10] =	ssyncset.done $0x0  }
0x17: {  	[sflag:s10] =	ssyncadd.s32 $0xFFFFEC00  }
0x18: {  	[spmem:s7] =	stream.linear.scatter [tilespmem:s12], [sflag:$0x1], $0x1400, $0x38;
	[tilespmem:$0x5400] =	vst v63  }
0x19: {  	_ =	swait.ge [sflag:s10], $0x1400  }
0x1a: {  	[sflag:s10] =	ssyncset.done $0x0  }
0x1b: {  	[sflag:s10] =	ssyncadd.s32 $0xFFFFEC00  }
0x1c: {  	s15 =	simm.s32 $0x0;
	[bflag:$0x0] =	sbarrier.arrive $0xFFFF  }
0x1d: {  	[spmem:s2] =	stream.indirect.scatter.add.f32 [tilespmem:s11], [sflag:$0x1], $0x8, s15, s13, $0xb8;
	[tilespmem:$0x5400] =	vst v63  }
0x1e: {  	_ =	swait.ge [sflag:s10], $0x400  }
0x1f: {  	s15 =	simm.s32 $0x200;
	[sflag:s10] =	ssyncset.done $0x0  }
.LBB2_2:
0x20: {  	s16 =	sshra.s32 s15, $0x2;
	[sflag:s10] =	ssyncadd.s32 $0xFFFFFC00;
	p0 =	sne.s32 s15, $0x9E00  }
0x21: {  	[spmem:s2] =	stream.indirect.scatter.add.f32 [tilespmem:s11], [sflag:$0x1], $0x8, s16, s13, $0xb8;
	[tilespmem:$0x5400] =	vst v63  }
.Ltmp0:
0x22: {  	_ = 	snop;
	(pc) =	sbr.rel @p0 .LBB2_2-.Ltmp0, $4  }
0x23: {  	_ = 	snop  }
0x24: {  	s15 =	sadd.s32 $0x200, s15  }
0x25: {  	_ =	swait.ge [sflag:s10], $0x400  }
0x26: {  	[sflag:s10] =	ssyncset.done $0x0  }
0x27: {  	[sflag:s10] =	ssyncadd.s32 $0xFFFFFC00  }
0x28: {  	[bflag:$0x0] =	sbarrier.arrive $0xFFFF  }
0x29: {  	[tilespmem:s12], [sflag:$0x1] =	stream.linear.gather [spmem:s7], $0x1400, $0x38;
	[tilespmem:$0x5400] =	vst v63  }
0x2a: {  	s14 =	sadd.s32 $0x1, s14;
	_ =	swait.ge [sflag:s10], $0x1400  }
0x2b: {  	p0 =	sne.s32 s14, s9;
	[sflag:s10] =	ssyncset.done $0x0  }
.Ltmp1:
0x2c: {  	[sflag:s10] =	ssyncadd.s32 $0xFFFFEC00;
	(pc) =	sbr.rel @p0 .LBB2_1-.Ltmp1, $4  }
0x2d: {  	[hbm4b:s8+s3] =	stream.linear.scatter [tilespmem:s12], [sflag:$0x1], $0x1400, $0x38;
	[tilespmem:$0x5400] =	vst v63  }
0x2e: {  	_ =	swait.ge [sflag:s10], $0x1400  }
0x2f: {  	[sflag:s10] =	ssyncset.done $0x0  }
0x30: {  	[sflag:s10] =	ssyncadd.s32 $0xFFFFEC00  }
0x31: {  	_ =	sfence.sel $0x180000  }
0x32: {  	[bflag:$0x0] =	sbarrier.arrive $0xFFFF  }
0x33: {  	p0 =	sne.s32 s0, $0x0;
	_ =	strace $0x90000047  }
0x34: {  	s0 =	sadd.s32 @!p0 $0x100000, s1;
	[bflag:$0x2] =	sbarrier.arrive $0xFFFF  }
0x35: {  	[sflag:s0] =	ssyncadd.tile.s32 @!p0 $0x1;
	_ =	shalt  }
.Lfunc_end2:
_tile_overlayer_lowered:
.L_overlay_start_2:
0x36: {  	(tag) =	ssettag $0x2  }
0x37: {  	s0 =	rddreg [dreg:$0x0];
	s2 =	stileid.u32  }
0x38: {  	s1 =	rddreg [dreg:$0x1];
	p0 =	sne.s32 s2, $0x0  }
0x39: {  	s3 =	rddreg [dreg:$0x2];
	[bflag:$0x3] =	sbarrier.arrive $0xFFFF;
	s2 =	simm.s32 @!p0 $0x1C01  }
0x3a: {  	[timem:s3], [sflag:s2] =	dma.local @!p0 [hbm:s0], s1  }
0x3b: {  	s0 =	simm.s32 @!p0 $0x1  }
0x3c: {  	_ =	swait.ge @!p0 [sflag:s0], s1  }
0x3d: {  	s1 =	ssub.s32 @!p0 $0x0, s1;
	[sflag:s0] =	ssyncset.done @!p0 $0x0  }
0x3e: {  	[sflag:s0] =	ssyncadd.s32 @!p0 s1  }
0x3f: {  	[bflag:$0x3] =	sbarrier.arrive $0xFFFF  }
0x40: {  	_ =	shalt  }

</sc_bundles>
